<compile_context>
chip_gen: v7x
topology: tpu7x:2x2x1
jax: 0.10.2.dev20260603
libtpu: 0.0.44.dev20260713+nightly
codegen_flags: <defaults>
</compile_context>

<pallas_src>
import functools

import numpy as np
import jax
import jax.numpy as jnp
from jax import lax
from jax.experimental import pallas as pl
from jax.experimental.pallas import tpu as pltpu
from jax.experimental.pallas import tpu_sc as plsc

_F = 26
_PER_FIELD = 3847
_V = _F * _PER_FIELD
_D = 16
_B = 4096
_OFF = np.array((0, *np.cumsum([_PER_FIELD] * _F)[:-1]), dtype=np.int32)

_PAIRS = [(i, j) for i in range(_F - 1) for j in range(i + 1, _F)]
_NPAIR = len(_PAIRS)
_NENT = 2 * _NPAIR
_NENT_PAD = 656

_CMAP = np.zeros(_NENT_PAD, np.int32)
_FMAP = np.zeros(_NENT_PAD, np.int32)
for _p, (_i, _j) in enumerate(_PAIRS):
    _CMAP[_p] = _j * _V + _OFF[_i]
    _FMAP[_p] = _i
    _CMAP[_NPAIR + _p] = _i * _V + _OFF[_j]
    _FMAP[_NPAIR + _p] = _j

_LCMAP = np.zeros(32, np.int32)
_LFMAP = np.zeros(32, np.int32)
_LCMAP[:_F] = _OFF
_LFMAP[:_F] = np.arange(_F)

_NC = 2
_NS = 16
_NW = _NC * _NS
_S = _B // _NW
_NBUF = 2


def _body(x_hbm, cmap_hbm, fmap_hbm, lcmap_hbm, lfmap_hbm, fw_hbm, lw_hbm,
          out_hbm, x_v, cmap_v, fmap_v, lcmap_v, lfmap_v, idx_v, lidx_v,
          rows_v, lrows_v, out_v, sems, lsems):
    wid = lax.axis_index("s") * _NC + lax.axis_index("c")
    base = wid * _S
    pltpu.sync_copy(x_hbm.at[pl.ds(base * _F, _S * _F)], x_v)
    pltpu.sync_copy(cmap_hbm, cmap_v)
    pltpu.sync_copy(fmap_hbm, fmap_v)
    pltpu.sync_copy(lcmap_hbm, lcmap_v)
    pltpu.sync_copy(lfmap_hbm, lfmap_v)

    lane = lax.broadcasted_iota(jnp.int32, (16,), 0)

    def fire(s, b):
        srow = jnp.full((16,), s * _F, jnp.int32)
        for c in range(_NENT_PAD // 16):
            sl = pl.ds(c * 16, 16)
            xv = plsc.load_gather(x_v, [srow + fmap_v[sl]])
            idx_v[b, sl] = cmap_v[sl] + xv
        for c in range(2):
            sl = pl.ds(c * 16, 16)
            lidx_v[b, sl] = lcmap_v[sl] + plsc.load_gather(
                x_v, [srow + lfmap_v[sl]])
        cps = []
        for c in range(5):
            cps.append(pltpu.async_copy(
                fw_hbm.at[idx_v.at[b, pl.ds(c * 128, 128)]],
                rows_v.at[b, pl.ds(c * 128, 128)], sems.at[b]))
        cps.append(pltpu.async_copy(
            fw_hbm.at[idx_v.at[b, pl.ds(640, 16)]],
            rows_v.at[b, pl.ds(640, 16)], sems.at[b]))
        cps.append(pltpu.async_copy(lw_hbm.at[lidx_v.at[b]],
                                    lrows_v.at[b], lsems.at[b]))
        return cps

    def drain(s, b):
        for c in range(5):
            pltpu.make_async_copy(
                fw_hbm.at[idx_v.at[b, pl.ds(c * 128, 128)]],
                rows_v.at[b, pl.ds(c * 128, 128)], sems.at[b]).wait()
        pltpu.make_async_copy(
            fw_hbm.at[idx_v.at[b, pl.ds(640, 16)]],
            rows_v.at[b, pl.ds(640, 16)], sems.at[b]).wait()
        pltpu.make_async_copy(lw_hbm.at[lidx_v.at[b]], lrows_v.at[b],
                              lsems.at[b]).wait()

        def red(p, acc):
            return acc + rows_v[b, p] * rows_v[b, _NPAIR + p]

        acc = lax.fori_loop(0, _NPAIR, red, jnp.zeros((16,), jnp.float32),
                            unroll=4)
        lin = lrows_v[b, pl.ds(0, 16)] + jnp.where(
            lane < _F - 16, lrows_v[b, pl.ds(16, 16)], 0.0)
        val = jnp.sum(acc) + jnp.sum(lin)
        plsc.store_scatter(out_v, [jnp.full((16,), s, jnp.int32)],
                           jnp.full((16,), val, jnp.float32),
                           mask=lane == 0)

    for b in range(_NBUF):
        fire(b, b)

    def step(g, _):
        s = g * _NBUF
        for b in range(_NBUF):
            nxt = s + b + _NBUF
            drain(s + b, b)
            fire(jnp.minimum(nxt, _S - 1), b)
        return 0

    lax.fori_loop(0, _S // _NBUF - 1, step, 0)
    s_last = _S - _NBUF
    for b in range(_NBUF):
        drain(s_last + b, b)

    pltpu.sync_copy(out_v, out_hbm.at[pl.ds(base, _S)])


@jax.jit
def _ffm_call(x, fw, lw):
    mesh = plsc.VectorSubcoreMesh(core_axis_name="c", subcore_axis_name="s",
                                  num_cores=_NC, num_subcores=_NS)
    call = pl.kernel(
        _body,
        out_type=jax.ShapeDtypeStruct((_B,), jnp.float32),
        mesh=mesh,
        compiler_params=pltpu.CompilerParams(needs_layout_passes=False,
                                             use_tc_tiling_on_sc=False),
        scratch_types=[
            pltpu.VMEM((_S * _F,), jnp.int32),
            pltpu.VMEM((_NENT_PAD,), jnp.int32),
            pltpu.VMEM((_NENT_PAD,), jnp.int32),
            pltpu.VMEM((32,), jnp.int32),
            pltpu.VMEM((32,), jnp.int32),
            pltpu.VMEM((_NBUF, _NENT_PAD), jnp.int32),
            pltpu.VMEM((_NBUF, 32), jnp.int32),
            pltpu.VMEM((_NBUF, _NENT_PAD, _D), jnp.float32),
            pltpu.VMEM((_NBUF, 32), jnp.float32),
            pltpu.VMEM((_S,), jnp.float32),
            pltpu.SemaphoreType.DMA((_NBUF,)),
            pltpu.SemaphoreType.DMA((_NBUF,)),
        ],
    )
    return call(x, jnp.asarray(_CMAP), jnp.asarray(_FMAP),
                jnp.asarray(_LCMAP), jnp.asarray(_LFMAP), fw, lw)


def kernel(x, linear_w, bias, ffm_w):
    x = x.astype(jnp.int32).reshape(_B * _F)
    fw = ffm_w.reshape(_F * _V, _D)
    lw = linear_w.reshape(_V)
    out = _ffm_call(x, fw, lw)
    return out + bias[0]

# --- scband reference (transcript-rebuilt; emitter-appended) ---
"""Pipeline reference for scband-my-field-aware-factorization-machine-80410377715793 (READ-ONLY COPY).

The authoritative reference and input builder live on the scoring server;
editing this copy changes nothing except your own understanding.
"""

import jax, jax.numpy as jnp
import numpy as np

FIELD_DIMS = [3847] * 26
NUM_FIELDS = len(FIELD_DIMS)
TOTAL_VOCAB = sum(FIELD_DIMS)
EMBED_DIM = 16
BATCH = 4096
OFFSETS = np.array((0, *np.cumsum(FIELD_DIMS)[:-1]), dtype=np.int32)


def setup_inputs(seed: int = 0) -> dict:
    key = jax.random.key(seed)
    k1, k2, k3 = jax.random.split(key, 3)
    x = jax.random.randint(k1, (BATCH, NUM_FIELDS), 0, 3847)
    # FeaturesLinear params: per-feature weight [TOTAL_VOCAB, 1] + bias [1]
    linear_w = jax.random.normal(k2, (TOTAL_VOCAB, 1), dtype=jnp.float32) * 0.01
    bias = jnp.zeros((1,), dtype=jnp.float32)
    # FieldAwareFeaturesEmbedding: one table per field, each [TOTAL_VOCAB, EMBED_DIM]
    ffm_w = jax.random.normal(k3, (NUM_FIELDS, TOTAL_VOCAB, EMBED_DIM), dtype=jnp.float32) * 0.01
    return {"x": x, "linear_w": linear_w, "bias": bias, "ffm_w": ffm_w}


def reference(x, linear_w, bias, ffm_w):
    offsets = jnp.asarray(OFFSETS, dtype=x.dtype)
    xo = x + offsets[None, :]  # [B, F] global feature ids
    # FeaturesLinear: sum of per-feature scalar weights + bias -> [B, 1]
    y_linear = jnp.sum(jnp.take(linear_w, xo, axis=0), axis=1) + bias
    # FieldAwareFeaturesEmbedding: lookup each of the F field-specific tables
    # xs[f] has shape [B, F, D]: embeddings of all fields of x under table f
    xs = jnp.take(ffm_w, xo, axis=1)  # [F, B, F, D]
    # PairwiseInteraction (field-aware): sum_{i<j} <v_{i,f_j}, v_{j,f_i}>
    ix = []
    for i in range(NUM_FIELDS - 1):
        for j in range(i + 1, NUM_FIELDS):
            ix.append(xs[j][:, i] * xs[i][:, j])  # [B, D]
    ix = jnp.stack(ix, axis=1)  # [B, n_pairs, D]
    y_interaction = jnp.sum(jnp.sum(ix, axis=1), axis=1, keepdims=True)  # [B, 1]
    y = y_linear + y_interaction
    return jnp.squeeze(y, axis=1)  # [B]

if __name__ == "__main__":
    import jax
    _d = setup_inputs()
    print(jax.jit(kernel)(*tuple(_d.values())))

</pallas_src>

<mosaic_0001>
#map = affine_map<(d0, d1) -> (0)>
#map1 = affine_map<(d0, d1) -> (0, 0)>
module attributes {stable_mosaic.version = 14 : i64} {
  func.func @_body(%arg0: i32, %arg1: i32, %arg2: memref<106496xi32, #tpu.memory_space<hbm>>, %arg3: memref<656xi32, #tpu.memory_space<hbm>>, %arg4: memref<656xi32, #tpu.memory_space<hbm>>, %arg5: memref<32xi32, #tpu.memory_space<hbm>>, %arg6: memref<32xi32, #tpu.memory_space<hbm>>, %arg7: memref<2600572x16xf32, #tpu.memory_space<hbm>>, %arg8: memref<100022xf32, #tpu.memory_space<hbm>>, %arg9: memref<4096xf32, #tpu.memory_space<hbm>>, %arg10: memref<3328xi32, #tpu.memory_space<vmem>>, %arg11: memref<656xi32, #tpu.memory_space<vmem>>, %arg12: memref<656xi32, #tpu.memory_space<vmem>>, %arg13: memref<32xi32, #tpu.memory_space<vmem>>, %arg14: memref<32xi32, #tpu.memory_space<vmem>>, %arg15: memref<2x656xi32, #tpu.memory_space<vmem>>, %arg16: memref<2x32xi32, #tpu.memory_space<vmem>>, %arg17: memref<2x656x16xf32, #tpu.memory_space<vmem>>, %arg18: memref<2x32xf32, #tpu.memory_space<vmem>>, %arg19: memref<128xf32, #tpu.memory_space<vmem>>, %arg20: memref<2x!tpu.dma_semaphore, #tpu.memory_space<semaphore_mem>>, %arg21: memref<2x!tpu.dma_semaphore, #tpu.memory_space<semaphore_mem>>) attributes {dimension_semantics = [#tpu.dimension_semantics<core_parallel>, #tpu.dimension_semantics<subcore_parallel>], iteration_bounds = array<i64: 2, 16>, scalar_prefetch = 0 : i64, scratch_operands = 12 : i64, tpu.core_type = #tpu.core_type<sc_vector_subcore>, window_params = [{transform_indices = #map}, {transform_indices = #map}, {transform_indices = #map}, {transform_indices = #map}, {transform_indices = #map}, {transform_indices = #map1}, {transform_indices = #map}, {transform_indices = #map}]} {
    %mul3A = arith.constant 2 : i32
    %mul3A_0 = arith.muli %arg1, %mul3A : i32
    %add3A = arith.addi %mul3A_0, %arg0 : i32
    %mul3A_1 = arith.constant 128 : i32
    %mul3A_2 = arith.muli %add3A, %mul3A_1 : i32
    %mul3A_3 = arith.constant 26 : i32
    %mul3A_4 = arith.muli %mul3A_2, %mul3A_3 : i32
    "tpu.region"() ({
      %run_scoped3A = tpu.sem_alloc : memref<!tpu.dma_semaphore, #tpu.memory_space<semaphore_mem>>
      %dma_start3A_1470 = tpu.memref_slice %arg2[%mul3A_4] : memref<106496xi32, #tpu.memory_space<hbm>> -> memref<3328xi32, #tpu.memory_space<hbm>>
      %dma_start3A_1471 = tpu.memref_slice %arg2[%mul3A_4] : memref<106496xi32, #tpu.memory_space<hbm>> -> memref<3328xi32, #tpu.memory_space<hbm>>
      tpu.enqueue_dma source(%dma_start3A_1471 : memref<3328xi32, #tpu.memory_space<hbm>>) target(%arg10 : memref<3328xi32, #tpu.memory_space<vmem>>) target_semaphore(%run_scoped3A : memref<!tpu.dma_semaphore, #tpu.memory_space<semaphore_mem>>)
      %dma_wait3A_1472 = tpu.memref_slice %arg2[%mul3A_4] : memref<106496xi32, #tpu.memory_space<hbm>> -> memref<3328xi32, #tpu.memory_space<hbm>>
      %dma_wait3A_1473 = tpu.memref_slice %arg2[%mul3A_4] : memref<106496xi32, #tpu.memory_space<hbm>> -> memref<3328xi32, #tpu.memory_space<hbm>>
      tpu.wait_dma2 semaphore(%run_scoped3A : memref<!tpu.dma_semaphore, #tpu.memory_space<semaphore_mem>>) src(%dma_wait3A_1473 : memref<3328xi32, #tpu.memory_space<hbm>>) dst(%arg10 : memref<3328xi32, #tpu.memory_space<vmem>>)
      tpu.yield
    }) : () -> ()
    "tpu.region"() ({
      %run_scoped3A = tpu.sem_alloc : memref<!tpu.dma_semaphore, #tpu.memory_space<semaphore_mem>>
      tpu.enqueue_dma source(%arg3 : memref<656xi32, #tpu.memory_space<hbm>>) target(%arg11 : memref<656xi32, #tpu.memory_space<vmem>>) target_semaphore(%run_scoped3A : memref<!tpu.dma_semaphore, #tpu.memory_space<semaphore_mem>>)
      tpu.wait_dma2 semaphore(%run_scoped3A : memref<!tpu.dma_semaphore, #tpu.memory_space<semaphore_mem>>) src(%arg3 : memref<656xi32, #tpu.memory_space<hbm>>) dst(%arg11 : memref<656xi32, #tpu.memory_space<vmem>>)
      tpu.yield
    }) : () -> ()
    "tpu.region"() ({
      %run_scoped3A = tpu.sem_alloc : memref<!tpu.dma_semaphore, #tpu.memory_space<semaphore_mem>>
      tpu.enqueue_dma source(%arg4 : memref<656xi32, #tpu.memory_space<hbm>>) target(%arg12 : memref<656xi32, #tpu.memory_space<vmem>>) target_semaphore(%run_scoped3A : memref<!tpu.dma_semaphore, #tpu.memory_space<semaphore_mem>>)
      tpu.wait_dma2 semaphore(%run_scoped3A : memref<!tpu.dma_semaphore, #tpu.memory_space<semaphore_mem>>) src(%arg4 : memref<656xi32, #tpu.memory_space<hbm>>) dst(%arg12 : memref<656xi32, #tpu.memory_space<vmem>>)
      tpu.yield
    }) : () -> ()
    "tpu.region"() ({
      %run_scoped3A = tpu.sem_alloc : memref<!tpu.dma_semaphore, #tpu.memory_space<semaphore_mem>>
      tpu.enqueue_dma source(%arg5 : memref<32xi32, #tpu.memory_space<hbm>>) target(%arg13 : memref<32xi32, #tpu.memory_space<vmem>>) target_semaphore(%run_scoped3A : memref<!tpu.dma_semaphore, #tpu.memory_space<semaphore_mem>>)
      tpu.wait_dma2 semaphore(%run_scoped3A : memref<!tpu.dma_semaphore, #tpu.memory_space<semaphore_mem>>) src(%arg5 : memref<32xi32, #tpu.memory_space<hbm>>) dst(%arg13 : memref<32xi32, #tpu.memory_space<vmem>>)
      tpu.yield
    }) : () -> ()
    "tpu.region"() ({
      %run_scoped3A = tpu.sem_alloc : memref<!tpu.dma_semaphore, #tpu.memory_space<semaphore_mem>>
      tpu.enqueue_dma source(%arg6 : memref<32xi32, #tpu.memory_space<hbm>>) target(%arg14 : memref<32xi32, #tpu.memory_space<vmem>>) target_semaphore(%run_scoped3A : memref<!tpu.dma_semaphore, #tpu.memory_space<semaphore_mem>>)
      tpu.wait_dma2 semaphore(%run_scoped3A : memref<!tpu.dma_semaphore, #tpu.memory_space<semaphore_mem>>) src(%arg6 : memref<32xi32, #tpu.memory_space<hbm>>) dst(%arg14 : memref<32xi32, #tpu.memory_space<vmem>>)
      tpu.yield
    }) : () -> ()
    %iota3A = tpu.iota {dimensions = array<i32: 0>} : vector<16xi32>
    %broadcast_in_dim3A = arith.constant 0 : i32
    %broadcast_in_dim3A_5 = vector.broadcast %broadcast_in_dim3A : i32 to vector<16xi32>
    %get3A = arith.constant 0 : index
    %get3A_6 = tpu.vector_load %arg12[%get3A] {strides = array<i32>} : memref<656xi32, #tpu.memory_space<vmem>>, vector<16xi32>,
    %add3A_7 = arith.addi %broadcast_in_dim3A_5, %get3A_6 : vector<16xi32>
    %gather3A = tpu.vector_load_idx %arg10[%add3A_7] : memref<3328xi32, #tpu.memory_space<vmem>>[vector<16xi32>], vector<16xi32>,
    %get3A_8 = arith.constant 0 : index
    %get3A_9 = tpu.vector_load %arg11[%get3A_8] {strides = array<i32>} : memref<656xi32, #tpu.memory_space<vmem>>, vector<16xi32>,
    %add3A_10 = arith.addi %get3A_9, %gather3A : vector<16xi32>
    %swap3A = arith.constant 0 : i32
    %swap3A_11 = arith.index_cast %swap3A : i32 to index
    %swap3A_12 = arith.constant 0 : index
    %swap3A_13 = tpu.vector_load %arg15[%swap3A_11, %swap3A_12] {strides = array<i32>} : memref<2x656xi32, #tpu.memory_space<vmem>>, vector<16xi32>,
    tpu.vector_store %arg15[%swap3A_11, %swap3A_12], %add3A_10 {strides = array<i32>} : memref<2x656xi32, #tpu.memory_space<vmem>>, vector<16xi32>,
    %get3A_14 = arith.constant 16 : index
    %get3A_15 = tpu.vector_load %arg12[%get3A_14] {strides = array<i32>} : memref<656xi32, #tpu.memory_space<vmem>>, vector<16xi32>,
    %add3A_16 = arith.addi %broadcast_in_dim3A_5, %get3A_15 : vector<16xi32>
    %gather3A_17 = tpu.vector_load_idx %arg10[%add3A_16] : memref<3328xi32, #tpu.memory_space<vmem>>[vector<16xi32>], vector<16xi32>,
    %get3A_18 = arith.constant 16 : index
    %get3A_19 = tpu.vector_load %arg11[%get3A_18] {strides = array<i32>} : memref<656xi32, #tpu.memory_space<vmem>>, vector<16xi32>,
    %add3A_20 = arith.addi %get3A_19, %gather3A_17 : vector<16xi32>
    %swap3A_21 = arith.constant 0 : i32
    %swap3A_22 = arith.index_cast %swap3A_21 : i32 to index
    %swap3A_23 = arith.constant 16 : index
    %swap3A_24 = tpu.vector_load %arg15[%swap3A_22, %swap3A_23] {strides = array<i32>} : memref<2x656xi32, #tpu.memory_space<vmem>>, vector<16xi32>,
    tpu.vector_store %arg15[%swap3A_22, %swap3A_23], %add3A_20 {strides = array<i32>} : memref<2x656xi32, #tpu.memory_space<vmem>>, vector<16xi32>,
    %get3A_25 = arith.constant 32 : index
    %get3A_26 = tpu.vector_load %arg12[%get3A_25] {strides = array<i32>} : memref<656xi32, #tpu.memory_space<vmem>>, vector<16xi32>,
    %add3A_27 = arith.addi %broadcast_in_dim3A_5, %get3A_26 : vector<16xi32>
    %gather3A_28 = tpu.vector_load_idx %arg10[%add3A_27] : memref<3328xi32, #tpu.memory_space<vmem>>[vector<16xi32>], vector<16xi32>,
    %get3A_29 = arith.constant 32 : index
    %get3A_30 = tpu.vector_load %arg11[%get3A_29] {strides = array<i32>} : memref<656xi32, #tpu.memory_space<vmem>>, vector<16xi32>,
    %add3A_31 = arith.addi %get3A_30, %gather3A_28 : vector<16xi32>
    %swap3A_32 = arith.constant 0 : i32
    %swap3A_33 = arith.index_cast %swap3A_32 : i32 to index
    %swap3A_34 = arith.constant 32 : index
    %swap3A_35 = tpu.vector_load %arg15[%swap3A_33, %swap3A_34] {strides = array<i32>} : memref<2x656xi32, #tpu.memory_space<vmem>>, vector<16xi32>,
    tpu.vector_store %arg15[%swap3A_33, %swap3A_34], %add3A_31 {strides = array<i32>} : memref<2x656xi32, #tpu.memory_space<vmem>>, vector<16xi32>,
    %get3A_36 = arith.constant 48 : index
    %get3A_37 = tpu.vector_load %arg12[%get3A_36] {strides = array<i32>} : memref<656xi32, #tpu.memory_space<vmem>>, vector<16xi32>,
    %add3A_38 = arith.addi %broadcast_in_dim3A_5, %get3A_37 : vector<16xi32>
    %gather3A_39 = tpu.vector_load_idx %arg10[%add3A_38] : memref<3328xi32, #tpu.memory_space<vmem>>[vector<16xi32>], vector<16xi32>,
    %get3A_40 = arith.constant 48 : index
    %get3A_41 = tpu.vector_load %arg11[%get3A_40] {strides = array<i32>} : memref<656xi32, #tpu.memory_space<vmem>>, vector<16xi32>,
    %add3A_42 = arith.addi %get3A_41, %gather3A_39 : vector<16xi32>
    %swap3A_43 = arith.constant 0 : i32
    %swap3A_44 = arith.index_cast %swap3A_43 : i32 to index
    %swap3A_45 = arith.constant 48 : index
    %swap3A_46 = tpu.vector_load %arg15[%swap3A_44, %swap3A_45] {strides = array<i32>} : memref<2x656xi32, #tpu.memory_space<vmem>>, vector<16xi32>,
    tpu.vector_store %arg15[%swap3A_44, %swap3A_45], %add3A_42 {strides = array<i32>} : memref<2x656xi32, #tpu.memory_space<vmem>>, vector<16xi32>,
    %get3A_47 = arith.constant 64 : index
    %get3A_48 = tpu.vector_load %arg12[%get3A_47] {strides = array<i32>} : memref<656xi32, #tpu.memory_space<vmem>>, vector<16xi32>,
    %add3A_49 = arith.addi %broadcast_in_dim3A_5, %get3A_48 : vector<16xi32>
    %gather3A_50 = tpu.vector_load_idx %arg10[%add3A_49] : memref<3328xi32, #tpu.memory_space<vmem>>[vector<16xi32>], vector<16xi32>,
    %get3A_51 = arith.constant 64 : index
    %get3A_52 = tpu.vector_load %arg11[%get3A_51] {strides = array<i32>} : memref<656xi32, #tpu.memory_space<vmem>>, vector<16xi32>,
    %add3A_53 = arith.addi %get3A_52, %gather3A_50 : vector<16xi32>
    %swap3A_54 = arith.constant 0 : i32
    %swap3A_55 = arith.index_cast %swap3A_54 : i32 to index
    %swap3A_56 = arith.constant 64 : index
    %swap3A_57 = tpu.vector_load %arg15[%swap3A_55, %swap3A_56] {strides = array<i32>} : memref<2x656xi32, #tpu.memory_space<vmem>>, vector<16xi32>,
    tpu.vector_store %arg15[%swap3A_55, %swap3A_56], %add3A_53 {strides = array<i32>} : memref<2x656xi32, #tpu.memory_space<vmem>>, vector<16xi32>,
    %get3A_58 = arith.constant 80 : index
    %get3A_59 = tpu.vector_load %arg12[%get3A_58] {strides = array<i32>} : memref<656xi32, #tpu.memory_space<vmem>>, vector<16xi32>,
    %add3A_60 = arith.addi %broadcast_in_dim3A_5, %get3A_59 : vector<16xi32>
    %gather3A_61 = tpu.vector_load_idx %arg10[%add3A_60] : memref<3328xi32, #tpu.memory_space<vmem>>[vector<16xi32>], vector<16xi32>,
    %get3A_62 = arith.constant 80 : index
    %get3A_63 = tpu.vector_load %arg11[%get3A_62] {strides = array<i32>} : memref<656xi32, #tpu.memory_space<vmem>>, vector<16xi32>,
    %add3A_64 = arith.addi %get3A_63, %gather3A_61 : vector<16xi32>
    %swap3A_65 = arith.constant 0 : i32
    %swap3A_66 = arith.index_cast %swap3A_65 : i32 to index
    %swap3A_67 = arith.constant 80 : index
    %swap3A_68 = tpu.vector_load %arg15[%swap3A_66, %swap3A_67] {strides = array<i32>} : memref<2x656xi32, #tpu.memory_space<vmem>>, vector<16xi32>,
    tpu.vector_store %arg15[%swap3A_66, %swap3A_67], %add3A_64 {strides = array<i32>} : memref<2x656xi32, #tpu.memory_space<vmem>>, vector<16xi32>,
    %get3A_69 = arith.constant 96 : index
    %get3A_70 = tpu.vector_load %arg12[%get3A_69] {strides = array<i32>} : memref<656xi32, #tpu.memory_space<vmem>>, vector<16xi32>,
    %add3A_71 = arith.addi %broadcast_in_dim3A_5, %get3A_70 : vector<16xi32>
    %gather3A_72 = tpu.vector_load_idx %arg10[%add3A_71] : memref<3328xi32, #tpu.memory_space<vmem>>[vector<16xi32>], vector<16xi32>,
    %get3A_73 = arith.constant 96 : index
    %get3A_74 = tpu.vector_load %arg11[%get3A_73] {strides = array<i32>} : memref<656xi32, #tpu.memory_space<vmem>>, vector<16xi32>,
    %add3A_75 = arith.addi %get3A_74, %gather3A_72 : vector<16xi32>
    %swap3A_76 = arith.constant 0 : i32
    %swap3A_77 = arith.index_cast %swap3A_76 : i32 to index
    %swap3A_78 = arith.constant 96 : index
    %swap3A_79 = tpu.vector_load %arg15[%swap3A_77, %swap3A_78] {strides = array<i32>} : memref<2x656xi32, #tpu.memory_space<vmem>>, vector<16xi32>,
    tpu.vector_store %arg15[%swap3A_77, %swap3A_78], %add3A_75 {strides = array<i32>} : memref<2x656xi32, #tpu.memory_space<vmem>>, vector<16xi32>,
    %get3A_80 = arith.constant 112 : index
    %get3A_81 = tpu.vector_load %arg12[%get3A_80] {strides = array<i32>} : memref<656xi32, #tpu.memory_space<vmem>>, vector<16xi32>,
    %add3A_82 = arith.addi %broadcast_in_dim3A_5, %get3A_81 : vector<16xi32>
    %gather3A_83 = tpu.vector_load_idx %arg10[%add3A_82] : memref<3328xi32, #tpu.memory_space<vmem>>[vector<16xi32>], vector<16xi32>,
    %get3A_84 = arith.constant 112 : index
    %get3A_85 = tpu.vector_load %arg11[%get3A_84] {strides = array<i32>} : memref<656xi32, #tpu.memory_space<vmem>>, vector<16xi32>,
    %add3A_86 = arith.addi %get3A_85, %gather3A_83 : vector<16xi32>
    %swap3A_87 = arith.constant 0 : i32
    %swap3A_88 = arith.index_cast %swap3A_87 : i32 to index
    %swap3A_89 = arith.constant 112 : index
    %swap3A_90 = tpu.vector_load %arg15[%swap3A_88, %swap3A_89] {strides = array<i32>} : memref<2x656xi32, #tpu.memory_space<vmem>>, vector<16xi32>,
    tpu.vector_store %arg15[%swap3A_88, %swap3A_89], %add3A_86 {strides = array<i32>} : memref<2x656xi32, #tpu.memory_space<vmem>>, vector<16xi32>,
    %get3A_91 = arith.constant 128 : index
    %get3A_92 = tpu.vector_load %arg12[%get3A_91] {strides = array<i32>} : memref<656xi32, #tpu.memory_space<vmem>>, vector<16xi32>,
    %add3A_93 = arith.addi %broadcast_in_dim3A_5, %get3A_92 : vector<16xi32>
    %gather3A_94 = tpu.vector_load_idx %arg10[%add3A_93] : memref<3328xi32, #tpu.memory_space<vmem>>[vector<16xi32>], vector<16xi32>,
    %get3A_95 = arith.constant 128 : index
    %get3A_96 = tpu.vector_load %arg11[%get3A_95] {strides = array<i32>} : memref<656xi32, #tpu.memory_space<vmem>>, vector<16xi32>,
    %add3A_97 = arith.addi %get3A_96, %gather3A_94 : vector<16xi32>
    %swap3A_98 = arith.constant 0 : i32
    %swap3A_99 = arith.index_cast %swap3A_98 : i32 to index
    %swap3A_100 = arith.constant 128 : index
    %swap3A_101 = tpu.vector_load %arg15[%swap3A_99, %swap3A_100] {strides = array<i32>} : memref<2x656xi32, #tpu.memory_space<vmem>>, vector<16xi32>,
    tpu.vector_store %arg15[%swap3A_99, %swap3A_100], %add3A_97 {strides = array<i32>} : memref<2x656xi32, #tpu.memory_space<vmem>>, vector<16xi32>,
    %get3A_102 = arith.constant 144 : index
    %get3A_103 = tpu.vector_load %arg12[%get3A_102] {strides = array<i32>} : memref<656xi32, #tpu.memory_space<vmem>>, vector<16xi32>,
    %add3A_104 = arith.addi %broadcast_in_dim3A_5, %get3A_103 : vector<16xi32>
    %gather3A_105 = tpu.vector_load_idx %arg10[%add3A_104] : memref<3328xi32, #tpu.memory_space<vmem>>[vector<16xi32>], vector<16xi32>,
    %get3A_106 = arith.constant 144 : index
    %get3A_107 = tpu.vector_load %arg11[%get3A_106] {strides = array<i32>} : memref<656xi32, #tpu.memory_space<vmem>>, vector<16xi32>,
    %add3A_108 = arith.addi %get3A_107, %gather3A_105 : vector<16xi32>
    %swap3A_109 = arith.constant 0 : i32
    %swap3A_110 = arith.index_cast %swap3A_109 : i32 to index
    %swap3A_111 = arith.constant 144 : index
    %swap3A_112 = tpu.vector_load %arg15[%swap3A_110, %swap3A_111] {strides = array<i32>} : memref<2x656xi32, #tpu.memory_space<vmem>>, vector<16xi32>,
    tpu.vector_store %arg15[%swap3A_110, %swap3A_111], %add3A_108 {strides = array<i32>} : memref<2x656xi32, #tpu.memory_space<vmem>>, vector<16xi32>,
    %get3A_113 = arith.constant 160 : index
    %get3A_114 = tpu.vector_load %arg12[%get3A_113] {strides = array<i32>} : memref<656xi32, #tpu.memory_space<vmem>>, vector<16xi32>,
    %add3A_115 = arith.addi %broadcast_in_dim3A_5, %get3A_114 : vector<16xi32>
    %gather3A_116 = tpu.vector_load_idx %arg10[%add3A_115] : memref<3328xi32, #tpu.memory_space<vmem>>[vector<16xi32>], vector<16xi32>,
    %get3A_117 = arith.constant 160 : index
    %get3A_118 = tpu.vector_load %arg11[%get3A_117] {strides = array<i32>} : memref<656xi32, #tpu.memory_space<vmem>>, vector<16xi32>,
    %add3A_119 = arith.addi %get3A_118, %gather3A_116 : vector<16xi32>
    %swap3A_120 = arith.constant 0 : i32
    %swap3A_121 = arith.index_cast %swap3A_120 : i32 to index
    %swap3A_122 = arith.constant 160 : index
    %swap3A_123 = tpu.vector_load %arg15[%swap3A_121, %swap3A_122] {strides = array<i32>} : memref<2x656xi32, #tpu.memory_space<vmem>>, vector<16xi32>,
    tpu.vector_store %arg15[%swap3A_121, %swap3A_122], %add3A_119 {strides = array<i32>} : memref<2x656xi32, #tpu.memory_space<vmem>>, vector<16xi32>,
    %get3A_124 = arith.constant 176 : index
    %get3A_125 = tpu.vector_load %arg12[%get3A_124] {strides = array<i32>} : memref<656xi32, #tpu.memory_space<vmem>>, vector<16xi32>,
    %add3A_126 = arith.addi %broadcast_in_dim3A_5, %get3A_125 : vector<16xi32>
    %gather3A_127 = tpu.vector_load_idx %arg10[%add3A_126] : memref<3328xi32, #tpu.memory_space<vmem>>[vector<16xi32>], vector<16xi32>,
    %get3A_128 = arith.constant 176 : index
    %get3A_129 = tpu.vector_load %arg11[%get3A_128] {strides = array<i32>} : memref<656xi32, #tpu.memory_space<vmem>>, vector<16xi32>,
    %add3A_130 = arith.addi %get3A_129, %gather3A_127 : vector<16xi32>
    %swap3A_131 = arith.constant 0 : i32
    %swap3A_132 = arith.index_cast %swap3A_131 : i32 to index
    %swap3A_133 = arith.constant 176 : index
    %swap3A_134 = tpu.vector_load %arg15[%swap3A_132, %swap3A_133] {strides = array<i32>} : memref<2x656xi32, #tpu.memory_space<vmem>>, vector<16xi32>,
    tpu.vector_store %arg15[%swap3A_132, %swap3A_133], %add3A_130 {strides = array<i32>} : memref<2x656xi32, #tpu.memory_space<vmem>>, vector<16xi32>,
    %get3A_135 = arith.constant 192 : index
    %get3A_136 = tpu.vector_load %arg12[%get3A_135] {strides = array<i32>} : memref<656xi32, #tpu.memory_space<vmem>>, vector<16xi32>,
    %add3A_137 = arith.addi %broadcast_in_dim3A_5, %get3A_136 : vector<16xi32>
    %gather3A_138 = tpu.vector_load_idx %arg10[%add3A_137] : memref<3328xi32, #tpu.memory_space<vmem>>[vector<16xi32>], vector<16xi32>,
    %get3A_139 = arith.constant 192 : index
    %get3A_140 = tpu.vector_load %arg11[%get3A_139] {strides = array<i32>} : memref<656xi32, #tpu.memory_space<vmem>>, vector<16xi32>,
    %add3A_141 = arith.addi %get3A_140, %gather3A_138 : vector<16xi32>
    %swap3A_142 = arith.constant 0 : i32
    %swap3A_143 = arith.index_cast %swap3A_142 : i32 to index
    %swap3A_144 = arith.constant 192 : index
    %swap3A_145 = tpu.vector_load %arg15[%swap3A_143, %swap3A_144] {strides = array<i32>} : memref<2x656xi32, #tpu.memory_space<vmem>>, vector<16xi32>,
    tpu.vector_store %arg15[%swap3A_143, %swap3A_144], %add3A_141 {strides = array<i32>} : memref<2x656xi32, #tpu.memory_space<vmem>>, vector<16xi32>,
    %get3A_146 = arith.constant 208 : index
    %get3A_147 = tpu.vector_load %arg12[%get3A_146] {strides = array<i32>} : memref<656xi32, #tpu.memory_space<vmem>>, vector<16xi32>,
    %add3A_148 = arith.addi %broadcast_in_dim3A_5, %get3A_147 : vector<16xi32>
    %gather3A_149 = tpu.vector_load_idx %arg10[%add3A_148] : memref<3328xi32, #tpu.memory_space<vmem>>[vector<16xi32>], vector<16xi32>,
    %get3A_150 = arith.constant 208 : index
    %get3A_151 = tpu.vector_load %arg11[%get3A_150] {strides = array<i32>} : memref<656xi32, #tpu.memory_space<vmem>>, vector<16xi32>,
    %add3A_152 = arith.addi %get3A_151, %gather3A_149 : vector<16xi32>
    %swap3A_153 = arith.constant 0 : i32
    %swap3A_154 = arith.index_cast %swap3A_153 : i32 to index
    %swap3A_155 = arith.constant 208 : index
    %swap3A_156 = tpu.vector_load %arg15[%swap3A_154, %swap3A_155] {strides = array<i32>} : memref<2x656xi32, #tpu.memory_space<vmem>>, vector<16xi32>,
    tpu.vector_store %arg15[%swap3A_154, %swap3A_155], %add3A_152 {strides = array<i32>} : memref<2x656xi32, #tpu.memory_space<vmem>>, vector<16xi32>,
    %get3A_157 = arith.constant 224 : index
    %get3A_158 = tpu.vector_load %arg12[%get3A_157] {strides = array<i32>} : memref<656xi32, #tpu.memory_space<vmem>>, vector<16xi32>,
    %add3A_159 = arith.addi %broadcast_in_dim3A_5, %get3A_158 : vector<16xi32>
    %gather3A_160 = tpu.vector_load_idx %arg10[%add3A_159] : memref<3328xi32, #tpu.memory_space<vmem>>[vector<16xi32>], vector<16xi32>,
    %get3A_161 = arith.constant 224 : index
    %get3A_162 = tpu.vector_load %arg11[%get3A_161] {strides = array<i32>} : memref<656xi32, #tpu.memory_space<vmem>>, vector<16xi32>,
    %add3A_163 = arith.addi %get3A_162, %gather3A_160 : vector<16xi32>
    %swap3A_164 = arith.constant 0 : i32
    %swap3A_165 = arith.index_cast %swap3A_164 : i32 to index
    %swap3A_166 = arith.constant 224 : index
    %swap3A_167 = tpu.vector_load %arg15[%swap3A_165, %swap3A_166] {strides = array<i32>} : memref<2x656xi32, #tpu.memory_space<vmem>>, vector<16xi32>,
    tpu.vector_store %arg15[%swap3A_165, %swap3A_166], %add3A_163 {strides = array<i32>} : memref<2x656xi32, #tpu.memory_space<vmem>>, vector<16xi32>,
    %get3A_168 = arith.constant 240 : index
    %get3A_169 = tpu.vector_load %arg12[%get3A_168] {strides = array<i32>} : memref<656xi32, #tpu.memory_space<vmem>>, vector<16xi32>,
    %add3A_170 = arith.addi %broadcast_in_dim3A_5, %get3A_169 : vector<16xi32>
    %gather3A_171 = tpu.vector_load_idx %arg10[%add3A_170] : memref<3328xi32, #tpu.memory_space<vmem>>[vector<16xi32>], vector<16xi32>,
    %get3A_172 = arith.constant 240 : index
    %get3A_173 = tpu.vector_load %arg11[%get3A_172] {strides = array<i32>} : memref<656xi32, #tpu.memory_space<vmem>>, vector<16xi32>,
    %add3A_174 = arith.addi %get3A_173, %gather3A_171 : vector<16xi32>
    %swap3A_175 = arith.constant 0 : i32
    %swap3A_176 = arith.index_cast %swap3A_175 : i32 to index
    %swap3A_177 = arith.constant 240 : index
    %swap3A_178 = tpu.vector_load %arg15[%swap3A_176, %swap3A_177] {strides = array<i32>} : memref<2x656xi32, #tpu.memory_space<vmem>>, vector<16xi32>,
    tpu.vector_store %arg15[%swap3A_176, %swap3A_177], %add3A_174 {strides = array<i32>} : memref<2x656xi32, #tpu.memory_space<vmem>>, vector<16xi32>,
    %get3A_179 = arith.constant 256 : index
    %get3A_180 = tpu.vector_load %arg12[%get3A_179] {strides = array<i32>} : memref<656xi32, #tpu.memory_space<vmem>>, vector<16xi32>,
    %add3A_181 = arith.addi %broadcast_in_dim3A_5, %get3A_180 : vector<16xi32>
    %gather3A_182 = tpu.vector_load_idx %arg10[%add3A_181] : memref<3328xi32, #tpu.memory_space<vmem>>[vector<16xi32>], vector<16xi32>,
    %get3A_183 = arith.constant 256 : index
    %get3A_184 = tpu.vector_load %arg11[%get3A_183] {strides = array<i32>} : memref<656xi32, #tpu.memory_space<vmem>>, vector<16xi32>,
    %add3A_185 = arith.addi %get3A_184, %gather3A_182 : vector<16xi32>
    %swap3A_186 = arith.constant 0 : i32
    %swap3A_187 = arith.index_cast %swap3A_186 : i32 to index
    %swap3A_188 = arith.constant 256 : index
    %swap3A_189 = tpu.vector_load %arg15[%swap3A_187, %swap3A_188] {strides = array<i32>} : memref<2x656xi32, #tpu.memory_space<vmem>>, vector<16xi32>,
    tpu.vector_store %arg15[%swap3A_187, %swap3A_188], %add3A_185 {strides = array<i32>} : memref<2x656xi32, #tpu.memory_space<vmem>>, vector<16xi32>,
    %get3A_190 = arith.constant 272 : index
    %get3A_191 = tpu.vector_load %arg12[%get3A_190] {strides = array<i32>} : memref<656xi32, #tpu.memory_space<vmem>>, vector<16xi32>,
    %add3A_192 = arith.addi %broadcast_in_dim3A_5, %get3A_191 : vector<16xi32>
    %gather3A_193 = tpu.vector_load_idx %arg10[%add3A_192] : memref<3328xi32, #tpu.memory_space<vmem>>[vector<16xi32>], vector<16xi32>,
    %get3A_194 = arith.constant 272 : index
    %get3A_195 = tpu.vector_load %arg11[%get3A_194] {strides = array<i32>} : memref<656xi32, #tpu.memory_space<vmem>>, vector<16xi32>,
    %add3A_196 = arith.addi %get3A_195, %gather3A_193 : vector<16xi32>
    %swap3A_197 = arith.constant 0 : i32
    %swap3A_198 = arith.index_cast %swap3A_197 : i32 to index
    %swap3A_199 = arith.constant 272 : index
    %swap3A_200 = tpu.vector_load %arg15[%swap3A_198, %swap3A_199] {strides = array<i32>} : memref<2x656xi32, #tpu.memory_space<vmem>>, vector<16xi32>,
    tpu.vector_store %arg15[%swap3A_198, %swap3A_199], %add3A_196 {strides = array<i32>} : memref<2x656xi32, #tpu.memory_space<vmem>>, vector<16xi32>,
    %get3A_201 = arith.constant 288 : index
    %get3A_202 = tpu.vector_load %arg12[%get3A_201] {strides = array<i32>} : memref<656xi32, #tpu.memory_space<vmem>>, vector<16xi32>,
    %add3A_203 = arith.addi %broadcast_in_dim3A_5, %get3A_202 : vector<16xi32>
    %gather3A_204 = tpu.vector_load_idx %arg10[%add3A_203] : memref<3328xi32, #tpu.memory_space<vmem>>[vector<16xi32>], vector<16xi32>,
    %get3A_205 = arith.constant 288 : index
    %get3A_206 = tpu.vector_load %arg11[%get3A_205] {strides = array<i32>} : memref<656xi32, #tpu.memory_space<vmem>>, vector<16xi32>,
    %add3A_207 = arith.addi %get3A_206, %gather3A_204 : vector<16xi32>
    %swap3A_208 = arith.constant 0 : i32
    %swap3A_209 = arith.index_cast %swap3A_208 : i32 to index
    %swap3A_210 = arith.constant 288 : index
    %swap3A_211 = tpu.vector_load %arg15[%swap3A_209, %swap3A_210] {strides = array<i32>} : memref<2x656xi32, #tpu.memory_space<vmem>>, vector<16xi32>,
    tpu.vector_store %arg15[%swap3A_209, %swap3A_210], %add3A_207 {strides = array<i32>} : memref<2x656xi32, #tpu.memory_space<vmem>>, vector<16xi32>,
    %get3A_212 = arith.constant 304 : index
    %get3A_213 = tpu.vector_load %arg12[%get3A_212] {strides = array<i32>} : memref<656xi32, #tpu.memory_space<vmem>>, vector<16xi32>,
    %add3A_214 = arith.addi %broadcast_in_dim3A_5, %get3A_213 : vector<16xi32>
    %gather3A_215 = tpu.vector_load_idx %arg10[%add3A_214] : memref<3328xi32, #tpu.memory_space<vmem>>[vector<16xi32>], vector<16xi32>,
    %get3A_216 = arith.constant 304 : index
    %get3A_217 = tpu.vector_load %arg11[%get3A_216] {strides = array<i32>} : memref<656xi32, #tpu.memory_space<vmem>>, vector<16xi32>,
    %add3A_218 = arith.addi %get3A_217, %gather3A_215 : vector<16xi32>
    %swap3A_219 = arith.constant 0 : i32
    %swap3A_220 = arith.index_cast %swap3A_219 : i32 to index
    %swap3A_221 = arith.constant 304 : index
    %swap3A_222 = tpu.vector_load %arg15[%swap3A_220, %swap3A_221] {strides = array<i32>} : memref<2x656xi32, #tpu.memory_space<vmem>>, vector<16xi32>,
    tpu.vector_store %arg15[%swap3A_220, %swap3A_221], %add3A_218 {strides = array<i32>} : memref<2x656xi32, #tpu.memory_space<vmem>>, vector<16xi32>,
    %get3A_223 = arith.constant 320 : index
    %get3A_224 = tpu.vector_load %arg12[%get3A_223] {strides = array<i32>} : memref<656xi32, #tpu.memory_space<vmem>>, vector<16xi32>,
    %add3A_225 = arith.addi %broadcast_in_dim3A_5, %get3A_224 : vector<16xi32>
    %gather3A_226 = tpu.vector_load_idx %arg10[%add3A_225] : memref<3328xi32, #tpu.memory_space<vmem>>[vector<16xi32>], vector<16xi32>,
    %get3A_227 = arith.constant 320 : index
    %get3A_228 = tpu.vector_load %arg11[%get3A_227] {strides = array<i32>} : memref<656xi32, #tpu.memory_space<vmem>>, vector<16xi32>,
    %add3A_229 = arith.addi %get3A_228, %gather3A_226 : vector<16xi32>
    %swap3A_230 = arith.constant 0 : i32
    %swap3A_231 = arith.index_cast %swap3A_230 : i32 to index
    %swap3A_232 = arith.constant 320 : index
    %swap3A_233 = tpu.vector_load %arg15[%swap3A_231, %swap3A_232] {strides = array<i32>} : memref<2x656xi32, #tpu.memory_space<vmem>>, vector<16xi32>,
    tpu.vector_store %arg15[%swap3A_231, %swap3A_232], %add3A_229 {strides = array<i32>} : memref<2x656xi32, #tpu.memory_space<vmem>>, vector<16xi32>,
    %get3A_234 = arith.constant 336 : index
    %get3A_235 = tpu.vector_load %arg12[%get3A_234] {strides = array<i32>} : memref<656xi32, #tpu.memory_space<vmem>>, vector<16xi32>,
    %add3A_236 = arith.addi %broadcast_in_dim3A_5, %get3A_235 : vector<16xi32>
    %gather3A_237 = tpu.vector_load_idx %arg10[%add3A_236] : memref<3328xi32, #tpu.memory_space<vmem>>[vector<16xi32>], vector<16xi32>,
    %get3A_238 = arith.constant 336 : index
    %get3A_239 = tpu.vector_load %arg11[%get3A_238] {strides = array<i32>} : memref<656xi32, #tpu.memory_space<vmem>>, vector<16xi32>,
    %add3A_240 = arith.addi %get3A_239, %gather3A_237 : vector<16xi32>
    %swap3A_241 = arith.constant 0 : i32
    %swap3A_242 = arith.index_cast %swap3A_241 : i32 to index
    %swap3A_243 = arith.constant 336 : index
    %swap3A_244 = tpu.vector_load %arg15[%swap3A_242, %swap3A_243] {strides = array<i32>} : memref<2x656xi32, #tpu.memory_space<vmem>>, vector<16xi32>,
    tpu.vector_store %arg15[%swap3A_242, %swap3A_243], %add3A_240 {strides = array<i32>} : memref<2x656xi32, #tpu.memory_space<vmem>>, vector<16xi32>,
    %get3A_245 = arith.constant 352 : index
    %get3A_246 = tpu.vector_load %arg12[%get3A_245] {strides = array<i32>} : memref<656xi32, #tpu.memory_space<vmem>>, vector<16xi32>,
    %add3A_247 = arith.addi %broadcast_in_dim3A_5, %get3A_246 : vector<16xi32>
    %gather3A_248 = tpu.vector_load_idx %arg10[%add3A_247] : memref<3328xi32, #tpu.memory_space<vmem>>[vector<16xi32>], vector<16xi32>,
    %get3A_249 = arith.constant 352 : index
    %get3A_250 = tpu.vector_load %arg11[%get3A_249] {strides = array<i32>} : memref<656xi32, #tpu.memory_space<vmem>>, vector<16xi32>,
    %add3A_251 = arith.addi %get3A_250, %gather3A_248 : vector<16xi32>
    %swap3A_252 = arith.constant 0 : i32
    %swap3A_253 = arith.index_cast %swap3A_252 : i32 to index
    %swap3A_254 = arith.constant 352 : index
    %swap3A_255 = tpu.vector_load %arg15[%swap3A_253, %swap3A_254] {strides = array<i32>} : memref<2x656xi32, #tpu.memory_space<vmem>>, vector<16xi32>,
    tpu.vector_store %arg15[%swap3A_253, %swap3A_254], %add3A_251 {strides = array<i32>} : memref<2x656xi32, #tpu.memory_space<vmem>>, vector<16xi32>,
    %get3A_256 = arith.constant 368 : index
    %get3A_257 = tpu.vector_load %arg12[%get3A_256] {strides = array<i32>} : memref<656xi32, #tpu.memory_space<vmem>>, vector<16xi32>,
    %add3A_258 = arith.addi %broadcast_in_dim3A_5, %get3A_257 : vector<16xi32>
    %gather3A_259 = tpu.vector_load_idx %arg10[%add3A_258] : memref<3328xi32, #tpu.memory_space<vmem>>[vector<16xi32>], vector<16xi32>,
    %get3A_260 = arith.constant 368 : index
    %get3A_261 = tpu.vector_load %arg11[%get3A_260] {strides = array<i32>} : memref<656xi32, #tpu.memory_space<vmem>>, vector<16xi32>,
    %add3A_262 = arith.addi %get3A_261, %gather3A_259 : vector<16xi32>
    %swap3A_263 = arith.constant 0 : i32
    %swap3A_264 = arith.index_cast %swap3A_263 : i32 to index
    %swap3A_265 = arith.constant 368 : index
    %swap3A_266 = tpu.vector_load %arg15[%swap3A_264, %swap3A_265] {strides = array<i32>} : memref<2x656xi32, #tpu.memory_space<vmem>>, vector<16xi32>,
    tpu.vector_store %arg15[%swap3A_264, %swap3A_265], %add3A_262 {strides = array<i32>} : memref<2x656xi32, #tpu.memory_space<vmem>>, vector<16xi32>,
    %get3A_267 = arith.constant 384 : index
    %get3A_268 = tpu.vector_load %arg12[%get3A_267] {strides = array<i32>} : memref<656xi32, #tpu.memory_space<vmem>>, vector<16xi32>,
    %add3A_269 = arith.addi %broadcast_in_dim3A_5, %get3A_268 : vector<16xi32>
    %gather3A_270 = tpu.vector_load_idx %arg10[%add3A_269] : memref<3328xi32, #tpu.memory_space<vmem>>[vector<16xi32>], vector<16xi32>,
    %get3A_271 = arith.constant 384 : index
    %get3A_272 = tpu.vector_load %arg11[%get3A_271] {strides = array<i32>} : memref<656xi32, #tpu.memory_space<vmem>>, vector<16xi32>,
    %add3A_273 = arith.addi %get3A_272, %gather3A_270 : vector<16xi32>
    %swap3A_274 = arith.constant 0 : i32
    %swap3A_275 = arith.index_cast %swap3A_274 : i32 to index
    %swap3A_276 = arith.constant 384 : index
    %swap3A_277 = tpu.vector_load %arg15[%swap3A_275, %swap3A_276] {strides = array<i32>} : memref<2x656xi32, #tpu.memory_space<vmem>>, vector<16xi32>,
    tpu.vector_store %arg15[%swap3A_275, %swap3A_276], %add3A_273 {strides = array<i32>} : memref<2x656xi32, #tpu.memory_space<vmem>>, vector<16xi32>,
    %get3A_278 = arith.constant 400 : index
    %get3A_279 = tpu.vector_load %arg12[%get3A_278] {strides = array<i32>} : memref<656xi32, #tpu.memory_space<vmem>>, vector<16xi32>,
    %add3A_280 = arith.addi %broadcast_in_dim3A_5, %get3A_279 : vector<16xi32>
    %gather3A_281 = tpu.vector_load_idx %arg10[%add3A_280] : memref<3328xi32, #tpu.memory_space<vmem>>[vector<16xi32>], vector<16xi32>,
    %get3A_282 = arith.constant 400 : index
    %get3A_283 = tpu.vector_load %arg11[%get3A_282] {strides = array<i32>} : memref<656xi32, #tpu.memory_space<vmem>>, vector<16xi32>,
    %add3A_284 = arith.addi %get3A_283, %gather3A_281 : vector<16xi32>
    %swap3A_285 = arith.constant 0 : i32
    %swap3A_286 = arith.index_cast %swap3A_285 : i32 to index
    %swap3A_287 = arith.constant 400 : index
    %swap3A_288 = tpu.vector_load %arg15[%swap3A_286, %swap3A_287] {strides = array<i32>} : memref<2x656xi32, #tpu.memory_space<vmem>>, vector<16xi32>,
    tpu.vector_store %arg15[%swap3A_286, %swap3A_287], %add3A_284 {strides = array<i32>} : memref<2x656xi32, #tpu.memory_space<vmem>>, vector<16xi32>,
    %get3A_289 = arith.constant 416 : index
    %get3A_290 = tpu.vector_load %arg12[%get3A_289] {strides = array<i32>} : memref<656xi32, #tpu.memory_space<vmem>>, vector<16xi32>,
    %add3A_291 = arith.addi %broadcast_in_dim3A_5, %get3A_290 : vector<16xi32>
    %gather3A_292 = tpu.vector_load_idx %arg10[%add3A_291] : memref<3328xi32, #tpu.memory_space<vmem>>[vector<16xi32>], vector<16xi32>,
    %get3A_293 = arith.constant 416 : index
    %get3A_294 = tpu.vector_load %arg11[%get3A_293] {strides = array<i32>} : memref<656xi32, #tpu.memory_space<vmem>>, vector<16xi32>,
    %add3A_295 = arith.addi %get3A_294, %gather3A_292 : vector<16xi32>
    %swap3A_296 = arith.constant 0 : i32
    %swap3A_297 = arith.index_cast %swap3A_296 : i32 to index
    %swap3A_298 = arith.constant 416 : index
    %swap3A_299 = tpu.vector_load %arg15[%swap3A_297, %swap3A_298] {strides = array<i32>} : memref<2x656xi32, #tpu.memory_space<vmem>>, vector<16xi32>,
    tpu.vector_store %arg15[%swap3A_297, %swap3A_298], %add3A_295 {strides = array<i32>} : memref<2x656xi32, #tpu.memory_space<vmem>>, vector<16xi32>,
    %get3A_300 = arith.constant 432 : index
    %get3A_301 = tpu.vector_load %arg12[%get3A_300] {strides = array<i32>} : memref<656xi32, #tpu.memory_space<vmem>>, vector<16xi32>,
    %add3A_302 = arith.addi %broadcast_in_dim3A_5, %get3A_301 : vector<16xi32>
    %gather3A_303 = tpu.vector_load_idx %arg10[%add3A_302] : memref<3328xi32, #tpu.memory_space<vmem>>[vector<16xi32>], vector<16xi32>,
    %get3A_304 = arith.constant 432 : index
    %get3A_305 = tpu.vector_load %arg11[%get3A_304] {strides = array<i32>} : memref<656xi32, #tpu.memory_space<vmem>>, vector<16xi32>,
    %add3A_306 = arith.addi %get3A_305, %gather3A_303 : vector<16xi32>
    %swap3A_307 = arith.constant 0 : i32
    %swap3A_308 = arith.index_cast %swap3A_307 : i32 to index
    %swap3A_309 = arith.constant 432 : index
    %swap3A_310 = tpu.vector_load %arg15[%swap3A_308, %swap3A_309] {strides = array<i32>} : memref<2x656xi32, #tpu.memory_space<vmem>>, vector<16xi32>,
    tpu.vector_store %arg15[%swap3A_308, %swap3A_309], %add3A_306 {strides = array<i32>} : memref<2x656xi32, #tpu.memory_space<vmem>>, vector<16xi32>,
    %get3A_311 = arith.constant 448 : index
    %get3A_312 = tpu.vector_load %arg12[%get3A_311] {strides = array<i32>} : memref<656xi32, #tpu.memory_space<vmem>>, vector<16xi32>,
    %add3A_313 = arith.addi %broadcast_in_dim3A_5, %get3A_312 : vector<16xi32>
    %gather3A_314 = tpu.vector_load_idx %arg10[%add3A_313] : memref<3328xi32, #tpu.memory_space<vmem>>[vector<16xi32>], vector<16xi32>,
    %get3A_315 = arith.constant 448 : index
    %get3A_316 = tpu.vector_load %arg11[%get3A_315] {strides = array<i32>} : memref<656xi32, #tpu.memory_space<vmem>>, vector<16xi32>,
    %add3A_317 = arith.addi %get3A_316, %gather3A_314 : vector<16xi32>
    %swap3A_318 = arith.constant 0 : i32
    %swap3A_319 = arith.index_cast %swap3A_318 : i32 to index
    %swap3A_320 = arith.constant 448 : index
    %swap3A_321 = tpu.vector_load %arg15[%swap3A_319, %swap3A_320] {strides = array<i32>} : memref<2x656xi32, #tpu.memory_space<vmem>>, vector<16xi32>,
    tpu.vector_store %arg15[%swap3A_319, %swap3A_320], %add3A_317 {strides = array<i32>} : memref<2x656xi32, #tpu.memory_space<vmem>>, vector<16xi32>,
    %get3A_322 = arith.constant 464 : index
    %get3A_323 = tpu.vector_load %arg12[%get3A_322] {strides = array<i32>} : memref<656xi32, #tpu.memory_space<vmem>>, vector<16xi32>,
    %add3A_324 = arith.addi %broadcast_in_dim3A_5, %get3A_323 : vector<16xi32>
    %gather3A_325 = tpu.vector_load_idx %arg10[%add3A_324] : memref<3328xi32, #tpu.memory_space<vmem>>[vector<16xi32>], vector<16xi32>,
    %get3A_326 = arith.constant 464 : index
    %get3A_327 = tpu.vector_load %arg11[%get3A_326] {strides = array<i32>} : memref<656xi32, #tpu.memory_space<vmem>>, vector<16xi32>,
    %add3A_328 = arith.addi %get3A_327, %gather3A_325 : vector<16xi32>
    %swap3A_329 = arith.constant 0 : i32
    %swap3A_330 = arith.index_cast %swap3A_329 : i32 to index
    %swap3A_331 = arith.constant 464 : index
    %swap3A_332 = tpu.vector_load %arg15[%swap3A_330, %swap3A_331] {strides = array<i32>} : memref<2x656xi32, #tpu.memory_space<vmem>>, vector<16xi32>,
    tpu.vector_store %arg15[%swap3A_330, %swap3A_331], %add3A_328 {strides = array<i32>} : memref<2x656xi32, #tpu.memory_space<vmem>>, vector<16xi32>,
    %get3A_333 = arith.constant 480 : index
    %get3A_334 = tpu.vector_load %arg12[%get3A_333] {strides = array<i32>} : memref<656xi32, #tpu.memory_space<vmem>>, vector<16xi32>,
    %add3A_335 = arith.addi %broadcast_in_dim3A_5, %get3A_334 : vector<16xi32>
    %gather3A_336 = tpu.vector_load_idx %arg10[%add3A_335] : memref<3328xi32, #tpu.memory_space<vmem>>[vector<16xi32>], vector<16xi32>,
    %get3A_337 = arith.constant 480 : index
    %get3A_338 = tpu.vector_load %arg11[%get3A_337] {strides = array<i32>} : memref<656xi32, #tpu.memory_space<vmem>>, vector<16xi32>,
    %add3A_339 = arith.addi %get3A_338, %gather3A_336 : vector<16xi32>
    %swap3A_340 = arith.constant 0 : i32
    %swap3A_341 = arith.index_cast %swap3A_340 : i32 to index
    %swap3A_342 = arith.constant 480 : index
    %swap3A_343 = tpu.vector_load %arg15[%swap3A_341, %swap3A_342] {strides = array<i32>} : memref<2x656xi32, #tpu.memory_space<vmem>>, vector<16xi32>,
    tpu.vector_store %arg15[%swap3A_341, %swap3A_342], %add3A_339 {strides = array<i32>} : memref<2x656xi32, #tpu.memory_space<vmem>>, vector<16xi32>,
    %get3A_344 = arith.constant 496 : index
    %get3A_345 = tpu.vector_load %arg12[%get3A_344] {strides = array<i32>} : memref<656xi32, #tpu.memory_space<vmem>>, vector<16xi32>,
    %add3A_346 = arith.addi %broadcast_in_dim3A_5, %get3A_345 : vector<16xi32>
    %gather3A_347 = tpu.vector_load_idx %arg10[%add3A_346] : memref<3328xi32, #tpu.memory_space<vmem>>[vector<16xi32>], vector<16xi32>,
    %get3A_348 = arith.constant 496 : index
    %get3A_349 = tpu.vector_load %arg11[%get3A_348] {strides = array<i32>} : memref<656xi32, #tpu.memory_space<vmem>>, vector<16xi32>,
    %add3A_350 = arith.addi %get3A_349, %gather3A_347 : vector<16xi32>
    %swap3A_351 = arith.constant 0 : i32
    %swap3A_352 = arith.index_cast %swap3A_351 : i32 to index
    %swap3A_353 = arith.constant 496 : index
    %swap3A_354 = tpu.vector_load %arg15[%swap3A_352, %swap3A_353] {strides = array<i32>} : memref<2x656xi32, #tpu.memory_space<vmem>>, vector<16xi32>,
    tpu.vector_store %arg15[%swap3A_352, %swap3A_353], %add3A_350 {strides = array<i32>} : memref<2x656xi32, #tpu.memory_space<vmem>>, vector<16xi32>,
    %get3A_355 = arith.constant 512 : index
    %get3A_356 = tpu.vector_load %arg12[%get3A_355] {strides = array<i32>} : memref<656xi32, #tpu.memory_space<vmem>>, vector<16xi32>,
    %add3A_357 = arith.addi %broadcast_in_dim3A_5, %get3A_356 : vector<16xi32>
    %gather3A_358 = tpu.vector_load_idx %arg10[%add3A_357] : memref<3328xi32, #tpu.memory_space<vmem>>[vector<16xi32>], vector<16xi32>,
    %get3A_359 = arith.constant 512 : index
    %get3A_360 = tpu.vector_load %arg11[%get3A_359] {strides = array<i32>} : memref<656xi32, #tpu.memory_space<vmem>>, vector<16xi32>,
    %add3A_361 = arith.addi %get3A_360, %gather3A_358 : vector<16xi32>
    %swap3A_362 = arith.constant 0 : i32
    %swap3A_363 = arith.index_cast %swap3A_362 : i32 to index
    %swap3A_364 = arith.constant 512 : index
    %swap3A_365 = tpu.vector_load %arg15[%swap3A_363, %swap3A_364] {strides = array<i32>} : memref<2x656xi32, #tpu.memory_space<vmem>>, vector<16xi32>,
    tpu.vector_store %arg15[%swap3A_363, %swap3A_364], %add3A_361 {strides = array<i32>} : memref<2x656xi32, #tpu.memory_space<vmem>>, vector<16xi32>,
    %get3A_366 = arith.constant 528 : index
    %get3A_367 = tpu.vector_load %arg12[%get3A_366] {strides = array<i32>} : memref<656xi32, #tpu.memory_space<vmem>>, vector<16xi32>,
    %add3A_368 = arith.addi %broadcast_in_dim3A_5, %get3A_367 : vector<16xi32>
    %gather3A_369 = tpu.vector_load_idx %arg10[%add3A_368] : memref<3328xi32, #tpu.memory_space<vmem>>[vector<16xi32>], vector<16xi32>,
    %get3A_370 = arith.constant 528 : index
    %get3A_371 = tpu.vector_load %arg11[%get3A_370] {strides = array<i32>} : memref<656xi32, #tpu.memory_space<vmem>>, vector<16xi32>,
    %add3A_372 = arith.addi %get3A_371, %gather3A_369 : vector<16xi32>
    %swap3A_373 = arith.constant 0 : i32
    %swap3A_374 = arith.index_cast %swap3A_373 : i32 to index
    %swap3A_375 = arith.constant 528 : index
    %swap3A_376 = tpu.vector_load %arg15[%swap3A_374, %swap3A_375] {strides = array<i32>} : memref<2x656xi32, #tpu.memory_space<vmem>>, vector<16xi32>,
    tpu.vector_store %arg15[%swap3A_374, %swap3A_375], %add3A_372 {strides = array<i32>} : memref<2x656xi32, #tpu.memory_space<vmem>>, vector<16xi32>,
    %get3A_377 = arith.constant 544 : index
    %get3A_378 = tpu.vector_load %arg12[%get3A_377] {strides = array<i32>} : memref<656xi32, #tpu.memory_space<vmem>>, vector<16xi32>,
    %add3A_379 = arith.addi %broadcast_in_dim3A_5, %get3A_378 : vector<16xi32>
    %gather3A_380 = tpu.vector_load_idx %arg10[%add3A_379] : memref<3328xi32, #tpu.memory_space<vmem>>[vector<16xi32>], vector<16xi32>,
    %get3A_381 = arith.constant 544 : index
    %get3A_382 = tpu.vector_load %arg11[%get3A_381] {strides = array<i32>} : memref<656xi32, #tpu.memory_space<vmem>>, vector<16xi32>,
    %add3A_383 = arith.addi %get3A_382, %gather3A_380 : vector<16xi32>
    %swap3A_384 = arith.constant 0 : i32
    %swap3A_385 = arith.index_cast %swap3A_384 : i32 to index
    %swap3A_386 = arith.constant 544 : index
    %swap3A_387 = tpu.vector_load %arg15[%swap3A_385, %swap3A_386] {strides = array<i32>} : memref<2x656xi32, #tpu.memory_space<vmem>>, vector<16xi32>,
    tpu.vector_store %arg15[%swap3A_385, %swap3A_386], %add3A_383 {strides = array<i32>} : memref<2x656xi32, #tpu.memory_space<vmem>>, vector<16xi32>,
    %get3A_388 = arith.constant 560 : index
    %get3A_389 = tpu.vector_load %arg12[%get3A_388] {strides = array<i32>} : memref<656xi32, #tpu.memory_space<vmem>>, vector<16xi32>,
    %add3A_390 = arith.addi %broadcast_in_dim3A_5, %get3A_389 : vector<16xi32>
    %gather3A_391 = tpu.vector_load_idx %arg10[%add3A_390] : memref<3328xi32, #tpu.memory_space<vmem>>[vector<16xi32>], vector<16xi32>,
    %get3A_392 = arith.constant 560 : index
    %get3A_393 = tpu.vector_load %arg11[%get3A_392] {strides = array<i32>} : memref<656xi32, #tpu.memory_space<vmem>>, vector<16xi32>,
    %add3A_394 = arith.addi %get3A_393, %gather3A_391 : vector<16xi32>
    %swap3A_395 = arith.constant 0 : i32
    %swap3A_396 = arith.index_cast %swap3A_395 : i32 to index
    %swap3A_397 = arith.constant 560 : index
    %swap3A_398 = tpu.vector_load %arg15[%swap3A_396, %swap3A_397] {strides = array<i32>} : memref<2x656xi32, #tpu.memory_space<vmem>>, vector<16xi32>,
    tpu.vector_store %arg15[%swap3A_396, %swap3A_397], %add3A_394 {strides = array<i32>} : memref<2x656xi32, #tpu.memory_space<vmem>>, vector<16xi32>,
    %get3A_399 = arith.constant 576 : index
    %get3A_400 = tpu.vector_load %arg12[%get3A_399] {strides = array<i32>} : memref<656xi32, #tpu.memory_space<vmem>>, vector<16xi32>,
    %add3A_401 = arith.addi %broadcast_in_dim3A_5, %get3A_400 : vector<16xi32>
    %gather3A_402 = tpu.vector_load_idx %arg10[%add3A_401] : memref<3328xi32, #tpu.memory_space<vmem>>[vector<16xi32>], vector<16xi32>,
    %get3A_403 = arith.constant 576 : index
    %get3A_404 = tpu.vector_load %arg11[%get3A_403] {strides = array<i32>} : memref<656xi32, #tpu.memory_space<vmem>>, vector<16xi32>,
    %add3A_405 = arith.addi %get3A_404, %gather3A_402 : vector<16xi32>
    %swap3A_406 = arith.constant 0 : i32
    %swap3A_407 = arith.index_cast %swap3A_406 : i32 to index
    %swap3A_408 = arith.constant 576 : index
    %swap3A_409 = tpu.vector_load %arg15[%swap3A_407, %swap3A_408] {strides = array<i32>} : memref<2x656xi32, #tpu.memory_space<vmem>>, vector<16xi32>,
    tpu.vector_store %arg15[%swap3A_407, %swap3A_408], %add3A_405 {strides = array<i32>} : memref<2x656xi32, #tpu.memory_space<vmem>>, vector<16xi32>,
    %get3A_410 = arith.constant 592 : index
    %get3A_411 = tpu.vector_load %arg12[%get3A_410] {strides = array<i32>} : memref<656xi32, #tpu.memory_space<vmem>>, vector<16xi32>,
    %add3A_412 = arith.addi %broadcast_in_dim3A_5, %get3A_411 : vector<16xi32>
    %gather3A_413 = tpu.vector_load_idx %arg10[%add3A_412] : memref<3328xi32, #tpu.memory_space<vmem>>[vector<16xi32>], vector<16xi32>,
    %get3A_414 = arith.constant 592 : index
    %get3A_415 = tpu.vector_load %arg11[%get3A_414] {strides = array<i32>} : memref<656xi32, #tpu.memory_space<vmem>>, vector<16xi32>,
    %add3A_416 = arith.addi %get3A_415, %gather3A_413 : vector<16xi32>
    %swap3A_417 = arith.constant 0 : i32
    %swap3A_418 = arith.index_cast %swap3A_417 : i32 to index
    %swap3A_419 = arith.constant 592 : index
    %swap3A_420 = tpu.vector_load %arg15[%swap3A_418, %swap3A_419] {strides = array<i32>} : memref<2x656xi32, #tpu.memory_space<vmem>>, vector<16xi32>,
    tpu.vector_store %arg15[%swap3A_418, %swap3A_419], %add3A_416 {strides = array<i32>} : memref<2x656xi32, #tpu.memory_space<vmem>>, vector<16xi32>,
    %get3A_421 = arith.constant 608 : index
    %get3A_422 = tpu.vector_load %arg12[%get3A_421] {strides = array<i32>} : memref<656xi32, #tpu.memory_space<vmem>>, vector<16xi32>,
    %add3A_423 = arith.addi %broadcast_in_dim3A_5, %get3A_422 : vector<16xi32>
    %gather3A_424 = tpu.vector_load_idx %arg10[%add3A_423] : memref<3328xi32, #tpu.memory_space<vmem>>[vector<16xi32>], vector<16xi32>,
    %get3A_425 = arith.constant 608 : index
    %get3A_426 = tpu.vector_load %arg11[%get3A_425] {strides = array<i32>} : memref<656xi32, #tpu.memory_space<vmem>>, vector<16xi32>,
    %add3A_427 = arith.addi %get3A_426, %gather3A_424 : vector<16xi32>
    %swap3A_428 = arith.constant 0 : i32
    %swap3A_429 = arith.index_cast %swap3A_428 : i32 to index
    %swap3A_430 = arith.constant 608 : index
    %swap3A_431 = tpu.vector_load %arg15[%swap3A_429, %swap3A_430] {strides = array<i32>} : memref<2x656xi32, #tpu.memory_space<vmem>>, vector<16xi32>,
    tpu.vector_store %arg15[%swap3A_429, %swap3A_430], %add3A_427 {strides = array<i32>} : memref<2x656xi32, #tpu.memory_space<vmem>>, vector<16xi32>,
    %get3A_432 = arith.constant 624 : index
    %get3A_433 = tpu.vector_load %arg12[%get3A_432] {strides = array<i32>} : memref<656xi32, #tpu.memory_space<vmem>>, vector<16xi32>,
    %add3A_434 = arith.addi %broadcast_in_dim3A_5, %get3A_433 : vector<16xi32>
    %gather3A_435 = tpu.vector_load_idx %arg10[%add3A_434] : memref<3328xi32, #tpu.memory_space<vmem>>[vector<16xi32>], vector<16xi32>,
    %get3A_436 = arith.constant 624 : index
    %get3A_437 = tpu.vector_load %arg11[%get3A_436] {strides = array<i32>} : memref<656xi32, #tpu.memory_space<vmem>>, vector<16xi32>,
    %add3A_438 = arith.addi %get3A_437, %gather3A_435 : vector<16xi32>
    %swap3A_439 = arith.constant 0 : i32
    %swap3A_440 = arith.index_cast %swap3A_439 : i32 to index
    %swap3A_441 = arith.constant 624 : index
    %swap3A_442 = tpu.vector_load %arg15[%swap3A_440, %swap3A_441] {strides = array<i32>} : memref<2x656xi32, #tpu.memory_space<vmem>>, vector<16xi32>,
    tpu.vector_store %arg15[%swap3A_440, %swap3A_441], %add3A_438 {strides = array<i32>} : memref<2x656xi32, #tpu.memory_space<vmem>>, vector<16xi32>,
    %get3A_443 = arith.constant 640 : index
    %get3A_444 = tpu.vector_load %arg12[%get3A_443] {strides = array<i32>} : memref<656xi32, #tpu.memory_space<vmem>>, vector<16xi32>,
    %add3A_445 = arith.addi %broadcast_in_dim3A_5, %get3A_444 : vector<16xi32>
    %gather3A_446 = tpu.vector_load_idx %arg10[%add3A_445] : memref<3328xi32, #tpu.memory_space<vmem>>[vector<16xi32>], vector<16xi32>,
    %get3A_447 = arith.constant 640 : index
    %get3A_448 = tpu.vector_load %arg11[%get3A_447] {strides = array<i32>} : memref<656xi32, #tpu.memory_space<vmem>>, vector<16xi32>,
    %add3A_449 = arith.addi %get3A_448, %gather3A_446 : vector<16xi32>
    %swap3A_450 = arith.constant 0 : i32
    %swap3A_451 = arith.index_cast %swap3A_450 : i32 to index
    %swap3A_452 = arith.constant 640 : index
    %swap3A_453 = tpu.vector_load %arg15[%swap3A_451, %swap3A_452] {strides = array<i32>} : memref<2x656xi32, #tpu.memory_space<vmem>>, vector<16xi32>,
    tpu.vector_store %arg15[%swap3A_451, %swap3A_452], %add3A_449 {strides = array<i32>} : memref<2x656xi32, #tpu.memory_space<vmem>>, vector<16xi32>,
    %get3A_454 = arith.constant 0 : index
    %get3A_455 = tpu.vector_load %arg13[%get3A_454] {strides = array<i32>} : memref<32xi32, #tpu.memory_space<vmem>>, vector<16xi32>,
    %get3A_456 = arith.constant 0 : index
    %get3A_457 = tpu.vector_load %arg14[%get3A_456] {strides = array<i32>} : memref<32xi32, #tpu.memory_space<vmem>>, vector<16xi32>,
    %add3A_458 = arith.addi %broadcast_in_dim3A_5, %get3A_457 : vector<16xi32>
    %gather3A_459 = tpu.vector_load_idx %arg10[%add3A_458] : memref<3328xi32, #tpu.memory_space<vmem>>[vector<16xi32>], vector<16xi32>,
    %add3A_460 = arith.addi %get3A_455, %gather3A_459 : vector<16xi32>
    %swap3A_461 = arith.constant 0 : i32
    %swap3A_462 = arith.index_cast %swap3A_461 : i32 to index
    %swap3A_463 = arith.constant 0 : index
    %swap3A_464 = tpu.vector_load %arg16[%swap3A_462, %swap3A_463] {strides = array<i32>} : memref<2x32xi32, #tpu.memory_space<vmem>>, vector<16xi32>,
    tpu.vector_store %arg16[%swap3A_462, %swap3A_463], %add3A_460 {strides = array<i32>} : memref<2x32xi32, #tpu.memory_space<vmem>>, vector<16xi32>,
    %get3A_465 = arith.constant 16 : index
    %get3A_466 = tpu.vector_load %arg13[%get3A_465] {strides = array<i32>} : memref<32xi32, #tpu.memory_space<vmem>>, vector<16xi32>,
    %get3A_467 = arith.constant 16 : index
    %get3A_468 = tpu.vector_load %arg14[%get3A_467] {strides = array<i32>} : memref<32xi32, #tpu.memory_space<vmem>>, vector<16xi32>,
    %add3A_469 = arith.addi %broadcast_in_dim3A_5, %get3A_468 : vector<16xi32>
    %gather3A_470 = tpu.vector_load_idx %arg10[%add3A_469] : memref<3328xi32, #tpu.memory_space<vmem>>[vector<16xi32>], vector<16xi32>,
    %add3A_471 = arith.addi %get3A_466, %gather3A_470 : vector<16xi32>
    %swap3A_472 = arith.constant 0 : i32
    %swap3A_473 = arith.index_cast %swap3A_472 : i32 to index
    %swap3A_474 = arith.constant 16 : index
    %swap3A_475 = tpu.vector_load %arg16[%swap3A_473, %swap3A_474] {strides = array<i32>} : memref<2x32xi32, #tpu.memory_space<vmem>>, vector<16xi32>,
    tpu.vector_store %arg16[%swap3A_473, %swap3A_474], %add3A_471 {strides = array<i32>} : memref<2x32xi32, #tpu.memory_space<vmem>>, vector<16xi32>,
    %dma_start3A = arith.constant 0 : i32
    %dma_start3A_476 = arith.constant 0 : i32
    %dma_start3A_477 = arith.constant 0 : i32
    %dma_start3A_478 = arith.constant 0 : i32
    %dma_start3A_479 = arith.constant 0 : i32
    %dma_start3A_480 = tpu.memref_slice %arg17[%dma_start3A_476, %dma_start3A_478, %dma_start3A_479] : memref<2x656x16xf32, #tpu.memory_space<vmem>> -> memref<1x128x16xf32, #tpu.memory_space<vmem>>
    %dma_start3A_481 = tpu.memref_squeeze %dma_start3A_480 : memref<1x128x16xf32, #tpu.memory_space<vmem>> -> memref<128x16xf32, #tpu.memory_space<vmem>>
    %dma_start3A_482 = arith.constant 0 : i32
    %dma_start3A_483 = tpu.memref_slice %arg15[%dma_start3A, %dma_start3A_482] : memref<2x656xi32, #tpu.memory_space<vmem>> -> memref<1x128xi32, #tpu.memory_space<vmem>>
    %dma_start3A_484 = tpu.memref_squeeze %dma_start3A_483 : memref<1x128xi32, #tpu.memory_space<vmem>> -> memref<128xi32, #tpu.memory_space<vmem>>
    %dma_start3A_485 = arith.constant 0 : i32
    %dma_start3A_486 = arith.constant 0 : i32
    %dma_start3A_487 = tpu.memref_slice %arg7[%dma_start3A_485, %dma_start3A_486] : memref<2600572x16xf32, #tpu.memory_space<hbm>> -> memref<2600572x16xf32, #tpu.memory_space<hbm>>
    %dma_start3A_488 = tpu.memref_slice %arg20[%dma_start3A_477] : memref<2x!tpu.dma_semaphore, #tpu.memory_space<semaphore_mem>> -> memref<1x!tpu.dma_semaphore, #tpu.memory_space<semaphore_mem>>
    %dma_start3A_489 = tpu.memref_squeeze %dma_start3A_488 : memref<1x!tpu.dma_semaphore, #tpu.memory_space<semaphore_mem>> -> memref<!tpu.dma_semaphore, #tpu.memory_space<semaphore_mem>>
    tpu.enqueue_indirect_dma source(%dma_start3A_487 : memref<2600572x16xf32, #tpu.memory_space<hbm>>) target(%dma_start3A_481 : memref<128x16xf32, #tpu.memory_space<vmem>>) offsets(%dma_start3A_484 : memref<128xi32, #tpu.memory_space<vmem>>) semaphore(%dma_start3A_489 : memref<!tpu.dma_semaphore, #tpu.memory_space<semaphore_mem>>)
    %dma_start3A_490 = arith.constant 0 : i32
    %dma_start3A_491 = arith.constant 0 : i32
    %dma_start3A_492 = arith.constant 0 : i32
    %dma_start3A_493 = arith.constant 128 : i32
    %dma_start3A_494 = arith.constant 0 : i32
    %dma_start3A_495 = tpu.memref_slice %arg17[%dma_start3A_491, %dma_start3A_493, %dma_start3A_494] : memref<2x656x16xf32, #tpu.memory_space<vmem>> -> memref<1x128x16xf32, #tpu.memory_space<vmem>>
    %dma_start3A_496 = tpu.memref_squeeze %dma_start3A_495 : memref<1x128x16xf32, #tpu.memory_space<vmem>> -> memref<128x16xf32, #tpu.memory_space<vmem>>
    %dma_start3A_497 = arith.constant 128 : i32
    %dma_start3A_498 = tpu.memref_slice %arg15[%dma_start3A_490, %dma_start3A_497] : memref<2x656xi32, #tpu.memory_space<vmem>> -> memref<1x128xi32, #tpu.memory_space<vmem>>
    %dma_start3A_499 = tpu.memref_squeeze %dma_start3A_498 : memref<1x128xi32, #tpu.memory_space<vmem>> -> memref<128xi32, #tpu.memory_space<vmem>>
    %dma_start3A_500 = arith.constant 0 : i32
    %dma_start3A_501 = arith.constant 0 : i32
    %dma_start3A_502 = tpu.memref_slice %arg7[%dma_start3A_500, %dma_start3A_501] : memref<2600572x16xf32, #tpu.memory_space<hbm>> -> memref<2600572x16xf32, #tpu.memory_space<hbm>>
    %dma_start3A_503 = tpu.memref_slice %arg20[%dma_start3A_492] : memref<2x!tpu.dma_semaphore, #tpu.memory_space<semaphore_mem>> -> memref<1x!tpu.dma_semaphore, #tpu.memory_space<semaphore_mem>>
    %dma_start3A_504 = tpu.memref_squeeze %dma_start3A_503 : memref<1x!tpu.dma_semaphore, #tpu.memory_space<semaphore_mem>> -> memref<!tpu.dma_semaphore, #tpu.memory_space<semaphore_mem>>
    tpu.enqueue_indirect_dma source(%dma_start3A_502 : memref<2600572x16xf32, #tpu.memory_space<hbm>>) target(%dma_start3A_496 : memref<128x16xf32, #tpu.memory_space<vmem>>) offsets(%dma_start3A_499 : memref<128xi32, #tpu.memory_space<vmem>>) semaphore(%dma_start3A_504 : memref<!tpu.dma_semaphore, #tpu.memory_space<semaphore_mem>>)
    %dma_start3A_505 = arith.constant 0 : i32
    %dma_start3A_506 = arith.constant 0 : i32
    %dma_start3A_507 = arith.constant 0 : i32
    %dma_start3A_508 = arith.constant 256 : i32
    %dma_start3A_509 = arith.constant 0 : i32
    %dma_start3A_510 = tpu.memref_slice %arg17[%dma_start3A_506, %dma_start3A_508, %dma_start3A_509] : memref<2x656x16xf32, #tpu.memory_space<vmem>> -> memref<1x128x16xf32, #tpu.memory_space<vmem>>
    %dma_start3A_511 = tpu.memref_squeeze %dma_start3A_510 : memref<1x128x16xf32, #tpu.memory_space<vmem>> -> memref<128x16xf32, #tpu.memory_space<vmem>>
    %dma_start3A_512 = arith.constant 256 : i32
    %dma_start3A_513 = tpu.memref_slice %arg15[%dma_start3A_505, %dma_start3A_512] : memref<2x656xi32, #tpu.memory_space<vmem>> -> memref<1x128xi32, #tpu.memory_space<vmem>>
    %dma_start3A_514 = tpu.memref_squeeze %dma_start3A_513 : memref<1x128xi32, #tpu.memory_space<vmem>> -> memref<128xi32, #tpu.memory_space<vmem>>
    %dma_start3A_515 = arith.constant 0 : i32
    %dma_start3A_516 = arith.constant 0 : i32
    %dma_start3A_517 = tpu.memref_slice %arg7[%dma_start3A_515, %dma_start3A_516] : memref<2600572x16xf32, #tpu.memory_space<hbm>> -> memref<2600572x16xf32, #tpu.memory_space<hbm>>
    %dma_start3A_518 = tpu.memref_slice %arg20[%dma_start3A_507] : memref<2x!tpu.dma_semaphore, #tpu.memory_space<semaphore_mem>> -> memref<1x!tpu.dma_semaphore, #tpu.memory_space<semaphore_mem>>
    %dma_start3A_519 = tpu.memref_squeeze %dma_start3A_518 : memref<1x!tpu.dma_semaphore, #tpu.memory_space<semaphore_mem>> -> memref<!tpu.dma_semaphore, #tpu.memory_space<semaphore_mem>>
    tpu.enqueue_indirect_dma source(%dma_start3A_517 : memref<2600572x16xf32, #tpu.memory_space<hbm>>) target(%dma_start3A_511 : memref<128x16xf32, #tpu.memory_space<vmem>>) offsets(%dma_start3A_514 : memref<128xi32, #tpu.memory_space<vmem>>) semaphore(%dma_start3A_519 : memref<!tpu.dma_semaphore, #tpu.memory_space<semaphore_mem>>)
    %dma_start3A_520 = arith.constant 0 : i32
    %dma_start3A_521 = arith.constant 0 : i32
    %dma_start3A_522 = arith.constant 0 : i32
    %dma_start3A_523 = arith.constant 384 : i32
    %dma_start3A_524 = arith.constant 0 : i32
    %dma_start3A_525 = tpu.memref_slice %arg17[%dma_start3A_521, %dma_start3A_523, %dma_start3A_524] : memref<2x656x16xf32, #tpu.memory_space<vmem>> -> memref<1x128x16xf32, #tpu.memory_space<vmem>>
    %dma_start3A_526 = tpu.memref_squeeze %dma_start3A_525 : memref<1x128x16xf32, #tpu.memory_space<vmem>> -> memref<128x16xf32, #tpu.memory_space<vmem>>
    %dma_start3A_527 = arith.constant 384 : i32
    %dma_start3A_528 = tpu.memref_slice %arg15[%dma_start3A_520, %dma_start3A_527] : memref<2x656xi32, #tpu.memory_space<vmem>> -> memref<1x128xi32, #tpu.memory_space<vmem>>
    %dma_start3A_529 = tpu.memref_squeeze %dma_start3A_528 : memref<1x128xi32, #tpu.memory_space<vmem>> -> memref<128xi32, #tpu.memory_space<vmem>>
    %dma_start3A_530 = arith.constant 0 : i32
    %dma_start3A_531 = arith.constant 0 : i32
    %dma_start3A_532 = tpu.memref_slice %arg7[%dma_start3A_530, %dma_start3A_531] : memref<2600572x16xf32, #tpu.memory_space<hbm>> -> memref<2600572x16xf32, #tpu.memory_space<hbm>>
    %dma_start3A_533 = tpu.memref_slice %arg20[%dma_start3A_522] : memref<2x!tpu.dma_semaphore, #tpu.memory_space<semaphore_mem>> -> memref<1x!tpu.dma_semaphore, #tpu.memory_space<semaphore_mem>>
    %dma_start3A_534 = tpu.memref_squeeze %dma_start3A_533 : memref<1x!tpu.dma_semaphore, #tpu.memory_space<semaphore_mem>> -> memref<!tpu.dma_semaphore, #tpu.memory_space<semaphore_mem>>
    tpu.enqueue_indirect_dma source(%dma_start3A_532 : memref<2600572x16xf32, #tpu.memory_space<hbm>>) target(%dma_start3A_526 : memref<128x16xf32, #tpu.memory_space<vmem>>) offsets(%dma_start3A_529 : memref<128xi32, #tpu.memory_space<vmem>>) semaphore(%dma_start3A_534 : memref<!tpu.dma_semaphore, #tpu.memory_space<semaphore_mem>>)
    %dma_start3A_535 = arith.constant 0 : i32
    %dma_start3A_536 = arith.constant 0 : i32
    %dma_start3A_537 = arith.constant 0 : i32
    %dma_start3A_538 = arith.constant 512 : i32
    %dma_start3A_539 = arith.constant 0 : i32
    %dma_start3A_540 = tpu.memref_slice %arg17[%dma_start3A_536, %dma_start3A_538, %dma_start3A_539] : memref<2x656x16xf32, #tpu.memory_space<vmem>> -> memref<1x128x16xf32, #tpu.memory_space<vmem>>
    %dma_start3A_541 = tpu.memref_squeeze %dma_start3A_540 : memref<1x128x16xf32, #tpu.memory_space<vmem>> -> memref<128x16xf32, #tpu.memory_space<vmem>>
    %dma_start3A_542 = arith.constant 512 : i32
    %dma_start3A_543 = tpu.memref_slice %arg15[%dma_start3A_535, %dma_start3A_542] : memref<2x656xi32, #tpu.memory_space<vmem>> -> memref<1x128xi32, #tpu.memory_space<vmem>>
    %dma_start3A_544 = tpu.memref_squeeze %dma_start3A_543 : memref<1x128xi32, #tpu.memory_space<vmem>> -> memref<128xi32, #tpu.memory_space<vmem>>
    %dma_start3A_545 = arith.constant 0 : i32
    %dma_start3A_546 = arith.constant 0 : i32
    %dma_start3A_547 = tpu.memref_slice %arg7[%dma_start3A_545, %dma_start3A_546] : memref<2600572x16xf32, #tpu.memory_space<hbm>> -> memref<2600572x16xf32, #tpu.memory_space<hbm>>
    %dma_start3A_548 = tpu.memref_slice %arg20[%dma_start3A_537] : memref<2x!tpu.dma_semaphore, #tpu.memory_space<semaphore_mem>> -> memref<1x!tpu.dma_semaphore, #tpu.memory_space<semaphore_mem>>
    %dma_start3A_549 = tpu.memref_squeeze %dma_start3A_548 : memref<1x!tpu.dma_semaphore, #tpu.memory_space<semaphore_mem>> -> memref<!tpu.dma_semaphore, #tpu.memory_space<semaphore_mem>>
    tpu.enqueue_indirect_dma source(%dma_start3A_547 : memref<2600572x16xf32, #tpu.memory_space<hbm>>) target(%dma_start3A_541 : memref<128x16xf32, #tpu.memory_space<vmem>>) offsets(%dma_start3A_544 : memref<128xi32, #tpu.memory_space<vmem>>) semaphore(%dma_start3A_549 : memref<!tpu.dma_semaphore, #tpu.memory_space<semaphore_mem>>)
    %dma_start3A_550 = arith.constant 0 : i32
    %dma_start3A_551 = arith.constant 0 : i32
    %dma_start3A_552 = arith.constant 0 : i32
    %dma_start3A_553 = arith.constant 640 : i32
    %dma_start3A_554 = arith.constant 0 : i32
    %dma_start3A_555 = tpu.memref_slice %arg17[%dma_start3A_551, %dma_start3A_553, %dma_start3A_554] : memref<2x656x16xf32, #tpu.memory_space<vmem>> -> memref<1x16x16xf32, #tpu.memory_space<vmem>>
    %dma_start3A_556 = tpu.memref_squeeze %dma_start3A_555 : memref<1x16x16xf32, #tpu.memory_space<vmem>> -> memref<16x16xf32, #tpu.memory_space<vmem>>
    %dma_start3A_557 = arith.constant 640 : i32
    %dma_start3A_558 = tpu.memref_slice %arg15[%dma_start3A_550, %dma_start3A_557] : memref<2x656xi32, #tpu.memory_space<vmem>> -> memref<1x16xi32, #tpu.memory_space<vmem>>
    %dma_start3A_559 = tpu.memref_squeeze %dma_start3A_558 : memref<1x16xi32, #tpu.memory_space<vmem>> -> memref<16xi32, #tpu.memory_space<vmem>>
    %dma_start3A_560 = arith.constant 0 : i32
    %dma_start3A_561 = arith.constant 0 : i32
    %dma_start3A_562 = tpu.memref_slice %arg7[%dma_start3A_560, %dma_start3A_561] : memref<2600572x16xf32, #tpu.memory_space<hbm>> -> memref<2600572x16xf32, #tpu.memory_space<hbm>>
    %dma_start3A_563 = tpu.memref_slice %arg20[%dma_start3A_552] : memref<2x!tpu.dma_semaphore, #tpu.memory_space<semaphore_mem>> -> memref<1x!tpu.dma_semaphore, #tpu.memory_space<semaphore_mem>>
    %dma_start3A_564 = tpu.memref_squeeze %dma_start3A_563 : memref<1x!tpu.dma_semaphore, #tpu.memory_space<semaphore_mem>> -> memref<!tpu.dma_semaphore, #tpu.memory_space<semaphore_mem>>
    tpu.enqueue_indirect_dma source(%dma_start3A_562 : memref<2600572x16xf32, #tpu.memory_space<hbm>>) target(%dma_start3A_556 : memref<16x16xf32, #tpu.memory_space<vmem>>) offsets(%dma_start3A_559 : memref<16xi32, #tpu.memory_space<vmem>>) semaphore(%dma_start3A_564 : memref<!tpu.dma_semaphore, #tpu.memory_space<semaphore_mem>>)
    %dma_start3A_565 = arith.constant 0 : i32
    %dma_start3A_566 = arith.constant 0 : i32
    %dma_start3A_567 = arith.constant 0 : i32
    %dma_start3A_568 = arith.constant 0 : i32
    %dma_start3A_569 = tpu.memref_slice %arg18[%dma_start3A_566, %dma_start3A_568] : memref<2x32xf32, #tpu.memory_space<vmem>> -> memref<1x32xf32, #tpu.memory_space<vmem>>
    %dma_start3A_570 = tpu.memref_squeeze %dma_start3A_569 : memref<1x32xf32, #tpu.memory_space<vmem>> -> memref<32xf32, #tpu.memory_space<vmem>>
    %dma_start3A_571 = arith.constant 0 : i32
    %dma_start3A_572 = tpu.memref_slice %arg16[%dma_start3A_565, %dma_start3A_571] : memref<2x32xi32, #tpu.memory_space<vmem>> -> memref<1x32xi32, #tpu.memory_space<vmem>>
    %dma_start3A_573 = tpu.memref_squeeze %dma_start3A_572 : memref<1x32xi32, #tpu.memory_space<vmem>> -> memref<32xi32, #tpu.memory_space<vmem>>
    %dma_start3A_574 = arith.constant 0 : i32
    %dma_start3A_575 = tpu.memref_slice %arg8[%dma_start3A_574] : memref<100022xf32, #tpu.memory_space<hbm>> -> memref<100022xf32, #tpu.memory_space<hbm>>
    %dma_start3A_576 = tpu.memref_slice %arg21[%dma_start3A_567] : memref<2x!tpu.dma_semaphore, #tpu.memory_space<semaphore_mem>> -> memref<1x!tpu.dma_semaphore, #tpu.memory_space<semaphore_mem>>
    %dma_start3A_577 = tpu.memref_squeeze %dma_start3A_576 : memref<1x!tpu.dma_semaphore, #tpu.memory_space<semaphore_mem>> -> memref<!tpu.dma_semaphore, #tpu.memory_space<semaphore_mem>>
    tpu.enqueue_indirect_dma source(%dma_start3A_575 : memref<100022xf32, #tpu.memory_space<hbm>>) target(%dma_start3A_570 : memref<32xf32, #tpu.memory_space<vmem>>) offsets(%dma_start3A_573 : memref<32xi32, #tpu.memory_space<vmem>>) semaphore(%dma_start3A_577 : memref<!tpu.dma_semaphore, #tpu.memory_space<semaphore_mem>>)
    %broadcast_in_dim3A_578 = arith.constant 26 : i32
    %broadcast_in_dim3A_579 = vector.broadcast %broadcast_in_dim3A_578 : i32 to vector<16xi32>
    %get3A_580 = arith.constant 0 : index
    %get3A_581 = tpu.vector_load %arg12[%get3A_580] {strides = array<i32>} : memref<656xi32, #tpu.memory_space<vmem>>, vector<16xi32>,
    %add3A_582 = arith.addi %broadcast_in_dim3A_579, %get3A_581 : vector<16xi32>
    %gather3A_583 = tpu.vector_load_idx %arg10[%add3A_582] : memref<3328xi32, #tpu.memory_space<vmem>>[vector<16xi32>], vector<16xi32>,
    %get3A_584 = arith.constant 0 : index
    %get3A_585 = tpu.vector_load %arg11[%get3A_584] {strides = array<i32>} : memref<656xi32, #tpu.memory_space<vmem>>, vector<16xi32>,
    %add3A_586 = arith.addi %get3A_585, %gather3A_583 : vector<16xi32>
    %swap3A_587 = arith.constant 1 : i32
    %swap3A_588 = arith.index_cast %swap3A_587 : i32 to index
    %swap3A_589 = arith.constant 0 : index
    %swap3A_590 = tpu.vector_load %arg15[%swap3A_588, %swap3A_589] {strides = array<i32>} : memref<2x656xi32, #tpu.memory_space<vmem>>, vector<16xi32>,
    tpu.vector_store %arg15[%swap3A_588, %swap3A_589], %add3A_586 {strides = array<i32>} : memref<2x656xi32, #tpu.memory_space<vmem>>, vector<16xi32>,
    %get3A_591 = arith.constant 16 : index
    %get3A_592 = tpu.vector_load %arg12[%get3A_591] {strides = array<i32>} : memref<656xi32, #tpu.memory_space<vmem>>, vector<16xi32>,
    %add3A_593 = arith.addi %broadcast_in_dim3A_579, %get3A_592 : vector<16xi32>
    %gather3A_594 = tpu.vector_load_idx %arg10[%add3A_593] : memref<3328xi32, #tpu.memory_space<vmem>>[vector<16xi32>], vector<16xi32>,
    %get3A_595 = arith.constant 16 : index
    %get3A_596 = tpu.vector_load %arg11[%get3A_595] {strides = array<i32>} : memref<656xi32, #tpu.memory_space<vmem>>, vector<16xi32>,
    %add3A_597 = arith.addi %get3A_596, %gather3A_594 : vector<16xi32>
    %swap3A_598 = arith.constant 1 : i32
    %swap3A_599 = arith.index_cast %swap3A_598 : i32 to index
    %swap3A_600 = arith.constant 16 : index
    %swap3A_601 = tpu.vector_load %arg15[%swap3A_599, %swap3A_600] {strides = array<i32>} : memref<2x656xi32, #tpu.memory_space<vmem>>, vector<16xi32>,
    tpu.vector_store %arg15[%swap3A_599, %swap3A_600], %add3A_597 {strides = array<i32>} : memref<2x656xi32, #tpu.memory_space<vmem>>, vector<16xi32>,
    %get3A_602 = arith.constant 32 : index
    %get3A_603 = tpu.vector_load %arg12[%get3A_602] {strides = array<i32>} : memref<656xi32, #tpu.memory_space<vmem>>, vector<16xi32>,
    %add3A_604 = arith.addi %broadcast_in_dim3A_579, %get3A_603 : vector<16xi32>
    %gather3A_605 = tpu.vector_load_idx %arg10[%add3A_604] : memref<3328xi32, #tpu.memory_space<vmem>>[vector<16xi32>], vector<16xi32>,
    %get3A_606 = arith.constant 32 : index
    %get3A_607 = tpu.vector_load %arg11[%get3A_606] {strides = array<i32>} : memref<656xi32, #tpu.memory_space<vmem>>, vector<16xi32>,
    %add3A_608 = arith.addi %get3A_607, %gather3A_605 : vector<16xi32>
    %swap3A_609 = arith.constant 1 : i32
    %swap3A_610 = arith.index_cast %swap3A_609 : i32 to index
    %swap3A_611 = arith.constant 32 : index
    %swap3A_612 = tpu.vector_load %arg15[%swap3A_610, %swap3A_611] {strides = array<i32>} : memref<2x656xi32, #tpu.memory_space<vmem>>, vector<16xi32>,
    tpu.vector_store %arg15[%swap3A_610, %swap3A_611], %add3A_608 {strides = array<i32>} : memref<2x656xi32, #tpu.memory_space<vmem>>, vector<16xi32>,
    %get3A_613 = arith.constant 48 : index
    %get3A_614 = tpu.vector_load %arg12[%get3A_613] {strides = array<i32>} : memref<656xi32, #tpu.memory_space<vmem>>, vector<16xi32>,
    %add3A_615 = arith.addi %broadcast_in_dim3A_579, %get3A_614 : vector<16xi32>
    %gather3A_616 = tpu.vector_load_idx %arg10[%add3A_615] : memref<3328xi32, #tpu.memory_space<vmem>>[vector<16xi32>], vector<16xi32>,
    %get3A_617 = arith.constant 48 : index
    %get3A_618 = tpu.vector_load %arg11[%get3A_617] {strides = array<i32>} : memref<656xi32, #tpu.memory_space<vmem>>, vector<16xi32>,
    %add3A_619 = arith.addi %get3A_618, %gather3A_616 : vector<16xi32>
    %swap3A_620 = arith.constant 1 : i32
    %swap3A_621 = arith.index_cast %swap3A_620 : i32 to index
    %swap3A_622 = arith.constant 48 : index
    %swap3A_623 = tpu.vector_load %arg15[%swap3A_621, %swap3A_622] {strides = array<i32>} : memref<2x656xi32, #tpu.memory_space<vmem>>, vector<16xi32>,
    tpu.vector_store %arg15[%swap3A_621, %swap3A_622], %add3A_619 {strides = array<i32>} : memref<2x656xi32, #tpu.memory_space<vmem>>, vector<16xi32>,
    %get3A_624 = arith.constant 64 : index
    %get3A_625 = tpu.vector_load %arg12[%get3A_624] {strides = array<i32>} : memref<656xi32, #tpu.memory_space<vmem>>, vector<16xi32>,
    %add3A_626 = arith.addi %broadcast_in_dim3A_579, %get3A_625 : vector<16xi32>
    %gather3A_627 = tpu.vector_load_idx %arg10[%add3A_626] : memref<3328xi32, #tpu.memory_space<vmem>>[vector<16xi32>], vector<16xi32>,
    %get3A_628 = arith.constant 64 : index
    %get3A_629 = tpu.vector_load %arg11[%get3A_628] {strides = array<i32>} : memref<656xi32, #tpu.memory_space<vmem>>, vector<16xi32>,
    %add3A_630 = arith.addi %get3A_629, %gather3A_627 : vector<16xi32>
    %swap3A_631 = arith.constant 1 : i32
    %swap3A_632 = arith.index_cast %swap3A_631 : i32 to index
    %swap3A_633 = arith.constant 64 : index
    %swap3A_634 = tpu.vector_load %arg15[%swap3A_632, %swap3A_633] {strides = array<i32>} : memref<2x656xi32, #tpu.memory_space<vmem>>, vector<16xi32>,
    tpu.vector_store %arg15[%swap3A_632, %swap3A_633], %add3A_630 {strides = array<i32>} : memref<2x656xi32, #tpu.memory_space<vmem>>, vector<16xi32>,
    %get3A_635 = arith.constant 80 : index
    %get3A_636 = tpu.vector_load %arg12[%get3A_635] {strides = array<i32>} : memref<656xi32, #tpu.memory_space<vmem>>, vector<16xi32>,
    %add3A_637 = arith.addi %broadcast_in_dim3A_579, %get3A_636 : vector<16xi32>
    %gather3A_638 = tpu.vector_load_idx %arg10[%add3A_637] : memref<3328xi32, #tpu.memory_space<vmem>>[vector<16xi32>], vector<16xi32>,
    %get3A_639 = arith.constant 80 : index
    %get3A_640 = tpu.vector_load %arg11[%get3A_639] {strides = array<i32>} : memref<656xi32, #tpu.memory_space<vmem>>, vector<16xi32>,
    %add3A_641 = arith.addi %get3A_640, %gather3A_638 : vector<16xi32>
    %swap3A_642 = arith.constant 1 : i32
    %swap3A_643 = arith.index_cast %swap3A_642 : i32 to index
    %swap3A_644 = arith.constant 80 : index
    %swap3A_645 = tpu.vector_load %arg15[%swap3A_643, %swap3A_644] {strides = array<i32>} : memref<2x656xi32, #tpu.memory_space<vmem>>, vector<16xi32>,
    tpu.vector_store %arg15[%swap3A_643, %swap3A_644], %add3A_641 {strides = array<i32>} : memref<2x656xi32, #tpu.memory_space<vmem>>, vector<16xi32>,
    %get3A_646 = arith.constant 96 : index
    %get3A_647 = tpu.vector_load %arg12[%get3A_646] {strides = array<i32>} : memref<656xi32, #tpu.memory_space<vmem>>, vector<16xi32>,
    %add3A_648 = arith.addi %broadcast_in_dim3A_579, %get3A_647 : vector<16xi32>
    %gather3A_649 = tpu.vector_load_idx %arg10[%add3A_648] : memref<3328xi32, #tpu.memory_space<vmem>>[vector<16xi32>], vector<16xi32>,
    %get3A_650 = arith.constant 96 : index
    %get3A_651 = tpu.vector_load %arg11[%get3A_650] {strides = array<i32>} : memref<656xi32, #tpu.memory_space<vmem>>, vector<16xi32>,
    %add3A_652 = arith.addi %get3A_651, %gather3A_649 : vector<16xi32>
    %swap3A_653 = arith.constant 1 : i32
    %swap3A_654 = arith.index_cast %swap3A_653 : i32 to index
    %swap3A_655 = arith.constant 96 : index
    %swap3A_656 = tpu.vector_load %arg15[%swap3A_654, %swap3A_655] {strides = array<i32>} : memref<2x656xi32, #tpu.memory_space<vmem>>, vector<16xi32>,
    tpu.vector_store %arg15[%swap3A_654, %swap3A_655], %add3A_652 {strides = array<i32>} : memref<2x656xi32, #tpu.memory_space<vmem>>, vector<16xi32>,
    %get3A_657 = arith.constant 112 : index
    %get3A_658 = tpu.vector_load %arg12[%get3A_657] {strides = array<i32>} : memref<656xi32, #tpu.memory_space<vmem>>, vector<16xi32>,
    %add3A_659 = arith.addi %broadcast_in_dim3A_579, %get3A_658 : vector<16xi32>
    %gather3A_660 = tpu.vector_load_idx %arg10[%add3A_659] : memref<3328xi32, #tpu.memory_space<vmem>>[vector<16xi32>], vector<16xi32>,
    %get3A_661 = arith.constant 112 : index
    %get3A_662 = tpu.vector_load %arg11[%get3A_661] {strides = array<i32>} : memref<656xi32, #tpu.memory_space<vmem>>, vector<16xi32>,
    %add3A_663 = arith.addi %get3A_662, %gather3A_660 : vector<16xi32>
    %swap3A_664 = arith.constant 1 : i32
    %swap3A_665 = arith.index_cast %swap3A_664 : i32 to index
    %swap3A_666 = arith.constant 112 : index
    %swap3A_667 = tpu.vector_load %arg15[%swap3A_665, %swap3A_666] {strides = array<i32>} : memref<2x656xi32, #tpu.memory_space<vmem>>, vector<16xi32>,
    tpu.vector_store %arg15[%swap3A_665, %swap3A_666], %add3A_663 {strides = array<i32>} : memref<2x656xi32, #tpu.memory_space<vmem>>, vector<16xi32>,
    %get3A_668 = arith.constant 128 : index
    %get3A_669 = tpu.vector_load %arg12[%get3A_668] {strides = array<i32>} : memref<656xi32, #tpu.memory_space<vmem>>, vector<16xi32>,
    %add3A_670 = arith.addi %broadcast_in_dim3A_579, %get3A_669 : vector<16xi32>
    %gather3A_671 = tpu.vector_load_idx %arg10[%add3A_670] : memref<3328xi32, #tpu.memory_space<vmem>>[vector<16xi32>], vector<16xi32>,
    %get3A_672 = arith.constant 128 : index
    %get3A_673 = tpu.vector_load %arg11[%get3A_672] {strides = array<i32>} : memref<656xi32, #tpu.memory_space<vmem>>, vector<16xi32>,
    %add3A_674 = arith.addi %get3A_673, %gather3A_671 : vector<16xi32>
    %swap3A_675 = arith.constant 1 : i32
    %swap3A_676 = arith.index_cast %swap3A_675 : i32 to index
    %swap3A_677 = arith.constant 128 : index
    %swap3A_678 = tpu.vector_load %arg15[%swap3A_676, %swap3A_677] {strides = array<i32>} : memref<2x656xi32, #tpu.memory_space<vmem>>, vector<16xi32>,
    tpu.vector_store %arg15[%swap3A_676, %swap3A_677], %add3A_674 {strides = array<i32>} : memref<2x656xi32, #tpu.memory_space<vmem>>, vector<16xi32>,
    %get3A_679 = arith.constant 144 : index
    %get3A_680 = tpu.vector_load %arg12[%get3A_679] {strides = array<i32>} : memref<656xi32, #tpu.memory_space<vmem>>, vector<16xi32>,
    %add3A_681 = arith.addi %broadcast_in_dim3A_579, %get3A_680 : vector<16xi32>
    %gather3A_682 = tpu.vector_load_idx %arg10[%add3A_681] : memref<3328xi32, #tpu.memory_space<vmem>>[vector<16xi32>], vector<16xi32>,
    %get3A_683 = arith.constant 144 : index
    %get3A_684 = tpu.vector_load %arg11[%get3A_683] {strides = array<i32>} : memref<656xi32, #tpu.memory_space<vmem>>, vector<16xi32>,
    %add3A_685 = arith.addi %get3A_684, %gather3A_682 : vector<16xi32>
    %swap3A_686 = arith.constant 1 : i32
    %swap3A_687 = arith.index_cast %swap3A_686 : i32 to index
    %swap3A_688 = arith.constant 144 : index
    %swap3A_689 = tpu.vector_load %arg15[%swap3A_687, %swap3A_688] {strides = array<i32>} : memref<2x656xi32, #tpu.memory_space<vmem>>, vector<16xi32>,
    tpu.vector_store %arg15[%swap3A_687, %swap3A_688], %add3A_685 {strides = array<i32>} : memref<2x656xi32, #tpu.memory_space<vmem>>, vector<16xi32>,
    %get3A_690 = arith.constant 160 : index
    %get3A_691 = tpu.vector_load %arg12[%get3A_690] {strides = array<i32>} : memref<656xi32, #tpu.memory_space<vmem>>, vector<16xi32>,
    %add3A_692 = arith.addi %broadcast_in_dim3A_579, %get3A_691 : vector<16xi32>
    %gather3A_693 = tpu.vector_load_idx %arg10[%add3A_692] : memref<3328xi32, #tpu.memory_space<vmem>>[vector<16xi32>], vector<16xi32>,
    %get3A_694 = arith.constant 160 : index
    %get3A_695 = tpu.vector_load %arg11[%get3A_694] {strides = array<i32>} : memref<656xi32, #tpu.memory_space<vmem>>, vector<16xi32>,
    %add3A_696 = arith.addi %get3A_695, %gather3A_693 : vector<16xi32>
    %swap3A_697 = arith.constant 1 : i32
    %swap3A_698 = arith.index_cast %swap3A_697 : i32 to index
    %swap3A_699 = arith.constant 160 : index
    %swap3A_700 = tpu.vector_load %arg15[%swap3A_698, %swap3A_699] {strides = array<i32>} : memref<2x656xi32, #tpu.memory_space<vmem>>, vector<16xi32>,
    tpu.vector_store %arg15[%swap3A_698, %swap3A_699], %add3A_696 {strides = array<i32>} : memref<2x656xi32, #tpu.memory_space<vmem>>, vector<16xi32>,
    %get3A_701 = arith.constant 176 : index
    %get3A_702 = tpu.vector_load %arg12[%get3A_701] {strides = array<i32>} : memref<656xi32, #tpu.memory_space<vmem>>, vector<16xi32>,
    %add3A_703 = arith.addi %broadcast_in_dim3A_579, %get3A_702 : vector<16xi32>
    %gather3A_704 = tpu.vector_load_idx %arg10[%add3A_703] : memref<3328xi32, #tpu.memory_space<vmem>>[vector<16xi32>], vector<16xi32>,
    %get3A_705 = arith.constant 176 : index
    %get3A_706 = tpu.vector_load %arg11[%get3A_705] {strides = array<i32>} : memref<656xi32, #tpu.memory_space<vmem>>, vector<16xi32>,
    %add3A_707 = arith.addi %get3A_706, %gather3A_704 : vector<16xi32>
    %swap3A_708 = arith.constant 1 : i32
    %swap3A_709 = arith.index_cast %swap3A_708 : i32 to index
    %swap3A_710 = arith.constant 176 : index
    %swap3A_711 = tpu.vector_load %arg15[%swap3A_709, %swap3A_710] {strides = array<i32>} : memref<2x656xi32, #tpu.memory_space<vmem>>, vector<16xi32>,
    tpu.vector_store %arg15[%swap3A_709, %swap3A_710], %add3A_707 {strides = array<i32>} : memref<2x656xi32, #tpu.memory_space<vmem>>, vector<16xi32>,
    %get3A_712 = arith.constant 192 : index
    %get3A_713 = tpu.vector_load %arg12[%get3A_712] {strides = array<i32>} : memref<656xi32, #tpu.memory_space<vmem>>, vector<16xi32>,
    %add3A_714 = arith.addi %broadcast_in_dim3A_579, %get3A_713 : vector<16xi32>
    %gather3A_715 = tpu.vector_load_idx %arg10[%add3A_714] : memref<3328xi32, #tpu.memory_space<vmem>>[vector<16xi32>], vector<16xi32>,
    %get3A_716 = arith.constant 192 : index
    %get3A_717 = tpu.vector_load %arg11[%get3A_716] {strides = array<i32>} : memref<656xi32, #tpu.memory_space<vmem>>, vector<16xi32>,
    %add3A_718 = arith.addi %get3A_717, %gather3A_715 : vector<16xi32>
    %swap3A_719 = arith.constant 1 : i32
    %swap3A_720 = arith.index_cast %swap3A_719 : i32 to index
    %swap3A_721 = arith.constant 192 : index
    %swap3A_722 = tpu.vector_load %arg15[%swap3A_720, %swap3A_721] {strides = array<i32>} : memref<2x656xi32, #tpu.memory_space<vmem>>, vector<16xi32>,
    tpu.vector_store %arg15[%swap3A_720, %swap3A_721], %add3A_718 {strides = array<i32>} : memref<2x656xi32, #tpu.memory_space<vmem>>, vector<16xi32>,
    %get3A_723 = arith.constant 208 : index
    %get3A_724 = tpu.vector_load %arg12[%get3A_723] {strides = array<i32>} : memref<656xi32, #tpu.memory_space<vmem>>, vector<16xi32>,
    %add3A_725 = arith.addi %broadcast_in_dim3A_579, %get3A_724 : vector<16xi32>
    %gather3A_726 = tpu.vector_load_idx %arg10[%add3A_725] : memref<3328xi32, #tpu.memory_space<vmem>>[vector<16xi32>], vector<16xi32>,
    %get3A_727 = arith.constant 208 : index
    %get3A_728 = tpu.vector_load %arg11[%get3A_727] {strides = array<i32>} : memref<656xi32, #tpu.memory_space<vmem>>, vector<16xi32>,
    %add3A_729 = arith.addi %get3A_728, %gather3A_726 : vector<16xi32>
    %swap3A_730 = arith.constant 1 : i32
    %swap3A_731 = arith.index_cast %swap3A_730 : i32 to index
    %swap3A_732 = arith.constant 208 : index
    %swap3A_733 = tpu.vector_load %arg15[%swap3A_731, %swap3A_732] {strides = array<i32>} : memref<2x656xi32, #tpu.memory_space<vmem>>, vector<16xi32>,
    tpu.vector_store %arg15[%swap3A_731, %swap3A_732], %add3A_729 {strides = array<i32>} : memref<2x656xi32, #tpu.memory_space<vmem>>, vector<16xi32>,
    %get3A_734 = arith.constant 224 : index
    %get3A_735 = tpu.vector_load %arg12[%get3A_734] {strides = array<i32>} : memref<656xi32, #tpu.memory_space<vmem>>, vector<16xi32>,
    %add3A_736 = arith.addi %broadcast_in_dim3A_579, %get3A_735 : vector<16xi32>
    %gather3A_737 = tpu.vector_load_idx %arg10[%add3A_736] : memref<3328xi32, #tpu.memory_space<vmem>>[vector<16xi32>], vector<16xi32>,
    %get3A_738 = arith.constant 224 : index
    %get3A_739 = tpu.vector_load %arg11[%get3A_738] {strides = array<i32>} : memref<656xi32, #tpu.memory_space<vmem>>, vector<16xi32>,
    %add3A_740 = arith.addi %get3A_739, %gather3A_737 : vector<16xi32>
    %swap3A_741 = arith.constant 1 : i32
    %swap3A_742 = arith.index_cast %swap3A_741 : i32 to index
    %swap3A_743 = arith.constant 224 : index
    %swap3A_744 = tpu.vector_load %arg15[%swap3A_742, %swap3A_743] {strides = array<i32>} : memref<2x656xi32, #tpu.memory_space<vmem>>, vector<16xi32>,
    tpu.vector_store %arg15[%swap3A_742, %swap3A_743], %add3A_740 {strides = array<i32>} : memref<2x656xi32, #tpu.memory_space<vmem>>, vector<16xi32>,
    %get3A_745 = arith.constant 240 : index
    %get3A_746 = tpu.vector_load %arg12[%get3A_745] {strides = array<i32>} : memref<656xi32, #tpu.memory_space<vmem>>, vector<16xi32>,
    %add3A_747 = arith.addi %broadcast_in_dim3A_579, %get3A_746 : vector<16xi32>
    %gather3A_748 = tpu.vector_load_idx %arg10[%add3A_747] : memref<3328xi32, #tpu.memory_space<vmem>>[vector<16xi32>], vector<16xi32>,
    %get3A_749 = arith.constant 240 : index
    %get3A_750 = tpu.vector_load %arg11[%get3A_749] {strides = array<i32>} : memref<656xi32, #tpu.memory_space<vmem>>, vector<16xi32>,
    %add3A_751 = arith.addi %get3A_750, %gather3A_748 : vector<16xi32>
    %swap3A_752 = arith.constant 1 : i32
    %swap3A_753 = arith.index_cast %swap3A_752 : i32 to index
    %swap3A_754 = arith.constant 240 : index
    %swap3A_755 = tpu.vector_load %arg15[%swap3A_753, %swap3A_754] {strides = array<i32>} : memref<2x656xi32, #tpu.memory_space<vmem>>, vector<16xi32>,
    tpu.vector_store %arg15[%swap3A_753, %swap3A_754], %add3A_751 {strides = array<i32>} : memref<2x656xi32, #tpu.memory_space<vmem>>, vector<16xi32>,
    %get3A_756 = arith.constant 256 : index
    %get3A_757 = tpu.vector_load %arg12[%get3A_756] {strides = array<i32>} : memref<656xi32, #tpu.memory_space<vmem>>, vector<16xi32>,
    %add3A_758 = arith.addi %broadcast_in_dim3A_579, %get3A_757 : vector<16xi32>
    %gather3A_759 = tpu.vector_load_idx %arg10[%add3A_758] : memref<3328xi32, #tpu.memory_space<vmem>>[vector<16xi32>], vector<16xi32>,
    %get3A_760 = arith.constant 256 : index
    %get3A_761 = tpu.vector_load %arg11[%get3A_760] {strides = array<i32>} : memref<656xi32, #tpu.memory_space<vmem>>, vector<16xi32>,
    %add3A_762 = arith.addi %get3A_761, %gather3A_759 : vector<16xi32>
    %swap3A_763 = arith.constant 1 : i32
    %swap3A_764 = arith.index_cast %swap3A_763 : i32 to index
    %swap3A_765 = arith.constant 256 : index
    %swap3A_766 = tpu.vector_load %arg15[%swap3A_764, %swap3A_765] {strides = array<i32>} : memref<2x656xi32, #tpu.memory_space<vmem>>, vector<16xi32>,
    tpu.vector_store %arg15[%swap3A_764, %swap3A_765], %add3A_762 {strides = array<i32>} : memref<2x656xi32, #tpu.memory_space<vmem>>, vector<16xi32>,
    %get3A_767 = arith.constant 272 : index
    %get3A_768 = tpu.vector_load %arg12[%get3A_767] {strides = array<i32>} : memref<656xi32, #tpu.memory_space<vmem>>, vector<16xi32>,
    %add3A_769 = arith.addi %broadcast_in_dim3A_579, %get3A_768 : vector<16xi32>
    %gather3A_770 = tpu.vector_load_idx %arg10[%add3A_769] : memref<3328xi32, #tpu.memory_space<vmem>>[vector<16xi32>], vector<16xi32>,
    %get3A_771 = arith.constant 272 : index
    %get3A_772 = tpu.vector_load %arg11[%get3A_771] {strides = array<i32>} : memref<656xi32, #tpu.memory_space<vmem>>, vector<16xi32>,
    %add3A_773 = arith.addi %get3A_772, %gather3A_770 : vector<16xi32>
    %swap3A_774 = arith.constant 1 : i32
    %swap3A_775 = arith.index_cast %swap3A_774 : i32 to index
    %swap3A_776 = arith.constant 272 : index
    %swap3A_777 = tpu.vector_load %arg15[%swap3A_775, %swap3A_776] {strides = array<i32>} : memref<2x656xi32, #tpu.memory_space<vmem>>, vector<16xi32>,
    tpu.vector_store %arg15[%swap3A_775, %swap3A_776], %add3A_773 {strides = array<i32>} : memref<2x656xi32, #tpu.memory_space<vmem>>, vector<16xi32>,
    %get3A_778 = arith.constant 288 : index
    %get3A_779 = tpu.vector_load %arg12[%get3A_778] {strides = array<i32>} : memref<656xi32, #tpu.memory_space<vmem>>, vector<16xi32>,
    %add3A_780 = arith.addi %broadcast_in_dim3A_579, %get3A_779 : vector<16xi32>
    %gather3A_781 = tpu.vector_load_idx %arg10[%add3A_780] : memref<3328xi32, #tpu.memory_space<vmem>>[vector<16xi32>], vector<16xi32>,
    %get3A_782 = arith.constant 288 : index
    %get3A_783 = tpu.vector_load %arg11[%get3A_782] {strides = array<i32>} : memref<656xi32, #tpu.memory_space<vmem>>, vector<16xi32>,
    %add3A_784 = arith.addi %get3A_783, %gather3A_781 : vector<16xi32>
    %swap3A_785 = arith.constant 1 : i32
    %swap3A_786 = arith.index_cast %swap3A_785 : i32 to index
    %swap3A_787 = arith.constant 288 : index
    %swap3A_788 = tpu.vector_load %arg15[%swap3A_786, %swap3A_787] {strides = array<i32>} : memref<2x656xi32, #tpu.memory_space<vmem>>, vector<16xi32>,
    tpu.vector_store %arg15[%swap3A_786, %swap3A_787], %add3A_784 {strides = array<i32>} : memref<2x656xi32, #tpu.memory_space<vmem>>, vector<16xi32>,
    %get3A_789 = arith.constant 304 : index
    %get3A_790 = tpu.vector_load %arg12[%get3A_789] {strides = array<i32>} : memref<656xi32, #tpu.memory_space<vmem>>, vector<16xi32>,
    %add3A_791 = arith.addi %broadcast_in_dim3A_579, %get3A_790 : vector<16xi32>
    %gather3A_792 = tpu.vector_load_idx %arg10[%add3A_791] : memref<3328xi32, #tpu.memory_space<vmem>>[vector<16xi32>], vector<16xi32>,
    %get3A_793 = arith.constant 304 : index
    %get3A_794 = tpu.vector_load %arg11[%get3A_793] {strides = array<i32>} : memref<656xi32, #tpu.memory_space<vmem>>, vector<16xi32>,
    %add3A_795 = arith.addi %get3A_794, %gather3A_792 : vector<16xi32>
    %swap3A_796 = arith.constant 1 : i32
    %swap3A_797 = arith.index_cast %swap3A_796 : i32 to index
    %swap3A_798 = arith.constant 304 : index
    %swap3A_799 = tpu.vector_load %arg15[%swap3A_797, %swap3A_798] {strides = array<i32>} : memref<2x656xi32, #tpu.memory_space<vmem>>, vector<16xi32>,
    tpu.vector_store %arg15[%swap3A_797, %swap3A_798], %add3A_795 {strides = array<i32>} : memref<2x656xi32, #tpu.memory_space<vmem>>, vector<16xi32>,
    %get3A_800 = arith.constant 320 : index
    %get3A_801 = tpu.vector_load %arg12[%get3A_800] {strides = array<i32>} : memref<656xi32, #tpu.memory_space<vmem>>, vector<16xi32>,
    %add3A_802 = arith.addi %broadcast_in_dim3A_579, %get3A_801 : vector<16xi32>
    %gather3A_803 = tpu.vector_load_idx %arg10[%add3A_802] : memref<3328xi32, #tpu.memory_space<vmem>>[vector<16xi32>], vector<16xi32>,
    %get3A_804 = arith.constant 320 : index
    %get3A_805 = tpu.vector_load %arg11[%get3A_804] {strides = array<i32>} : memref<656xi32, #tpu.memory_space<vmem>>, vector<16xi32>,
    %add3A_806 = arith.addi %get3A_805, %gather3A_803 : vector<16xi32>
    %swap3A_807 = arith.constant 1 : i32
    %swap3A_808 = arith.index_cast %swap3A_807 : i32 to index
    %swap3A_809 = arith.constant 320 : index
    %swap3A_810 = tpu.vector_load %arg15[%swap3A_808, %swap3A_809] {strides = array<i32>} : memref<2x656xi32, #tpu.memory_space<vmem>>, vector<16xi32>,
    tpu.vector_store %arg15[%swap3A_808, %swap3A_809], %add3A_806 {strides = array<i32>} : memref<2x656xi32, #tpu.memory_space<vmem>>, vector<16xi32>,
    %get3A_811 = arith.constant 336 : index
    %get3A_812 = tpu.vector_load %arg12[%get3A_811] {strides = array<i32>} : memref<656xi32, #tpu.memory_space<vmem>>, vector<16xi32>,
    %add3A_813 = arith.addi %broadcast_in_dim3A_579, %get3A_812 : vector<16xi32>
    %gather3A_814 = tpu.vector_load_idx %arg10[%add3A_813] : memref<3328xi32, #tpu.memory_space<vmem>>[vector<16xi32>], vector<16xi32>,
    %get3A_815 = arith.constant 336 : index
    %get3A_816 = tpu.vector_load %arg11[%get3A_815] {strides = array<i32>} : memref<656xi32, #tpu.memory_space<vmem>>, vector<16xi32>,
    %add3A_817 = arith.addi %get3A_816, %gather3A_814 : vector<16xi32>
    %swap3A_818 = arith.constant 1 : i32
    %swap3A_819 = arith.index_cast %swap3A_818 : i32 to index
    %swap3A_820 = arith.constant 336 : index
    %swap3A_821 = tpu.vector_load %arg15[%swap3A_819, %swap3A_820] {strides = array<i32>} : memref<2x656xi32, #tpu.memory_space<vmem>>, vector<16xi32>,
    tpu.vector_store %arg15[%swap3A_819, %swap3A_820], %add3A_817 {strides = array<i32>} : memref<2x656xi32, #tpu.memory_space<vmem>>, vector<16xi32>,
    %get3A_822 = arith.constant 352 : index
    %get3A_823 = tpu.vector_load %arg12[%get3A_822] {strides = array<i32>} : memref<656xi32, #tpu.memory_space<vmem>>, vector<16xi32>,
    %add3A_824 = arith.addi %broadcast_in_dim3A_579, %get3A_823 : vector<16xi32>
    %gather3A_825 = tpu.vector_load_idx %arg10[%add3A_824] : memref<3328xi32, #tpu.memory_space<vmem>>[vector<16xi32>], vector<16xi32>,
    %get3A_826 = arith.constant 352 : index
    %get3A_827 = tpu.vector_load %arg11[%get3A_826] {strides = array<i32>} : memref<656xi32, #tpu.memory_space<vmem>>, vector<16xi32>,
    %add3A_828 = arith.addi %get3A_827, %gather3A_825 : vector<16xi32>
    %swap3A_829 = arith.constant 1 : i32
    %swap3A_830 = arith.index_cast %swap3A_829 : i32 to index
    %swap3A_831 = arith.constant 352 : index
    %swap3A_832 = tpu.vector_load %arg15[%swap3A_830, %swap3A_831] {strides = array<i32>} : memref<2x656xi32, #tpu.memory_space<vmem>>, vector<16xi32>,
    tpu.vector_store %arg15[%swap3A_830, %swap3A_831], %add3A_828 {strides = array<i32>} : memref<2x656xi32, #tpu.memory_space<vmem>>, vector<16xi32>,
    %get3A_833 = arith.constant 368 : index
    %get3A_834 = tpu.vector_load %arg12[%get3A_833] {strides = array<i32>} : memref<656xi32, #tpu.memory_space<vmem>>, vector<16xi32>,
    %add3A_835 = arith.addi %broadcast_in_dim3A_579, %get3A_834 : vector<16xi32>
    %gather3A_836 = tpu.vector_load_idx %arg10[%add3A_835] : memref<3328xi32, #tpu.memory_space<vmem>>[vector<16xi32>], vector<16xi32>,
    %get3A_837 = arith.constant 368 : index
    %get3A_838 = tpu.vector_load %arg11[%get3A_837] {strides = array<i32>} : memref<656xi32, #tpu.memory_space<vmem>>, vector<16xi32>,
    %add3A_839 = arith.addi %get3A_838, %gather3A_836 : vector<16xi32>
    %swap3A_840 = arith.constant 1 : i32
    %swap3A_841 = arith.index_cast %swap3A_840 : i32 to index
    %swap3A_842 = arith.constant 368 : index
    %swap3A_843 = tpu.vector_load %arg15[%swap3A_841, %swap3A_842] {strides = array<i32>} : memref<2x656xi32, #tpu.memory_space<vmem>>, vector<16xi32>,
    tpu.vector_store %arg15[%swap3A_841, %swap3A_842], %add3A_839 {strides = array<i32>} : memref<2x656xi32, #tpu.memory_space<vmem>>, vector<16xi32>,
    %get3A_844 = arith.constant 384 : index
    %get3A_845 = tpu.vector_load %arg12[%get3A_844] {strides = array<i32>} : memref<656xi32, #tpu.memory_space<vmem>>, vector<16xi32>,
    %add3A_846 = arith.addi %broadcast_in_dim3A_579, %get3A_845 : vector<16xi32>
    %gather3A_847 = tpu.vector_load_idx %arg10[%add3A_846] : memref<3328xi32, #tpu.memory_space<vmem>>[vector<16xi32>], vector<16xi32>,
    %get3A_848 = arith.constant 384 : index
    %get3A_849 = tpu.vector_load %arg11[%get3A_848] {strides = array<i32>} : memref<656xi32, #tpu.memory_space<vmem>>, vector<16xi32>,
    %add3A_850 = arith.addi %get3A_849, %gather3A_847 : vector<16xi32>
    %swap3A_851 = arith.constant 1 : i32
    %swap3A_852 = arith.index_cast %swap3A_851 : i32 to index
    %swap3A_853 = arith.constant 384 : index
    %swap3A_854 = tpu.vector_load %arg15[%swap3A_852, %swap3A_853] {strides = array<i32>} : memref<2x656xi32, #tpu.memory_space<vmem>>, vector<16xi32>,
    tpu.vector_store %arg15[%swap3A_852, %swap3A_853], %add3A_850 {strides = array<i32>} : memref<2x656xi32, #tpu.memory_space<vmem>>, vector<16xi32>,
    %get3A_855 = arith.constant 400 : index
    %get3A_856 = tpu.vector_load %arg12[%get3A_855] {strides = array<i32>} : memref<656xi32, #tpu.memory_space<vmem>>, vector<16xi32>,
    %add3A_857 = arith.addi %broadcast_in_dim3A_579, %get3A_856 : vector<16xi32>
    %gather3A_858 = tpu.vector_load_idx %arg10[%add3A_857] : memref<3328xi32, #tpu.memory_space<vmem>>[vector<16xi32>], vector<16xi32>,
    %get3A_859 = arith.constant 400 : index
    %get3A_860 = tpu.vector_load %arg11[%get3A_859] {strides = array<i32>} : memref<656xi32, #tpu.memory_space<vmem>>, vector<16xi32>,
    %add3A_861 = arith.addi %get3A_860, %gather3A_858 : vector<16xi32>
    %swap3A_862 = arith.constant 1 : i32
    %swap3A_863 = arith.index_cast %swap3A_862 : i32 to index
    %swap3A_864 = arith.constant 400 : index
    %swap3A_865 = tpu.vector_load %arg15[%swap3A_863, %swap3A_864] {strides = array<i32>} : memref<2x656xi32, #tpu.memory_space<vmem>>, vector<16xi32>,
    tpu.vector_store %arg15[%swap3A_863, %swap3A_864], %add3A_861 {strides = array<i32>} : memref<2x656xi32, #tpu.memory_space<vmem>>, vector<16xi32>,
    %get3A_866 = arith.constant 416 : index
    %get3A_867 = tpu.vector_load %arg12[%get3A_866] {strides = array<i32>} : memref<656xi32, #tpu.memory_space<vmem>>, vector<16xi32>,
    %add3A_868 = arith.addi %broadcast_in_dim3A_579, %get3A_867 : vector<16xi32>
    %gather3A_869 = tpu.vector_load_idx %arg10[%add3A_868] : memref<3328xi32, #tpu.memory_space<vmem>>[vector<16xi32>], vector<16xi32>,
    %get3A_870 = arith.constant 416 : index
    %get3A_871 = tpu.vector_load %arg11[%get3A_870] {strides = array<i32>} : memref<656xi32, #tpu.memory_space<vmem>>, vector<16xi32>,
    %add3A_872 = arith.addi %get3A_871, %gather3A_869 : vector<16xi32>
    %swap3A_873 = arith.constant 1 : i32
    %swap3A_874 = arith.index_cast %swap3A_873 : i32 to index
    %swap3A_875 = arith.constant 416 : index
    %swap3A_876 = tpu.vector_load %arg15[%swap3A_874, %swap3A_875] {strides = array<i32>} : memref<2x656xi32, #tpu.memory_space<vmem>>, vector<16xi32>,
    tpu.vector_store %arg15[%swap3A_874, %swap3A_875], %add3A_872 {strides = array<i32>} : memref<2x656xi32, #tpu.memory_space<vmem>>, vector<16xi32>,
    %get3A_877 = arith.constant 432 : index
    %get3A_878 = tpu.vector_load %arg12[%get3A_877] {strides = array<i32>} : memref<656xi32, #tpu.memory_space<vmem>>, vector<16xi32>,
    %add3A_879 = arith.addi %broadcast_in_dim3A_579, %get3A_878 : vector<16xi32>
    %gather3A_880 = tpu.vector_load_idx %arg10[%add3A_879] : memref<3328xi32, #tpu.memory_space<vmem>>[vector<16xi32>], vector<16xi32>,
    %get3A_881 = arith.constant 432 : index
    %get3A_882 = tpu.vector_load %arg11[%get3A_881] {strides = array<i32>} : memref<656xi32, #tpu.memory_space<vmem>>, vector<16xi32>,
    %add3A_883 = arith.addi %get3A_882, %gather3A_880 : vector<16xi32>
    %swap3A_884 = arith.constant 1 : i32
    %swap3A_885 = arith.index_cast %swap3A_884 : i32 to index
    %swap3A_886 = arith.constant 432 : index
    %swap3A_887 = tpu.vector_load %arg15[%swap3A_885, %swap3A_886] {strides = array<i32>} : memref<2x656xi32, #tpu.memory_space<vmem>>, vector<16xi32>,
    tpu.vector_store %arg15[%swap3A_885, %swap3A_886], %add3A_883 {strides = array<i32>} : memref<2x656xi32, #tpu.memory_space<vmem>>, vector<16xi32>,
    %get3A_888 = arith.constant 448 : index
    %get3A_889 = tpu.vector_load %arg12[%get3A_888] {strides = array<i32>} : memref<656xi32, #tpu.memory_space<vmem>>, vector<16xi32>,
    %add3A_890 = arith.addi %broadcast_in_dim3A_579, %get3A_889 : vector<16xi32>
    %gather3A_891 = tpu.vector_load_idx %arg10[%add3A_890] : memref<3328xi32, #tpu.memory_space<vmem>>[vector<16xi32>], vector<16xi32>,
    %get3A_892 = arith.constant 448 : index
    %get3A_893 = tpu.vector_load %arg11[%get3A_892] {strides = array<i32>} : memref<656xi32, #tpu.memory_space<vmem>>, vector<16xi32>,
    %add3A_894 = arith.addi %get3A_893, %gather3A_891 : vector<16xi32>
    %swap3A_895 = arith.constant 1 : i32
    %swap3A_896 = arith.index_cast %swap3A_895 : i32 to index
    %swap3A_897 = arith.constant 448 : index
    %swap3A_898 = tpu.vector_load %arg15[%swap3A_896, %swap3A_897] {strides = array<i32>} : memref<2x656xi32, #tpu.memory_space<vmem>>, vector<16xi32>,
    tpu.vector_store %arg15[%swap3A_896, %swap3A_897], %add3A_894 {strides = array<i32>} : memref<2x656xi32, #tpu.memory_space<vmem>>, vector<16xi32>,
    %get3A_899 = arith.constant 464 : index
    %get3A_900 = tpu.vector_load %arg12[%get3A_899] {strides = array<i32>} : memref<656xi32, #tpu.memory_space<vmem>>, vector<16xi32>,
    %add3A_901 = arith.addi %broadcast_in_dim3A_579, %get3A_900 : vector<16xi32>
    %gather3A_902 = tpu.vector_load_idx %arg10[%add3A_901] : memref<3328xi32, #tpu.memory_space<vmem>>[vector<16xi32>], vector<16xi32>,
    %get3A_903 = arith.constant 464 : index
    %get3A_904 = tpu.vector_load %arg11[%get3A_903] {strides = array<i32>} : memref<656xi32, #tpu.memory_space<vmem>>, vector<16xi32>,
    %add3A_905 = arith.addi %get3A_904, %gather3A_902 : vector<16xi32>
    %swap3A_906 = arith.constant 1 : i32
    %swap3A_907 = arith.index_cast %swap3A_906 : i32 to index
    %swap3A_908 = arith.constant 464 : index
    %swap3A_909 = tpu.vector_load %arg15[%swap3A_907, %swap3A_908] {strides = array<i32>} : memref<2x656xi32, #tpu.memory_space<vmem>>, vector<16xi32>,
    tpu.vector_store %arg15[%swap3A_907, %swap3A_908], %add3A_905 {strides = array<i32>} : memref<2x656xi32, #tpu.memory_space<vmem>>, vector<16xi32>,
    %get3A_910 = arith.constant 480 : index
    %get3A_911 = tpu.vector_load %arg12[%get3A_910] {strides = array<i32>} : memref<656xi32, #tpu.memory_space<vmem>>, vector<16xi32>,
    %add3A_912 = arith.addi %broadcast_in_dim3A_579, %get3A_911 : vector<16xi32>
    %gather3A_913 = tpu.vector_load_idx %arg10[%add3A_912] : memref<3328xi32, #tpu.memory_space<vmem>>[vector<16xi32>], vector<16xi32>,
    %get3A_914 = arith.constant 480 : index
    %get3A_915 = tpu.vector_load %arg11[%get3A_914] {strides = array<i32>} : memref<656xi32, #tpu.memory_space<vmem>>, vector<16xi32>,
    %add3A_916 = arith.addi %get3A_915, %gather3A_913 : vector<16xi32>
    %swap3A_917 = arith.constant 1 : i32
    %swap3A_918 = arith.index_cast %swap3A_917 : i32 to index
    %swap3A_919 = arith.constant 480 : index
    %swap3A_920 = tpu.vector_load %arg15[%swap3A_918, %swap3A_919] {strides = array<i32>} : memref<2x656xi32, #tpu.memory_space<vmem>>, vector<16xi32>,
    tpu.vector_store %arg15[%swap3A_918, %swap3A_919], %add3A_916 {strides = array<i32>} : memref<2x656xi32, #tpu.memory_space<vmem>>, vector<16xi32>,
    %get3A_921 = arith.constant 496 : index
    %get3A_922 = tpu.vector_load %arg12[%get3A_921] {strides = array<i32>} : memref<656xi32, #tpu.memory_space<vmem>>, vector<16xi32>,
    %add3A_923 = arith.addi %broadcast_in_dim3A_579, %get3A_922 : vector<16xi32>
    %gather3A_924 = tpu.vector_load_idx %arg10[%add3A_923] : memref<3328xi32, #tpu.memory_space<vmem>>[vector<16xi32>], vector<16xi32>,
    %get3A_925 = arith.constant 496 : index
    %get3A_926 = tpu.vector_load %arg11[%get3A_925] {strides = array<i32>} : memref<656xi32, #tpu.memory_space<vmem>>, vector<16xi32>,
    %add3A_927 = arith.addi %get3A_926, %gather3A_924 : vector<16xi32>
    %swap3A_928 = arith.constant 1 : i32
    %swap3A_929 = arith.index_cast %swap3A_928 : i32 to index
    %swap3A_930 = arith.constant 496 : index
    %swap3A_931 = tpu.vector_load %arg15[%swap3A_929, %swap3A_930] {strides = array<i32>} : memref<2x656xi32, #tpu.memory_space<vmem>>, vector<16xi32>,
    tpu.vector_store %arg15[%swap3A_929, %swap3A_930], %add3A_927 {strides = array<i32>} : memref<2x656xi32, #tpu.memory_space<vmem>>, vector<16xi32>,
    %get3A_932 = arith.constant 512 : index
    %get3A_933 = tpu.vector_load %arg12[%get3A_932] {strides = array<i32>} : memref<656xi32, #tpu.memory_space<vmem>>, vector<16xi32>,
    %add3A_934 = arith.addi %broadcast_in_dim3A_579, %get3A_933 : vector<16xi32>
    %gather3A_935 = tpu.vector_load_idx %arg10[%add3A_934] : memref<3328xi32, #tpu.memory_space<vmem>>[vector<16xi32>], vector<16xi32>,
    %get3A_936 = arith.constant 512 : index
    %get3A_937 = tpu.vector_load %arg11[%get3A_936] {strides = array<i32>} : memref<656xi32, #tpu.memory_space<vmem>>, vector<16xi32>,
    %add3A_938 = arith.addi %get3A_937, %gather3A_935 : vector<16xi32>
    %swap3A_939 = arith.constant 1 : i32
    %swap3A_940 = arith.index_cast %swap3A_939 : i32 to index
    %swap3A_941 = arith.constant 512 : index
    %swap3A_942 = tpu.vector_load %arg15[%swap3A_940, %swap3A_941] {strides = array<i32>} : memref<2x656xi32, #tpu.memory_space<vmem>>, vector<16xi32>,
    tpu.vector_store %arg15[%swap3A_940, %swap3A_941], %add3A_938 {strides = array<i32>} : memref<2x656xi32, #tpu.memory_space<vmem>>, vector<16xi32>,
    %get3A_943 = arith.constant 528 : index
    %get3A_944 = tpu.vector_load %arg12[%get3A_943] {strides = array<i32>} : memref<656xi32, #tpu.memory_space<vmem>>, vector<16xi32>,
    %add3A_945 = arith.addi %broadcast_in_dim3A_579, %get3A_944 : vector<16xi32>
    %gather3A_946 = tpu.vector_load_idx %arg10[%add3A_945] : memref<3328xi32, #tpu.memory_space<vmem>>[vector<16xi32>], vector<16xi32>,
    %get3A_947 = arith.constant 528 : index
    %get3A_948 = tpu.vector_load %arg11[%get3A_947] {strides = array<i32>} : memref<656xi32, #tpu.memory_space<vmem>>, vector<16xi32>,
    %add3A_949 = arith.addi %get3A_948, %gather3A_946 : vector<16xi32>
    %swap3A_950 = arith.constant 1 : i32
    %swap3A_951 = arith.index_cast %swap3A_950 : i32 to index
    %swap3A_952 = arith.constant 528 : index
    %swap3A_953 = tpu.vector_load %arg15[%swap3A_951, %swap3A_952] {strides = array<i32>} : memref<2x656xi32, #tpu.memory_space<vmem>>, vector<16xi32>,
    tpu.vector_store %arg15[%swap3A_951, %swap3A_952], %add3A_949 {strides = array<i32>} : memref<2x656xi32, #tpu.memory_space<vmem>>, vector<16xi32>,
    %get3A_954 = arith.constant 544 : index
    %get3A_955 = tpu.vector_load %arg12[%get3A_954] {strides = array<i32>} : memref<656xi32, #tpu.memory_space<vmem>>, vector<16xi32>,
    %add3A_956 = arith.addi %broadcast_in_dim3A_579, %get3A_955 : vector<16xi32>
    %gather3A_957 = tpu.vector_load_idx %arg10[%add3A_956] : memref<3328xi32, #tpu.memory_space<vmem>>[vector<16xi32>], vector<16xi32>,
    %get3A_958 = arith.constant 544 : index
    %get3A_959 = tpu.vector_load %arg11[%get3A_958] {strides = array<i32>} : memref<656xi32, #tpu.memory_space<vmem>>, vector<16xi32>,
    %add3A_960 = arith.addi %get3A_959, %gather3A_957 : vector<16xi32>
    %swap3A_961 = arith.constant 1 : i32
    %swap3A_962 = arith.index_cast %swap3A_961 : i32 to index
    %swap3A_963 = arith.constant 544 : index
    %swap3A_964 = tpu.vector_load %arg15[%swap3A_962, %swap3A_963] {strides = array<i32>} : memref<2x656xi32, #tpu.memory_space<vmem>>, vector<16xi32>,
    tpu.vector_store %arg15[%swap3A_962, %swap3A_963], %add3A_960 {strides = array<i32>} : memref<2x656xi32, #tpu.memory_space<vmem>>, vector<16xi32>,
    %get3A_965 = arith.constant 560 : index
    %get3A_966 = tpu.vector_load %arg12[%get3A_965] {strides = array<i32>} : memref<656xi32, #tpu.memory_space<vmem>>, vector<16xi32>,
    %add3A_967 = arith.addi %broadcast_in_dim3A_579, %get3A_966 : vector<16xi32>
    %gather3A_968 = tpu.vector_load_idx %arg10[%add3A_967] : memref<3328xi32, #tpu.memory_space<vmem>>[vector<16xi32>], vector<16xi32>,
    %get3A_969 = arith.constant 560 : index
    %get3A_970 = tpu.vector_load %arg11[%get3A_969] {strides = array<i32>} : memref<656xi32, #tpu.memory_space<vmem>>, vector<16xi32>,
    %add3A_971 = arith.addi %get3A_970, %gather3A_968 : vector<16xi32>
    %swap3A_972 = arith.constant 1 : i32
    %swap3A_973 = arith.index_cast %swap3A_972 : i32 to index
    %swap3A_974 = arith.constant 560 : index
    %swap3A_975 = tpu.vector_load %arg15[%swap3A_973, %swap3A_974] {strides = array<i32>} : memref<2x656xi32, #tpu.memory_space<vmem>>, vector<16xi32>,
    tpu.vector_store %arg15[%swap3A_973, %swap3A_974], %add3A_971 {strides = array<i32>} : memref<2x656xi32, #tpu.memory_space<vmem>>, vector<16xi32>,
    %get3A_976 = arith.constant 576 : index
    %get3A_977 = tpu.vector_load %arg12[%get3A_976] {strides = array<i32>} : memref<656xi32, #tpu.memory_space<vmem>>, vector<16xi32>,
    %add3A_978 = arith.addi %broadcast_in_dim3A_579, %get3A_977 : vector<16xi32>
    %gather3A_979 = tpu.vector_load_idx %arg10[%add3A_978] : memref<3328xi32, #tpu.memory_space<vmem>>[vector<16xi32>], vector<16xi32>,
    %get3A_980 = arith.constant 576 : index
    %get3A_981 = tpu.vector_load %arg11[%get3A_980] {strides = array<i32>} : memref<656xi32, #tpu.memory_space<vmem>>, vector<16xi32>,
    %add3A_982 = arith.addi %get3A_981, %gather3A_979 : vector<16xi32>
    %swap3A_983 = arith.constant 1 : i32
    %swap3A_984 = arith.index_cast %swap3A_983 : i32 to index
    %swap3A_985 = arith.constant 576 : index
    %swap3A_986 = tpu.vector_load %arg15[%swap3A_984, %swap3A_985] {strides = array<i32>} : memref<2x656xi32, #tpu.memory_space<vmem>>, vector<16xi32>,
    tpu.vector_store %arg15[%swap3A_984, %swap3A_985], %add3A_982 {strides = array<i32>} : memref<2x656xi32, #tpu.memory_space<vmem>>, vector<16xi32>,
    %get3A_987 = arith.constant 592 : index
    %get3A_988 = tpu.vector_load %arg12[%get3A_987] {strides = array<i32>} : memref<656xi32, #tpu.memory_space<vmem>>, vector<16xi32>,
    %add3A_989 = arith.addi %broadcast_in_dim3A_579, %get3A_988 : vector<16xi32>
    %gather3A_990 = tpu.vector_load_idx %arg10[%add3A_989] : memref<3328xi32, #tpu.memory_space<vmem>>[vector<16xi32>], vector<16xi32>,
    %get3A_991 = arith.constant 592 : index
    %get3A_992 = tpu.vector_load %arg11[%get3A_991] {strides = array<i32>} : memref<656xi32, #tpu.memory_space<vmem>>, vector<16xi32>,
    %add3A_993 = arith.addi %get3A_992, %gather3A_990 : vector<16xi32>
    %swap3A_994 = arith.constant 1 : i32
    %swap3A_995 = arith.index_cast %swap3A_994 : i32 to index
    %swap3A_996 = arith.constant 592 : index
    %swap3A_997 = tpu.vector_load %arg15[%swap3A_995, %swap3A_996] {strides = array<i32>} : memref<2x656xi32, #tpu.memory_space<vmem>>, vector<16xi32>,
    tpu.vector_store %arg15[%swap3A_995, %swap3A_996], %add3A_993 {strides = array<i32>} : memref<2x656xi32, #tpu.memory_space<vmem>>, vector<16xi32>,
    %get3A_998 = arith.constant 608 : index
    %get3A_999 = tpu.vector_load %arg12[%get3A_998] {strides = array<i32>} : memref<656xi32, #tpu.memory_space<vmem>>, vector<16xi32>,
    %add3A_1000 = arith.addi %broadcast_in_dim3A_579, %get3A_999 : vector<16xi32>
    %gather3A_1001 = tpu.vector_load_idx %arg10[%add3A_1000] : memref<3328xi32, #tpu.memory_space<vmem>>[vector<16xi32>], vector<16xi32>,
    %get3A_1002 = arith.constant 608 : index
    %get3A_1003 = tpu.vector_load %arg11[%get3A_1002] {strides = array<i32>} : memref<656xi32, #tpu.memory_space<vmem>>, vector<16xi32>,
    %add3A_1004 = arith.addi %get3A_1003, %gather3A_1001 : vector<16xi32>
    %swap3A_1005 = arith.constant 1 : i32
    %swap3A_1006 = arith.index_cast %swap3A_1005 : i32 to index
    %swap3A_1007 = arith.constant 608 : index
    %swap3A_1008 = tpu.vector_load %arg15[%swap3A_1006, %swap3A_1007] {strides = array<i32>} : memref<2x656xi32, #tpu.memory_space<vmem>>, vector<16xi32>,
    tpu.vector_store %arg15[%swap3A_1006, %swap3A_1007], %add3A_1004 {strides = array<i32>} : memref<2x656xi32, #tpu.memory_space<vmem>>, vector<16xi32>,
    %get3A_1009 = arith.constant 624 : index
    %get3A_1010 = tpu.vector_load %arg12[%get3A_1009] {strides = array<i32>} : memref<656xi32, #tpu.memory_space<vmem>>, vector<16xi32>,
    %add3A_1011 = arith.addi %broadcast_in_dim3A_579, %get3A_1010 : vector<16xi32>
    %gather3A_1012 = tpu.vector_load_idx %arg10[%add3A_1011] : memref<3328xi32, #tpu.memory_space<vmem>>[vector<16xi32>], vector<16xi32>,
    %get3A_1013 = arith.constant 624 : index
    %get3A_1014 = tpu.vector_load %arg11[%get3A_1013] {strides = array<i32>} : memref<656xi32, #tpu.memory_space<vmem>>, vector<16xi32>,
    %add3A_1015 = arith.addi %get3A_1014, %gather3A_1012 : vector<16xi32>
    %swap3A_1016 = arith.constant 1 : i32
    %swap3A_1017 = arith.index_cast %swap3A_1016 : i32 to index
    %swap3A_1018 = arith.constant 624 : index
    %swap3A_1019 = tpu.vector_load %arg15[%swap3A_1017, %swap3A_1018] {strides = array<i32>} : memref<2x656xi32, #tpu.memory_space<vmem>>, vector<16xi32>,
    tpu.vector_store %arg15[%swap3A_1017, %swap3A_1018], %add3A_1015 {strides = array<i32>} : memref<2x656xi32, #tpu.memory_space<vmem>>, vector<16xi32>,
    %get3A_1020 = arith.constant 640 : index
    %get3A_1021 = tpu.vector_load %arg12[%get3A_1020] {strides = array<i32>} : memref<656xi32, #tpu.memory_space<vmem>>, vector<16xi32>,
    %add3A_1022 = arith.addi %broadcast_in_dim3A_579, %get3A_1021 : vector<16xi32>
    %gather3A_1023 = tpu.vector_load_idx %arg10[%add3A_1022] : memref<3328xi32, #tpu.memory_space<vmem>>[vector<16xi32>], vector<16xi32>,
    %get3A_1024 = arith.constant 640 : index
    %get3A_1025 = tpu.vector_load %arg11[%get3A_1024] {strides = array<i32>} : memref<656xi32, #tpu.memory_space<vmem>>, vector<16xi32>,
    %add3A_1026 = arith.addi %get3A_1025, %gather3A_1023 : vector<16xi32>
    %swap3A_1027 = arith.constant 1 : i32
    %swap3A_1028 = arith.index_cast %swap3A_1027 : i32 to index
    %swap3A_1029 = arith.constant 640 : index
    %swap3A_1030 = tpu.vector_load %arg15[%swap3A_1028, %swap3A_1029] {strides = array<i32>} : memref<2x656xi32, #tpu.memory_space<vmem>>, vector<16xi32>,
    tpu.vector_store %arg15[%swap3A_1028, %swap3A_1029], %add3A_1026 {strides = array<i32>} : memref<2x656xi32, #tpu.memory_space<vmem>>, vector<16xi32>,
    %get3A_1031 = arith.constant 0 : index
    %get3A_1032 = tpu.vector_load %arg13[%get3A_1031] {strides = array<i32>} : memref<32xi32, #tpu.memory_space<vmem>>, vector<16xi32>,
    %get3A_1033 = arith.constant 0 : index
    %get3A_1034 = tpu.vector_load %arg14[%get3A_1033] {strides = array<i32>} : memref<32xi32, #tpu.memory_space<vmem>>, vector<16xi32>,
    %add3A_1035 = arith.addi %broadcast_in_dim3A_579, %get3A_1034 : vector<16xi32>
    %gather3A_1036 = tpu.vector_load_idx %arg10[%add3A_1035] : memref<3328xi32, #tpu.memory_space<vmem>>[vector<16xi32>], vector<16xi32>,
    %add3A_1037 = arith.addi %get3A_1032, %gather3A_1036 : vector<16xi32>
    %swap3A_1038 = arith.constant 1 : i32
    %swap3A_1039 = arith.index_cast %swap3A_1038 : i32 to index
    %swap3A_1040 = arith.constant 0 : index
    %swap3A_1041 = tpu.vector_load %arg16[%swap3A_1039, %swap3A_1040] {strides = array<i32>} : memref<2x32xi32, #tpu.memory_space<vmem>>, vector<16xi32>,
    tpu.vector_store %arg16[%swap3A_1039, %swap3A_1040], %add3A_1037 {strides = array<i32>} : memref<2x32xi32, #tpu.memory_space<vmem>>, vector<16xi32>,
    %get3A_1042 = arith.constant 16 : index
    %get3A_1043 = tpu.vector_load %arg13[%get3A_1042] {strides = array<i32>} : memref<32xi32, #tpu.memory_space<vmem>>, vector<16xi32>,
    %get3A_1044 = arith.constant 16 : index
    %get3A_1045 = tpu.vector_load %arg14[%get3A_1044] {strides = array<i32>} : memref<32xi32, #tpu.memory_space<vmem>>, vector<16xi32>,
    %add3A_1046 = arith.addi %broadcast_in_dim3A_579, %get3A_1045 : vector<16xi32>
    %gather3A_1047 = tpu.vector_load_idx %arg10[%add3A_1046] : memref<3328xi32, #tpu.memory_space<vmem>>[vector<16xi32>], vector<16xi32>,
    %add3A_1048 = arith.addi %get3A_1043, %gather3A_1047 : vector<16xi32>
    %swap3A_1049 = arith.constant 1 : i32
    %swap3A_1050 = arith.index_cast %swap3A_1049 : i32 to index
    %swap3A_1051 = arith.constant 16 : index
    %swap3A_1052 = tpu.vector_load %arg16[%swap3A_1050, %swap3A_1051] {strides = array<i32>} : memref<2x32xi32, #tpu.memory_space<vmem>>, vector<16xi32>,
    tpu.vector_store %arg16[%swap3A_1050, %swap3A_1051], %add3A_1048 {strides = array<i32>} : memref<2x32xi32, #tpu.memory_space<vmem>>, vector<16xi32>,
    %dma_start3A_1053 = arith.constant 1 : i32
    %dma_start3A_1054 = arith.constant 1 : i32
    %dma_start3A_1055 = arith.constant 1 : i32
    %dma_start3A_1056 = arith.constant 0 : i32
    %dma_start3A_1057 = arith.constant 0 : i32
    %dma_start3A_1058 = tpu.memref_slice %arg17[%dma_start3A_1054, %dma_start3A_1056, %dma_start3A_1057] : memref<2x656x16xf32, #tpu.memory_space<vmem>> -> memref<1x128x16xf32, #tpu.memory_space<vmem>>
    %dma_start3A_1059 = tpu.memref_squeeze %dma_start3A_1058 : memref<1x128x16xf32, #tpu.memory_space<vmem>> -> memref<128x16xf32, #tpu.memory_space<vmem>>
    %dma_start3A_1060 = arith.constant 0 : i32
    %dma_start3A_1061 = tpu.memref_slice %arg15[%dma_start3A_1053, %dma_start3A_1060] : memref<2x656xi32, #tpu.memory_space<vmem>> -> memref<1x128xi32, #tpu.memory_space<vmem>>
    %dma_start3A_1062 = tpu.memref_squeeze %dma_start3A_1061 : memref<1x128xi32, #tpu.memory_space<vmem>> -> memref<128xi32, #tpu.memory_space<vmem>>
    %dma_start3A_1063 = arith.constant 0 : i32
    %dma_start3A_1064 = arith.constant 0 : i32
    %dma_start3A_1065 = tpu.memref_slice %arg7[%dma_start3A_1063, %dma_start3A_1064] : memref<2600572x16xf32, #tpu.memory_space<hbm>> -> memref<2600572x16xf32, #tpu.memory_space<hbm>>
    %dma_start3A_1066 = tpu.memref_slice %arg20[%dma_start3A_1055] : memref<2x!tpu.dma_semaphore, #tpu.memory_space<semaphore_mem>> -> memref<1x!tpu.dma_semaphore, #tpu.memory_space<semaphore_mem>>
    %dma_start3A_1067 = tpu.memref_squeeze %dma_start3A_1066 : memref<1x!tpu.dma_semaphore, #tpu.memory_space<semaphore_mem>> -> memref<!tpu.dma_semaphore, #tpu.memory_space<semaphore_mem>>
    tpu.enqueue_indirect_dma source(%dma_start3A_1065 : memref<2600572x16xf32, #tpu.memory_space<hbm>>) target(%dma_start3A_1059 : memref<128x16xf32, #tpu.memory_space<vmem>>) offsets(%dma_start3A_1062 : memref<128xi32, #tpu.memory_space<vmem>>) semaphore(%dma_start3A_1067 : memref<!tpu.dma_semaphore, #tpu.memory_space<semaphore_mem>>)
    %dma_start3A_1068 = arith.constant 1 : i32
    %dma_start3A_1069 = arith.constant 1 : i32
    %dma_start3A_1070 = arith.constant 1 : i32
    %dma_start3A_1071 = arith.constant 128 : i32
    %dma_start3A_1072 = arith.constant 0 : i32
    %dma_start3A_1073 = tpu.memref_slice %arg17[%dma_start3A_1069, %dma_start3A_1071, %dma_start3A_1072] : memref<2x656x16xf32, #tpu.memory_space<vmem>> -> memref<1x128x16xf32, #tpu.memory_space<vmem>>
    %dma_start3A_1074 = tpu.memref_squeeze %dma_start3A_1073 : memref<1x128x16xf32, #tpu.memory_space<vmem>> -> memref<128x16xf32, #tpu.memory_space<vmem>>
    %dma_start3A_1075 = arith.constant 128 : i32
    %dma_start3A_1076 = tpu.memref_slice %arg15[%dma_start3A_1068, %dma_start3A_1075] : memref<2x656xi32, #tpu.memory_space<vmem>> -> memref<1x128xi32, #tpu.memory_space<vmem>>
    %dma_start3A_1077 = tpu.memref_squeeze %dma_start3A_1076 : memref<1x128xi32, #tpu.memory_space<vmem>> -> memref<128xi32, #tpu.memory_space<vmem>>
    %dma_start3A_1078 = arith.constant 0 : i32
    %dma_start3A_1079 = arith.constant 0 : i32
    %dma_start3A_1080 = tpu.memref_slice %arg7[%dma_start3A_1078, %dma_start3A_1079] : memref<2600572x16xf32, #tpu.memory_space<hbm>> -> memref<2600572x16xf32, #tpu.memory_space<hbm>>
    %dma_start3A_1081 = tpu.memref_slice %arg20[%dma_start3A_1070] : memref<2x!tpu.dma_semaphore, #tpu.memory_space<semaphore_mem>> -> memref<1x!tpu.dma_semaphore, #tpu.memory_space<semaphore_mem>>
    %dma_start3A_1082 = tpu.memref_squeeze %dma_start3A_1081 : memref<1x!tpu.dma_semaphore, #tpu.memory_space<semaphore_mem>> -> memref<!tpu.dma_semaphore, #tpu.memory_space<semaphore_mem>>
    tpu.enqueue_indirect_dma source(%dma_start3A_1080 : memref<2600572x16xf32, #tpu.memory_space<hbm>>) target(%dma_start3A_1074 : memref<128x16xf32, #tpu.memory_space<vmem>>) offsets(%dma_start3A_1077 : memref<128xi32, #tpu.memory_space<vmem>>) semaphore(%dma_start3A_1082 : memref<!tpu.dma_semaphore, #tpu.memory_space<semaphore_mem>>)
    %dma_start3A_1083 = arith.constant 1 : i32
    %dma_start3A_1084 = arith.constant 1 : i32
    %dma_start3A_1085 = arith.constant 1 : i32
    %dma_start3A_1086 = arith.constant 256 : i32
    %dma_start3A_1087 = arith.constant 0 : i32
    %dma_start3A_1088 = tpu.memref_slice %arg17[%dma_start3A_1084, %dma_start3A_1086, %dma_start3A_1087] : memref<2x656x16xf32, #tpu.memory_space<vmem>> -> memref<1x128x16xf32, #tpu.memory_space<vmem>>
    %dma_start3A_1089 = tpu.memref_squeeze %dma_start3A_1088 : memref<1x128x16xf32, #tpu.memory_space<vmem>> -> memref<128x16xf32, #tpu.memory_space<vmem>>
    %dma_start3A_1090 = arith.constant 256 : i32
    %dma_start3A_1091 = tpu.memref_slice %arg15[%dma_start3A_1083, %dma_start3A_1090] : memref<2x656xi32, #tpu.memory_space<vmem>> -> memref<1x128xi32, #tpu.memory_space<vmem>>
    %dma_start3A_1092 = tpu.memref_squeeze %dma_start3A_1091 : memref<1x128xi32, #tpu.memory_space<vmem>> -> memref<128xi32, #tpu.memory_space<vmem>>
    %dma_start3A_1093 = arith.constant 0 : i32
    %dma_start3A_1094 = arith.constant 0 : i32
    %dma_start3A_1095 = tpu.memref_slice %arg7[%dma_start3A_1093, %dma_start3A_1094] : memref<2600572x16xf32, #tpu.memory_space<hbm>> -> memref<2600572x16xf32, #tpu.memory_space<hbm>>
    %dma_start3A_1096 = tpu.memref_slice %arg20[%dma_start3A_1085] : memref<2x!tpu.dma_semaphore, #tpu.memory_space<semaphore_mem>> -> memref<1x!tpu.dma_semaphore, #tpu.memory_space<semaphore_mem>>
    %dma_start3A_1097 = tpu.memref_squeeze %dma_start3A_1096 : memref<1x!tpu.dma_semaphore, #tpu.memory_space<semaphore_mem>> -> memref<!tpu.dma_semaphore, #tpu.memory_space<semaphore_mem>>
    tpu.enqueue_indirect_dma source(%dma_start3A_1095 : memref<2600572x16xf32, #tpu.memory_space<hbm>>) target(%dma_start3A_1089 : memref<128x16xf32, #tpu.memory_space<vmem>>) offsets(%dma_start3A_1092 : memref<128xi32, #tpu.memory_space<vmem>>) semaphore(%dma_start3A_1097 : memref<!tpu.dma_semaphore, #tpu.memory_space<semaphore_mem>>)
    %dma_start3A_1098 = arith.constant 1 : i32
    %dma_start3A_1099 = arith.constant 1 : i32
    %dma_start3A_1100 = arith.constant 1 : i32
    %dma_start3A_1101 = arith.constant 384 : i32
    %dma_start3A_1102 = arith.constant 0 : i32
    %dma_start3A_1103 = tpu.memref_slice %arg17[%dma_start3A_1099, %dma_start3A_1101, %dma_start3A_1102] : memref<2x656x16xf32, #tpu.memory_space<vmem>> -> memref<1x128x16xf32, #tpu.memory_space<vmem>>
    %dma_start3A_1104 = tpu.memref_squeeze %dma_start3A_1103 : memref<1x128x16xf32, #tpu.memory_space<vmem>> -> memref<128x16xf32, #tpu.memory_space<vmem>>
    %dma_start3A_1105 = arith.constant 384 : i32
    %dma_start3A_1106 = tpu.memref_slice %arg15[%dma_start3A_1098, %dma_start3A_1105] : memref<2x656xi32, #tpu.memory_space<vmem>> -> memref<1x128xi32, #tpu.memory_space<vmem>>
    %dma_start3A_1107 = tpu.memref_squeeze %dma_start3A_1106 : memref<1x128xi32, #tpu.memory_space<vmem>> -> memref<128xi32, #tpu.memory_space<vmem>>
    %dma_start3A_1108 = arith.constant 0 : i32
    %dma_start3A_1109 = arith.constant 0 : i32
    %dma_start3A_1110 = tpu.memref_slice %arg7[%dma_start3A_1108, %dma_start3A_1109] : memref<2600572x16xf32, #tpu.memory_space<hbm>> -> memref<2600572x16xf32, #tpu.memory_space<hbm>>
    %dma_start3A_1111 = tpu.memref_slice %arg20[%dma_start3A_1100] : memref<2x!tpu.dma_semaphore, #tpu.memory_space<semaphore_mem>> -> memref<1x!tpu.dma_semaphore, #tpu.memory_space<semaphore_mem>>
    %dma_start3A_1112 = tpu.memref_squeeze %dma_start3A_1111 : memref<1x!tpu.dma_semaphore, #tpu.memory_space<semaphore_mem>> -> memref<!tpu.dma_semaphore, #tpu.memory_space<semaphore_mem>>
    tpu.enqueue_indirect_dma source(%dma_start3A_1110 : memref<2600572x16xf32, #tpu.memory_space<hbm>>) target(%dma_start3A_1104 : memref<128x16xf32, #tpu.memory_space<vmem>>) offsets(%dma_start3A_1107 : memref<128xi32, #tpu.memory_space<vmem>>) semaphore(%dma_start3A_1112 : memref<!tpu.dma_semaphore, #tpu.memory_space<semaphore_mem>>)
    %dma_start3A_1113 = arith.constant 1 : i32
    %dma_start3A_1114 = arith.constant 1 : i32
    %dma_start3A_1115 = arith.constant 1 : i32
    %dma_start3A_1116 = arith.constant 512 : i32
    %dma_start3A_1117 = arith.constant 0 : i32
    %dma_start3A_1118 = tpu.memref_slice %arg17[%dma_start3A_1114, %dma_start3A_1116, %dma_start3A_1117] : memref<2x656x16xf32, #tpu.memory_space<vmem>> -> memref<1x128x16xf32, #tpu.memory_space<vmem>>
    %dma_start3A_1119 = tpu.memref_squeeze %dma_start3A_1118 : memref<1x128x16xf32, #tpu.memory_space<vmem>> -> memref<128x16xf32, #tpu.memory_space<vmem>>
    %dma_start3A_1120 = arith.constant 512 : i32
    %dma_start3A_1121 = tpu.memref_slice %arg15[%dma_start3A_1113, %dma_start3A_1120] : memref<2x656xi32, #tpu.memory_space<vmem>> -> memref<1x128xi32, #tpu.memory_space<vmem>>
    %dma_start3A_1122 = tpu.memref_squeeze %dma_start3A_1121 : memref<1x128xi32, #tpu.memory_space<vmem>> -> memref<128xi32, #tpu.memory_space<vmem>>
    %dma_start3A_1123 = arith.constant 0 : i32
    %dma_start3A_1124 = arith.constant 0 : i32
    %dma_start3A_1125 = tpu.memref_slice %arg7[%dma_start3A_1123, %dma_start3A_1124] : memref<2600572x16xf32, #tpu.memory_space<hbm>> -> memref<2600572x16xf32, #tpu.memory_space<hbm>>
    %dma_start3A_1126 = tpu.memref_slice %arg20[%dma_start3A_1115] : memref<2x!tpu.dma_semaphore, #tpu.memory_space<semaphore_mem>> -> memref<1x!tpu.dma_semaphore, #tpu.memory_space<semaphore_mem>>
    %dma_start3A_1127 = tpu.memref_squeeze %dma_start3A_1126 : memref<1x!tpu.dma_semaphore, #tpu.memory_space<semaphore_mem>> -> memref<!tpu.dma_semaphore, #tpu.memory_space<semaphore_mem>>
    tpu.enqueue_indirect_dma source(%dma_start3A_1125 : memref<2600572x16xf32, #tpu.memory_space<hbm>>) target(%dma_start3A_1119 : memref<128x16xf32, #tpu.memory_space<vmem>>) offsets(%dma_start3A_1122 : memref<128xi32, #tpu.memory_space<vmem>>) semaphore(%dma_start3A_1127 : memref<!tpu.dma_semaphore, #tpu.memory_space<semaphore_mem>>)
    %dma_start3A_1128 = arith.constant 1 : i32
    %dma_start3A_1129 = arith.constant 1 : i32
    %dma_start3A_1130 = arith.constant 1 : i32
    %dma_start3A_1131 = arith.constant 640 : i32
    %dma_start3A_1132 = arith.constant 0 : i32
    %dma_start3A_1133 = tpu.memref_slice %arg17[%dma_start3A_1129, %dma_start3A_1131, %dma_start3A_1132] : memref<2x656x16xf32, #tpu.memory_space<vmem>> -> memref<1x16x16xf32, #tpu.memory_space<vmem>>
    %dma_start3A_1134 = tpu.memref_squeeze %dma_start3A_1133 : memref<1x16x16xf32, #tpu.memory_space<vmem>> -> memref<16x16xf32, #tpu.memory_space<vmem>>
    %dma_start3A_1135 = arith.constant 640 : i32
    %dma_start3A_1136 = tpu.memref_slice %arg15[%dma_start3A_1128, %dma_start3A_1135] : memref<2x656xi32, #tpu.memory_space<vmem>> -> memref<1x16xi32, #tpu.memory_space<vmem>>
    %dma_start3A_1137 = tpu.memref_squeeze %dma_start3A_1136 : memref<1x16xi32, #tpu.memory_space<vmem>> -> memref<16xi32, #tpu.memory_space<vmem>>
    %dma_start3A_1138 = arith.constant 0 : i32
    %dma_start3A_1139 = arith.constant 0 : i32
    %dma_start3A_1140 = tpu.memref_slice %arg7[%dma_start3A_1138, %dma_start3A_1139] : memref<2600572x16xf32, #tpu.memory_space<hbm>> -> memref<2600572x16xf32, #tpu.memory_space<hbm>>
    %dma_start3A_1141 = tpu.memref_slice %arg20[%dma_start3A_1130] : memref<2x!tpu.dma_semaphore, #tpu.memory_space<semaphore_mem>> -> memref<1x!tpu.dma_semaphore, #tpu.memory_space<semaphore_mem>>
    %dma_start3A_1142 = tpu.memref_squeeze %dma_start3A_1141 : memref<1x!tpu.dma_semaphore, #tpu.memory_space<semaphore_mem>> -> memref<!tpu.dma_semaphore, #tpu.memory_space<semaphore_mem>>
    tpu.enqueue_indirect_dma source(%dma_start3A_1140 : memref<2600572x16xf32, #tpu.memory_space<hbm>>) target(%dma_start3A_1134 : memref<16x16xf32, #tpu.memory_space<vmem>>) offsets(%dma_start3A_1137 : memref<16xi32, #tpu.memory_space<vmem>>) semaphore(%dma_start3A_1142 : memref<!tpu.dma_semaphore, #tpu.memory_space<semaphore_mem>>)
    %dma_start3A_1143 = arith.constant 1 : i32
    %dma_start3A_1144 = arith.constant 1 : i32
    %dma_start3A_1145 = arith.constant 1 : i32
    %dma_start3A_1146 = arith.constant 0 : i32
    %dma_start3A_1147 = tpu.memref_slice %arg18[%dma_start3A_1144, %dma_start3A_1146] : memref<2x32xf32, #tpu.memory_space<vmem>> -> memref<1x32xf32, #tpu.memory_space<vmem>>
    %dma_start3A_1148 = tpu.memref_squeeze %dma_start3A_1147 : memref<1x32xf32, #tpu.memory_space<vmem>> -> memref<32xf32, #tpu.memory_space<vmem>>
    %dma_start3A_1149 = arith.constant 0 : i32
    %dma_start3A_1150 = tpu.memref_slice %arg16[%dma_start3A_1143, %dma_start3A_1149] : memref<2x32xi32, #tpu.memory_space<vmem>> -> memref<1x32xi32, #tpu.memory_space<vmem>>
    %dma_start3A_1151 = tpu.memref_squeeze %dma_start3A_1150 : memref<1x32xi32, #tpu.memory_space<vmem>> -> memref<32xi32, #tpu.memory_space<vmem>>
    %dma_start3A_1152 = arith.constant 0 : i32
    %dma_start3A_1153 = tpu.memref_slice %arg8[%dma_start3A_1152] : memref<100022xf32, #tpu.memory_space<hbm>> -> memref<100022xf32, #tpu.memory_space<hbm>>
    %dma_start3A_1154 = tpu.memref_slice %arg21[%dma_start3A_1145] : memref<2x!tpu.dma_semaphore, #tpu.memory_space<semaphore_mem>> -> memref<1x!tpu.dma_semaphore, #tpu.memory_space<semaphore_mem>>
    %dma_start3A_1155 = tpu.memref_squeeze %dma_start3A_1154 : memref<1x!tpu.dma_semaphore, #tpu.memory_space<semaphore_mem>> -> memref<!tpu.dma_semaphore, #tpu.memory_space<semaphore_mem>>
    tpu.enqueue_indirect_dma source(%dma_start3A_1153 : memref<100022xf32, #tpu.memory_space<hbm>>) target(%dma_start3A_1148 : memref<32xf32, #tpu.memory_space<vmem>>) offsets(%dma_start3A_1151 : memref<32xi32, #tpu.memory_space<vmem>>) semaphore(%dma_start3A_1155 : memref<!tpu.dma_semaphore, #tpu.memory_space<semaphore_mem>>)
    %scan3A = arith.constant 0 : i32
    %scan3A_1156 = arith.constant 0 : i32
    %scan3A_1157 = arith.constant 63 : i32
    %scan3A_1158 = arith.addi %scan3A_1156, %scan3A_1157 : i32
    %scan3A_1159 = arith.constant 1 : i32
    %scan3A_1160 = scf.for %scan3A_1470 = %scan3A_1156 to %scan3A_1158 step %scan3A_1159 iter_args(%scan3A_1471 = %scan3A) -> (i32)  : i32 {
      %mul3A_1472 = arith.constant 2 : i32
      %mul3A_1473 = arith.muli %scan3A_1470, %mul3A_1472 : i32
      %add3A_1474 = arith.constant 0 : i32
      %add3A_1475 = arith.addi %mul3A_1473, %add3A_1474 : i32
      %add3A_1476 = arith.constant 2 : i32
      %add3A_1477 = arith.addi %add3A_1475, %add3A_1476 : i32
      %add3A_1478 = arith.constant 0 : i32
      %add3A_1479 = arith.addi %mul3A_1473, %add3A_1478 : i32
      %dma_wait3A_1480 = arith.constant 0 : i32
      %dma_wait3A_1481 = arith.constant 0 : i32
      %dma_wait3A_1482 = arith.constant 0 : i32
      %dma_wait3A_1483 = arith.constant 0 : i32
      %dma_wait3A_1484 = arith.constant 0 : i32
      %dma_wait3A_1485 = tpu.memref_slice %arg17[%dma_wait3A_1481, %dma_wait3A_1483, %dma_wait3A_1484] : memref<2x656x16xf32, #tpu.memory_space<vmem>> -> memref<1x128x16xf32, #tpu.memory_space<vmem>>
      %dma_wait3A_1486 = tpu.memref_squeeze %dma_wait3A_1485 : memref<1x128x16xf32, #tpu.memory_space<vmem>> -> memref<128x16xf32, #tpu.memory_space<vmem>>
      %dma_wait3A_1487 = arith.constant 0 : i32
      %dma_wait3A_1488 = tpu.memref_slice %arg15[%dma_wait3A_1480, %dma_wait3A_1487] : memref<2x656xi32, #tpu.memory_space<vmem>> -> memref<1x128xi32, #tpu.memory_space<vmem>>
      %dma_wait3A_1489 = tpu.memref_squeeze %dma_wait3A_1488 : memref<1x128xi32, #tpu.memory_space<vmem>> -> memref<128xi32, #tpu.memory_space<vmem>>
      %dma_wait3A_1490 = arith.constant 0 : i32
      %dma_wait3A_1491 = arith.constant 0 : i32
      %dma_wait3A_1492 = tpu.memref_slice %arg7[%dma_wait3A_1490, %dma_wait3A_1491] : memref<2600572x16xf32, #tpu.memory_space<hbm>> -> memref<2600572x16xf32, #tpu.memory_space<hbm>>
      %dma_wait3A_1493 = tpu.memref_slice %arg20[%dma_wait3A_1482] : memref<2x!tpu.dma_semaphore, #tpu.memory_space<semaphore_mem>> -> memref<1x!tpu.dma_semaphore, #tpu.memory_space<semaphore_mem>>
      %dma_wait3A_1494 = tpu.memref_squeeze %dma_wait3A_1493 : memref<1x!tpu.dma_semaphore, #tpu.memory_space<semaphore_mem>> -> memref<!tpu.dma_semaphore, #tpu.memory_space<semaphore_mem>>
      tpu.wait_indirect_dma semaphore(%dma_wait3A_1494 : memref<!tpu.dma_semaphore, #tpu.memory_space<semaphore_mem>>) src(%dma_wait3A_1492 : memref<2600572x16xf32, #tpu.memory_space<hbm>>) dst(%dma_wait3A_1486 : memref<128x16xf32, #tpu.memory_space<vmem>>)
      %dma_wait3A_1495 = arith.constant 0 : i32
      %dma_wait3A_1496 = arith.constant 0 : i32
      %dma_wait3A_1497 = arith.constant 0 : i32
      %dma_wait3A_1498 = arith.constant 128 : i32
      %dma_wait3A_1499 = arith.constant 0 : i32
      %dma_wait3A_1500 = tpu.memref_slice %arg17[%dma_wait3A_1496, %dma_wait3A_1498, %dma_wait3A_1499] : memref<2x656x16xf32, #tpu.memory_space<vmem>> -> memref<1x128x16xf32, #tpu.memory_space<vmem>>
      %dma_wait3A_1501 = tpu.memref_squeeze %dma_wait3A_1500 : memref<1x128x16xf32, #tpu.memory_space<vmem>> -> memref<128x16xf32, #tpu.memory_space<vmem>>
      %dma_wait3A_1502 = arith.constant 128 : i32
      %dma_wait3A_1503 = tpu.memref_slice %arg15[%dma_wait3A_1495, %dma_wait3A_1502] : memref<2x656xi32, #tpu.memory_space<vmem>> -> memref<1x128xi32, #tpu.memory_space<vmem>>
      %dma_wait3A_1504 = tpu.memref_squeeze %dma_wait3A_1503 : memref<1x128xi32, #tpu.memory_space<vmem>> -> memref<128xi32, #tpu.memory_space<vmem>>
      %dma_wait3A_1505 = arith.constant 0 : i32
      %dma_wait3A_1506 = arith.constant 0 : i32
      %dma_wait3A_1507 = tpu.memref_slice %arg7[%dma_wait3A_1505, %dma_wait3A_1506] : memref<2600572x16xf32, #tpu.memory_space<hbm>> -> memref<2600572x16xf32, #tpu.memory_space<hbm>>
      %dma_wait3A_1508 = tpu.memref_slice %arg20[%dma_wait3A_1497] : memref<2x!tpu.dma_semaphore, #tpu.memory_space<semaphore_mem>> -> memref<1x!tpu.dma_semaphore, #tpu.memory_space<semaphore_mem>>
      %dma_wait3A_1509 = tpu.memref_squeeze %dma_wait3A_1508 : memref<1x!tpu.dma_semaphore, #tpu.memory_space<semaphore_mem>> -> memref<!tpu.dma_semaphore, #tpu.memory_space<semaphore_mem>>
      tpu.wait_indirect_dma semaphore(%dma_wait3A_1509 : memref<!tpu.dma_semaphore, #tpu.memory_space<semaphore_mem>>) src(%dma_wait3A_1507 : memref<2600572x16xf32, #tpu.memory_space<hbm>>) dst(%dma_wait3A_1501 : memref<128x16xf32, #tpu.memory_space<vmem>>)
      %dma_wait3A_1510 = arith.constant 0 : i32
      %dma_wait3A_1511 = arith.constant 0 : i32
      %dma_wait3A_1512 = arith.constant 0 : i32
      %dma_wait3A_1513 = arith.constant 256 : i32
      %dma_wait3A_1514 = arith.constant 0 : i32
      %dma_wait3A_1515 = tpu.memref_slice %arg17[%dma_wait3A_1511, %dma_wait3A_1513, %dma_wait3A_1514] : memref<2x656x16xf32, #tpu.memory_space<vmem>> -> memref<1x128x16xf32, #tpu.memory_space<vmem>>
      %dma_wait3A_1516 = tpu.memref_squeeze %dma_wait3A_1515 : memref<1x128x16xf32, #tpu.memory_space<vmem>> -> memref<128x16xf32, #tpu.memory_space<vmem>>
      %dma_wait3A_1517 = arith.constant 256 : i32
      %dma_wait3A_1518 = tpu.memref_slice %arg15[%dma_wait3A_1510, %dma_wait3A_1517] : memref<2x656xi32, #tpu.memory_space<vmem>> -> memref<1x128xi32, #tpu.memory_space<vmem>>
      %dma_wait3A_1519 = tpu.memref_squeeze %dma_wait3A_1518 : memref<1x128xi32, #tpu.memory_space<vmem>> -> memref<128xi32, #tpu.memory_space<vmem>>
      %dma_wait3A_1520 = arith.constant 0 : i32
      %dma_wait3A_1521 = arith.constant 0 : i32
      %dma_wait3A_1522 = tpu.memref_slice %arg7[%dma_wait3A_1520, %dma_wait3A_1521] : memref<2600572x16xf32, #tpu.memory_space<hbm>> -> memref<2600572x16xf32, #tpu.memory_space<hbm>>
      %dma_wait3A_1523 = tpu.memref_slice %arg20[%dma_wait3A_1512] : memref<2x!tpu.dma_semaphore, #tpu.memory_space<semaphore_mem>> -> memref<1x!tpu.dma_semaphore, #tpu.memory_space<semaphore_mem>>
      %dma_wait3A_1524 = tpu.memref_squeeze %dma_wait3A_1523 : memref<1x!tpu.dma_semaphore, #tpu.memory_space<semaphore_mem>> -> memref<!tpu.dma_semaphore, #tpu.memory_space<semaphore_mem>>
      tpu.wait_indirect_dma semaphore(%dma_wait3A_1524 : memref<!tpu.dma_semaphore, #tpu.memory_space<semaphore_mem>>) src(%dma_wait3A_1522 : memref<2600572x16xf32, #tpu.memory_space<hbm>>) dst(%dma_wait3A_1516 : memref<128x16xf32, #tpu.memory_space<vmem>>)
      %dma_wait3A_1525 = arith.constant 0 : i32
      %dma_wait3A_1526 = arith.constant 0 : i32
      %dma_wait3A_1527 = arith.constant 0 : i32
      %dma_wait3A_1528 = arith.constant 384 : i32
      %dma_wait3A_1529 = arith.constant 0 : i32
      %dma_wait3A_1530 = tpu.memref_slice %arg17[%dma_wait3A_1526, %dma_wait3A_1528, %dma_wait3A_1529] : memref<2x656x16xf32, #tpu.memory_space<vmem>> -> memref<1x128x16xf32, #tpu.memory_space<vmem>>
      %dma_wait3A_1531 = tpu.memref_squeeze %dma_wait3A_1530 : memref<1x128x16xf32, #tpu.memory_space<vmem>> -> memref<128x16xf32, #tpu.memory_space<vmem>>
      %dma_wait3A_1532 = arith.constant 384 : i32
      %dma_wait3A_1533 = tpu.memref_slice %arg15[%dma_wait3A_1525, %dma_wait3A_1532] : memref<2x656xi32, #tpu.memory_space<vmem>> -> memref<1x128xi32, #tpu.memory_space<vmem>>
      %dma_wait3A_1534 = tpu.memref_squeeze %dma_wait3A_1533 : memref<1x128xi32, #tpu.memory_space<vmem>> -> memref<128xi32, #tpu.memory_space<vmem>>
      %dma_wait3A_1535 = arith.constant 0 : i32
      %dma_wait3A_1536 = arith.constant 0 : i32
      %dma_wait3A_1537 = tpu.memref_slice %arg7[%dma_wait3A_1535, %dma_wait3A_1536] : memref<2600572x16xf32, #tpu.memory_space<hbm>> -> memref<2600572x16xf32, #tpu.memory_space<hbm>>
      %dma_wait3A_1538 = tpu.memref_slice %arg20[%dma_wait3A_1527] : memref<2x!tpu.dma_semaphore, #tpu.memory_space<semaphore_mem>> -> memref<1x!tpu.dma_semaphore, #tpu.memory_space<semaphore_mem>>
      %dma_wait3A_1539 = tpu.memref_squeeze %dma_wait3A_1538 : memref<1x!tpu.dma_semaphore, #tpu.memory_space<semaphore_mem>> -> memref<!tpu.dma_semaphore, #tpu.memory_space<semaphore_mem>>
      tpu.wait_indirect_dma semaphore(%dma_wait3A_1539 : memref<!tpu.dma_semaphore, #tpu.memory_space<semaphore_mem>>) src(%dma_wait3A_1537 : memref<2600572x16xf32, #tpu.memory_space<hbm>>) dst(%dma_wait3A_1531 : memref<128x16xf32, #tpu.memory_space<vmem>>)
      %dma_wait3A_1540 = arith.constant 0 : i32
      %dma_wait3A_1541 = arith.constant 0 : i32
      %dma_wait3A_1542 = arith.constant 0 : i32
      %dma_wait3A_1543 = arith.constant 512 : i32
      %dma_wait3A_1544 = arith.constant 0 : i32
      %dma_wait3A_1545 = tpu.memref_slice %arg17[%dma_wait3A_1541, %dma_wait3A_1543, %dma_wait3A_1544] : memref<2x656x16xf32, #tpu.memory_space<vmem>> -> memref<1x128x16xf32, #tpu.memory_space<vmem>>
      %dma_wait3A_1546 = tpu.memref_squeeze %dma_wait3A_1545 : memref<1x128x16xf32, #tpu.memory_space<vmem>> -> memref<128x16xf32, #tpu.memory_space<vmem>>
      %dma_wait3A_1547 = arith.constant 512 : i32
      %dma_wait3A_1548 = tpu.memref_slice %arg15[%dma_wait3A_1540, %dma_wait3A_1547] : memref<2x656xi32, #tpu.memory_space<vmem>> -> memref<1x128xi32, #tpu.memory_space<vmem>>
      %dma_wait3A_1549 = tpu.memref_squeeze %dma_wait3A_1548 : memref<1x128xi32, #tpu.memory_space<vmem>> -> memref<128xi32, #tpu.memory_space<vmem>>
      %dma_wait3A_1550 = arith.constant 0 : i32
      %dma_wait3A_1551 = arith.constant 0 : i32
      %dma_wait3A_1552 = tpu.memref_slice %arg7[%dma_wait3A_1550, %dma_wait3A_1551] : memref<2600572x16xf32, #tpu.memory_space<hbm>> -> memref<2600572x16xf32, #tpu.memory_space<hbm>>
      %dma_wait3A_1553 = tpu.memref_slice %arg20[%dma_wait3A_1542] : memref<2x!tpu.dma_semaphore, #tpu.memory_space<semaphore_mem>> -> memref<1x!tpu.dma_semaphore, #tpu.memory_space<semaphore_mem>>
      %dma_wait3A_1554 = tpu.memref_squeeze %dma_wait3A_1553 : memref<1x!tpu.dma_semaphore, #tpu.memory_space<semaphore_mem>> -> memref<!tpu.dma_semaphore, #tpu.memory_space<semaphore_mem>>
      tpu.wait_indirect_dma semaphore(%dma_wait3A_1554 : memref<!tpu.dma_semaphore, #tpu.memory_space<semaphore_mem>>) src(%dma_wait3A_1552 : memref<2600572x16xf32, #tpu.memory_space<hbm>>) dst(%dma_wait3A_1546 : memref<128x16xf32, #tpu.memory_space<vmem>>)
      %dma_wait3A_1555 = arith.constant 0 : i32
      %dma_wait3A_1556 = arith.constant 0 : i32
      %dma_wait3A_1557 = arith.constant 0 : i32
      %dma_wait3A_1558 = arith.constant 640 : i32
      %dma_wait3A_1559 = arith.constant 0 : i32
      %dma_wait3A_1560 = tpu.memref_slice %arg17[%dma_wait3A_1556, %dma_wait3A_1558, %dma_wait3A_1559] : memref<2x656x16xf32, #tpu.memory_space<vmem>> -> memref<1x16x16xf32, #tpu.memory_space<vmem>>
      %dma_wait3A_1561 = tpu.memref_squeeze %dma_wait3A_1560 : memref<1x16x16xf32, #tpu.memory_space<vmem>> -> memref<16x16xf32, #tpu.memory_space<vmem>>
      %dma_wait3A_1562 = arith.constant 640 : i32
      %dma_wait3A_1563 = tpu.memref_slice %arg15[%dma_wait3A_1555, %dma_wait3A_1562] : memref<2x656xi32, #tpu.memory_space<vmem>> -> memref<1x16xi32, #tpu.memory_space<vmem>>
      %dma_wait3A_1564 = tpu.memref_squeeze %dma_wait3A_1563 : memref<1x16xi32, #tpu.memory_space<vmem>> -> memref<16xi32, #tpu.memory_space<vmem>>
      %dma_wait3A_1565 = arith.constant 0 : i32
      %dma_wait3A_1566 = arith.constant 0 : i32
      %dma_wait3A_1567 = tpu.memref_slice %arg7[%dma_wait3A_1565, %dma_wait3A_1566] : memref<2600572x16xf32, #tpu.memory_space<hbm>> -> memref<2600572x16xf32, #tpu.memory_space<hbm>>
      %dma_wait3A_1568 = tpu.memref_slice %arg20[%dma_wait3A_1557] : memref<2x!tpu.dma_semaphore, #tpu.memory_space<semaphore_mem>> -> memref<1x!tpu.dma_semaphore, #tpu.memory_space<semaphore_mem>>
      %dma_wait3A_1569 = tpu.memref_squeeze %dma_wait3A_1568 : memref<1x!tpu.dma_semaphore, #tpu.memory_space<semaphore_mem>> -> memref<!tpu.dma_semaphore, #tpu.memory_space<semaphore_mem>>
      tpu.wait_indirect_dma semaphore(%dma_wait3A_1569 : memref<!tpu.dma_semaphore, #tpu.memory_space<semaphore_mem>>) src(%dma_wait3A_1567 : memref<2600572x16xf32, #tpu.memory_space<hbm>>) dst(%dma_wait3A_1561 : memref<16x16xf32, #tpu.memory_space<vmem>>)
      %dma_wait3A_1570 = arith.constant 0 : i32
      %dma_wait3A_1571 = arith.constant 0 : i32
      %dma_wait3A_1572 = arith.constant 0 : i32
      %dma_wait3A_1573 = arith.constant 0 : i32
      %dma_wait3A_1574 = tpu.memref_slice %arg18[%dma_wait3A_1571, %dma_wait3A_1573] : memref<2x32xf32, #tpu.memory_space<vmem>> -> memref<1x32xf32, #tpu.memory_space<vmem>>
      %dma_wait3A_1575 = tpu.memref_squeeze %dma_wait3A_1574 : memref<1x32xf32, #tpu.memory_space<vmem>> -> memref<32xf32, #tpu.memory_space<vmem>>
      %dma_wait3A_1576 = arith.constant 0 : i32
      %dma_wait3A_1577 = tpu.memref_slice %arg16[%dma_wait3A_1570, %dma_wait3A_1576] : memref<2x32xi32, #tpu.memory_space<vmem>> -> memref<1x32xi32, #tpu.memory_space<vmem>>
      %dma_wait3A_1578 = tpu.memref_squeeze %dma_wait3A_1577 : memref<1x32xi32, #tpu.memory_space<vmem>> -> memref<32xi32, #tpu.memory_space<vmem>>
      %dma_wait3A_1579 = arith.constant 0 : i32
      %dma_wait3A_1580 = tpu.memref_slice %arg8[%dma_wait3A_1579] : memref<100022xf32, #tpu.memory_space<hbm>> -> memref<100022xf32, #tpu.memory_space<hbm>>
      %dma_wait3A_1581 = tpu.memref_slice %arg21[%dma_wait3A_1572] : memref<2x!tpu.dma_semaphore, #tpu.memory_space<semaphore_mem>> -> memref<1x!tpu.dma_semaphore, #tpu.memory_space<semaphore_mem>>
      %dma_wait3A_1582 = tpu.memref_squeeze %dma_wait3A_1581 : memref<1x!tpu.dma_semaphore, #tpu.memory_space<semaphore_mem>> -> memref<!tpu.dma_semaphore, #tpu.memory_space<semaphore_mem>>
      tpu.wait_indirect_dma semaphore(%dma_wait3A_1582 : memref<!tpu.dma_semaphore, #tpu.memory_space<semaphore_mem>>) src(%dma_wait3A_1580 : memref<100022xf32, #tpu.memory_space<hbm>>) dst(%dma_wait3A_1575 : memref<32xf32, #tpu.memory_space<vmem>>)
      %broadcast_in_dim3A_1583 = arith.constant 0.000000e+00 : f32
      %broadcast_in_dim3A_1584 = vector.broadcast %broadcast_in_dim3A_1583 : f32 to vector<16xf32>
      %scan3A_1585 = arith.constant 0 : i32
      %scan3A_1586 = arith.constant 324 : i32
      %scan3A_1587 = arith.addi %scan3A_1585, %scan3A_1586 : i32
      %scan3A_1588 = arith.constant 4 : i32
      %scan3A_1589 = scf.for %scan3A_2960 = %scan3A_1585 to %scan3A_1587 step %scan3A_1588 iter_args(%scan3A_2961 = %broadcast_in_dim3A_1584) -> (vector<16xf32>)  : i32 {
        %get3A_2962 = arith.constant 0 : i32
        %get3A_2963 = arith.index_cast %get3A_2962 : i32 to index
        %get3A_2964 = arith.index_cast %scan3A_2960 : i32 to index
        %get3A_2965 = arith.constant 0 : index
        %get3A_2966 = tpu.vector_load %arg17[%get3A_2963, %get3A_2964, %get3A_2965] {strides = array<i32>} : memref<2x656x16xf32, #tpu.memory_space<vmem>>, vector<16xf32>,
        %add3A_2967 = arith.constant 325 : i32
        %add3A_2968 = arith.addi %add3A_2967, %scan3A_2960 : i32
        %get3A_2969 = arith.constant 0 : i32
        %get3A_2970 = arith.index_cast %get3A_2969 : i32 to index
        %get3A_2971 = arith.index_cast %add3A_2968 : i32 to index
        %get3A_2972 = arith.constant 0 : index
        %get3A_2973 = tpu.vector_load %arg17[%get3A_2970, %get3A_2971, %get3A_2972] {strides = array<i32>} : memref<2x656x16xf32, #tpu.memory_space<vmem>>, vector<16xf32>,
        %mul3A_2974 = arith.mulf %get3A_2966, %get3A_2973 : vector<16xf32>
        %add3A_2975 = arith.addf %scan3A_2961, %mul3A_2974 : vector<16xf32>
        %scan3A_2976 = arith.constant 1 : i32
        %scan3A_2977 = arith.addi %scan3A_2960, %scan3A_2976 : i32
        %get3A_2978 = arith.constant 0 : i32
        %get3A_2979 = arith.index_cast %get3A_2978 : i32 to index
        %get3A_2980 = arith.index_cast %scan3A_2977 : i32 to index
        %get3A_2981 = arith.constant 0 : index
        %get3A_2982 = tpu.vector_load %arg17[%get3A_2979, %get3A_2980, %get3A_2981] {strides = array<i32>} : memref<2x656x16xf32, #tpu.memory_space<vmem>>, vector<16xf32>,
        %add3A_2983 = arith.constant 325 : i32
        %add3A_2984 = arith.addi %add3A_2983, %scan3A_2977 : i32
        %get3A_2985 = arith.constant 0 : i32
        %get3A_2986 = arith.index_cast %get3A_2985 : i32 to index
        %get3A_2987 = arith.index_cast %add3A_2984 : i32 to index
        %get3A_2988 = arith.constant 0 : index
        %get3A_2989 = tpu.vector_load %arg17[%get3A_2986, %get3A_2987, %get3A_2988] {strides = array<i32>} : memref<2x656x16xf32, #tpu.memory_space<vmem>>, vector<16xf32>,
        %mul3A_2990 = arith.mulf %get3A_2982, %get3A_2989 : vector<16xf32>
        %add3A_2991 = arith.addf %add3A_2975, %mul3A_2990 : vector<16xf32>
        %scan3A_2992 = arith.constant 2 : i32
        %scan3A_2993 = arith.addi %scan3A_2960, %scan3A_2992 : i32
        %get3A_2994 = arith.constant 0 : i32
        %get3A_2995 = arith.index_cast %get3A_2994 : i32 to index
        %get3A_2996 = arith.index_cast %scan3A_2993 : i32 to index
        %get3A_2997 = arith.constant 0 : index
        %get3A_2998 = tpu.vector_load %arg17[%get3A_2995, %get3A_2996, %get3A_2997] {strides = array<i32>} : memref<2x656x16xf32, #tpu.memory_space<vmem>>, vector<16xf32>,
        %add3A_2999 = arith.constant 325 : i32
        %add3A_3000 = arith.addi %add3A_2999, %scan3A_2993 : i32
        %get3A_3001 = arith.constant 0 : i32
        %get3A_3002 = arith.index_cast %get3A_3001 : i32 to index
        %get3A_3003 = arith.index_cast %add3A_3000 : i32 to index
        %get3A_3004 = arith.constant 0 : index
        %get3A_3005 = tpu.vector_load %arg17[%get3A_3002, %get3A_3003, %get3A_3004] {strides = array<i32>} : memref<2x656x16xf32, #tpu.memory_space<vmem>>, vector<16xf32>,
        %mul3A_3006 = arith.mulf %get3A_2998, %get3A_3005 : vector<16xf32>
        %add3A_3007 = arith.addf %add3A_2991, %mul3A_3006 : vector<16xf32>
        %scan3A_3008 = arith.constant 3 : i32
        %scan3A_3009 = arith.addi %scan3A_2960, %scan3A_3008 : i32
        %get3A_3010 = arith.constant 0 : i32
        %get3A_3011 = arith.index_cast %get3A_3010 : i32 to index
        %get3A_3012 = arith.index_cast %scan3A_3009 : i32 to index
        %get3A_3013 = arith.constant 0 : index
        %get3A_3014 = tpu.vector_load %arg17[%get3A_3011, %get3A_3012, %get3A_3013] {strides = array<i32>} : memref<2x656x16xf32, #tpu.memory_space<vmem>>, vector<16xf32>,
        %add3A_3015 = arith.constant 325 : i32
        %add3A_3016 = arith.addi %add3A_3015, %scan3A_3009 : i32
        %get3A_3017 = arith.constant 0 : i32
        %get3A_3018 = arith.index_cast %get3A_3017 : i32 to index
        %get3A_3019 = arith.index_cast %add3A_3016 : i32 to index
        %get3A_3020 = arith.constant 0 : index
        %get3A_3021 = tpu.vector_load %arg17[%get3A_3018, %get3A_3019, %get3A_3020] {strides = array<i32>} : memref<2x656x16xf32, #tpu.memory_space<vmem>>, vector<16xf32>,
        %mul3A_3022 = arith.mulf %get3A_3014, %get3A_3021 : vector<16xf32>
        %add3A_3023 = arith.addf %add3A_3007, %mul3A_3022 : vector<16xf32>
        scf.yield %add3A_3023 : vector<16xf32>
      }
      %scan3A_1590 = arith.constant 324 : i32
      %scan3A_1591 = arith.addi %scan3A_1585, %scan3A_1590 : i32
      %get3A_1592 = arith.constant 0 : i32
      %get3A_1593 = arith.index_cast %get3A_1592 : i32 to index
      %get3A_1594 = arith.index_cast %scan3A_1591 : i32 to index
      %get3A_1595 = arith.constant 0 : index
      %get3A_1596 = tpu.vector_load %arg17[%get3A_1593, %get3A_1594, %get3A_1595] {strides = array<i32>} : memref<2x656x16xf32, #tpu.memory_space<vmem>>, vector<16xf32>,
      %add3A_1597 = arith.constant 325 : i32
      %add3A_1598 = arith.addi %add3A_1597, %scan3A_1591 : i32
      %get3A_1599 = arith.constant 0 : i32
      %get3A_1600 = arith.index_cast %get3A_1599 : i32 to index
      %get3A_1601 = arith.index_cast %add3A_1598 : i32 to index
      %get3A_1602 = arith.constant 0 : index
      %get3A_1603 = tpu.vector_load %arg17[%get3A_1600, %get3A_1601, %get3A_1602] {strides = array<i32>} : memref<2x656x16xf32, #tpu.memory_space<vmem>>, vector<16xf32>,
      %mul3A_1604 = arith.mulf %get3A_1596, %get3A_1603 : vector<16xf32>
      %add3A_1605 = arith.addf %scan3A_1589, %mul3A_1604 : vector<16xf32>
      %scan3A_1606 = arith.constant 325 : i32
      %get3A_1607 = arith.constant 0 : i32
      %get3A_1608 = arith.index_cast %get3A_1607 : i32 to index
      %get3A_1609 = arith.constant 0 : index
      %get3A_1610 = tpu.vector_load %arg18[%get3A_1608, %get3A_1609] {strides = array<i32>} : memref<2x32xf32, #tpu.memory_space<vmem>>, vector<16xf32>,
      %lt3A_1611 = arith.constant 10 : i32
      %lt3A_1612 = vector.broadcast %lt3A_1611 : i32 to vector<16xi32>
      %lt3A_1613 = arith.cmpi slt, %iota3A, %lt3A_1612 : vector<16xi32>
      %get3A_1614 = arith.constant 0 : i32
      %get3A_1615 = arith.index_cast %get3A_1614 : i32 to index
      %get3A_1616 = arith.constant 16 : index
      %get3A_1617 = tpu.vector_load %arg18[%get3A_1615, %get3A_1616] {strides = array<i32>} : memref<2x32xf32, #tpu.memory_space<vmem>>, vector<16xf32>,
      %jit3A_1618 = arith.constant 0.000000e+00 : f32
      %broadcast_in_dim3A_1619 = vector.broadcast %jit3A_1618 : f32 to vector<16xf32>
      %select_n3A_1620 = arith.select %lt3A_1613, %get3A_1617, %broadcast_in_dim3A_1619 : vector<16xi1>, vector<16xf32>
      %add3A_1621 = arith.addf %get3A_1610, %select_n3A_1620 : vector<16xf32>
      %reduce_sum3A_1622 = arith.constant true
      %reduce_sum3A_1623 = vector.broadcast %reduce_sum3A_1622 : i1 to vector<16xi1>
      %reduce_sum3A_1624 = tpu.scan <sum>, %add3A_1605 masked %reduce_sum3A_1623 : vector<16xf32>, vector<16xi1> -> vector<16xf32>
      %reduce_sum3A_1625 = vector.extract %reduce_sum3A_1624[15] : f32 from vector<16xf32>
      %reduce_sum3A_1626 = arith.constant true
      %reduce_sum3A_1627 = vector.broadcast %reduce_sum3A_1626 : i1 to vector<16xi1>
      %reduce_sum3A_1628 = tpu.scan <sum>, %add3A_1621 masked %reduce_sum3A_1627 : vector<16xf32>, vector<16xi1> -> vector<16xf32>
      %reduce_sum3A_1629 = vector.extract %reduce_sum3A_1628[15] : f32 from vector<16xf32>
      %add3A_1630 = arith.addf %reduce_sum3A_1625, %reduce_sum3A_1629 : f32
      %broadcast_in_dim3A_1631 = vector.broadcast %add3A_1479 : i32 to vector<16xi32>
      %broadcast_in_dim3A_1632 = vector.broadcast %add3A_1630 : f32 to vector<16xf32>
      %eq3A_1633 = arith.constant 0 : i32
      %eq3A_1634 = vector.broadcast %eq3A_1633 : i32 to vector<16xi32>
      %eq3A_1635 = arith.cmpi eq, %iota3A, %eq3A_1634 : vector<16xi32>
      tpu.vector_store_idx %arg19[%broadcast_in_dim3A_1631], %broadcast_in_dim3A_1632 masked %eq3A_1635 : memref<128xf32, #tpu.memory_space<vmem>>[vector<16xi32>], vector<16xf32>, vector<16xi1>
      %min3A = arith.constant 127 : i32
      %min3A_1636 = arith.minsi %add3A_1477, %min3A : i32
      %mul3A_1637 = arith.constant 26 : i32
      %mul3A_1638 = arith.muli %min3A_1636, %mul3A_1637 : i32
      %broadcast_in_dim3A_1639 = vector.broadcast %mul3A_1638 : i32 to vector<16xi32>
      %get3A_1640 = arith.constant 0 : index
      %get3A_1641 = tpu.vector_load %arg12[%get3A_1640] {strides = array<i32>} : memref<656xi32, #tpu.memory_space<vmem>>, vector<16xi32>,
      %add3A_1642 = arith.addi %broadcast_in_dim3A_1639, %get3A_1641 : vector<16xi32>
      %gather3A_1643 = tpu.vector_load_idx %arg10[%add3A_1642] : memref<3328xi32, #tpu.memory_space<vmem>>[vector<16xi32>], vector<16xi32>,
      %get3A_1644 = arith.constant 0 : index
      %get3A_1645 = tpu.vector_load %arg11[%get3A_1644] {strides = array<i32>} : memref<656xi32, #tpu.memory_space<vmem>>, vector<16xi32>,
      %add3A_1646 = arith.addi %get3A_1645, %gather3A_1643 : vector<16xi32>
      %swap3A_1647 = arith.constant 0 : i32
      %swap3A_1648 = arith.index_cast %swap3A_1647 : i32 to index
      %swap3A_1649 = arith.constant 0 : index
      %swap3A_1650 = tpu.vector_load %arg15[%swap3A_1648, %swap3A_1649] {strides = array<i32>} : memref<2x656xi32, #tpu.memory_space<vmem>>, vector<16xi32>,
      tpu.vector_store %arg15[%swap3A_1648, %swap3A_1649], %add3A_1646 {strides = array<i32>} : memref<2x656xi32, #tpu.memory_space<vmem>>, vector<16xi32>,
      %get3A_1651 = arith.constant 16 : index
      %get3A_1652 = tpu.vector_load %arg12[%get3A_1651] {strides = array<i32>} : memref<656xi32, #tpu.memory_space<vmem>>, vector<16xi32>,
      %add3A_1653 = arith.addi %broadcast_in_dim3A_1639, %get3A_1652 : vector<16xi32>
      %gather3A_1654 = tpu.vector_load_idx %arg10[%add3A_1653] : memref<3328xi32, #tpu.memory_space<vmem>>[vector<16xi32>], vector<16xi32>,
      %get3A_1655 = arith.constant 16 : index
      %get3A_1656 = tpu.vector_load %arg11[%get3A_1655] {strides = array<i32>} : memref<656xi32, #tpu.memory_space<vmem>>, vector<16xi32>,
      %add3A_1657 = arith.addi %get3A_1656, %gather3A_1654 : vector<16xi32>
      %swap3A_1658 = arith.constant 0 : i32
      %swap3A_1659 = arith.index_cast %swap3A_1658 : i32 to index
      %swap3A_1660 = arith.constant 16 : index
      %swap3A_1661 = tpu.vector_load %arg15[%swap3A_1659, %swap3A_1660] {strides = array<i32>} : memref<2x656xi32, #tpu.memory_space<vmem>>, vector<16xi32>,
      tpu.vector_store %arg15[%swap3A_1659, %swap3A_1660], %add3A_1657 {strides = array<i32>} : memref<2x656xi32, #tpu.memory_space<vmem>>, vector<16xi32>,
      %get3A_1662 = arith.constant 32 : index
      %get3A_1663 = tpu.vector_load %arg12[%get3A_1662] {strides = array<i32>} : memref<656xi32, #tpu.memory_space<vmem>>, vector<16xi32>,
      %add3A_1664 = arith.addi %broadcast_in_dim3A_1639, %get3A_1663 : vector<16xi32>
      %gather3A_1665 = tpu.vector_load_idx %arg10[%add3A_1664] : memref<3328xi32, #tpu.memory_space<vmem>>[vector<16xi32>], vector<16xi32>,
      %get3A_1666 = arith.constant 32 : index
      %get3A_1667 = tpu.vector_load %arg11[%get3A_1666] {strides = array<i32>} : memref<656xi32, #tpu.memory_space<vmem>>, vector<16xi32>,
      %add3A_1668 = arith.addi %get3A_1667, %gather3A_1665 : vector<16xi32>
      %swap3A_1669 = arith.constant 0 : i32
      %swap3A_1670 = arith.index_cast %swap3A_1669 : i32 to index
      %swap3A_1671 = arith.constant 32 : index
      %swap3A_1672 = tpu.vector_load %arg15[%swap3A_1670, %swap3A_1671] {strides = array<i32>} : memref<2x656xi32, #tpu.memory_space<vmem>>, vector<16xi32>,
      tpu.vector_store %arg15[%swap3A_1670, %swap3A_1671], %add3A_1668 {strides = array<i32>} : memref<2x656xi32, #tpu.memory_space<vmem>>, vector<16xi32>,
      %get3A_1673 = arith.constant 48 : index
      %get3A_1674 = tpu.vector_load %arg12[%get3A_1673] {strides = array<i32>} : memref<656xi32, #tpu.memory_space<vmem>>, vector<16xi32>,
      %add3A_1675 = arith.addi %broadcast_in_dim3A_1639, %get3A_1674 : vector<16xi32>
      %gather3A_1676 = tpu.vector_load_idx %arg10[%add3A_1675] : memref<3328xi32, #tpu.memory_space<vmem>>[vector<16xi32>], vector<16xi32>,
      %get3A_1677 = arith.constant 48 : index
      %get3A_1678 = tpu.vector_load %arg11[%get3A_1677] {strides = array<i32>} : memref<656xi32, #tpu.memory_space<vmem>>, vector<16xi32>,
      %add3A_1679 = arith.addi %get3A_1678, %gather3A_1676 : vector<16xi32>
      %swap3A_1680 = arith.constant 0 : i32
      %swap3A_1681 = arith.index_cast %swap3A_1680 : i32 to index
      %swap3A_1682 = arith.constant 48 : index
      %swap3A_1683 = tpu.vector_load %arg15[%swap3A_1681, %swap3A_1682] {strides = array<i32>} : memref<2x656xi32, #tpu.memory_space<vmem>>, vector<16xi32>,
      tpu.vector_store %arg15[%swap3A_1681, %swap3A_1682], %add3A_1679 {strides = array<i32>} : memref<2x656xi32, #tpu.memory_space<vmem>>, vector<16xi32>,
      %get3A_1684 = arith.constant 64 : index
      %get3A_1685 = tpu.vector_load %arg12[%get3A_1684] {strides = array<i32>} : memref<656xi32, #tpu.memory_space<vmem>>, vector<16xi32>,
      %add3A_1686 = arith.addi %broadcast_in_dim3A_1639, %get3A_1685 : vector<16xi32>
      %gather3A_1687 = tpu.vector_load_idx %arg10[%add3A_1686] : memref<3328xi32, #tpu.memory_space<vmem>>[vector<16xi32>], vector<16xi32>,
      %get3A_1688 = arith.constant 64 : index
      %get3A_1689 = tpu.vector_load %arg11[%get3A_1688] {strides = array<i32>} : memref<656xi32, #tpu.memory_space<vmem>>, vector<16xi32>,
      %add3A_1690 = arith.addi %get3A_1689, %gather3A_1687 : vector<16xi32>
      %swap3A_1691 = arith.constant 0 : i32
      %swap3A_1692 = arith.index_cast %swap3A_1691 : i32 to index
      %swap3A_1693 = arith.constant 64 : index
      %swap3A_1694 = tpu.vector_load %arg15[%swap3A_1692, %swap3A_1693] {strides = array<i32>} : memref<2x656xi32, #tpu.memory_space<vmem>>, vector<16xi32>,
      tpu.vector_store %arg15[%swap3A_1692, %swap3A_1693], %add3A_1690 {strides = array<i32>} : memref<2x656xi32, #tpu.memory_space<vmem>>, vector<16xi32>,
      %get3A_1695 = arith.constant 80 : index
      %get3A_1696 = tpu.vector_load %arg12[%get3A_1695] {strides = array<i32>} : memref<656xi32, #tpu.memory_space<vmem>>, vector<16xi32>,
      %add3A_1697 = arith.addi %broadcast_in_dim3A_1639, %get3A_1696 : vector<16xi32>
      %gather3A_1698 = tpu.vector_load_idx %arg10[%add3A_1697] : memref<3328xi32, #tpu.memory_space<vmem>>[vector<16xi32>], vector<16xi32>,
      %get3A_1699 = arith.constant 80 : index
      %get3A_1700 = tpu.vector_load %arg11[%get3A_1699] {strides = array<i32>} : memref<656xi32, #tpu.memory_space<vmem>>, vector<16xi32>,
      %add3A_1701 = arith.addi %get3A_1700, %gather3A_1698 : vector<16xi32>
      %swap3A_1702 = arith.constant 0 : i32
      %swap3A_1703 = arith.index_cast %swap3A_1702 : i32 to index
      %swap3A_1704 = arith.constant 80 : index
      %swap3A_1705 = tpu.vector_load %arg15[%swap3A_1703, %swap3A_1704] {strides = array<i32>} : memref<2x656xi32, #tpu.memory_space<vmem>>, vector<16xi32>,
      tpu.vector_store %arg15[%swap3A_1703, %swap3A_1704], %add3A_1701 {strides = array<i32>} : memref<2x656xi32, #tpu.memory_space<vmem>>, vector<16xi32>,
      %get3A_1706 = arith.constant 96 : index
      %get3A_1707 = tpu.vector_load %arg12[%get3A_1706] {strides = array<i32>} : memref<656xi32, #tpu.memory_space<vmem>>, vector<16xi32>,
      %add3A_1708 = arith.addi %broadcast_in_dim3A_1639, %get3A_1707 : vector<16xi32>
      %gather3A_1709 = tpu.vector_load_idx %arg10[%add3A_1708] : memref<3328xi32, #tpu.memory_space<vmem>>[vector<16xi32>], vector<16xi32>,
      %get3A_1710 = arith.constant 96 : index
      %get3A_1711 = tpu.vector_load %arg11[%get3A_1710] {strides = array<i32>} : memref<656xi32, #tpu.memory_space<vmem>>, vector<16xi32>,
      %add3A_1712 = arith.addi %get3A_1711, %gather3A_1709 : vector<16xi32>
      %swap3A_1713 = arith.constant 0 : i32
      %swap3A_1714 = arith.index_cast %swap3A_1713 : i32 to index
      %swap3A_1715 = arith.constant 96 : index
      %swap3A_1716 = tpu.vector_load %arg15[%swap3A_1714, %swap3A_1715] {strides = array<i32>} : memref<2x656xi32, #tpu.memory_space<vmem>>, vector<16xi32>,
      tpu.vector_store %arg15[%swap3A_1714, %swap3A_1715], %add3A_1712 {strides = array<i32>} : memref<2x656xi32, #tpu.memory_space<vmem>>, vector<16xi32>,
      %get3A_1717 = arith.constant 112 : index
      %get3A_1718 = tpu.vector_load %arg12[%get3A_1717] {strides = array<i32>} : memref<656xi32, #tpu.memory_space<vmem>>, vector<16xi32>,
      %add3A_1719 = arith.addi %broadcast_in_dim3A_1639, %get3A_1718 : vector<16xi32>
      %gather3A_1720 = tpu.vector_load_idx %arg10[%add3A_1719] : memref<3328xi32, #tpu.memory_space<vmem>>[vector<16xi32>], vector<16xi32>,
      %get3A_1721 = arith.constant 112 : index
      %get3A_1722 = tpu.vector_load %arg11[%get3A_1721] {strides = array<i32>} : memref<656xi32, #tpu.memory_space<vmem>>, vector<16xi32>,
      %add3A_1723 = arith.addi %get3A_1722, %gather3A_1720 : vector<16xi32>
      %swap3A_1724 = arith.constant 0 : i32
      %swap3A_1725 = arith.index_cast %swap3A_1724 : i32 to index
      %swap3A_1726 = arith.constant 112 : index
      %swap3A_1727 = tpu.vector_load %arg15[%swap3A_1725, %swap3A_1726] {strides = array<i32>} : memref<2x656xi32, #tpu.memory_space<vmem>>, vector<16xi32>,
      tpu.vector_store %arg15[%swap3A_1725, %swap3A_1726], %add3A_1723 {strides = array<i32>} : memref<2x656xi32, #tpu.memory_space<vmem>>, vector<16xi32>,
      %get3A_1728 = arith.constant 128 : index
      %get3A_1729 = tpu.vector_load %arg12[%get3A_1728] {strides = array<i32>} : memref<656xi32, #tpu.memory_space<vmem>>, vector<16xi32>,
      %add3A_1730 = arith.addi %broadcast_in_dim3A_1639, %get3A_1729 : vector<16xi32>
      %gather3A_1731 = tpu.vector_load_idx %arg10[%add3A_1730] : memref<3328xi32, #tpu.memory_space<vmem>>[vector<16xi32>], vector<16xi32>,
      %get3A_1732 = arith.constant 128 : index
      %get3A_1733 = tpu.vector_load %arg11[%get3A_1732] {strides = array<i32>} : memref<656xi32, #tpu.memory_space<vmem>>, vector<16xi32>,
      %add3A_1734 = arith.addi %get3A_1733, %gather3A_1731 : vector<16xi32>
      %swap3A_1735 = arith.constant 0 : i32
      %swap3A_1736 = arith.index_cast %swap3A_1735 : i32 to index
      %swap3A_1737 = arith.constant 128 : index
      %swap3A_1738 = tpu.vector_load %arg15[%swap3A_1736, %swap3A_1737] {strides = array<i32>} : memref<2x656xi32, #tpu.memory_space<vmem>>, vector<16xi32>,
      tpu.vector_store %arg15[%swap3A_1736, %swap3A_1737], %add3A_1734 {strides = array<i32>} : memref<2x656xi32, #tpu.memory_space<vmem>>, vector<16xi32>,
      %get3A_1739 = arith.constant 144 : index
      %get3A_1740 = tpu.vector_load %arg12[%get3A_1739] {strides = array<i32>} : memref<656xi32, #tpu.memory_space<vmem>>, vector<16xi32>,
      %add3A_1741 = arith.addi %broadcast_in_dim3A_1639, %get3A_1740 : vector<16xi32>
      %gather3A_1742 = tpu.vector_load_idx %arg10[%add3A_1741] : memref<3328xi32, #tpu.memory_space<vmem>>[vector<16xi32>], vector<16xi32>,
      %get3A_1743 = arith.constant 144 : index
      %get3A_1744 = tpu.vector_load %arg11[%get3A_1743] {strides = array<i32>} : memref<656xi32, #tpu.memory_space<vmem>>, vector<16xi32>,
      %add3A_1745 = arith.addi %get3A_1744, %gather3A_1742 : vector<16xi32>
      %swap3A_1746 = arith.constant 0 : i32
      %swap3A_1747 = arith.index_cast %swap3A_1746 : i32 to index
      %swap3A_1748 = arith.constant 144 : index
      %swap3A_1749 = tpu.vector_load %arg15[%swap3A_1747, %swap3A_1748] {strides = array<i32>} : memref<2x656xi32, #tpu.memory_space<vmem>>, vector<16xi32>,
      tpu.vector_store %arg15[%swap3A_1747, %swap3A_1748], %add3A_1745 {strides = array<i32>} : memref<2x656xi32, #tpu.memory_space<vmem>>, vector<16xi32>,
      %get3A_1750 = arith.constant 160 : index
      %get3A_1751 = tpu.vector_load %arg12[%get3A_1750] {strides = array<i32>} : memref<656xi32, #tpu.memory_space<vmem>>, vector<16xi32>,
      %add3A_1752 = arith.addi %broadcast_in_dim3A_1639, %get3A_1751 : vector<16xi32>
      %gather3A_1753 = tpu.vector_load_idx %arg10[%add3A_1752] : memref<3328xi32, #tpu.memory_space<vmem>>[vector<16xi32>], vector<16xi32>,
      %get3A_1754 = arith.constant 160 : index
      %get3A_1755 = tpu.vector_load %arg11[%get3A_1754] {strides = array<i32>} : memref<656xi32, #tpu.memory_space<vmem>>, vector<16xi32>,
      %add3A_1756 = arith.addi %get3A_1755, %gather3A_1753 : vector<16xi32>
      %swap3A_1757 = arith.constant 0 : i32
      %swap3A_1758 = arith.index_cast %swap3A_1757 : i32 to index
      %swap3A_1759 = arith.constant 160 : index
      %swap3A_1760 = tpu.vector_load %arg15[%swap3A_1758, %swap3A_1759] {strides = array<i32>} : memref<2x656xi32, #tpu.memory_space<vmem>>, vector<16xi32>,
      tpu.vector_store %arg15[%swap3A_1758, %swap3A_1759], %add3A_1756 {strides = array<i32>} : memref<2x656xi32, #tpu.memory_space<vmem>>, vector<16xi32>,
      %get3A_1761 = arith.constant 176 : index
      %get3A_1762 = tpu.vector_load %arg12[%get3A_1761] {strides = array<i32>} : memref<656xi32, #tpu.memory_space<vmem>>, vector<16xi32>,
      %add3A_1763 = arith.addi %broadcast_in_dim3A_1639, %get3A_1762 : vector<16xi32>
      %gather3A_1764 = tpu.vector_load_idx %arg10[%add3A_1763] : memref<3328xi32, #tpu.memory_space<vmem>>[vector<16xi32>], vector<16xi32>,
      %get3A_1765 = arith.constant 176 : index
      %get3A_1766 = tpu.vector_load %arg11[%get3A_1765] {strides = array<i32>} : memref<656xi32, #tpu.memory_space<vmem>>, vector<16xi32>,
      %add3A_1767 = arith.addi %get3A_1766, %gather3A_1764 : vector<16xi32>
      %swap3A_1768 = arith.constant 0 : i32
      %swap3A_1769 = arith.index_cast %swap3A_1768 : i32 to index
      %swap3A_1770 = arith.constant 176 : index
      %swap3A_1771 = tpu.vector_load %arg15[%swap3A_1769, %swap3A_1770] {strides = array<i32>} : memref<2x656xi32, #tpu.memory_space<vmem>>, vector<16xi32>,
      tpu.vector_store %arg15[%swap3A_1769, %swap3A_1770], %add3A_1767 {strides = array<i32>} : memref<2x656xi32, #tpu.memory_space<vmem>>, vector<16xi32>,
      %get3A_1772 = arith.constant 192 : index
      %get3A_1773 = tpu.vector_load %arg12[%get3A_1772] {strides = array<i32>} : memref<656xi32, #tpu.memory_space<vmem>>, vector<16xi32>,
      %add3A_1774 = arith.addi %broadcast_in_dim3A_1639, %get3A_1773 : vector<16xi32>
      %gather3A_1775 = tpu.vector_load_idx %arg10[%add3A_1774] : memref<3328xi32, #tpu.memory_space<vmem>>[vector<16xi32>], vector<16xi32>,
      %get3A_1776 = arith.constant 192 : index
      %get3A_1777 = tpu.vector_load %arg11[%get3A_1776] {strides = array<i32>} : memref<656xi32, #tpu.memory_space<vmem>>, vector<16xi32>,
      %add3A_1778 = arith.addi %get3A_1777, %gather3A_1775 : vector<16xi32>
      %swap3A_1779 = arith.constant 0 : i32
      %swap3A_1780 = arith.index_cast %swap3A_1779 : i32 to index
      %swap3A_1781 = arith.constant 192 : index
      %swap3A_1782 = tpu.vector_load %arg15[%swap3A_1780, %swap3A_1781] {strides = array<i32>} : memref<2x656xi32, #tpu.memory_space<vmem>>, vector<16xi32>,
      tpu.vector_store %arg15[%swap3A_1780, %swap3A_1781], %add3A_1778 {strides = array<i32>} : memref<2x656xi32, #tpu.memory_space<vmem>>, vector<16xi32>,
      %get3A_1783 = arith.constant 208 : index
      %get3A_1784 = tpu.vector_load %arg12[%get3A_1783] {strides = array<i32>} : memref<656xi32, #tpu.memory_space<vmem>>, vector<16xi32>,
      %add3A_1785 = arith.addi %broadcast_in_dim3A_1639, %get3A_1784 : vector<16xi32>
      %gather3A_1786 = tpu.vector_load_idx %arg10[%add3A_1785] : memref<3328xi32, #tpu.memory_space<vmem>>[vector<16xi32>], vector<16xi32>,
      %get3A_1787 = arith.constant 208 : index
      %get3A_1788 = tpu.vector_load %arg11[%get3A_1787] {strides = array<i32>} : memref<656xi32, #tpu.memory_space<vmem>>, vector<16xi32>,
      %add3A_1789 = arith.addi %get3A_1788, %gather3A_1786 : vector<16xi32>
      %swap3A_1790 = arith.constant 0 : i32
      %swap3A_1791 = arith.index_cast %swap3A_1790 : i32 to index
      %swap3A_1792 = arith.constant 208 : index
      %swap3A_1793 = tpu.vector_load %arg15[%swap3A_1791, %swap3A_1792] {strides = array<i32>} : memref<2x656xi32, #tpu.memory_space<vmem>>, vector<16xi32>,
      tpu.vector_store %arg15[%swap3A_1791, %swap3A_1792], %add3A_1789 {strides = array<i32>} : memref<2x656xi32, #tpu.memory_space<vmem>>, vector<16xi32>,
      %get3A_1794 = arith.constant 224 : index
      %get3A_1795 = tpu.vector_load %arg12[%get3A_1794] {strides = array<i32>} : memref<656xi32, #tpu.memory_space<vmem>>, vector<16xi32>,
      %add3A_1796 = arith.addi %broadcast_in_dim3A_1639, %get3A_1795 : vector<16xi32>
      %gather3A_1797 = tpu.vector_load_idx %arg10[%add3A_1796] : memref<3328xi32, #tpu.memory_space<vmem>>[vector<16xi32>], vector<16xi32>,
      %get3A_1798 = arith.constant 224 : index
      %get3A_1799 = tpu.vector_load %arg11[%get3A_1798] {strides = array<i32>} : memref<656xi32, #tpu.memory_space<vmem>>, vector<16xi32>,
      %add3A_1800 = arith.addi %get3A_1799, %gather3A_1797 : vector<16xi32>
      %swap3A_1801 = arith.constant 0 : i32
      %swap3A_1802 = arith.index_cast %swap3A_1801 : i32 to index
      %swap3A_1803 = arith.constant 224 : index
      %swap3A_1804 = tpu.vector_load %arg15[%swap3A_1802, %swap3A_1803] {strides = array<i32>} : memref<2x656xi32, #tpu.memory_space<vmem>>, vector<16xi32>,
      tpu.vector_store %arg15[%swap3A_1802, %swap3A_1803], %add3A_1800 {strides = array<i32>} : memref<2x656xi32, #tpu.memory_space<vmem>>, vector<16xi32>,
      %get3A_1805 = arith.constant 240 : index
      %get3A_1806 = tpu.vector_load %arg12[%get3A_1805] {strides = array<i32>} : memref<656xi32, #tpu.memory_space<vmem>>, vector<16xi32>,
      %add3A_1807 = arith.addi %broadcast_in_dim3A_1639, %get3A_1806 : vector<16xi32>
      %gather3A_1808 = tpu.vector_load_idx %arg10[%add3A_1807] : memref<3328xi32, #tpu.memory_space<vmem>>[vector<16xi32>], vector<16xi32>,
      %get3A_1809 = arith.constant 240 : index
      %get3A_1810 = tpu.vector_load %arg11[%get3A_1809] {strides = array<i32>} : memref<656xi32, #tpu.memory_space<vmem>>, vector<16xi32>,
      %add3A_1811 = arith.addi %get3A_1810, %gather3A_1808 : vector<16xi32>
      %swap3A_1812 = arith.constant 0 : i32
      %swap3A_1813 = arith.index_cast %swap3A_1812 : i32 to index
      %swap3A_1814 = arith.constant 240 : index
      %swap3A_1815 = tpu.vector_load %arg15[%swap3A_1813, %swap3A_1814] {strides = array<i32>} : memref<2x656xi32, #tpu.memory_space<vmem>>, vector<16xi32>,
      tpu.vector_store %arg15[%swap3A_1813, %swap3A_1814], %add3A_1811 {strides = array<i32>} : memref<2x656xi32, #tpu.memory_space<vmem>>, vector<16xi32>,
      %get3A_1816 = arith.constant 256 : index
      %get3A_1817 = tpu.vector_load %arg12[%get3A_1816] {strides = array<i32>} : memref<656xi32, #tpu.memory_space<vmem>>, vector<16xi32>,
      %add3A_1818 = arith.addi %broadcast_in_dim3A_1639, %get3A_1817 : vector<16xi32>
      %gather3A_1819 = tpu.vector_load_idx %arg10[%add3A_1818] : memref<3328xi32, #tpu.memory_space<vmem>>[vector<16xi32>], vector<16xi32>,
      %get3A_1820 = arith.constant 256 : index
      %get3A_1821 = tpu.vector_load %arg11[%get3A_1820] {strides = array<i32>} : memref<656xi32, #tpu.memory_space<vmem>>, vector<16xi32>,
      %add3A_1822 = arith.addi %get3A_1821, %gather3A_1819 : vector<16xi32>
      %swap3A_1823 = arith.constant 0 : i32
      %swap3A_1824 = arith.index_cast %swap3A_1823 : i32 to index
      %swap3A_1825 = arith.constant 256 : index
      %swap3A_1826 = tpu.vector_load %arg15[%swap3A_1824, %swap3A_1825] {strides = array<i32>} : memref<2x656xi32, #tpu.memory_space<vmem>>, vector<16xi32>,
      tpu.vector_store %arg15[%swap3A_1824, %swap3A_1825], %add3A_1822 {strides = array<i32>} : memref<2x656xi32, #tpu.memory_space<vmem>>, vector<16xi32>,
      %get3A_1827 = arith.constant 272 : index
      %get3A_1828 = tpu.vector_load %arg12[%get3A_1827] {strides = array<i32>} : memref<656xi32, #tpu.memory_space<vmem>>, vector<16xi32>,
      %add3A_1829 = arith.addi %broadcast_in_dim3A_1639, %get3A_1828 : vector<16xi32>
      %gather3A_1830 = tpu.vector_load_idx %arg10[%add3A_1829] : memref<3328xi32, #tpu.memory_space<vmem>>[vector<16xi32>], vector<16xi32>,
      %get3A_1831 = arith.constant 272 : index
      %get3A_1832 = tpu.vector_load %arg11[%get3A_1831] {strides = array<i32>} : memref<656xi32, #tpu.memory_space<vmem>>, vector<16xi32>,
      %add3A_1833 = arith.addi %get3A_1832, %gather3A_1830 : vector<16xi32>
      %swap3A_1834 = arith.constant 0 : i32
      %swap3A_1835 = arith.index_cast %swap3A_1834 : i32 to index
      %swap3A_1836 = arith.constant 272 : index
      %swap3A_1837 = tpu.vector_load %arg15[%swap3A_1835, %swap3A_1836] {strides = array<i32>} : memref<2x656xi32, #tpu.memory_space<vmem>>, vector<16xi32>,
      tpu.vector_store %arg15[%swap3A_1835, %swap3A_1836], %add3A_1833 {strides = array<i32>} : memref<2x656xi32, #tpu.memory_space<vmem>>, vector<16xi32>,
      %get3A_1838 = arith.constant 288 : index
      %get3A_1839 = tpu.vector_load %arg12[%get3A_1838] {strides = array<i32>} : memref<656xi32, #tpu.memory_space<vmem>>, vector<16xi32>,
      %add3A_1840 = arith.addi %broadcast_in_dim3A_1639, %get3A_1839 : vector<16xi32>
      %gather3A_1841 = tpu.vector_load_idx %arg10[%add3A_1840] : memref<3328xi32, #tpu.memory_space<vmem>>[vector<16xi32>], vector<16xi32>,
      %get3A_1842 = arith.constant 288 : index
      %get3A_1843 = tpu.vector_load %arg11[%get3A_1842] {strides = array<i32>} : memref<656xi32, #tpu.memory_space<vmem>>, vector<16xi32>,
      %add3A_1844 = arith.addi %get3A_1843, %gather3A_1841 : vector<16xi32>
      %swap3A_1845 = arith.constant 0 : i32
      %swap3A_1846 = arith.index_cast %swap3A_1845 : i32 to index
      %swap3A_1847 = arith.constant 288 : index
      %swap3A_1848 = tpu.vector_load %arg15[%swap3A_1846, %swap3A_1847] {strides = array<i32>} : memref<2x656xi32, #tpu.memory_space<vmem>>, vector<16xi32>,
      tpu.vector_store %arg15[%swap3A_1846, %swap3A_1847], %add3A_1844 {strides = array<i32>} : memref<2x656xi32, #tpu.memory_space<vmem>>, vector<16xi32>,
      %get3A_1849 = arith.constant 304 : index
      %get3A_1850 = tpu.vector_load %arg12[%get3A_1849] {strides = array<i32>} : memref<656xi32, #tpu.memory_space<vmem>>, vector<16xi32>,
      %add3A_1851 = arith.addi %broadcast_in_dim3A_1639, %get3A_1850 : vector<16xi32>
      %gather3A_1852 = tpu.vector_load_idx %arg10[%add3A_1851] : memref<3328xi32, #tpu.memory_space<vmem>>[vector<16xi32>], vector<16xi32>,
      %get3A_1853 = arith.constant 304 : index
      %get3A_1854 = tpu.vector_load %arg11[%get3A_1853] {strides = array<i32>} : memref<656xi32, #tpu.memory_space<vmem>>, vector<16xi32>,
      %add3A_1855 = arith.addi %get3A_1854, %gather3A_1852 : vector<16xi32>
      %swap3A_1856 = arith.constant 0 : i32
      %swap3A_1857 = arith.index_cast %swap3A_1856 : i32 to index
      %swap3A_1858 = arith.constant 304 : index
      %swap3A_1859 = tpu.vector_load %arg15[%swap3A_1857, %swap3A_1858] {strides = array<i32>} : memref<2x656xi32, #tpu.memory_space<vmem>>, vector<16xi32>,
      tpu.vector_store %arg15[%swap3A_1857, %swap3A_1858], %add3A_1855 {strides = array<i32>} : memref<2x656xi32, #tpu.memory_space<vmem>>, vector<16xi32>,
      %get3A_1860 = arith.constant 320 : index
      %get3A_1861 = tpu.vector_load %arg12[%get3A_1860] {strides = array<i32>} : memref<656xi32, #tpu.memory_space<vmem>>, vector<16xi32>,
      %add3A_1862 = arith.addi %broadcast_in_dim3A_1639, %get3A_1861 : vector<16xi32>
      %gather3A_1863 = tpu.vector_load_idx %arg10[%add3A_1862] : memref<3328xi32, #tpu.memory_space<vmem>>[vector<16xi32>], vector<16xi32>,
      %get3A_1864 = arith.constant 320 : index
      %get3A_1865 = tpu.vector_load %arg11[%get3A_1864] {strides = array<i32>} : memref<656xi32, #tpu.memory_space<vmem>>, vector<16xi32>,
      %add3A_1866 = arith.addi %get3A_1865, %gather3A_1863 : vector<16xi32>
      %swap3A_1867 = arith.constant 0 : i32
      %swap3A_1868 = arith.index_cast %swap3A_1867 : i32 to index
      %swap3A_1869 = arith.constant 320 : index
      %swap3A_1870 = tpu.vector_load %arg15[%swap3A_1868, %swap3A_1869] {strides = array<i32>} : memref<2x656xi32, #tpu.memory_space<vmem>>, vector<16xi32>,
      tpu.vector_store %arg15[%swap3A_1868, %swap3A_1869], %add3A_1866 {strides = array<i32>} : memref<2x656xi32, #tpu.memory_space<vmem>>, vector<16xi32>,
      %get3A_1871 = arith.constant 336 : index
      %get3A_1872 = tpu.vector_load %arg12[%get3A_1871] {strides = array<i32>} : memref<656xi32, #tpu.memory_space<vmem>>, vector<16xi32>,
      %add3A_1873 = arith.addi %broadcast_in_dim3A_1639, %get3A_1872 : vector<16xi32>
      %gather3A_1874 = tpu.vector_load_idx %arg10[%add3A_1873] : memref<3328xi32, #tpu.memory_space<vmem>>[vector<16xi32>], vector<16xi32>,
      %get3A_1875 = arith.constant 336 : index
      %get3A_1876 = tpu.vector_load %arg11[%get3A_1875] {strides = array<i32>} : memref<656xi32, #tpu.memory_space<vmem>>, vector<16xi32>,
      %add3A_1877 = arith.addi %get3A_1876, %gather3A_1874 : vector<16xi32>
      %swap3A_1878 = arith.constant 0 : i32
      %swap3A_1879 = arith.index_cast %swap3A_1878 : i32 to index
      %swap3A_1880 = arith.constant 336 : index
      %swap3A_1881 = tpu.vector_load %arg15[%swap3A_1879, %swap3A_1880] {strides = array<i32>} : memref<2x656xi32, #tpu.memory_space<vmem>>, vector<16xi32>,
      tpu.vector_store %arg15[%swap3A_1879, %swap3A_1880], %add3A_1877 {strides = array<i32>} : memref<2x656xi32, #tpu.memory_space<vmem>>, vector<16xi32>,
      %get3A_1882 = arith.constant 352 : index
      %get3A_1883 = tpu.vector_load %arg12[%get3A_1882] {strides = array<i32>} : memref<656xi32, #tpu.memory_space<vmem>>, vector<16xi32>,
      %add3A_1884 = arith.addi %broadcast_in_dim3A_1639, %get3A_1883 : vector<16xi32>
      %gather3A_1885 = tpu.vector_load_idx %arg10[%add3A_1884] : memref<3328xi32, #tpu.memory_space<vmem>>[vector<16xi32>], vector<16xi32>,
      %get3A_1886 = arith.constant 352 : index
      %get3A_1887 = tpu.vector_load %arg11[%get3A_1886] {strides = array<i32>} : memref<656xi32, #tpu.memory_space<vmem>>, vector<16xi32>,
      %add3A_1888 = arith.addi %get3A_1887, %gather3A_1885 : vector<16xi32>
      %swap3A_1889 = arith.constant 0 : i32
      %swap3A_1890 = arith.index_cast %swap3A_1889 : i32 to index
      %swap3A_1891 = arith.constant 352 : index
      %swap3A_1892 = tpu.vector_load %arg15[%swap3A_1890, %swap3A_1891] {strides = array<i32>} : memref<2x656xi32, #tpu.memory_space<vmem>>, vector<16xi32>,
      tpu.vector_store %arg15[%swap3A_1890, %swap3A_1891], %add3A_1888 {strides = array<i32>} : memref<2x656xi32, #tpu.memory_space<vmem>>, vector<16xi32>,
      %get3A_1893 = arith.constant 368 : index
      %get3A_1894 = tpu.vector_load %arg12[%get3A_1893] {strides = array<i32>} : memref<656xi32, #tpu.memory_space<vmem>>, vector<16xi32>,
      %add3A_1895 = arith.addi %broadcast_in_dim3A_1639, %get3A_1894 : vector<16xi32>
      %gather3A_1896 = tpu.vector_load_idx %arg10[%add3A_1895] : memref<3328xi32, #tpu.memory_space<vmem>>[vector<16xi32>], vector<16xi32>,
      %get3A_1897 = arith.constant 368 : index
      %get3A_1898 = tpu.vector_load %arg11[%get3A_1897] {strides = array<i32>} : memref<656xi32, #tpu.memory_space<vmem>>, vector<16xi32>,
      %add3A_1899 = arith.addi %get3A_1898, %gather3A_1896 : vector<16xi32>
      %swap3A_1900 = arith.constant 0 : i32
      %swap3A_1901 = arith.index_cast %swap3A_1900 : i32 to index
      %swap3A_1902 = arith.constant 368 : index
      %swap3A_1903 = tpu.vector_load %arg15[%swap3A_1901, %swap3A_1902] {strides = array<i32>} : memref<2x656xi32, #tpu.memory_space<vmem>>, vector<16xi32>,
      tpu.vector_store %arg15[%swap3A_1901, %swap3A_1902], %add3A_1899 {strides = array<i32>} : memref<2x656xi32, #tpu.memory_space<vmem>>, vector<16xi32>,
      %get3A_1904 = arith.constant 384 : index
      %get3A_1905 = tpu.vector_load %arg12[%get3A_1904] {strides = array<i32>} : memref<656xi32, #tpu.memory_space<vmem>>, vector<16xi32>,
      %add3A_1906 = arith.addi %broadcast_in_dim3A_1639, %get3A_1905 : vector<16xi32>
      %gather3A_1907 = tpu.vector_load_idx %arg10[%add3A_1906] : memref<3328xi32, #tpu.memory_space<vmem>>[vector<16xi32>], vector<16xi32>,
      %get3A_1908 = arith.constant 384 : index
      %get3A_1909 = tpu.vector_load %arg11[%get3A_1908] {strides = array<i32>} : memref<656xi32, #tpu.memory_space<vmem>>, vector<16xi32>,
      %add3A_1910 = arith.addi %get3A_1909, %gather3A_1907 : vector<16xi32>
      %swap3A_1911 = arith.constant 0 : i32
      %swap3A_1912 = arith.index_cast %swap3A_1911 : i32 to index
      %swap3A_1913 = arith.constant 384 : index
      %swap3A_1914 = tpu.vector_load %arg15[%swap3A_1912, %swap3A_1913] {strides = array<i32>} : memref<2x656xi32, #tpu.memory_space<vmem>>, vector<16xi32>,
      tpu.vector_store %arg15[%swap3A_1912, %swap3A_1913], %add3A_1910 {strides = array<i32>} : memref<2x656xi32, #tpu.memory_space<vmem>>, vector<16xi32>,
      %get3A_1915 = arith.constant 400 : index
      %get3A_1916 = tpu.vector_load %arg12[%get3A_1915] {strides = array<i32>} : memref<656xi32, #tpu.memory_space<vmem>>, vector<16xi32>,
      %add3A_1917 = arith.addi %broadcast_in_dim3A_1639, %get3A_1916 : vector<16xi32>
      %gather3A_1918 = tpu.vector_load_idx %arg10[%add3A_1917] : memref<3328xi32, #tpu.memory_space<vmem>>[vector<16xi32>], vector<16xi32>,
      %get3A_1919 = arith.constant 400 : index
      %get3A_1920 = tpu.vector_load %arg11[%get3A_1919] {strides = array<i32>} : memref<656xi32, #tpu.memory_space<vmem>>, vector<16xi32>,
      %add3A_1921 = arith.addi %get3A_1920, %gather3A_1918 : vector<16xi32>
      %swap3A_1922 = arith.constant 0 : i32
      %swap3A_1923 = arith.index_cast %swap3A_1922 : i32 to index
      %swap3A_1924 = arith.constant 400 : index
      %swap3A_1925 = tpu.vector_load %arg15[%swap3A_1923, %swap3A_1924] {strides = array<i32>} : memref<2x656xi32, #tpu.memory_space<vmem>>, vector<16xi32>,
      tpu.vector_store %arg15[%swap3A_1923, %swap3A_1924], %add3A_1921 {strides = array<i32>} : memref<2x656xi32, #tpu.memory_space<vmem>>, vector<16xi32>,
      %get3A_1926 = arith.constant 416 : index
      %get3A_1927 = tpu.vector_load %arg12[%get3A_1926] {strides = array<i32>} : memref<656xi32, #tpu.memory_space<vmem>>, vector<16xi32>,
      %add3A_1928 = arith.addi %broadcast_in_dim3A_1639, %get3A_1927 : vector<16xi32>
      %gather3A_1929 = tpu.vector_load_idx %arg10[%add3A_1928] : memref<3328xi32, #tpu.memory_space<vmem>>[vector<16xi32>], vector<16xi32>,
      %get3A_1930 = arith.constant 416 : index
      %get3A_1931 = tpu.vector_load %arg11[%get3A_1930] {strides = array<i32>} : memref<656xi32, #tpu.memory_space<vmem>>, vector<16xi32>,
      %add3A_1932 = arith.addi %get3A_1931, %gather3A_1929 : vector<16xi32>
      %swap3A_1933 = arith.constant 0 : i32
      %swap3A_1934 = arith.index_cast %swap3A_1933 : i32 to index
      %swap3A_1935 = arith.constant 416 : index
      %swap3A_1936 = tpu.vector_load %arg15[%swap3A_1934, %swap3A_1935] {strides = array<i32>} : memref<2x656xi32, #tpu.memory_space<vmem>>, vector<16xi32>,
      tpu.vector_store %arg15[%swap3A_1934, %swap3A_1935], %add3A_1932 {strides = array<i32>} : memref<2x656xi32, #tpu.memory_space<vmem>>, vector<16xi32>,
      %get3A_1937 = arith.constant 432 : index
      %get3A_1938 = tpu.vector_load %arg12[%get3A_1937] {strides = array<i32>} : memref<656xi32, #tpu.memory_space<vmem>>, vector<16xi32>,
      %add3A_1939 = arith.addi %broadcast_in_dim3A_1639, %get3A_1938 : vector<16xi32>
      %gather3A_1940 = tpu.vector_load_idx %arg10[%add3A_1939] : memref<3328xi32, #tpu.memory_space<vmem>>[vector<16xi32>], vector<16xi32>,
      %get3A_1941 = arith.constant 432 : index
      %get3A_1942 = tpu.vector_load %arg11[%get3A_1941] {strides = array<i32>} : memref<656xi32, #tpu.memory_space<vmem>>, vector<16xi32>,
      %add3A_1943 = arith.addi %get3A_1942, %gather3A_1940 : vector<16xi32>
      %swap3A_1944 = arith.constant 0 : i32
      %swap3A_1945 = arith.index_cast %swap3A_1944 : i32 to index
      %swap3A_1946 = arith.constant 432 : index
      %swap3A_1947 = tpu.vector_load %arg15[%swap3A_1945, %swap3A_1946] {strides = array<i32>} : memref<2x656xi32, #tpu.memory_space<vmem>>, vector<16xi32>,
      tpu.vector_store %arg15[%swap3A_1945, %swap3A_1946], %add3A_1943 {strides = array<i32>} : memref<2x656xi32, #tpu.memory_space<vmem>>, vector<16xi32>,
      %get3A_1948 = arith.constant 448 : index
      %get3A_1949 = tpu.vector_load %arg12[%get3A_1948] {strides = array<i32>} : memref<656xi32, #tpu.memory_space<vmem>>, vector<16xi32>,
      %add3A_1950 = arith.addi %broadcast_in_dim3A_1639, %get3A_1949 : vector<16xi32>
      %gather3A_1951 = tpu.vector_load_idx %arg10[%add3A_1950] : memref<3328xi32, #tpu.memory_space<vmem>>[vector<16xi32>], vector<16xi32>,
      %get3A_1952 = arith.constant 448 : index
      %get3A_1953 = tpu.vector_load %arg11[%get3A_1952] {strides = array<i32>} : memref<656xi32, #tpu.memory_space<vmem>>, vector<16xi32>,
      %add3A_1954 = arith.addi %get3A_1953, %gather3A_1951 : vector<16xi32>
      %swap3A_1955 = arith.constant 0 : i32
      %swap3A_1956 = arith.index_cast %swap3A_1955 : i32 to index
      %swap3A_1957 = arith.constant 448 : index
      %swap3A_1958 = tpu.vector_load %arg15[%swap3A_1956, %swap3A_1957] {strides = array<i32>} : memref<2x656xi32, #tpu.memory_space<vmem>>, vector<16xi32>,
      tpu.vector_store %arg15[%swap3A_1956, %swap3A_1957], %add3A_1954 {strides = array<i32>} : memref<2x656xi32, #tpu.memory_space<vmem>>, vector<16xi32>,
      %get3A_1959 = arith.constant 464 : index
      %get3A_1960 = tpu.vector_load %arg12[%get3A_1959] {strides = array<i32>} : memref<656xi32, #tpu.memory_space<vmem>>, vector<16xi32>,
      %add3A_1961 = arith.addi %broadcast_in_dim3A_1639, %get3A_1960 : vector<16xi32>
      %gather3A_1962 = tpu.vector_load_idx %arg10[%add3A_1961] : memref<3328xi32, #tpu.memory_space<vmem>>[vector<16xi32>], vector<16xi32>,
      %get3A_1963 = arith.constant 464 : index
      %get3A_1964 = tpu.vector_load %arg11[%get3A_1963] {strides = array<i32>} : memref<656xi32, #tpu.memory_space<vmem>>, vector<16xi32>,
      %add3A_1965 = arith.addi %get3A_1964, %gather3A_1962 : vector<16xi32>
      %swap3A_1966 = arith.constant 0 : i32
      %swap3A_1967 = arith.index_cast %swap3A_1966 : i32 to index
      %swap3A_1968 = arith.constant 464 : index
      %swap3A_1969 = tpu.vector_load %arg15[%swap3A_1967, %swap3A_1968] {strides = array<i32>} : memref<2x656xi32, #tpu.memory_space<vmem>>, vector<16xi32>,
      tpu.vector_store %arg15[%swap3A_1967, %swap3A_1968], %add3A_1965 {strides = array<i32>} : memref<2x656xi32, #tpu.memory_space<vmem>>, vector<16xi32>,
      %get3A_1970 = arith.constant 480 : index
      %get3A_1971 = tpu.vector_load %arg12[%get3A_1970] {strides = array<i32>} : memref<656xi32, #tpu.memory_space<vmem>>, vector<16xi32>,
      %add3A_1972 = arith.addi %broadcast_in_dim3A_1639, %get3A_1971 : vector<16xi32>
      %gather3A_1973 = tpu.vector_load_idx %arg10[%add3A_1972] : memref<3328xi32, #tpu.memory_space<vmem>>[vector<16xi32>], vector<16xi32>,
      %get3A_1974 = arith.constant 480 : index
      %get3A_1975 = tpu.vector_load %arg11[%get3A_1974] {strides = array<i32>} : memref<656xi32, #tpu.memory_space<vmem>>, vector<16xi32>,
      %add3A_1976 = arith.addi %get3A_1975, %gather3A_1973 : vector<16xi32>
      %swap3A_1977 = arith.constant 0 : i32
      %swap3A_1978 = arith.index_cast %swap3A_1977 : i32 to index
      %swap3A_1979 = arith.constant 480 : index
      %swap3A_1980 = tpu.vector_load %arg15[%swap3A_1978, %swap3A_1979] {strides = array<i32>} : memref<2x656xi32, #tpu.memory_space<vmem>>, vector<16xi32>,
      tpu.vector_store %arg15[%swap3A_1978, %swap3A_1979], %add3A_1976 {strides = array<i32>} : memref<2x656xi32, #tpu.memory_space<vmem>>, vector<16xi32>,
      %get3A_1981 = arith.constant 496 : index
      %get3A_1982 = tpu.vector_load %arg12[%get3A_1981] {strides = array<i32>} : memref<656xi32, #tpu.memory_space<vmem>>, vector<16xi32>,
      %add3A_1983 = arith.addi %broadcast_in_dim3A_1639, %get3A_1982 : vector<16xi32>
      %gather3A_1984 = tpu.vector_load_idx %arg10[%add3A_1983] : memref<3328xi32, #tpu.memory_space<vmem>>[vector<16xi32>], vector<16xi32>,
      %get3A_1985 = arith.constant 496 : index
      %get3A_1986 = tpu.vector_load %arg11[%get3A_1985] {strides = array<i32>} : memref<656xi32, #tpu.memory_space<vmem>>, vector<16xi32>,
      %add3A_1987 = arith.addi %get3A_1986, %gather3A_1984 : vector<16xi32>
      %swap3A_1988 = arith.constant 0 : i32
      %swap3A_1989 = arith.index_cast %swap3A_1988 : i32 to index
      %swap3A_1990 = arith.constant 496 : index
      %swap3A_1991 = tpu.vector_load %arg15[%swap3A_1989, %swap3A_1990] {strides = array<i32>} : memref<2x656xi32, #tpu.memory_space<vmem>>, vector<16xi32>,
      tpu.vector_store %arg15[%swap3A_1989, %swap3A_1990], %add3A_1987 {strides = array<i32>} : memref<2x656xi32, #tpu.memory_space<vmem>>, vector<16xi32>,
      %get3A_1992 = arith.constant 512 : index
      %get3A_1993 = tpu.vector_load %arg12[%get3A_1992] {strides = array<i32>} : memref<656xi32, #tpu.memory_space<vmem>>, vector<16xi32>,
      %add3A_1994 = arith.addi %broadcast_in_dim3A_1639, %get3A_1993 : vector<16xi32>
      %gather3A_1995 = tpu.vector_load_idx %arg10[%add3A_1994] : memref<3328xi32, #tpu.memory_space<vmem>>[vector<16xi32>], vector<16xi32>,
      %get3A_1996 = arith.constant 512 : index
      %get3A_1997 = tpu.vector_load %arg11[%get3A_1996] {strides = array<i32>} : memref<656xi32, #tpu.memory_space<vmem>>, vector<16xi32>,
      %add3A_1998 = arith.addi %get3A_1997, %gather3A_1995 : vector<16xi32>
      %swap3A_1999 = arith.constant 0 : i32
      %swap3A_2000 = arith.index_cast %swap3A_1999 : i32 to index
      %swap3A_2001 = arith.constant 512 : index
      %swap3A_2002 = tpu.vector_load %arg15[%swap3A_2000, %swap3A_2001] {strides = array<i32>} : memref<2x656xi32, #tpu.memory_space<vmem>>, vector<16xi32>,
      tpu.vector_store %arg15[%swap3A_2000, %swap3A_2001], %add3A_1998 {strides = array<i32>} : memref<2x656xi32, #tpu.memory_space<vmem>>, vector<16xi32>,
      %get3A_2003 = arith.constant 528 : index
      %get3A_2004 = tpu.vector_load %arg12[%get3A_2003] {strides = array<i32>} : memref<656xi32, #tpu.memory_space<vmem>>, vector<16xi32>,
      %add3A_2005 = arith.addi %broadcast_in_dim3A_1639, %get3A_2004 : vector<16xi32>
      %gather3A_2006 = tpu.vector_load_idx %arg10[%add3A_2005] : memref<3328xi32, #tpu.memory_space<vmem>>[vector<16xi32>], vector<16xi32>,
      %get3A_2007 = arith.constant 528 : index
      %get3A_2008 = tpu.vector_load %arg11[%get3A_2007] {strides = array<i32>} : memref<656xi32, #tpu.memory_space<vmem>>, vector<16xi32>,
      %add3A_2009 = arith.addi %get3A_2008, %gather3A_2006 : vector<16xi32>
      %swap3A_2010 = arith.constant 0 : i32
      %swap3A_2011 = arith.index_cast %swap3A_2010 : i32 to index
      %swap3A_2012 = arith.constant 528 : index
      %swap3A_2013 = tpu.vector_load %arg15[%swap3A_2011, %swap3A_2012] {strides = array<i32>} : memref<2x656xi32, #tpu.memory_space<vmem>>, vector<16xi32>,
      tpu.vector_store %arg15[%swap3A_2011, %swap3A_2012], %add3A_2009 {strides = array<i32>} : memref<2x656xi32, #tpu.memory_space<vmem>>, vector<16xi32>,
      %get3A_2014 = arith.constant 544 : index
      %get3A_2015 = tpu.vector_load %arg12[%get3A_2014] {strides = array<i32>} : memref<656xi32, #tpu.memory_space<vmem>>, vector<16xi32>,
      %add3A_2016 = arith.addi %broadcast_in_dim3A_1639, %get3A_2015 : vector<16xi32>
      %gather3A_2017 = tpu.vector_load_idx %arg10[%add3A_2016] : memref<3328xi32, #tpu.memory_space<vmem>>[vector<16xi32>], vector<16xi32>,
      %get3A_2018 = arith.constant 544 : index
      %get3A_2019 = tpu.vector_load %arg11[%get3A_2018] {strides = array<i32>} : memref<656xi32, #tpu.memory_space<vmem>>, vector<16xi32>,
      %add3A_2020 = arith.addi %get3A_2019, %gather3A_2017 : vector<16xi32>
      %swap3A_2021 = arith.constant 0 : i32
      %swap3A_2022 = arith.index_cast %swap3A_2021 : i32 to index
      %swap3A_2023 = arith.constant 544 : index
      %swap3A_2024 = tpu.vector_load %arg15[%swap3A_2022, %swap3A_2023] {strides = array<i32>} : memref<2x656xi32, #tpu.memory_space<vmem>>, vector<16xi32>,
      tpu.vector_store %arg15[%swap3A_2022, %swap3A_2023], %add3A_2020 {strides = array<i32>} : memref<2x656xi32, #tpu.memory_space<vmem>>, vector<16xi32>,
      %get3A_2025 = arith.constant 560 : index
      %get3A_2026 = tpu.vector_load %arg12[%get3A_2025] {strides = array<i32>} : memref<656xi32, #tpu.memory_space<vmem>>, vector<16xi32>,
      %add3A_2027 = arith.addi %broadcast_in_dim3A_1639, %get3A_2026 : vector<16xi32>
      %gather3A_2028 = tpu.vector_load_idx %arg10[%add3A_2027] : memref<3328xi32, #tpu.memory_space<vmem>>[vector<16xi32>], vector<16xi32>,
      %get3A_2029 = arith.constant 560 : index
      %get3A_2030 = tpu.vector_load %arg11[%get3A_2029] {strides = array<i32>} : memref<656xi32, #tpu.memory_space<vmem>>, vector<16xi32>,
      %add3A_2031 = arith.addi %get3A_2030, %gather3A_2028 : vector<16xi32>
      %swap3A_2032 = arith.constant 0 : i32
      %swap3A_2033 = arith.index_cast %swap3A_2032 : i32 to index
      %swap3A_2034 = arith.constant 560 : index
      %swap3A_2035 = tpu.vector_load %arg15[%swap3A_2033, %swap3A_2034] {strides = array<i32>} : memref<2x656xi32, #tpu.memory_space<vmem>>, vector<16xi32>,
      tpu.vector_store %arg15[%swap3A_2033, %swap3A_2034], %add3A_2031 {strides = array<i32>} : memref<2x656xi32, #tpu.memory_space<vmem>>, vector<16xi32>,
      %get3A_2036 = arith.constant 576 : index
      %get3A_2037 = tpu.vector_load %arg12[%get3A_2036] {strides = array<i32>} : memref<656xi32, #tpu.memory_space<vmem>>, vector<16xi32>,
      %add3A_2038 = arith.addi %broadcast_in_dim3A_1639, %get3A_2037 : vector<16xi32>
      %gather3A_2039 = tpu.vector_load_idx %arg10[%add3A_2038] : memref<3328xi32, #tpu.memory_space<vmem>>[vector<16xi32>], vector<16xi32>,
      %get3A_2040 = arith.constant 576 : index
      %get3A_2041 = tpu.vector_load %arg11[%get3A_2040] {strides = array<i32>} : memref<656xi32, #tpu.memory_space<vmem>>, vector<16xi32>,
      %add3A_2042 = arith.addi %get3A_2041, %gather3A_2039 : vector<16xi32>
      %swap3A_2043 = arith.constant 0 : i32
      %swap3A_2044 = arith.index_cast %swap3A_2043 : i32 to index
      %swap3A_2045 = arith.constant 576 : index
      %swap3A_2046 = tpu.vector_load %arg15[%swap3A_2044, %swap3A_2045] {strides = array<i32>} : memref<2x656xi32, #tpu.memory_space<vmem>>, vector<16xi32>,
      tpu.vector_store %arg15[%swap3A_2044, %swap3A_2045], %add3A_2042 {strides = array<i32>} : memref<2x656xi32, #tpu.memory_space<vmem>>, vector<16xi32>,
      %get3A_2047 = arith.constant 592 : index
      %get3A_2048 = tpu.vector_load %arg12[%get3A_2047] {strides = array<i32>} : memref<656xi32, #tpu.memory_space<vmem>>, vector<16xi32>,
      %add3A_2049 = arith.addi %broadcast_in_dim3A_1639, %get3A_2048 : vector<16xi32>
      %gather3A_2050 = tpu.vector_load_idx %arg10[%add3A_2049] : memref<3328xi32, #tpu.memory_space<vmem>>[vector<16xi32>], vector<16xi32>,
      %get3A_2051 = arith.constant 592 : index
      %get3A_2052 = tpu.vector_load %arg11[%get3A_2051] {strides = array<i32>} : memref<656xi32, #tpu.memory_space<vmem>>, vector<16xi32>,
      %add3A_2053 = arith.addi %get3A_2052, %gather3A_2050 : vector<16xi32>
      %swap3A_2054 = arith.constant 0 : i32
      %swap3A_2055 = arith.index_cast %swap3A_2054 : i32 to index
      %swap3A_2056 = arith.constant 592 : index
      %swap3A_2057 = tpu.vector_load %arg15[%swap3A_2055, %swap3A_2056] {strides = array<i32>} : memref<2x656xi32, #tpu.memory_space<vmem>>, vector<16xi32>,
      tpu.vector_store %arg15[%swap3A_2055, %swap3A_2056], %add3A_2053 {strides = array<i32>} : memref<2x656xi32, #tpu.memory_space<vmem>>, vector<16xi32>,
      %get3A_2058 = arith.constant 608 : index
      %get3A_2059 = tpu.vector_load %arg12[%get3A_2058] {strides = array<i32>} : memref<656xi32, #tpu.memory_space<vmem>>, vector<16xi32>,
      %add3A_2060 = arith.addi %broadcast_in_dim3A_1639, %get3A_2059 : vector<16xi32>
      %gather3A_2061 = tpu.vector_load_idx %arg10[%add3A_2060] : memref<3328xi32, #tpu.memory_space<vmem>>[vector<16xi32>], vector<16xi32>,
      %get3A_2062 = arith.constant 608 : index
      %get3A_2063 = tpu.vector_load %arg11[%get3A_2062] {strides = array<i32>} : memref<656xi32, #tpu.memory_space<vmem>>, vector<16xi32>,
      %add3A_2064 = arith.addi %get3A_2063, %gather3A_2061 : vector<16xi32>
      %swap3A_2065 = arith.constant 0 : i32
      %swap3A_2066 = arith.index_cast %swap3A_2065 : i32 to index
      %swap3A_2067 = arith.constant 608 : index
      %swap3A_2068 = tpu.vector_load %arg15[%swap3A_2066, %swap3A_2067] {strides = array<i32>} : memref<2x656xi32, #tpu.memory_space<vmem>>, vector<16xi32>,
      tpu.vector_store %arg15[%swap3A_2066, %swap3A_2067], %add3A_2064 {strides = array<i32>} : memref<2x656xi32, #tpu.memory_space<vmem>>, vector<16xi32>,
      %get3A_2069 = arith.constant 624 : index
      %get3A_2070 = tpu.vector_load %arg12[%get3A_2069] {strides = array<i32>} : memref<656xi32, #tpu.memory_space<vmem>>, vector<16xi32>,
      %add3A_2071 = arith.addi %broadcast_in_dim3A_1639, %get3A_2070 : vector<16xi32>
      %gather3A_2072 = tpu.vector_load_idx %arg10[%add3A_2071] : memref<3328xi32, #tpu.memory_space<vmem>>[vector<16xi32>], vector<16xi32>,
      %get3A_2073 = arith.constant 624 : index
      %get3A_2074 = tpu.vector_load %arg11[%get3A_2073] {strides = array<i32>} : memref<656xi32, #tpu.memory_space<vmem>>, vector<16xi32>,
      %add3A_2075 = arith.addi %get3A_2074, %gather3A_2072 : vector<16xi32>
      %swap3A_2076 = arith.constant 0 : i32
      %swap3A_2077 = arith.index_cast %swap3A_2076 : i32 to index
      %swap3A_2078 = arith.constant 624 : index
      %swap3A_2079 = tpu.vector_load %arg15[%swap3A_2077, %swap3A_2078] {strides = array<i32>} : memref<2x656xi32, #tpu.memory_space<vmem>>, vector<16xi32>,
      tpu.vector_store %arg15[%swap3A_2077, %swap3A_2078], %add3A_2075 {strides = array<i32>} : memref<2x656xi32, #tpu.memory_space<vmem>>, vector<16xi32>,
      %get3A_2080 = arith.constant 640 : index
      %get3A_2081 = tpu.vector_load %arg12[%get3A_2080] {strides = array<i32>} : memref<656xi32, #tpu.memory_space<vmem>>, vector<16xi32>,
      %add3A_2082 = arith.addi %broadcast_in_dim3A_1639, %get3A_2081 : vector<16xi32>
      %gather3A_2083 = tpu.vector_load_idx %arg10[%add3A_2082] : memref<3328xi32, #tpu.memory_space<vmem>>[vector<16xi32>], vector<16xi32>,
      %get3A_2084 = arith.constant 640 : index
      %get3A_2085 = tpu.vector_load %arg11[%get3A_2084] {strides = array<i32>} : memref<656xi32, #tpu.memory_space<vmem>>, vector<16xi32>,
      %add3A_2086 = arith.addi %get3A_2085, %gather3A_2083 : vector<16xi32>
      %swap3A_2087 = arith.constant 0 : i32
      %swap3A_2088 = arith.index_cast %swap3A_2087 : i32 to index
      %swap3A_2089 = arith.constant 640 : index
      %swap3A_2090 = tpu.vector_load %arg15[%swap3A_2088, %swap3A_2089] {strides = array<i32>} : memref<2x656xi32, #tpu.memory_space<vmem>>, vector<16xi32>,
      tpu.vector_store %arg15[%swap3A_2088, %swap3A_2089], %add3A_2086 {strides = array<i32>} : memref<2x656xi32, #tpu.memory_space<vmem>>, vector<16xi32>,
      %get3A_2091 = arith.constant 0 : index
      %get3A_2092 = tpu.vector_load %arg13[%get3A_2091] {strides = array<i32>} : memref<32xi32, #tpu.memory_space<vmem>>, vector<16xi32>,
      %get3A_2093 = arith.constant 0 : index
      %get3A_2094 = tpu.vector_load %arg14[%get3A_2093] {strides = array<i32>} : memref<32xi32, #tpu.memory_space<vmem>>, vector<16xi32>,
      %add3A_2095 = arith.addi %broadcast_in_dim3A_1639, %get3A_2094 : vector<16xi32>
      %gather3A_2096 = tpu.vector_load_idx %arg10[%add3A_2095] : memref<3328xi32, #tpu.memory_space<vmem>>[vector<16xi32>], vector<16xi32>,
      %add3A_2097 = arith.addi %get3A_2092, %gather3A_2096 : vector<16xi32>
      %swap3A_2098 = arith.constant 0 : i32
      %swap3A_2099 = arith.index_cast %swap3A_2098 : i32 to index
      %swap3A_2100 = arith.constant 0 : index
      %swap3A_2101 = tpu.vector_load %arg16[%swap3A_2099, %swap3A_2100] {strides = array<i32>} : memref<2x32xi32, #tpu.memory_space<vmem>>, vector<16xi32>,
      tpu.vector_store %arg16[%swap3A_2099, %swap3A_2100], %add3A_2097 {strides = array<i32>} : memref<2x32xi32, #tpu.memory_space<vmem>>, vector<16xi32>,
      %get3A_2102 = arith.constant 16 : index
      %get3A_2103 = tpu.vector_load %arg13[%get3A_2102] {strides = array<i32>} : memref<32xi32, #tpu.memory_space<vmem>>, vector<16xi32>,
      %get3A_2104 = arith.constant 16 : index
      %get3A_2105 = tpu.vector_load %arg14[%get3A_2104] {strides = array<i32>} : memref<32xi32, #tpu.memory_space<vmem>>, vector<16xi32>,
      %add3A_2106 = arith.addi %broadcast_in_dim3A_1639, %get3A_2105 : vector<16xi32>
      %gather3A_2107 = tpu.vector_load_idx %arg10[%add3A_2106] : memref<3328xi32, #tpu.memory_space<vmem>>[vector<16xi32>], vector<16xi32>,
      %add3A_2108 = arith.addi %get3A_2103, %gather3A_2107 : vector<16xi32>
      %swap3A_2109 = arith.constant 0 : i32
      %swap3A_2110 = arith.index_cast %swap3A_2109 : i32 to index
      %swap3A_2111 = arith.constant 16 : index
      %swap3A_2112 = tpu.vector_load %arg16[%swap3A_2110, %swap3A_2111] {strides = array<i32>} : memref<2x32xi32, #tpu.memory_space<vmem>>, vector<16xi32>,
      tpu.vector_store %arg16[%swap3A_2110, %swap3A_2111], %add3A_2108 {strides = array<i32>} : memref<2x32xi32, #tpu.memory_space<vmem>>, vector<16xi32>,
      %dma_start3A_2113 = arith.constant 0 : i32
      %dma_start3A_2114 = arith.constant 0 : i32
      %dma_start3A_2115 = arith.constant 0 : i32
      %dma_start3A_2116 = arith.constant 0 : i32
      %dma_start3A_2117 = arith.constant 0 : i32
      %dma_start3A_2118 = tpu.memref_slice %arg17[%dma_start3A_2114, %dma_start3A_2116, %dma_start3A_2117] : memref<2x656x16xf32, #tpu.memory_space<vmem>> -> memref<1x128x16xf32, #tpu.memory_space<vmem>>
      %dma_start3A_2119 = tpu.memref_squeeze %dma_start3A_2118 : memref<1x128x16xf32, #tpu.memory_space<vmem>> -> memref<128x16xf32, #tpu.memory_space<vmem>>
      %dma_start3A_2120 = arith.constant 0 : i32
      %dma_start3A_2121 = tpu.memref_slice %arg15[%dma_start3A_2113, %dma_start3A_2120] : memref<2x656xi32, #tpu.memory_space<vmem>> -> memref<1x128xi32, #tpu.memory_space<vmem>>
      %dma_start3A_2122 = tpu.memref_squeeze %dma_start3A_2121 : memref<1x128xi32, #tpu.memory_space<vmem>> -> memref<128xi32, #tpu.memory_space<vmem>>
      %dma_start3A_2123 = arith.constant 0 : i32
      %dma_start3A_2124 = arith.constant 0 : i32
      %dma_start3A_2125 = tpu.memref_slice %arg7[%dma_start3A_2123, %dma_start3A_2124] : memref<2600572x16xf32, #tpu.memory_space<hbm>> -> memref<2600572x16xf32, #tpu.memory_space<hbm>>
      %dma_start3A_2126 = tpu.memref_slice %arg20[%dma_start3A_2115] : memref<2x!tpu.dma_semaphore, #tpu.memory_space<semaphore_mem>> -> memref<1x!tpu.dma_semaphore, #tpu.memory_space<semaphore_mem>>
      %dma_start3A_2127 = tpu.memref_squeeze %dma_start3A_2126 : memref<1x!tpu.dma_semaphore, #tpu.memory_space<semaphore_mem>> -> memref<!tpu.dma_semaphore, #tpu.memory_space<semaphore_mem>>
      tpu.enqueue_indirect_dma source(%dma_start3A_2125 : memref<2600572x16xf32, #tpu.memory_space<hbm>>) target(%dma_start3A_2119 : memref<128x16xf32, #tpu.memory_space<vmem>>) offsets(%dma_start3A_2122 : memref<128xi32, #tpu.memory_space<vmem>>) semaphore(%dma_start3A_2127 : memref<!tpu.dma_semaphore, #tpu.memory_space<semaphore_mem>>)
      %dma_start3A_2128 = arith.constant 0 : i32
      %dma_start3A_2129 = arith.constant 0 : i32
      %dma_start3A_2130 = arith.constant 0 : i32
      %dma_start3A_2131 = arith.constant 128 : i32
      %dma_start3A_2132 = arith.constant 0 : i32
      %dma_start3A_2133 = tpu.memref_slice %arg17[%dma_start3A_2129, %dma_start3A_2131, %dma_start3A_2132] : memref<2x656x16xf32, #tpu.memory_space<vmem>> -> memref<1x128x16xf32, #tpu.memory_space<vmem>>
      %dma_start3A_2134 = tpu.memref_squeeze %dma_start3A_2133 : memref<1x128x16xf32, #tpu.memory_space<vmem>> -> memref<128x16xf32, #tpu.memory_space<vmem>>
      %dma_start3A_2135 = arith.constant 128 : i32
      %dma_start3A_2136 = tpu.memref_slice %arg15[%dma_start3A_2128, %dma_start3A_2135] : memref<2x656xi32, #tpu.memory_space<vmem>> -> memref<1x128xi32, #tpu.memory_space<vmem>>
      %dma_start3A_2137 = tpu.memref_squeeze %dma_start3A_2136 : memref<1x128xi32, #tpu.memory_space<vmem>> -> memref<128xi32, #tpu.memory_space<vmem>>
      %dma_start3A_2138 = arith.constant 0 : i32
      %dma_start3A_2139 = arith.constant 0 : i32
      %dma_start3A_2140 = tpu.memref_slice %arg7[%dma_start3A_2138, %dma_start3A_2139] : memref<2600572x16xf32, #tpu.memory_space<hbm>> -> memref<2600572x16xf32, #tpu.memory_space<hbm>>
      %dma_start3A_2141 = tpu.memref_slice %arg20[%dma_start3A_2130] : memref<2x!tpu.dma_semaphore, #tpu.memory_space<semaphore_mem>> -> memref<1x!tpu.dma_semaphore, #tpu.memory_space<semaphore_mem>>
      %dma_start3A_2142 = tpu.memref_squeeze %dma_start3A_2141 : memref<1x!tpu.dma_semaphore, #tpu.memory_space<semaphore_mem>> -> memref<!tpu.dma_semaphore, #tpu.memory_space<semaphore_mem>>
      tpu.enqueue_indirect_dma source(%dma_start3A_2140 : memref<2600572x16xf32, #tpu.memory_space<hbm>>) target(%dma_start3A_2134 : memref<128x16xf32, #tpu.memory_space<vmem>>) offsets(%dma_start3A_2137 : memref<128xi32, #tpu.memory_space<vmem>>) semaphore(%dma_start3A_2142 : memref<!tpu.dma_semaphore, #tpu.memory_space<semaphore_mem>>)
      %dma_start3A_2143 = arith.constant 0 : i32
      %dma_start3A_2144 = arith.constant 0 : i32
      %dma_start3A_2145 = arith.constant 0 : i32
      %dma_start3A_2146 = arith.constant 256 : i32
      %dma_start3A_2147 = arith.constant 0 : i32
      %dma_start3A_2148 = tpu.memref_slice %arg17[%dma_start3A_2144, %dma_start3A_2146, %dma_start3A_2147] : memref<2x656x16xf32, #tpu.memory_space<vmem>> -> memref<1x128x16xf32, #tpu.memory_space<vmem>>
      %dma_start3A_2149 = tpu.memref_squeeze %dma_start3A_2148 : memref<1x128x16xf32, #tpu.memory_space<vmem>> -> memref<128x16xf32, #tpu.memory_space<vmem>>
      %dma_start3A_2150 = arith.constant 256 : i32
      %dma_start3A_2151 = tpu.memref_slice %arg15[%dma_start3A_2143, %dma_start3A_2150] : memref<2x656xi32, #tpu.memory_space<vmem>> -> memref<1x128xi32, #tpu.memory_space<vmem>>
      %dma_start3A_2152 = tpu.memref_squeeze %dma_start3A_2151 : memref<1x128xi32, #tpu.memory_space<vmem>> -> memref<128xi32, #tpu.memory_space<vmem>>
      %dma_start3A_2153 = arith.constant 0 : i32
      %dma_start3A_2154 = arith.constant 0 : i32
      %dma_start3A_2155 = tpu.memref_slice %arg7[%dma_start3A_2153, %dma_start3A_2154] : memref<2600572x16xf32, #tpu.memory_space<hbm>> -> memref<2600572x16xf32, #tpu.memory_space<hbm>>
      %dma_start3A_2156 = tpu.memref_slice %arg20[%dma_start3A_2145] : memref<2x!tpu.dma_semaphore, #tpu.memory_space<semaphore_mem>> -> memref<1x!tpu.dma_semaphore, #tpu.memory_space<semaphore_mem>>
      %dma_start3A_2157 = tpu.memref_squeeze %dma_start3A_2156 : memref<1x!tpu.dma_semaphore, #tpu.memory_space<semaphore_mem>> -> memref<!tpu.dma_semaphore, #tpu.memory_space<semaphore_mem>>
      tpu.enqueue_indirect_dma source(%dma_start3A_2155 : memref<2600572x16xf32, #tpu.memory_space<hbm>>) target(%dma_start3A_2149 : memref<128x16xf32, #tpu.memory_space<vmem>>) offsets(%dma_start3A_2152 : memref<128xi32, #tpu.memory_space<vmem>>) semaphore(%dma_start3A_2157 : memref<!tpu.dma_semaphore, #tpu.memory_space<semaphore_mem>>)
      %dma_start3A_2158 = arith.constant 0 : i32
      %dma_start3A_2159 = arith.constant 0 : i32
      %dma_start3A_2160 = arith.constant 0 : i32
      %dma_start3A_2161 = arith.constant 384 : i32
      %dma_start3A_2162 = arith.constant 0 : i32
      %dma_start3A_2163 = tpu.memref_slice %arg17[%dma_start3A_2159, %dma_start3A_2161, %dma_start3A_2162] : memref<2x656x16xf32, #tpu.memory_space<vmem>> -> memref<1x128x16xf32, #tpu.memory_space<vmem>>
      %dma_start3A_2164 = tpu.memref_squeeze %dma_start3A_2163 : memref<1x128x16xf32, #tpu.memory_space<vmem>> -> memref<128x16xf32, #tpu.memory_space<vmem>>
      %dma_start3A_2165 = arith.constant 384 : i32
      %dma_start3A_2166 = tpu.memref_slice %arg15[%dma_start3A_2158, %dma_start3A_2165] : memref<2x656xi32, #tpu.memory_space<vmem>> -> memref<1x128xi32, #tpu.memory_space<vmem>>
      %dma_start3A_2167 = tpu.memref_squeeze %dma_start3A_2166 : memref<1x128xi32, #tpu.memory_space<vmem>> -> memref<128xi32, #tpu.memory_space<vmem>>
      %dma_start3A_2168 = arith.constant 0 : i32
      %dma_start3A_2169 = arith.constant 0 : i32
      %dma_start3A_2170 = tpu.memref_slice %arg7[%dma_start3A_2168, %dma_start3A_2169] : memref<2600572x16xf32, #tpu.memory_space<hbm>> -> memref<2600572x16xf32, #tpu.memory_space<hbm>>
      %dma_start3A_2171 = tpu.memref_slice %arg20[%dma_start3A_2160] : memref<2x!tpu.dma_semaphore, #tpu.memory_space<semaphore_mem>> -> memref<1x!tpu.dma_semaphore, #tpu.memory_space<semaphore_mem>>
      %dma_start3A_2172 = tpu.memref_squeeze %dma_start3A_2171 : memref<1x!tpu.dma_semaphore, #tpu.memory_space<semaphore_mem>> -> memref<!tpu.dma_semaphore, #tpu.memory_space<semaphore_mem>>
      tpu.enqueue_indirect_dma source(%dma_start3A_2170 : memref<2600572x16xf32, #tpu.memory_space<hbm>>) target(%dma_start3A_2164 : memref<128x16xf32, #tpu.memory_space<vmem>>) offsets(%dma_start3A_2167 : memref<128xi32, #tpu.memory_space<vmem>>) semaphore(%dma_start3A_2172 : memref<!tpu.dma_semaphore, #tpu.memory_space<semaphore_mem>>)
      %dma_start3A_2173 = arith.constant 0 : i32
      %dma_start3A_2174 = arith.constant 0 : i32
      %dma_start3A_2175 = arith.constant 0 : i32
      %dma_start3A_2176 = arith.constant 512 : i32
      %dma_start3A_2177 = arith.constant 0 : i32
      %dma_start3A_2178 = tpu.memref_slice %arg17[%dma_start3A_2174, %dma_start3A_2176, %dma_start3A_2177] : memref<2x656x16xf32, #tpu.memory_space<vmem>> -> memref<1x128x16xf32, #tpu.memory_space<vmem>>
      %dma_start3A_2179 = tpu.memref_squeeze %dma_start3A_2178 : memref<1x128x16xf32, #tpu.memory_space<vmem>> -> memref<128x16xf32, #tpu.memory_space<vmem>>
      %dma_start3A_2180 = arith.constant 512 : i32
      %dma_start3A_2181 = tpu.memref_slice %arg15[%dma_start3A_2173, %dma_start3A_2180] : memref<2x656xi32, #tpu.memory_space<vmem>> -> memref<1x128xi32, #tpu.memory_space<vmem>>
      %dma_start3A_2182 = tpu.memref_squeeze %dma_start3A_2181 : memref<1x128xi32, #tpu.memory_space<vmem>> -> memref<128xi32, #tpu.memory_space<vmem>>
      %dma_start3A_2183 = arith.constant 0 : i32
      %dma_start3A_2184 = arith.constant 0 : i32
      %dma_start3A_2185 = tpu.memref_slice %arg7[%dma_start3A_2183, %dma_start3A_2184] : memref<2600572x16xf32, #tpu.memory_space<hbm>> -> memref<2600572x16xf32, #tpu.memory_space<hbm>>
      %dma_start3A_2186 = tpu.memref_slice %arg20[%dma_start3A_2175] : memref<2x!tpu.dma_semaphore, #tpu.memory_space<semaphore_mem>> -> memref<1x!tpu.dma_semaphore, #tpu.memory_space<semaphore_mem>>
      %dma_start3A_2187 = tpu.memref_squeeze %dma_start3A_2186 : memref<1x!tpu.dma_semaphore, #tpu.memory_space<semaphore_mem>> -> memref<!tpu.dma_semaphore, #tpu.memory_space<semaphore_mem>>
      tpu.enqueue_indirect_dma source(%dma_start3A_2185 : memref<2600572x16xf32, #tpu.memory_space<hbm>>) target(%dma_start3A_2179 : memref<128x16xf32, #tpu.memory_space<vmem>>) offsets(%dma_start3A_2182 : memref<128xi32, #tpu.memory_space<vmem>>) semaphore(%dma_start3A_2187 : memref<!tpu.dma_semaphore, #tpu.memory_space<semaphore_mem>>)
      %dma_start3A_2188 = arith.constant 0 : i32
      %dma_start3A_2189 = arith.constant 0 : i32
      %dma_start3A_2190 = arith.constant 0 : i32
      %dma_start3A_2191 = arith.constant 640 : i32
      %dma_start3A_2192 = arith.constant 0 : i32
      %dma_start3A_2193 = tpu.memref_slice %arg17[%dma_start3A_2189, %dma_start3A_2191, %dma_start3A_2192] : memref<2x656x16xf32, #tpu.memory_space<vmem>> -> memref<1x16x16xf32, #tpu.memory_space<vmem>>
      %dma_start3A_2194 = tpu.memref_squeeze %dma_start3A_2193 : memref<1x16x16xf32, #tpu.memory_space<vmem>> -> memref<16x16xf32, #tpu.memory_space<vmem>>
      %dma_start3A_2195 = arith.constant 640 : i32
      %dma_start3A_2196 = tpu.memref_slice %arg15[%dma_start3A_2188, %dma_start3A_2195] : memref<2x656xi32, #tpu.memory_space<vmem>> -> memref<1x16xi32, #tpu.memory_space<vmem>>
      %dma_start3A_2197 = tpu.memref_squeeze %dma_start3A_2196 : memref<1x16xi32, #tpu.memory_space<vmem>> -> memref<16xi32, #tpu.memory_space<vmem>>
      %dma_start3A_2198 = arith.constant 0 : i32
      %dma_start3A_2199 = arith.constant 0 : i32
      %dma_start3A_2200 = tpu.memref_slice %arg7[%dma_start3A_2198, %dma_start3A_2199] : memref<2600572x16xf32, #tpu.memory_space<hbm>> -> memref<2600572x16xf32, #tpu.memory_space<hbm>>
      %dma_start3A_2201 = tpu.memref_slice %arg20[%dma_start3A_2190] : memref<2x!tpu.dma_semaphore, #tpu.memory_space<semaphore_mem>> -> memref<1x!tpu.dma_semaphore, #tpu.memory_space<semaphore_mem>>
      %dma_start3A_2202 = tpu.memref_squeeze %dma_start3A_2201 : memref<1x!tpu.dma_semaphore, #tpu.memory_space<semaphore_mem>> -> memref<!tpu.dma_semaphore, #tpu.memory_space<semaphore_mem>>
      tpu.enqueue_indirect_dma source(%dma_start3A_2200 : memref<2600572x16xf32, #tpu.memory_space<hbm>>) target(%dma_start3A_2194 : memref<16x16xf32, #tpu.memory_space<vmem>>) offsets(%dma_start3A_2197 : memref<16xi32, #tpu.memory_space<vmem>>) semaphore(%dma_start3A_2202 : memref<!tpu.dma_semaphore, #tpu.memory_space<semaphore_mem>>)
      %dma_start3A_2203 = arith.constant 0 : i32
      %dma_start3A_2204 = arith.constant 0 : i32
      %dma_start3A_2205 = arith.constant 0 : i32
      %dma_start3A_2206 = arith.constant 0 : i32
      %dma_start3A_2207 = tpu.memref_slice %arg18[%dma_start3A_2204, %dma_start3A_2206] : memref<2x32xf32, #tpu.memory_space<vmem>> -> memref<1x32xf32, #tpu.memory_space<vmem>>
      %dma_start3A_2208 = tpu.memref_squeeze %dma_start3A_2207 : memref<1x32xf32, #tpu.memory_space<vmem>> -> memref<32xf32, #tpu.memory_space<vmem>>
      %dma_start3A_2209 = arith.constant 0 : i32
      %dma_start3A_2210 = tpu.memref_slice %arg16[%dma_start3A_2203, %dma_start3A_2209] : memref<2x32xi32, #tpu.memory_space<vmem>> -> memref<1x32xi32, #tpu.memory_space<vmem>>
      %dma_start3A_2211 = tpu.memref_squeeze %dma_start3A_2210 : memref<1x32xi32, #tpu.memory_space<vmem>> -> memref<32xi32, #tpu.memory_space<vmem>>
      %dma_start3A_2212 = arith.constant 0 : i32
      %dma_start3A_2213 = tpu.memref_slice %arg8[%dma_start3A_2212] : memref<100022xf32, #tpu.memory_space<hbm>> -> memref<100022xf32, #tpu.memory_space<hbm>>
      %dma_start3A_2214 = tpu.memref_slice %arg21[%dma_start3A_2205] : memref<2x!tpu.dma_semaphore, #tpu.memory_space<semaphore_mem>> -> memref<1x!tpu.dma_semaphore, #tpu.memory_space<semaphore_mem>>
      %dma_start3A_2215 = tpu.memref_squeeze %dma_start3A_2214 : memref<1x!tpu.dma_semaphore, #tpu.memory_space<semaphore_mem>> -> memref<!tpu.dma_semaphore, #tpu.memory_space<semaphore_mem>>
      tpu.enqueue_indirect_dma source(%dma_start3A_2213 : memref<100022xf32, #tpu.memory_space<hbm>>) target(%dma_start3A_2208 : memref<32xf32, #tpu.memory_space<vmem>>) offsets(%dma_start3A_2211 : memref<32xi32, #tpu.memory_space<vmem>>) semaphore(%dma_start3A_2215 : memref<!tpu.dma_semaphore, #tpu.memory_space<semaphore_mem>>)
      %add3A_2216 = arith.constant 1 : i32
      %add3A_2217 = arith.addi %mul3A_1473, %add3A_2216 : i32
      %add3A_2218 = arith.constant 2 : i32
      %add3A_2219 = arith.addi %add3A_2217, %add3A_2218 : i32
      %add3A_2220 = arith.constant 1 : i32
      %add3A_2221 = arith.addi %mul3A_1473, %add3A_2220 : i32
      %dma_wait3A_2222 = arith.constant 1 : i32
      %dma_wait3A_2223 = arith.constant 1 : i32
      %dma_wait3A_2224 = arith.constant 1 : i32
      %dma_wait3A_2225 = arith.constant 0 : i32
      %dma_wait3A_2226 = arith.constant 0 : i32
      %dma_wait3A_2227 = tpu.memref_slice %arg17[%dma_wait3A_2223, %dma_wait3A_2225, %dma_wait3A_2226] : memref<2x656x16xf32, #tpu.memory_space<vmem>> -> memref<1x128x16xf32, #tpu.memory_space<vmem>>
      %dma_wait3A_2228 = tpu.memref_squeeze %dma_wait3A_2227 : memref<1x128x16xf32, #tpu.memory_space<vmem>> -> memref<128x16xf32, #tpu.memory_space<vmem>>
      %dma_wait3A_2229 = arith.constant 0 : i32
      %dma_wait3A_2230 = tpu.memref_slice %arg15[%dma_wait3A_2222, %dma_wait3A_2229] : memref<2x656xi32, #tpu.memory_space<vmem>> -> memref<1x128xi32, #tpu.memory_space<vmem>>
      %dma_wait3A_2231 = tpu.memref_squeeze %dma_wait3A_2230 : memref<1x128xi32, #tpu.memory_space<vmem>> -> memref<128xi32, #tpu.memory_space<vmem>>
      %dma_wait3A_2232 = arith.constant 0 : i32
      %dma_wait3A_2233 = arith.constant 0 : i32
      %dma_wait3A_2234 = tpu.memref_slice %arg7[%dma_wait3A_2232, %dma_wait3A_2233] : memref<2600572x16xf32, #tpu.memory_space<hbm>> -> memref<2600572x16xf32, #tpu.memory_space<hbm>>
      %dma_wait3A_2235 = tpu.memref_slice %arg20[%dma_wait3A_2224] : memref<2x!tpu.dma_semaphore, #tpu.memory_space<semaphore_mem>> -> memref<1x!tpu.dma_semaphore, #tpu.memory_space<semaphore_mem>>
      %dma_wait3A_2236 = tpu.memref_squeeze %dma_wait3A_2235 : memref<1x!tpu.dma_semaphore, #tpu.memory_space<semaphore_mem>> -> memref<!tpu.dma_semaphore, #tpu.memory_space<semaphore_mem>>
      tpu.wait_indirect_dma semaphore(%dma_wait3A_2236 : memref<!tpu.dma_semaphore, #tpu.memory_space<semaphore_mem>>) src(%dma_wait3A_2234 : memref<2600572x16xf32, #tpu.memory_space<hbm>>) dst(%dma_wait3A_2228 : memref<128x16xf32, #tpu.memory_space<vmem>>)
      %dma_wait3A_2237 = arith.constant 1 : i32
      %dma_wait3A_2238 = arith.constant 1 : i32
      %dma_wait3A_2239 = arith.constant 1 : i32
      %dma_wait3A_2240 = arith.constant 128 : i32
      %dma_wait3A_2241 = arith.constant 0 : i32
      %dma_wait3A_2242 = tpu.memref_slice %arg17[%dma_wait3A_2238, %dma_wait3A_2240, %dma_wait3A_2241] : memref<2x656x16xf32, #tpu.memory_space<vmem>> -> memref<1x128x16xf32, #tpu.memory_space<vmem>>
      %dma_wait3A_2243 = tpu.memref_squeeze %dma_wait3A_2242 : memref<1x128x16xf32, #tpu.memory_space<vmem>> -> memref<128x16xf32, #tpu.memory_space<vmem>>
      %dma_wait3A_2244 = arith.constant 128 : i32
      %dma_wait3A_2245 = tpu.memref_slice %arg15[%dma_wait3A_2237, %dma_wait3A_2244] : memref<2x656xi32, #tpu.memory_space<vmem>> -> memref<1x128xi32, #tpu.memory_space<vmem>>
      %dma_wait3A_2246 = tpu.memref_squeeze %dma_wait3A_2245 : memref<1x128xi32, #tpu.memory_space<vmem>> -> memref<128xi32, #tpu.memory_space<vmem>>
      %dma_wait3A_2247 = arith.constant 0 : i32
      %dma_wait3A_2248 = arith.constant 0 : i32
      %dma_wait3A_2249 = tpu.memref_slice %arg7[%dma_wait3A_2247, %dma_wait3A_2248] : memref<2600572x16xf32, #tpu.memory_space<hbm>> -> memref<2600572x16xf32, #tpu.memory_space<hbm>>
      %dma_wait3A_2250 = tpu.memref_slice %arg20[%dma_wait3A_2239] : memref<2x!tpu.dma_semaphore, #tpu.memory_space<semaphore_mem>> -> memref<1x!tpu.dma_semaphore, #tpu.memory_space<semaphore_mem>>
      %dma_wait3A_2251 = tpu.memref_squeeze %dma_wait3A_2250 : memref<1x!tpu.dma_semaphore, #tpu.memory_space<semaphore_mem>> -> memref<!tpu.dma_semaphore, #tpu.memory_space<semaphore_mem>>
      tpu.wait_indirect_dma semaphore(%dma_wait3A_2251 : memref<!tpu.dma_semaphore, #tpu.memory_space<semaphore_mem>>) src(%dma_wait3A_2249 : memref<2600572x16xf32, #tpu.memory_space<hbm>>) dst(%dma_wait3A_2243 : memref<128x16xf32, #tpu.memory_space<vmem>>)
      %dma_wait3A_2252 = arith.constant 1 : i32
      %dma_wait3A_2253 = arith.constant 1 : i32
      %dma_wait3A_2254 = arith.constant 1 : i32
      %dma_wait3A_2255 = arith.constant 256 : i32
      %dma_wait3A_2256 = arith.constant 0 : i32
      %dma_wait3A_2257 = tpu.memref_slice %arg17[%dma_wait3A_2253, %dma_wait3A_2255, %dma_wait3A_2256] : memref<2x656x16xf32, #tpu.memory_space<vmem>> -> memref<1x128x16xf32, #tpu.memory_space<vmem>>
      %dma_wait3A_2258 = tpu.memref_squeeze %dma_wait3A_2257 : memref<1x128x16xf32, #tpu.memory_space<vmem>> -> memref<128x16xf32, #tpu.memory_space<vmem>>
      %dma_wait3A_2259 = arith.constant 256 : i32
      %dma_wait3A_2260 = tpu.memref_slice %arg15[%dma_wait3A_2252, %dma_wait3A_2259] : memref<2x656xi32, #tpu.memory_space<vmem>> -> memref<1x128xi32, #tpu.memory_space<vmem>>
      %dma_wait3A_2261 = tpu.memref_squeeze %dma_wait3A_2260 : memref<1x128xi32, #tpu.memory_space<vmem>> -> memref<128xi32, #tpu.memory_space<vmem>>
      %dma_wait3A_2262 = arith.constant 0 : i32
      %dma_wait3A_2263 = arith.constant 0 : i32
      %dma_wait3A_2264 = tpu.memref_slice %arg7[%dma_wait3A_2262, %dma_wait3A_2263] : memref<2600572x16xf32, #tpu.memory_space<hbm>> -> memref<2600572x16xf32, #tpu.memory_space<hbm>>
      %dma_wait3A_2265 = tpu.memref_slice %arg20[%dma_wait3A_2254] : memref<2x!tpu.dma_semaphore, #tpu.memory_space<semaphore_mem>> -> memref<1x!tpu.dma_semaphore, #tpu.memory_space<semaphore_mem>>
      %dma_wait3A_2266 = tpu.memref_squeeze %dma_wait3A_2265 : memref<1x!tpu.dma_semaphore, #tpu.memory_space<semaphore_mem>> -> memref<!tpu.dma_semaphore, #tpu.memory_space<semaphore_mem>>
      tpu.wait_indirect_dma semaphore(%dma_wait3A_2266 : memref<!tpu.dma_semaphore, #tpu.memory_space<semaphore_mem>>) src(%dma_wait3A_2264 : memref<2600572x16xf32, #tpu.memory_space<hbm>>) dst(%dma_wait3A_2258 : memref<128x16xf32, #tpu.memory_space<vmem>>)
      %dma_wait3A_2267 = arith.constant 1 : i32
      %dma_wait3A_2268 = arith.constant 1 : i32
      %dma_wait3A_2269 = arith.constant 1 : i32
      %dma_wait3A_2270 = arith.constant 384 : i32
      %dma_wait3A_2271 = arith.constant 0 : i32
      %dma_wait3A_2272 = tpu.memref_slice %arg17[%dma_wait3A_2268, %dma_wait3A_2270, %dma_wait3A_2271] : memref<2x656x16xf32, #tpu.memory_space<vmem>> -> memref<1x128x16xf32, #tpu.memory_space<vmem>>
      %dma_wait3A_2273 = tpu.memref_squeeze %dma_wait3A_2272 : memref<1x128x16xf32, #tpu.memory_space<vmem>> -> memref<128x16xf32, #tpu.memory_space<vmem>>
      %dma_wait3A_2274 = arith.constant 384 : i32
      %dma_wait3A_2275 = tpu.memref_slice %arg15[%dma_wait3A_2267, %dma_wait3A_2274] : memref<2x656xi32, #tpu.memory_space<vmem>> -> memref<1x128xi32, #tpu.memory_space<vmem>>
      %dma_wait3A_2276 = tpu.memref_squeeze %dma_wait3A_2275 : memref<1x128xi32, #tpu.memory_space<vmem>> -> memref<128xi32, #tpu.memory_space<vmem>>
      %dma_wait3A_2277 = arith.constant 0 : i32
      %dma_wait3A_2278 = arith.constant 0 : i32
      %dma_wait3A_2279 = tpu.memref_slice %arg7[%dma_wait3A_2277, %dma_wait3A_2278] : memref<2600572x16xf32, #tpu.memory_space<hbm>> -> memref<2600572x16xf32, #tpu.memory_space<hbm>>
      %dma_wait3A_2280 = tpu.memref_slice %arg20[%dma_wait3A_2269] : memref<2x!tpu.dma_semaphore, #tpu.memory_space<semaphore_mem>> -> memref<1x!tpu.dma_semaphore, #tpu.memory_space<semaphore_mem>>
      %dma_wait3A_2281 = tpu.memref_squeeze %dma_wait3A_2280 : memref<1x!tpu.dma_semaphore, #tpu.memory_space<semaphore_mem>> -> memref<!tpu.dma_semaphore, #tpu.memory_space<semaphore_mem>>
      tpu.wait_indirect_dma semaphore(%dma_wait3A_2281 : memref<!tpu.dma_semaphore, #tpu.memory_space<semaphore_mem>>) src(%dma_wait3A_2279 : memref<2600572x16xf32, #tpu.memory_space<hbm>>) dst(%dma_wait3A_2273 : memref<128x16xf32, #tpu.memory_space<vmem>>)
      %dma_wait3A_2282 = arith.constant 1 : i32
      %dma_wait3A_2283 = arith.constant 1 : i32
      %dma_wait3A_2284 = arith.constant 1 : i32
      %dma_wait3A_2285 = arith.constant 512 : i32
      %dma_wait3A_2286 = arith.constant 0 : i32
      %dma_wait3A_2287 = tpu.memref_slice %arg17[%dma_wait3A_2283, %dma_wait3A_2285, %dma_wait3A_2286] : memref<2x656x16xf32, #tpu.memory_space<vmem>> -> memref<1x128x16xf32, #tpu.memory_space<vmem>>
      %dma_wait3A_2288 = tpu.memref_squeeze %dma_wait3A_2287 : memref<1x128x16xf32, #tpu.memory_space<vmem>> -> memref<128x16xf32, #tpu.memory_space<vmem>>
      %dma_wait3A_2289 = arith.constant 512 : i32
      %dma_wait3A_2290 = tpu.memref_slice %arg15[%dma_wait3A_2282, %dma_wait3A_2289] : memref<2x656xi32, #tpu.memory_space<vmem>> -> memref<1x128xi32, #tpu.memory_space<vmem>>
      %dma_wait3A_2291 = tpu.memref_squeeze %dma_wait3A_2290 : memref<1x128xi32, #tpu.memory_space<vmem>> -> memref<128xi32, #tpu.memory_space<vmem>>
      %dma_wait3A_2292 = arith.constant 0 : i32
      %dma_wait3A_2293 = arith.constant 0 : i32
      %dma_wait3A_2294 = tpu.memref_slice %arg7[%dma_wait3A_2292, %dma_wait3A_2293] : memref<2600572x16xf32, #tpu.memory_space<hbm>> -> memref<2600572x16xf32, #tpu.memory_space<hbm>>
      %dma_wait3A_2295 = tpu.memref_slice %arg20[%dma_wait3A_2284] : memref<2x!tpu.dma_semaphore, #tpu.memory_space<semaphore_mem>> -> memref<1x!tpu.dma_semaphore, #tpu.memory_space<semaphore_mem>>
      %dma_wait3A_2296 = tpu.memref_squeeze %dma_wait3A_2295 : memref<1x!tpu.dma_semaphore, #tpu.memory_space<semaphore_mem>> -> memref<!tpu.dma_semaphore, #tpu.memory_space<semaphore_mem>>
      tpu.wait_indirect_dma semaphore(%dma_wait3A_2296 : memref<!tpu.dma_semaphore, #tpu.memory_space<semaphore_mem>>) src(%dma_wait3A_2294 : memref<2600572x16xf32, #tpu.memory_space<hbm>>) dst(%dma_wait3A_2288 : memref<128x16xf32, #tpu.memory_space<vmem>>)
      %dma_wait3A_2297 = arith.constant 1 : i32
      %dma_wait3A_2298 = arith.constant 1 : i32
      %dma_wait3A_2299 = arith.constant 1 : i32
      %dma_wait3A_2300 = arith.constant 640 : i32
      %dma_wait3A_2301 = arith.constant 0 : i32
      %dma_wait3A_2302 = tpu.memref_slice %arg17[%dma_wait3A_2298, %dma_wait3A_2300, %dma_wait3A_2301] : memref<2x656x16xf32, #tpu.memory_space<vmem>> -> memref<1x16x16xf32, #tpu.memory_space<vmem>>
      %dma_wait3A_2303 = tpu.memref_squeeze %dma_wait3A_2302 : memref<1x16x16xf32, #tpu.memory_space<vmem>> -> memref<16x16xf32, #tpu.memory_space<vmem>>
      %dma_wait3A_2304 = arith.constant 640 : i32
      %dma_wait3A_2305 = tpu.memref_slice %arg15[%dma_wait3A_2297, %dma_wait3A_2304] : memref<2x656xi32, #tpu.memory_space<vmem>> -> memref<1x16xi32, #tpu.memory_space<vmem>>
      %dma_wait3A_2306 = tpu.memref_squeeze %dma_wait3A_2305 : memref<1x16xi32, #tpu.memory_space<vmem>> -> memref<16xi32, #tpu.memory_space<vmem>>
      %dma_wait3A_2307 = arith.constant 0 : i32
      %dma_wait3A_2308 = arith.constant 0 : i32
      %dma_wait3A_2309 = tpu.memref_slice %arg7[%dma_wait3A_2307, %dma_wait3A_2308] : memref<2600572x16xf32, #tpu.memory_space<hbm>> -> memref<2600572x16xf32, #tpu.memory_space<hbm>>
      %dma_wait3A_2310 = tpu.memref_slice %arg20[%dma_wait3A_2299] : memref<2x!tpu.dma_semaphore, #tpu.memory_space<semaphore_mem>> -> memref<1x!tpu.dma_semaphore, #tpu.memory_space<semaphore_mem>>
      %dma_wait3A_2311 = tpu.memref_squeeze %dma_wait3A_2310 : memref<1x!tpu.dma_semaphore, #tpu.memory_space<semaphore_mem>> -> memref<!tpu.dma_semaphore, #tpu.memory_space<semaphore_mem>>
      tpu.wait_indirect_dma semaphore(%dma_wait3A_2311 : memref<!tpu.dma_semaphore, #tpu.memory_space<semaphore_mem>>) src(%dma_wait3A_2309 : memref<2600572x16xf32, #tpu.memory_space<hbm>>) dst(%dma_wait3A_2303 : memref<16x16xf32, #tpu.memory_space<vmem>>)
      %dma_wait3A_2312 = arith.constant 1 : i32
      %dma_wait3A_2313 = arith.constant 1 : i32
      %dma_wait3A_2314 = arith.constant 1 : i32
      %dma_wait3A_2315 = arith.constant 0 : i32
      %dma_wait3A_2316 = tpu.memref_slice %arg18[%dma_wait3A_2313, %dma_wait3A_2315] : memref<2x32xf32, #tpu.memory_space<vmem>> -> memref<1x32xf32, #tpu.memory_space<vmem>>
      %dma_wait3A_2317 = tpu.memref_squeeze %dma_wait3A_2316 : memref<1x32xf32, #tpu.memory_space<vmem>> -> memref<32xf32, #tpu.memory_space<vmem>>
      %dma_wait3A_2318 = arith.constant 0 : i32
      %dma_wait3A_2319 = tpu.memref_slice %arg16[%dma_wait3A_2312, %dma_wait3A_2318] : memref<2x32xi32, #tpu.memory_space<vmem>> -> memref<1x32xi32, #tpu.memory_space<vmem>>
      %dma_wait3A_2320 = tpu.memref_squeeze %dma_wait3A_2319 : memref<1x32xi32, #tpu.memory_space<vmem>> -> memref<32xi32, #tpu.memory_space<vmem>>
      %dma_wait3A_2321 = arith.constant 0 : i32
      %dma_wait3A_2322 = tpu.memref_slice %arg8[%dma_wait3A_2321] : memref<100022xf32, #tpu.memory_space<hbm>> -> memref<100022xf32, #tpu.memory_space<hbm>>
      %dma_wait3A_2323 = tpu.memref_slice %arg21[%dma_wait3A_2314] : memref<2x!tpu.dma_semaphore, #tpu.memory_space<semaphore_mem>> -> memref<1x!tpu.dma_semaphore, #tpu.memory_space<semaphore_mem>>
      %dma_wait3A_2324 = tpu.memref_squeeze %dma_wait3A_2323 : memref<1x!tpu.dma_semaphore, #tpu.memory_space<semaphore_mem>> -> memref<!tpu.dma_semaphore, #tpu.memory_space<semaphore_mem>>
      tpu.wait_indirect_dma semaphore(%dma_wait3A_2324 : memref<!tpu.dma_semaphore, #tpu.memory_space<semaphore_mem>>) src(%dma_wait3A_2322 : memref<100022xf32, #tpu.memory_space<hbm>>) dst(%dma_wait3A_2317 : memref<32xf32, #tpu.memory_space<vmem>>)
      %broadcast_in_dim3A_2325 = arith.constant 0.000000e+00 : f32
      %broadcast_in_dim3A_2326 = vector.broadcast %broadcast_in_dim3A_2325 : f32 to vector<16xf32>
      %scan3A_2327 = arith.constant 0 : i32
      %scan3A_2328 = arith.constant 324 : i32
      %scan3A_2329 = arith.addi %scan3A_2327, %scan3A_2328 : i32
      %scan3A_2330 = arith.constant 4 : i32
      %scan3A_2331 = scf.for %scan3A_2960 = %scan3A_2327 to %scan3A_2329 step %scan3A_2330 iter_args(%scan3A_2961 = %broadcast_in_dim3A_2326) -> (vector<16xf32>)  : i32 {
        %get3A_2962 = arith.constant 1 : i32
        %get3A_2963 = arith.index_cast %get3A_2962 : i32 to index
        %get3A_2964 = arith.index_cast %scan3A_2960 : i32 to index
        %get3A_2965 = arith.constant 0 : index
        %get3A_2966 = tpu.vector_load %arg17[%get3A_2963, %get3A_2964, %get3A_2965] {strides = array<i32>} : memref<2x656x16xf32, #tpu.memory_space<vmem>>, vector<16xf32>,
        %add3A_2967 = arith.constant 325 : i32
        %add3A_2968 = arith.addi %add3A_2967, %scan3A_2960 : i32
        %get3A_2969 = arith.constant 1 : i32
        %get3A_2970 = arith.index_cast %get3A_2969 : i32 to index
        %get3A_2971 = arith.index_cast %add3A_2968 : i32 to index
        %get3A_2972 = arith.constant 0 : index
        %get3A_2973 = tpu.vector_load %arg17[%get3A_2970, %get3A_2971, %get3A_2972] {strides = array<i32>} : memref<2x656x16xf32, #tpu.memory_space<vmem>>, vector<16xf32>,
        %mul3A_2974 = arith.mulf %get3A_2966, %get3A_2973 : vector<16xf32>
        %add3A_2975 = arith.addf %scan3A_2961, %mul3A_2974 : vector<16xf32>
        %scan3A_2976 = arith.constant 1 : i32
        %scan3A_2977 = arith.addi %scan3A_2960, %scan3A_2976 : i32
        %get3A_2978 = arith.constant 1 : i32
        %get3A_2979 = arith.index_cast %get3A_2978 : i32 to index
        %get3A_2980 = arith.index_cast %scan3A_2977 : i32 to index
        %get3A_2981 = arith.constant 0 : index
        %get3A_2982 = tpu.vector_load %arg17[%get3A_2979, %get3A_2980, %get3A_2981] {strides = array<i32>} : memref<2x656x16xf32, #tpu.memory_space<vmem>>, vector<16xf32>,
        %add3A_2983 = arith.constant 325 : i32
        %add3A_2984 = arith.addi %add3A_2983, %scan3A_2977 : i32
        %get3A_2985 = arith.constant 1 : i32
        %get3A_2986 = arith.index_cast %get3A_2985 : i32 to index
        %get3A_2987 = arith.index_cast %add3A_2984 : i32 to index
        %get3A_2988 = arith.constant 0 : index
        %get3A_2989 = tpu.vector_load %arg17[%get3A_2986, %get3A_2987, %get3A_2988] {strides = array<i32>} : memref<2x656x16xf32, #tpu.memory_space<vmem>>, vector<16xf32>,
        %mul3A_2990 = arith.mulf %get3A_2982, %get3A_2989 : vector<16xf32>
        %add3A_2991 = arith.addf %add3A_2975, %mul3A_2990 : vector<16xf32>
        %scan3A_2992 = arith.constant 2 : i32
        %scan3A_2993 = arith.addi %scan3A_2960, %scan3A_2992 : i32
        %get3A_2994 = arith.constant 1 : i32
        %get3A_2995 = arith.index_cast %get3A_2994 : i32 to index
        %get3A_2996 = arith.index_cast %scan3A_2993 : i32 to index
        %get3A_2997 = arith.constant 0 : index
        %get3A_2998 = tpu.vector_load %arg17[%get3A_2995, %get3A_2996, %get3A_2997] {strides = array<i32>} : memref<2x656x16xf32, #tpu.memory_space<vmem>>, vector<16xf32>,
        %add3A_2999 = arith.constant 325 : i32
        %add3A_3000 = arith.addi %add3A_2999, %scan3A_2993 : i32
        %get3A_3001 = arith.constant 1 : i32
        %get3A_3002 = arith.index_cast %get3A_3001 : i32 to index
        %get3A_3003 = arith.index_cast %add3A_3000 : i32 to index
        %get3A_3004 = arith.constant 0 : index
        %get3A_3005 = tpu.vector_load %arg17[%get3A_3002, %get3A_3003, %get3A_3004] {strides = array<i32>} : memref<2x656x16xf32, #tpu.memory_space<vmem>>, vector<16xf32>,
        %mul3A_3006 = arith.mulf %get3A_2998, %get3A_3005 : vector<16xf32>
        %add3A_3007 = arith.addf %add3A_2991, %mul3A_3006 : vector<16xf32>
        %scan3A_3008 = arith.constant 3 : i32
        %scan3A_3009 = arith.addi %scan3A_2960, %scan3A_3008 : i32
        %get3A_3010 = arith.constant 1 : i32
        %get3A_3011 = arith.index_cast %get3A_3010 : i32 to index
        %get3A_3012 = arith.index_cast %scan3A_3009 : i32 to index
        %get3A_3013 = arith.constant 0 : index
        %get3A_3014 = tpu.vector_load %arg17[%get3A_3011, %get3A_3012, %get3A_3013] {strides = array<i32>} : memref<2x656x16xf32, #tpu.memory_space<vmem>>, vector<16xf32>,
        %add3A_3015 = arith.constant 325 : i32
        %add3A_3016 = arith.addi %add3A_3015, %scan3A_3009 : i32
        %get3A_3017 = arith.constant 1 : i32
        %get3A_3018 = arith.index_cast %get3A_3017 : i32 to index
        %get3A_3019 = arith.index_cast %add3A_3016 : i32 to index
        %get3A_3020 = arith.constant 0 : index
        %get3A_3021 = tpu.vector_load %arg17[%get3A_3018, %get3A_3019, %get3A_3020] {strides = array<i32>} : memref<2x656x16xf32, #tpu.memory_space<vmem>>, vector<16xf32>,
        %mul3A_3022 = arith.mulf %get3A_3014, %get3A_3021 : vector<16xf32>
        %add3A_3023 = arith.addf %add3A_3007, %mul3A_3022 : vector<16xf32>
        scf.yield %add3A_3023 : vector<16xf32>
      }
      %scan3A_2332 = arith.constant 324 : i32
      %scan3A_2333 = arith.addi %scan3A_2327, %scan3A_2332 : i32
      %get3A_2334 = arith.constant 1 : i32
      %get3A_2335 = arith.index_cast %get3A_2334 : i32 to index
      %get3A_2336 = arith.index_cast %scan3A_2333 : i32 to index
      %get3A_2337 = arith.constant 0 : index
      %get3A_2338 = tpu.vector_load %arg17[%get3A_2335, %get3A_2336, %get3A_2337] {strides = array<i32>} : memref<2x656x16xf32, #tpu.memory_space<vmem>>, vector<16xf32>,
      %add3A_2339 = arith.constant 325 : i32
      %add3A_2340 = arith.addi %add3A_2339, %scan3A_2333 : i32
      %get3A_2341 = arith.constant 1 : i32
      %get3A_2342 = arith.index_cast %get3A_2341 : i32 to index
      %get3A_2343 = arith.index_cast %add3A_2340 : i32 to index
      %get3A_2344 = arith.constant 0 : index
      %get3A_2345 = tpu.vector_load %arg17[%get3A_2342, %get3A_2343, %get3A_2344] {strides = array<i32>} : memref<2x656x16xf32, #tpu.memory_space<vmem>>, vector<16xf32>,
      %mul3A_2346 = arith.mulf %get3A_2338, %get3A_2345 : vector<16xf32>
      %add3A_2347 = arith.addf %scan3A_2331, %mul3A_2346 : vector<16xf32>
      %scan3A_2348 = arith.constant 325 : i32
      %get3A_2349 = arith.constant 1 : i32
      %get3A_2350 = arith.index_cast %get3A_2349 : i32 to index
      %get3A_2351 = arith.constant 0 : index
      %get3A_2352 = tpu.vector_load %arg18[%get3A_2350, %get3A_2351] {strides = array<i32>} : memref<2x32xf32, #tpu.memory_space<vmem>>, vector<16xf32>,
      %lt3A_2353 = arith.constant 10 : i32
      %lt3A_2354 = vector.broadcast %lt3A_2353 : i32 to vector<16xi32>
      %lt3A_2355 = arith.cmpi slt, %iota3A, %lt3A_2354 : vector<16xi32>
      %get3A_2356 = arith.constant 1 : i32
      %get3A_2357 = arith.index_cast %get3A_2356 : i32 to index
      %get3A_2358 = arith.constant 16 : index
      %get3A_2359 = tpu.vector_load %arg18[%get3A_2357, %get3A_2358] {strides = array<i32>} : memref<2x32xf32, #tpu.memory_space<vmem>>, vector<16xf32>,
      %jit3A_2360 = arith.constant 0.000000e+00 : f32
      %broadcast_in_dim3A_2361 = vector.broadcast %jit3A_2360 : f32 to vector<16xf32>
      %select_n3A_2362 = arith.select %lt3A_2355, %get3A_2359, %broadcast_in_dim3A_2361 : vector<16xi1>, vector<16xf32>
      %add3A_2363 = arith.addf %get3A_2352, %select_n3A_2362 : vector<16xf32>
      %reduce_sum3A_2364 = arith.constant true
      %reduce_sum3A_2365 = vector.broadcast %reduce_sum3A_2364 : i1 to vector<16xi1>
      %reduce_sum3A_2366 = tpu.scan <sum>, %add3A_2347 masked %reduce_sum3A_2365 : vector<16xf32>, vector<16xi1> -> vector<16xf32>
      %reduce_sum3A_2367 = vector.extract %reduce_sum3A_2366[15] : f32 from vector<16xf32>
      %reduce_sum3A_2368 = arith.constant true
      %reduce_sum3A_2369 = vector.broadcast %reduce_sum3A_2368 : i1 to vector<16xi1>
      %reduce_sum3A_2370 = tpu.scan <sum>, %add3A_2363 masked %reduce_sum3A_2369 : vector<16xf32>, vector<16xi1> -> vector<16xf32>
      %reduce_sum3A_2371 = vector.extract %reduce_sum3A_2370[15] : f32 from vector<16xf32>
      %add3A_2372 = arith.addf %reduce_sum3A_2367, %reduce_sum3A_2371 : f32
      %broadcast_in_dim3A_2373 = vector.broadcast %add3A_2221 : i32 to vector<16xi32>
      %broadcast_in_dim3A_2374 = vector.broadcast %add3A_2372 : f32 to vector<16xf32>
      %eq3A_2375 = arith.constant 0 : i32
      %eq3A_2376 = vector.broadcast %eq3A_2375 : i32 to vector<16xi32>
      %eq3A_2377 = arith.cmpi eq, %iota3A, %eq3A_2376 : vector<16xi32>
      tpu.vector_store_idx %arg19[%broadcast_in_dim3A_2373], %broadcast_in_dim3A_2374 masked %eq3A_2377 : memref<128xf32, #tpu.memory_space<vmem>>[vector<16xi32>], vector<16xf32>, vector<16xi1>
      %min3A_2378 = arith.constant 127 : i32
      %min3A_2379 = arith.minsi %add3A_2219, %min3A_2378 : i32
      %mul3A_2380 = arith.constant 26 : i32
      %mul3A_2381 = arith.muli %min3A_2379, %mul3A_2380 : i32
      %broadcast_in_dim3A_2382 = vector.broadcast %mul3A_2381 : i32 to vector<16xi32>
      %get3A_2383 = arith.constant 0 : index
      %get3A_2384 = tpu.vector_load %arg12[%get3A_2383] {strides = array<i32>} : memref<656xi32, #tpu.memory_space<vmem>>, vector<16xi32>,
      %add3A_2385 = arith.addi %broadcast_in_dim3A_2382, %get3A_2384 : vector<16xi32>
      %gather3A_2386 = tpu.vector_load_idx %arg10[%add3A_2385] : memref<3328xi32, #tpu.memory_space<vmem>>[vector<16xi32>], vector<16xi32>,
      %get3A_2387 = arith.constant 0 : index
      %get3A_2388 = tpu.vector_load %arg11[%get3A_2387] {strides = array<i32>} : memref<656xi32, #tpu.memory_space<vmem>>, vector<16xi32>,
      %add3A_2389 = arith.addi %get3A_2388, %gather3A_2386 : vector<16xi32>
      %swap3A_2390 = arith.constant 1 : i32
      %swap3A_2391 = arith.index_cast %swap3A_2390 : i32 to index
      %swap3A_2392 = arith.constant 0 : index
      %swap3A_2393 = tpu.vector_load %arg15[%swap3A_2391, %swap3A_2392] {strides = array<i32>} : memref<2x656xi32, #tpu.memory_space<vmem>>, vector<16xi32>,
      tpu.vector_store %arg15[%swap3A_2391, %swap3A_2392], %add3A_2389 {strides = array<i32>} : memref<2x656xi32, #tpu.memory_space<vmem>>, vector<16xi32>,
      %get3A_2394 = arith.constant 16 : index
      %get3A_2395 = tpu.vector_load %arg12[%get3A_2394] {strides = array<i32>} : memref<656xi32, #tpu.memory_space<vmem>>, vector<16xi32>,
      %add3A_2396 = arith.addi %broadcast_in_dim3A_2382, %get3A_2395 : vector<16xi32>
      %gather3A_2397 = tpu.vector_load_idx %arg10[%add3A_2396] : memref<3328xi32, #tpu.memory_space<vmem>>[vector<16xi32>], vector<16xi32>,
      %get3A_2398 = arith.constant 16 : index
      %get3A_2399 = tpu.vector_load %arg11[%get3A_2398] {strides = array<i32>} : memref<656xi32, #tpu.memory_space<vmem>>, vector<16xi32>,
      %add3A_2400 = arith.addi %get3A_2399, %gather3A_2397 : vector<16xi32>
      %swap3A_2401 = arith.constant 1 : i32
      %swap3A_2402 = arith.index_cast %swap3A_2401 : i32 to index
      %swap3A_2403 = arith.constant 16 : index
      %swap3A_2404 = tpu.vector_load %arg15[%swap3A_2402, %swap3A_2403] {strides = array<i32>} : memref<2x656xi32, #tpu.memory_space<vmem>>, vector<16xi32>,
      tpu.vector_store %arg15[%swap3A_2402, %swap3A_2403], %add3A_2400 {strides = array<i32>} : memref<2x656xi32, #tpu.memory_space<vmem>>, vector<16xi32>,
      %get3A_2405 = arith.constant 32 : index
      %get3A_2406 = tpu.vector_load %arg12[%get3A_2405] {strides = array<i32>} : memref<656xi32, #tpu.memory_space<vmem>>, vector<16xi32>,
      %add3A_2407 = arith.addi %broadcast_in_dim3A_2382, %get3A_2406 : vector<16xi32>
      %gather3A_2408 = tpu.vector_load_idx %arg10[%add3A_2407] : memref<3328xi32, #tpu.memory_space<vmem>>[vector<16xi32>], vector<16xi32>,
      %get3A_2409 = arith.constant 32 : index
      %get3A_2410 = tpu.vector_load %arg11[%get3A_2409] {strides = array<i32>} : memref<656xi32, #tpu.memory_space<vmem>>, vector<16xi32>,
      %add3A_2411 = arith.addi %get3A_2410, %gather3A_2408 : vector<16xi32>
      %swap3A_2412 = arith.constant 1 : i32
      %swap3A_2413 = arith.index_cast %swap3A_2412 : i32 to index
      %swap3A_2414 = arith.constant 32 : index
      %swap3A_2415 = tpu.vector_load %arg15[%swap3A_2413, %swap3A_2414] {strides = array<i32>} : memref<2x656xi32, #tpu.memory_space<vmem>>, vector<16xi32>,
      tpu.vector_store %arg15[%swap3A_2413, %swap3A_2414], %add3A_2411 {strides = array<i32>} : memref<2x656xi32, #tpu.memory_space<vmem>>, vector<16xi32>,
      %get3A_2416 = arith.constant 48 : index
      %get3A_2417 = tpu.vector_load %arg12[%get3A_2416] {strides = array<i32>} : memref<656xi32, #tpu.memory_space<vmem>>, vector<16xi32>,
      %add3A_2418 = arith.addi %broadcast_in_dim3A_2382, %get3A_2417 : vector<16xi32>
      %gather3A_2419 = tpu.vector_load_idx %arg10[%add3A_2418] : memref<3328xi32, #tpu.memory_space<vmem>>[vector<16xi32>], vector<16xi32>,
      %get3A_2420 = arith.constant 48 : index
      %get3A_2421 = tpu.vector_load %arg11[%get3A_2420] {strides = array<i32>} : memref<656xi32, #tpu.memory_space<vmem>>, vector<16xi32>,
      %add3A_2422 = arith.addi %get3A_2421, %gather3A_2419 : vector<16xi32>
      %swap3A_2423 = arith.constant 1 : i32
      %swap3A_2424 = arith.index_cast %swap3A_2423 : i32 to index
      %swap3A_2425 = arith.constant 48 : index
      %swap3A_2426 = tpu.vector_load %arg15[%swap3A_2424, %swap3A_2425] {strides = array<i32>} : memref<2x656xi32, #tpu.memory_space<vmem>>, vector<16xi32>,
      tpu.vector_store %arg15[%swap3A_2424, %swap3A_2425], %add3A_2422 {strides = array<i32>} : memref<2x656xi32, #tpu.memory_space<vmem>>, vector<16xi32>,
      %get3A_2427 = arith.constant 64 : index
      %get3A_2428 = tpu.vector_load %arg12[%get3A_2427] {strides = array<i32>} : memref<656xi32, #tpu.memory_space<vmem>>, vector<16xi32>,
      %add3A_2429 = arith.addi %broadcast_in_dim3A_2382, %get3A_2428 : vector<16xi32>
      %gather3A_2430 = tpu.vector_load_idx %arg10[%add3A_2429] : memref<3328xi32, #tpu.memory_space<vmem>>[vector<16xi32>], vector<16xi32>,
      %get3A_2431 = arith.constant 64 : index
      %get3A_2432 = tpu.vector_load %arg11[%get3A_2431] {strides = array<i32>} : memref<656xi32, #tpu.memory_space<vmem>>, vector<16xi32>,
      %add3A_2433 = arith.addi %get3A_2432, %gather3A_2430 : vector<16xi32>
      %swap3A_2434 = arith.constant 1 : i32
      %swap3A_2435 = arith.index_cast %swap3A_2434 : i32 to index
      %swap3A_2436 = arith.constant 64 : index
      %swap3A_2437 = tpu.vector_load %arg15[%swap3A_2435, %swap3A_2436] {strides = array<i32>} : memref<2x656xi32, #tpu.memory_space<vmem>>, vector<16xi32>,
      tpu.vector_store %arg15[%swap3A_2435, %swap3A_2436], %add3A_2433 {strides = array<i32>} : memref<2x656xi32, #tpu.memory_space<vmem>>, vector<16xi32>,
      %get3A_2438 = arith.constant 80 : index
      %get3A_2439 = tpu.vector_load %arg12[%get3A_2438] {strides = array<i32>} : memref<656xi32, #tpu.memory_space<vmem>>, vector<16xi32>,
      %add3A_2440 = arith.addi %broadcast_in_dim3A_2382, %get3A_2439 : vector<16xi32>
      %gather3A_2441 = tpu.vector_load_idx %arg10[%add3A_2440] : memref<3328xi32, #tpu.memory_space<vmem>>[vector<16xi32>], vector<16xi32>,
      %get3A_2442 = arith.constant 80 : index
      %get3A_2443 = tpu.vector_load %arg11[%get3A_2442] {strides = array<i32>} : memref<656xi32, #tpu.memory_space<vmem>>, vector<16xi32>,
      %add3A_2444 = arith.addi %get3A_2443, %gather3A_2441 : vector<16xi32>
      %swap3A_2445 = arith.constant 1 : i32
      %swap3A_2446 = arith.index_cast %swap3A_2445 : i32 to index
      %swap3A_2447 = arith.constant 80 : index
      %swap3A_2448 = tpu.vector_load %arg15[%swap3A_2446, %swap3A_2447] {strides = array<i32>} : memref<2x656xi32, #tpu.memory_space<vmem>>, vector<16xi32>,
      tpu.vector_store %arg15[%swap3A_2446, %swap3A_2447], %add3A_2444 {strides = array<i32>} : memref<2x656xi32, #tpu.memory_space<vmem>>, vector<16xi32>,
      %get3A_2449 = arith.constant 96 : index
      %get3A_2450 = tpu.vector_load %arg12[%get3A_2449] {strides = array<i32>} : memref<656xi32, #tpu.memory_space<vmem>>, vector<16xi32>,
      %add3A_2451 = arith.addi %broadcast_in_dim3A_2382, %get3A_2450 : vector<16xi32>
      %gather3A_2452 = tpu.vector_load_idx %arg10[%add3A_2451] : memref<3328xi32, #tpu.memory_space<vmem>>[vector<16xi32>], vector<16xi32>,
      %get3A_2453 = arith.constant 96 : index
      %get3A_2454 = tpu.vector_load %arg11[%get3A_2453] {strides = array<i32>} : memref<656xi32, #tpu.memory_space<vmem>>, vector<16xi32>,
      %add3A_2455 = arith.addi %get3A_2454, %gather3A_2452 : vector<16xi32>
      %swap3A_2456 = arith.constant 1 : i32
      %swap3A_2457 = arith.index_cast %swap3A_2456 : i32 to index
      %swap3A_2458 = arith.constant 96 : index
      %swap3A_2459 = tpu.vector_load %arg15[%swap3A_2457, %swap3A_2458] {strides = array<i32>} : memref<2x656xi32, #tpu.memory_space<vmem>>, vector<16xi32>,
      tpu.vector_store %arg15[%swap3A_2457, %swap3A_2458], %add3A_2455 {strides = array<i32>} : memref<2x656xi32, #tpu.memory_space<vmem>>, vector<16xi32>,
      %get3A_2460 = arith.constant 112 : index
      %get3A_2461 = tpu.vector_load %arg12[%get3A_2460] {strides = array<i32>} : memref<656xi32, #tpu.memory_space<vmem>>, vector<16xi32>,
      %add3A_2462 = arith.addi %broadcast_in_dim3A_2382, %get3A_2461 : vector<16xi32>
      %gather3A_2463 = tpu.vector_load_idx %arg10[%add3A_2462] : memref<3328xi32, #tpu.memory_space<vmem>>[vector<16xi32>], vector<16xi32>,
      %get3A_2464 = arith.constant 112 : index
      %get3A_2465 = tpu.vector_load %arg11[%get3A_2464] {strides = array<i32>} : memref<656xi32, #tpu.memory_space<vmem>>, vector<16xi32>,
      %add3A_2466 = arith.addi %get3A_2465, %gather3A_2463 : vector<16xi32>
      %swap3A_2467 = arith.constant 1 : i32
      %swap3A_2468 = arith.index_cast %swap3A_2467 : i32 to index
      %swap3A_2469 = arith.constant 112 : index
      %swap3A_2470 = tpu.vector_load %arg15[%swap3A_2468, %swap3A_2469] {strides = array<i32>} : memref<2x656xi32, #tpu.memory_space<vmem>>, vector<16xi32>,
      tpu.vector_store %arg15[%swap3A_2468, %swap3A_2469], %add3A_2466 {strides = array<i32>} : memref<2x656xi32, #tpu.memory_space<vmem>>, vector<16xi32>,
      %get3A_2471 = arith.constant 128 : index
      %get3A_2472 = tpu.vector_load %arg12[%get3A_2471] {strides = array<i32>} : memref<656xi32, #tpu.memory_space<vmem>>, vector<16xi32>,
      %add3A_2473 = arith.addi %broadcast_in_dim3A_2382, %get3A_2472 : vector<16xi32>
      %gather3A_2474 = tpu.vector_load_idx %arg10[%add3A_2473] : memref<3328xi32, #tpu.memory_space<vmem>>[vector<16xi32>], vector<16xi32>,
      %get3A_2475 = arith.constant 128 : index
      %get3A_2476 = tpu.vector_load %arg11[%get3A_2475] {strides = array<i32>} : memref<656xi32, #tpu.memory_space<vmem>>, vector<16xi32>,
      %add3A_2477 = arith.addi %get3A_2476, %gather3A_2474 : vector<16xi32>
      %swap3A_2478 = arith.constant 1 : i32
      %swap3A_2479 = arith.index_cast %swap3A_2478 : i32 to index
      %swap3A_2480 = arith.constant 128 : index
      %swap3A_2481 = tpu.vector_load %arg15[%swap3A_2479, %swap3A_2480] {strides = array<i32>} : memref<2x656xi32, #tpu.memory_space<vmem>>, vector<16xi32>,
      tpu.vector_store %arg15[%swap3A_2479, %swap3A_2480], %add3A_2477 {strides = array<i32>} : memref<2x656xi32, #tpu.memory_space<vmem>>, vector<16xi32>,
      %get3A_2482 = arith.constant 144 : index
      %get3A_2483 = tpu.vector_load %arg12[%get3A_2482] {strides = array<i32>} : memref<656xi32, #tpu.memory_space<vmem>>, vector<16xi32>,
      %add3A_2484 = arith.addi %broadcast_in_dim3A_2382, %get3A_2483 : vector<16xi32>
      %gather3A_2485 = tpu.vector_load_idx %arg10[%add3A_2484] : memref<3328xi32, #tpu.memory_space<vmem>>[vector<16xi32>], vector<16xi32>,
      %get3A_2486 = arith.constant 144 : index
      %get3A_2487 = tpu.vector_load %arg11[%get3A_2486] {strides = array<i32>} : memref<656xi32, #tpu.memory_space<vmem>>, vector<16xi32>,
      %add3A_2488 = arith.addi %get3A_2487, %gather3A_2485 : vector<16xi32>
      %swap3A_2489 = arith.constant 1 : i32
      %swap3A_2490 = arith.index_cast %swap3A_2489 : i32 to index
      %swap3A_2491 = arith.constant 144 : index
      %swap3A_2492 = tpu.vector_load %arg15[%swap3A_2490, %swap3A_2491] {strides = array<i32>} : memref<2x656xi32, #tpu.memory_space<vmem>>, vector<16xi32>,
      tpu.vector_store %arg15[%swap3A_2490, %swap3A_2491], %add3A_2488 {strides = array<i32>} : memref<2x656xi32, #tpu.memory_space<vmem>>, vector<16xi32>,
      %get3A_2493 = arith.constant 160 : index
      %get3A_2494 = tpu.vector_load %arg12[%get3A_2493] {strides = array<i32>} : memref<656xi32, #tpu.memory_space<vmem>>, vector<16xi32>,
      %add3A_2495 = arith.addi %broadcast_in_dim3A_2382, %get3A_2494 : vector<16xi32>
      %gather3A_2496 = tpu.vector_load_idx %arg10[%add3A_2495] : memref<3328xi32, #tpu.memory_space<vmem>>[vector<16xi32>], vector<16xi32>,
      %get3A_2497 = arith.constant 160 : index
      %get3A_2498 = tpu.vector_load %arg11[%get3A_2497] {strides = array<i32>} : memref<656xi32, #tpu.memory_space<vmem>>, vector<16xi32>,
      %add3A_2499 = arith.addi %get3A_2498, %gather3A_2496 : vector<16xi32>
      %swap3A_2500 = arith.constant 1 : i32
      %swap3A_2501 = arith.index_cast %swap3A_2500 : i32 to index
      %swap3A_2502 = arith.constant 160 : index
      %swap3A_2503 = tpu.vector_load %arg15[%swap3A_2501, %swap3A_2502] {strides = array<i32>} : memref<2x656xi32, #tpu.memory_space<vmem>>, vector<16xi32>,
      tpu.vector_store %arg15[%swap3A_2501, %swap3A_2502], %add3A_2499 {strides = array<i32>} : memref<2x656xi32, #tpu.memory_space<vmem>>, vector<16xi32>,
      %get3A_2504 = arith.constant 176 : index
      %get3A_2505 = tpu.vector_load %arg12[%get3A_2504] {strides = array<i32>} : memref<656xi32, #tpu.memory_space<vmem>>, vector<16xi32>,
      %add3A_2506 = arith.addi %broadcast_in_dim3A_2382, %get3A_2505 : vector<16xi32>
      %gather3A_2507 = tpu.vector_load_idx %arg10[%add3A_2506] : memref<3328xi32, #tpu.memory_space<vmem>>[vector<16xi32>], vector<16xi32>,
      %get3A_2508 = arith.constant 176 : index
      %get3A_2509 = tpu.vector_load %arg11[%get3A_2508] {strides = array<i32>} : memref<656xi32, #tpu.memory_space<vmem>>, vector<16xi32>,
      %add3A_2510 = arith.addi %get3A_2509, %gather3A_2507 : vector<16xi32>
      %swap3A_2511 = arith.constant 1 : i32
      %swap3A_2512 = arith.index_cast %swap3A_2511 : i32 to index
      %swap3A_2513 = arith.constant 176 : index
      %swap3A_2514 = tpu.vector_load %arg15[%swap3A_2512, %swap3A_2513] {strides = array<i32>} : memref<2x656xi32, #tpu.memory_space<vmem>>, vector<16xi32>,
      tpu.vector_store %arg15[%swap3A_2512, %swap3A_2513], %add3A_2510 {strides = array<i32>} : memref<2x656xi32, #tpu.memory_space<vmem>>, vector<16xi32>,
      %get3A_2515 = arith.constant 192 : index
      %get3A_2516 = tpu.vector_load %arg12[%get3A_2515] {strides = array<i32>} : memref<656xi32, #tpu.memory_space<vmem>>, vector<16xi32>,
      %add3A_2517 = arith.addi %broadcast_in_dim3A_2382, %get3A_2516 : vector<16xi32>
      %gather3A_2518 = tpu.vector_load_idx %arg10[%add3A_2517] : memref<3328xi32, #tpu.memory_space<vmem>>[vector<16xi32>], vector<16xi32>,
      %get3A_2519 = arith.constant 192 : index
      %get3A_2520 = tpu.vector_load %arg11[%get3A_2519] {strides = array<i32>} : memref<656xi32, #tpu.memory_space<vmem>>, vector<16xi32>,
      %add3A_2521 = arith.addi %get3A_2520, %gather3A_2518 : vector<16xi32>
      %swap3A_2522 = arith.constant 1 : i32
      %swap3A_2523 = arith.index_cast %swap3A_2522 : i32 to index
      %swap3A_2524 = arith.constant 192 : index
      %swap3A_2525 = tpu.vector_load %arg15[%swap3A_2523, %swap3A_2524] {strides = array<i32>} : memref<2x656xi32, #tpu.memory_space<vmem>>, vector<16xi32>,
      tpu.vector_store %arg15[%swap3A_2523, %swap3A_2524], %add3A_2521 {strides = array<i32>} : memref<2x656xi32, #tpu.memory_space<vmem>>, vector<16xi32>,
      %get3A_2526 = arith.constant 208 : index
      %get3A_2527 = tpu.vector_load %arg12[%get3A_2526] {strides = array<i32>} : memref<656xi32, #tpu.memory_space<vmem>>, vector<16xi32>,
      %add3A_2528 = arith.addi %broadcast_in_dim3A_2382, %get3A_2527 : vector<16xi32>
      %gather3A_2529 = tpu.vector_load_idx %arg10[%add3A_2528] : memref<3328xi32, #tpu.memory_space<vmem>>[vector<16xi32>], vector<16xi32>,
      %get3A_2530 = arith.constant 208 : index
      %get3A_2531 = tpu.vector_load %arg11[%get3A_2530] {strides = array<i32>} : memref<656xi32, #tpu.memory_space<vmem>>, vector<16xi32>,
      %add3A_2532 = arith.addi %get3A_2531, %gather3A_2529 : vector<16xi32>
      %swap3A_2533 = arith.constant 1 : i32
      %swap3A_2534 = arith.index_cast %swap3A_2533 : i32 to index
      %swap3A_2535 = arith.constant 208 : index
      %swap3A_2536 = tpu.vector_load %arg15[%swap3A_2534, %swap3A_2535] {strides = array<i32>} : memref<2x656xi32, #tpu.memory_space<vmem>>, vector<16xi32>,
      tpu.vector_store %arg15[%swap3A_2534, %swap3A_2535], %add3A_2532 {strides = array<i32>} : memref<2x656xi32, #tpu.memory_space<vmem>>, vector<16xi32>,
      %get3A_2537 = arith.constant 224 : index
      %get3A_2538 = tpu.vector_load %arg12[%get3A_2537] {strides = array<i32>} : memref<656xi32, #tpu.memory_space<vmem>>, vector<16xi32>,
      %add3A_2539 = arith.addi %broadcast_in_dim3A_2382, %get3A_2538 : vector<16xi32>
      %gather3A_2540 = tpu.vector_load_idx %arg10[%add3A_2539] : memref<3328xi32, #tpu.memory_space<vmem>>[vector<16xi32>], vector<16xi32>,
      %get3A_2541 = arith.constant 224 : index
      %get3A_2542 = tpu.vector_load %arg11[%get3A_2541] {strides = array<i32>} : memref<656xi32, #tpu.memory_space<vmem>>, vector<16xi32>,
      %add3A_2543 = arith.addi %get3A_2542, %gather3A_2540 : vector<16xi32>
      %swap3A_2544 = arith.constant 1 : i32
      %swap3A_2545 = arith.index_cast %swap3A_2544 : i32 to index
      %swap3A_2546 = arith.constant 224 : index
      %swap3A_2547 = tpu.vector_load %arg15[%swap3A_2545, %swap3A_2546] {strides = array<i32>} : memref<2x656xi32, #tpu.memory_space<vmem>>, vector<16xi32>,
      tpu.vector_store %arg15[%swap3A_2545, %swap3A_2546], %add3A_2543 {strides = array<i32>} : memref<2x656xi32, #tpu.memory_space<vmem>>, vector<16xi32>,
      %get3A_2548 = arith.constant 240 : index
      %get3A_2549 = tpu.vector_load %arg12[%get3A_2548] {strides = array<i32>} : memref<656xi32, #tpu.memory_space<vmem>>, vector<16xi32>,
      %add3A_2550 = arith.addi %broadcast_in_dim3A_2382, %get3A_2549 : vector<16xi32>
      %gather3A_2551 = tpu.vector_load_idx %arg10[%add3A_2550] : memref<3328xi32, #tpu.memory_space<vmem>>[vector<16xi32>], vector<16xi32>,
      %get3A_2552 = arith.constant 240 : index
      %get3A_2553 = tpu.vector_load %arg11[%get3A_2552] {strides = array<i32>} : memref<656xi32, #tpu.memory_space<vmem>>, vector<16xi32>,
      %add3A_2554 = arith.addi %get3A_2553, %gather3A_2551 : vector<16xi32>
      %swap3A_2555 = arith.constant 1 : i32
      %swap3A_2556 = arith.index_cast %swap3A_2555 : i32 to index
      %swap3A_2557 = arith.constant 240 : index
      %swap3A_2558 = tpu.vector_load %arg15[%swap3A_2556, %swap3A_2557] {strides = array<i32>} : memref<2x656xi32, #tpu.memory_space<vmem>>, vector<16xi32>,
      tpu.vector_store %arg15[%swap3A_2556, %swap3A_2557], %add3A_2554 {strides = array<i32>} : memref<2x656xi32, #tpu.memory_space<vmem>>, vector<16xi32>,
      %get3A_2559 = arith.constant 256 : index
      %get3A_2560 = tpu.vector_load %arg12[%get3A_2559] {strides = array<i32>} : memref<656xi32, #tpu.memory_space<vmem>>, vector<16xi32>,
      %add3A_2561 = arith.addi %broadcast_in_dim3A_2382, %get3A_2560 : vector<16xi32>
      %gather3A_2562 = tpu.vector_load_idx %arg10[%add3A_2561] : memref<3328xi32, #tpu.memory_space<vmem>>[vector<16xi32>], vector<16xi32>,
      %get3A_2563 = arith.constant 256 : index
      %get3A_2564 = tpu.vector_load %arg11[%get3A_2563] {strides = array<i32>} : memref<656xi32, #tpu.memory_space<vmem>>, vector<16xi32>,
      %add3A_2565 = arith.addi %get3A_2564, %gather3A_2562 : vector<16xi32>
      %swap3A_2566 = arith.constant 1 : i32
      %swap3A_2567 = arith.index_cast %swap3A_2566 : i32 to index
      %swap3A_2568 = arith.constant 256 : index
      %swap3A_2569 = tpu.vector_load %arg15[%swap3A_2567, %swap3A_2568] {strides = array<i32>} : memref<2x656xi32, #tpu.memory_space<vmem>>, vector<16xi32>,
      tpu.vector_store %arg15[%swap3A_2567, %swap3A_2568], %add3A_2565 {strides = array<i32>} : memref<2x656xi32, #tpu.memory_space<vmem>>, vector<16xi32>,
      %get3A_2570 = arith.constant 272 : index
      %get3A_2571 = tpu.vector_load %arg12[%get3A_2570] {strides = array<i32>} : memref<656xi32, #tpu.memory_space<vmem>>, vector<16xi32>,
      %add3A_2572 = arith.addi %broadcast_in_dim3A_2382, %get3A_2571 : vector<16xi32>
      %gather3A_2573 = tpu.vector_load_idx %arg10[%add3A_2572] : memref<3328xi32, #tpu.memory_space<vmem>>[vector<16xi32>], vector<16xi32>,
      %get3A_2574 = arith.constant 272 : index
      %get3A_2575 = tpu.vector_load %arg11[%get3A_2574] {strides = array<i32>} : memref<656xi32, #tpu.memory_space<vmem>>, vector<16xi32>,
      %add3A_2576 = arith.addi %get3A_2575, %gather3A_2573 : vector<16xi32>
      %swap3A_2577 = arith.constant 1 : i32
      %swap3A_2578 = arith.index_cast %swap3A_2577 : i32 to index
      %swap3A_2579 = arith.constant 272 : index
      %swap3A_2580 = tpu.vector_load %arg15[%swap3A_2578, %swap3A_2579] {strides = array<i32>} : memref<2x656xi32, #tpu.memory_space<vmem>>, vector<16xi32>,
      tpu.vector_store %arg15[%swap3A_2578, %swap3A_2579], %add3A_2576 {strides = array<i32>} : memref<2x656xi32, #tpu.memory_space<vmem>>, vector<16xi32>,
      %get3A_2581 = arith.constant 288 : index
      %get3A_2582 = tpu.vector_load %arg12[%get3A_2581] {strides = array<i32>} : memref<656xi32, #tpu.memory_space<vmem>>, vector<16xi32>,
      %add3A_2583 = arith.addi %broadcast_in_dim3A_2382, %get3A_2582 : vector<16xi32>
      %gather3A_2584 = tpu.vector_load_idx %arg10[%add3A_2583] : memref<3328xi32, #tpu.memory_space<vmem>>[vector<16xi32>], vector<16xi32>,
      %get3A_2585 = arith.constant 288 : index
      %get3A_2586 = tpu.vector_load %arg11[%get3A_2585] {strides = array<i32>} : memref<656xi32, #tpu.memory_space<vmem>>, vector<16xi32>,
      %add3A_2587 = arith.addi %get3A_2586, %gather3A_2584 : vector<16xi32>
      %swap3A_2588 = arith.constant 1 : i32
      %swap3A_2589 = arith.index_cast %swap3A_2588 : i32 to index
      %swap3A_2590 = arith.constant 288 : index
      %swap3A_2591 = tpu.vector_load %arg15[%swap3A_2589, %swap3A_2590] {strides = array<i32>} : memref<2x656xi32, #tpu.memory_space<vmem>>, vector<16xi32>,
      tpu.vector_store %arg15[%swap3A_2589, %swap3A_2590], %add3A_2587 {strides = array<i32>} : memref<2x656xi32, #tpu.memory_space<vmem>>, vector<16xi32>,
      %get3A_2592 = arith.constant 304 : index
      %get3A_2593 = tpu.vector_load %arg12[%get3A_2592] {strides = array<i32>} : memref<656xi32, #tpu.memory_space<vmem>>, vector<16xi32>,
      %add3A_2594 = arith.addi %broadcast_in_dim3A_2382, %get3A_2593 : vector<16xi32>
      %gather3A_2595 = tpu.vector_load_idx %arg10[%add3A_2594] : memref<3328xi32, #tpu.memory_space<vmem>>[vector<16xi32>], vector<16xi32>,
      %get3A_2596 = arith.constant 304 : index
      %get3A_2597 = tpu.vector_load %arg11[%get3A_2596] {strides = array<i32>} : memref<656xi32, #tpu.memory_space<vmem>>, vector<16xi32>,
      %add3A_2598 = arith.addi %get3A_2597, %gather3A_2595 : vector<16xi32>
      %swap3A_2599 = arith.constant 1 : i32
      %swap3A_2600 = arith.index_cast %swap3A_2599 : i32 to index
      %swap3A_2601 = arith.constant 304 : index
      %swap3A_2602 = tpu.vector_load %arg15[%swap3A_2600, %swap3A_2601] {strides = array<i32>} : memref<2x656xi32, #tpu.memory_space<vmem>>, vector<16xi32>,
      tpu.vector_store %arg15[%swap3A_2600, %swap3A_2601], %add3A_2598 {strides = array<i32>} : memref<2x656xi32, #tpu.memory_space<vmem>>, vector<16xi32>,
      %get3A_2603 = arith.constant 320 : index
      %get3A_2604 = tpu.vector_load %arg12[%get3A_2603] {strides = array<i32>} : memref<656xi32, #tpu.memory_space<vmem>>, vector<16xi32>,
      %add3A_2605 = arith.addi %broadcast_in_dim3A_2382, %get3A_2604 : vector<16xi32>
      %gather3A_2606 = tpu.vector_load_idx %arg10[%add3A_2605] : memref<3328xi32, #tpu.memory_space<vmem>>[vector<16xi32>], vector<16xi32>,
      %get3A_2607 = arith.constant 320 : index
      %get3A_2608 = tpu.vector_load %arg11[%get3A_2607] {strides = array<i32>} : memref<656xi32, #tpu.memory_space<vmem>>, vector<16xi32>,
      %add3A_2609 = arith.addi %get3A_2608, %gather3A_2606 : vector<16xi32>
      %swap3A_2610 = arith.constant 1 : i32
      %swap3A_2611 = arith.index_cast %swap3A_2610 : i32 to index
      %swap3A_2612 = arith.constant 320 : index
      %swap3A_2613 = tpu.vector_load %arg15[%swap3A_2611, %swap3A_2612] {strides = array<i32>} : memref<2x656xi32, #tpu.memory_space<vmem>>, vector<16xi32>,
      tpu.vector_store %arg15[%swap3A_2611, %swap3A_2612], %add3A_2609 {strides = array<i32>} : memref<2x656xi32, #tpu.memory_space<vmem>>, vector<16xi32>,
      %get3A_2614 = arith.constant 336 : index
      %get3A_2615 = tpu.vector_load %arg12[%get3A_2614] {strides = array<i32>} : memref<656xi32, #tpu.memory_space<vmem>>, vector<16xi32>,
      %add3A_2616 = arith.addi %broadcast_in_dim3A_2382, %get3A_2615 : vector<16xi32>
      %gather3A_2617 = tpu.vector_load_idx %arg10[%add3A_2616] : memref<3328xi32, #tpu.memory_space<vmem>>[vector<16xi32>], vector<16xi32>,
      %get3A_2618 = arith.constant 336 : index
      %get3A_2619 = tpu.vector_load %arg11[%get3A_2618] {strides = array<i32>} : memref<656xi32, #tpu.memory_space<vmem>>, vector<16xi32>,
      %add3A_2620 = arith.addi %get3A_2619, %gather3A_2617 : vector<16xi32>
      %swap3A_2621 = arith.constant 1 : i32
      %swap3A_2622 = arith.index_cast %swap3A_2621 : i32 to index
      %swap3A_2623 = arith.constant 336 : index
      %swap3A_2624 = tpu.vector_load %arg15[%swap3A_2622, %swap3A_2623] {strides = array<i32>} : memref<2x656xi32, #tpu.memory_space<vmem>>, vector<16xi32>,
      tpu.vector_store %arg15[%swap3A_2622, %swap3A_2623], %add3A_2620 {strides = array<i32>} : memref<2x656xi32, #tpu.memory_space<vmem>>, vector<16xi32>,
      %get3A_2625 = arith.constant 352 : index
      %get3A_2626 = tpu.vector_load %arg12[%get3A_2625] {strides = array<i32>} : memref<656xi32, #tpu.memory_space<vmem>>, vector<16xi32>,
      %add3A_2627 = arith.addi %broadcast_in_dim3A_2382, %get3A_2626 : vector<16xi32>
      %gather3A_2628 = tpu.vector_load_idx %arg10[%add3A_2627] : memref<3328xi32, #tpu.memory_space<vmem>>[vector<16xi32>], vector<16xi32>,
      %get3A_2629 = arith.constant 352 : index
      %get3A_2630 = tpu.vector_load %arg11[%get3A_2629] {strides = array<i32>} : memref<656xi32, #tpu.memory_space<vmem>>, vector<16xi32>,
      %add3A_2631 = arith.addi %get3A_2630, %gather3A_2628 : vector<16xi32>
      %swap3A_2632 = arith.constant 1 : i32
      %swap3A_2633 = arith.index_cast %swap3A_2632 : i32 to index
      %swap3A_2634 = arith.constant 352 : index
      %swap3A_2635 = tpu.vector_load %arg15[%swap3A_2633, %swap3A_2634] {strides = array<i32>} : memref<2x656xi32, #tpu.memory_space<vmem>>, vector<16xi32>,
      tpu.vector_store %arg15[%swap3A_2633, %swap3A_2634], %add3A_2631 {strides = array<i32>} : memref<2x656xi32, #tpu.memory_space<vmem>>, vector<16xi32>,
      %get3A_2636 = arith.constant 368 : index
      %get3A_2637 = tpu.vector_load %arg12[%get3A_2636] {strides = array<i32>} : memref<656xi32, #tpu.memory_space<vmem>>, vector<16xi32>,
      %add3A_2638 = arith.addi %broadcast_in_dim3A_2382, %get3A_2637 : vector<16xi32>
      %gather3A_2639 = tpu.vector_load_idx %arg10[%add3A_2638] : memref<3328xi32, #tpu.memory_space<vmem>>[vector<16xi32>], vector<16xi32>,
      %get3A_2640 = arith.constant 368 : index
      %get3A_2641 = tpu.vector_load %arg11[%get3A_2640] {strides = array<i32>} : memref<656xi32, #tpu.memory_space<vmem>>, vector<16xi32>,
      %add3A_2642 = arith.addi %get3A_2641, %gather3A_2639 : vector<16xi32>
      %swap3A_2643 = arith.constant 1 : i32
      %swap3A_2644 = arith.index_cast %swap3A_2643 : i32 to index
      %swap3A_2645 = arith.constant 368 : index
      %swap3A_2646 = tpu.vector_load %arg15[%swap3A_2644, %swap3A_2645] {strides = array<i32>} : memref<2x656xi32, #tpu.memory_space<vmem>>, vector<16xi32>,
      tpu.vector_store %arg15[%swap3A_2644, %swap3A_2645], %add3A_2642 {strides = array<i32>} : memref<2x656xi32, #tpu.memory_space<vmem>>, vector<16xi32>,
      %get3A_2647 = arith.constant 384 : index
      %get3A_2648 = tpu.vector_load %arg12[%get3A_2647] {strides = array<i32>} : memref<656xi32, #tpu.memory_space<vmem>>, vector<16xi32>,
      %add3A_2649 = arith.addi %broadcast_in_dim3A_2382, %get3A_2648 : vector<16xi32>
      %gather3A_2650 = tpu.vector_load_idx %arg10[%add3A_2649] : memref<3328xi32, #tpu.memory_space<vmem>>[vector<16xi32>], vector<16xi32>,
      %get3A_2651 = arith.constant 384 : index
      %get3A_2652 = tpu.vector_load %arg11[%get3A_2651] {strides = array<i32>} : memref<656xi32, #tpu.memory_space<vmem>>, vector<16xi32>,
      %add3A_2653 = arith.addi %get3A_2652, %gather3A_2650 : vector<16xi32>
      %swap3A_2654 = arith.constant 1 : i32
      %swap3A_2655 = arith.index_cast %swap3A_2654 : i32 to index
      %swap3A_2656 = arith.constant 384 : index
      %swap3A_2657 = tpu.vector_load %arg15[%swap3A_2655, %swap3A_2656] {strides = array<i32>} : memref<2x656xi32, #tpu.memory_space<vmem>>, vector<16xi32>,
      tpu.vector_store %arg15[%swap3A_2655, %swap3A_2656], %add3A_2653 {strides = array<i32>} : memref<2x656xi32, #tpu.memory_space<vmem>>, vector<16xi32>,
      %get3A_2658 = arith.constant 400 : index
      %get3A_2659 = tpu.vector_load %arg12[%get3A_2658] {strides = array<i32>} : memref<656xi32, #tpu.memory_space<vmem>>, vector<16xi32>,
      %add3A_2660 = arith.addi %broadcast_in_dim3A_2382, %get3A_2659 : vector<16xi32>
      %gather3A_2661 = tpu.vector_load_idx %arg10[%add3A_2660] : memref<3328xi32, #tpu.memory_space<vmem>>[vector<16xi32>], vector<16xi32>,
      %get3A_2662 = arith.constant 400 : index
      %get3A_2663 = tpu.vector_load %arg11[%get3A_2662] {strides = array<i32>} : memref<656xi32, #tpu.memory_space<vmem>>, vector<16xi32>,
      %add3A_2664 = arith.addi %get3A_2663, %gather3A_2661 : vector<16xi32>
      %swap3A_2665 = arith.constant 1 : i32
      %swap3A_2666 = arith.index_cast %swap3A_2665 : i32 to index
      %swap3A_2667 = arith.constant 400 : index
      %swap3A_2668 = tpu.vector_load %arg15[%swap3A_2666, %swap3A_2667] {strides = array<i32>} : memref<2x656xi32, #tpu.memory_space<vmem>>, vector<16xi32>,
      tpu.vector_store %arg15[%swap3A_2666, %swap3A_2667], %add3A_2664 {strides = array<i32>} : memref<2x656xi32, #tpu.memory_space<vmem>>, vector<16xi32>,
      %get3A_2669 = arith.constant 416 : index
      %get3A_2670 = tpu.vector_load %arg12[%get3A_2669] {strides = array<i32>} : memref<656xi32, #tpu.memory_space<vmem>>, vector<16xi32>,
      %add3A_2671 = arith.addi %broadcast_in_dim3A_2382, %get3A_2670 : vector<16xi32>
      %gather3A_2672 = tpu.vector_load_idx %arg10[%add3A_2671] : memref<3328xi32, #tpu.memory_space<vmem>>[vector<16xi32>], vector<16xi32>,
      %get3A_2673 = arith.constant 416 : index
      %get3A_2674 = tpu.vector_load %arg11[%get3A_2673] {strides = array<i32>} : memref<656xi32, #tpu.memory_space<vmem>>, vector<16xi32>,
      %add3A_2675 = arith.addi %get3A_2674, %gather3A_2672 : vector<16xi32>
      %swap3A_2676 = arith.constant 1 : i32
      %swap3A_2677 = arith.index_cast %swap3A_2676 : i32 to index
      %swap3A_2678 = arith.constant 416 : index
      %swap3A_2679 = tpu.vector_load %arg15[%swap3A_2677, %swap3A_2678] {strides = array<i32>} : memref<2x656xi32, #tpu.memory_space<vmem>>, vector<16xi32>,
      tpu.vector_store %arg15[%swap3A_2677, %swap3A_2678], %add3A_2675 {strides = array<i32>} : memref<2x656xi32, #tpu.memory_space<vmem>>, vector<16xi32>,
      %get3A_2680 = arith.constant 432 : index
      %get3A_2681 = tpu.vector_load %arg12[%get3A_2680] {strides = array<i32>} : memref<656xi32, #tpu.memory_space<vmem>>, vector<16xi32>,
      %add3A_2682 = arith.addi %broadcast_in_dim3A_2382, %get3A_2681 : vector<16xi32>
      %gather3A_2683 = tpu.vector_load_idx %arg10[%add3A_2682] : memref<3328xi32, #tpu.memory_space<vmem>>[vector<16xi32>], vector<16xi32>,
      %get3A_2684 = arith.constant 432 : index
      %get3A_2685 = tpu.vector_load %arg11[%get3A_2684] {strides = array<i32>} : memref<656xi32, #tpu.memory_space<vmem>>, vector<16xi32>,
      %add3A_2686 = arith.addi %get3A_2685, %gather3A_2683 : vector<16xi32>
      %swap3A_2687 = arith.constant 1 : i32
      %swap3A_2688 = arith.index_cast %swap3A_2687 : i32 to index
      %swap3A_2689 = arith.constant 432 : index
      %swap3A_2690 = tpu.vector_load %arg15[%swap3A_2688, %swap3A_2689] {strides = array<i32>} : memref<2x656xi32, #tpu.memory_space<vmem>>, vector<16xi32>,
      tpu.vector_store %arg15[%swap3A_2688, %swap3A_2689], %add3A_2686 {strides = array<i32>} : memref<2x656xi32, #tpu.memory_space<vmem>>, vector<16xi32>,
      %get3A_2691 = arith.constant 448 : index
      %get3A_2692 = tpu.vector_load %arg12[%get3A_2691] {strides = array<i32>} : memref<656xi32, #tpu.memory_space<vmem>>, vector<16xi32>,
      %add3A_2693 = arith.addi %broadcast_in_dim3A_2382, %get3A_2692 : vector<16xi32>
      %gather3A_2694 = tpu.vector_load_idx %arg10[%add3A_2693] : memref<3328xi32, #tpu.memory_space<vmem>>[vector<16xi32>], vector<16xi32>,
      %get3A_2695 = arith.constant 448 : index
      %get3A_2696 = tpu.vector_load %arg11[%get3A_2695] {strides = array<i32>} : memref<656xi32, #tpu.memory_space<vmem>>, vector<16xi32>,
      %add3A_2697 = arith.addi %get3A_2696, %gather3A_2694 : vector<16xi32>
      %swap3A_2698 = arith.constant 1 : i32
      %swap3A_2699 = arith.index_cast %swap3A_2698 : i32 to index
      %swap3A_2700 = arith.constant 448 : index
      %swap3A_2701 = tpu.vector_load %arg15[%swap3A_2699, %swap3A_2700] {strides = array<i32>} : memref<2x656xi32, #tpu.memory_space<vmem>>, vector<16xi32>,
      tpu.vector_store %arg15[%swap3A_2699, %swap3A_2700], %add3A_2697 {strides = array<i32>} : memref<2x656xi32, #tpu.memory_space<vmem>>, vector<16xi32>,
      %get3A_2702 = arith.constant 464 : index
      %get3A_2703 = tpu.vector_load %arg12[%get3A_2702] {strides = array<i32>} : memref<656xi32, #tpu.memory_space<vmem>>, vector<16xi32>,
      %add3A_2704 = arith.addi %broadcast_in_dim3A_2382, %get3A_2703 : vector<16xi32>
      %gather3A_2705 = tpu.vector_load_idx %arg10[%add3A_2704] : memref<3328xi32, #tpu.memory_space<vmem>>[vector<16xi32>], vector<16xi32>,
      %get3A_2706 = arith.constant 464 : index
      %get3A_2707 = tpu.vector_load %arg11[%get3A_2706] {strides = array<i32>} : memref<656xi32, #tpu.memory_space<vmem>>, vector<16xi32>,
      %add3A_2708 = arith.addi %get3A_2707, %gather3A_2705 : vector<16xi32>
      %swap3A_2709 = arith.constant 1 : i32
      %swap3A_2710 = arith.index_cast %swap3A_2709 : i32 to index
      %swap3A_2711 = arith.constant 464 : index
      %swap3A_2712 = tpu.vector_load %arg15[%swap3A_2710, %swap3A_2711] {strides = array<i32>} : memref<2x656xi32, #tpu.memory_space<vmem>>, vector<16xi32>,
      tpu.vector_store %arg15[%swap3A_2710, %swap3A_2711], %add3A_2708 {strides = array<i32>} : memref<2x656xi32, #tpu.memory_space<vmem>>, vector<16xi32>,
      %get3A_2713 = arith.constant 480 : index
      %get3A_2714 = tpu.vector_load %arg12[%get3A_2713] {strides = array<i32>} : memref<656xi32, #tpu.memory_space<vmem>>, vector<16xi32>,
      %add3A_2715 = arith.addi %broadcast_in_dim3A_2382, %get3A_2714 : vector<16xi32>
      %gather3A_2716 = tpu.vector_load_idx %arg10[%add3A_2715] : memref<3328xi32, #tpu.memory_space<vmem>>[vector<16xi32>], vector<16xi32>,
      %get3A_2717 = arith.constant 480 : index
      %get3A_2718 = tpu.vector_load %arg11[%get3A_2717] {strides = array<i32>} : memref<656xi32, #tpu.memory_space<vmem>>, vector<16xi32>,
      %add3A_2719 = arith.addi %get3A_2718, %gather3A_2716 : vector<16xi32>
      %swap3A_2720 = arith.constant 1 : i32
      %swap3A_2721 = arith.index_cast %swap3A_2720 : i32 to index
      %swap3A_2722 = arith.constant 480 : index
      %swap3A_2723 = tpu.vector_load %arg15[%swap3A_2721, %swap3A_2722] {strides = array<i32>} : memref<2x656xi32, #tpu.memory_space<vmem>>, vector<16xi32>,
      tpu.vector_store %arg15[%swap3A_2721, %swap3A_2722], %add3A_2719 {strides = array<i32>} : memref<2x656xi32, #tpu.memory_space<vmem>>, vector<16xi32>,
      %get3A_2724 = arith.constant 496 : index
      %get3A_2725 = tpu.vector_load %arg12[%get3A_2724] {strides = array<i32>} : memref<656xi32, #tpu.memory_space<vmem>>, vector<16xi32>,
      %add3A_2726 = arith.addi %broadcast_in_dim3A_2382, %get3A_2725 : vector<16xi32>
      %gather3A_2727 = tpu.vector_load_idx %arg10[%add3A_2726] : memref<3328xi32, #tpu.memory_space<vmem>>[vector<16xi32>], vector<16xi32>,
      %get3A_2728 = arith.constant 496 : index
      %get3A_2729 = tpu.vector_load %arg11[%get3A_2728] {strides = array<i32>} : memref<656xi32, #tpu.memory_space<vmem>>, vector<16xi32>,
      %add3A_2730 = arith.addi %get3A_2729, %gather3A_2727 : vector<16xi32>
      %swap3A_2731 = arith.constant 1 : i32
      %swap3A_2732 = arith.index_cast %swap3A_2731 : i32 to index
      %swap3A_2733 = arith.constant 496 : index
      %swap3A_2734 = tpu.vector_load %arg15[%swap3A_2732, %swap3A_2733] {strides = array<i32>} : memref<2x656xi32, #tpu.memory_space<vmem>>, vector<16xi32>,
      tpu.vector_store %arg15[%swap3A_2732, %swap3A_2733], %add3A_2730 {strides = array<i32>} : memref<2x656xi32, #tpu.memory_space<vmem>>, vector<16xi32>,
      %get3A_2735 = arith.constant 512 : index
      %get3A_2736 = tpu.vector_load %arg12[%get3A_2735] {strides = array<i32>} : memref<656xi32, #tpu.memory_space<vmem>>, vector<16xi32>,
      %add3A_2737 = arith.addi %broadcast_in_dim3A_2382, %get3A_2736 : vector<16xi32>
      %gather3A_2738 = tpu.vector_load_idx %arg10[%add3A_2737] : memref<3328xi32, #tpu.memory_space<vmem>>[vector<16xi32>], vector<16xi32>,
      %get3A_2739 = arith.constant 512 : index
      %get3A_2740 = tpu.vector_load %arg11[%get3A_2739] {strides = array<i32>} : memref<656xi32, #tpu.memory_space<vmem>>, vector<16xi32>,
      %add3A_2741 = arith.addi %get3A_2740, %gather3A_2738 : vector<16xi32>
      %swap3A_2742 = arith.constant 1 : i32
      %swap3A_2743 = arith.index_cast %swap3A_2742 : i32 to index
      %swap3A_2744 = arith.constant 512 : index
      %swap3A_2745 = tpu.vector_load %arg15[%swap3A_2743, %swap3A_2744] {strides = array<i32>} : memref<2x656xi32, #tpu.memory_space<vmem>>, vector<16xi32>,
      tpu.vector_store %arg15[%swap3A_2743, %swap3A_2744], %add3A_2741 {strides = array<i32>} : memref<2x656xi32, #tpu.memory_space<vmem>>, vector<16xi32>,
      %get3A_2746 = arith.constant 528 : index
      %get3A_2747 = tpu.vector_load %arg12[%get3A_2746] {strides = array<i32>} : memref<656xi32, #tpu.memory_space<vmem>>, vector<16xi32>,
      %add3A_2748 = arith.addi %broadcast_in_dim3A_2382, %get3A_2747 : vector<16xi32>
      %gather3A_2749 = tpu.vector_load_idx %arg10[%add3A_2748] : memref<3328xi32, #tpu.memory_space<vmem>>[vector<16xi32>], vector<16xi32>,
      %get3A_2750 = arith.constant 528 : index
      %get3A_2751 = tpu.vector_load %arg11[%get3A_2750] {strides = array<i32>} : memref<656xi32, #tpu.memory_space<vmem>>, vector<16xi32>,
      %add3A_2752 = arith.addi %get3A_2751, %gather3A_2749 : vector<16xi32>
      %swap3A_2753 = arith.constant 1 : i32
      %swap3A_2754 = arith.index_cast %swap3A_2753 : i32 to index
      %swap3A_2755 = arith.constant 528 : index
      %swap3A_2756 = tpu.vector_load %arg15[%swap3A_2754, %swap3A_2755] {strides = array<i32>} : memref<2x656xi32, #tpu.memory_space<vmem>>, vector<16xi32>,
      tpu.vector_store %arg15[%swap3A_2754, %swap3A_2755], %add3A_2752 {strides = array<i32>} : memref<2x656xi32, #tpu.memory_space<vmem>>, vector<16xi32>,
      %get3A_2757 = arith.constant 544 : index
      %get3A_2758 = tpu.vector_load %arg12[%get3A_2757] {strides = array<i32>} : memref<656xi32, #tpu.memory_space<vmem>>, vector<16xi32>,
      %add3A_2759 = arith.addi %broadcast_in_dim3A_2382, %get3A_2758 : vector<16xi32>
      %gather3A_2760 = tpu.vector_load_idx %arg10[%add3A_2759] : memref<3328xi32, #tpu.memory_space<vmem>>[vector<16xi32>], vector<16xi32>,
      %get3A_2761 = arith.constant 544 : index
      %get3A_2762 = tpu.vector_load %arg11[%get3A_2761] {strides = array<i32>} : memref<656xi32, #tpu.memory_space<vmem>>, vector<16xi32>,
      %add3A_2763 = arith.addi %get3A_2762, %gather3A_2760 : vector<16xi32>
      %swap3A_2764 = arith.constant 1 : i32
      %swap3A_2765 = arith.index_cast %swap3A_2764 : i32 to index
      %swap3A_2766 = arith.constant 544 : index
      %swap3A_2767 = tpu.vector_load %arg15[%swap3A_2765, %swap3A_2766] {strides = array<i32>} : memref<2x656xi32, #tpu.memory_space<vmem>>, vector<16xi32>,
      tpu.vector_store %arg15[%swap3A_2765, %swap3A_2766], %add3A_2763 {strides = array<i32>} : memref<2x656xi32, #tpu.memory_space<vmem>>, vector<16xi32>,
      %get3A_2768 = arith.constant 560 : index
      %get3A_2769 = tpu.vector_load %arg12[%get3A_2768] {strides = array<i32>} : memref<656xi32, #tpu.memory_space<vmem>>, vector<16xi32>,
      %add3A_2770 = arith.addi %broadcast_in_dim3A_2382, %get3A_2769 : vector<16xi32>
      %gather3A_2771 = tpu.vector_load_idx %arg10[%add3A_2770] : memref<3328xi32, #tpu.memory_space<vmem>>[vector<16xi32>], vector<16xi32>,
      %get3A_2772 = arith.constant 560 : index
      %get3A_2773 = tpu.vector_load %arg11[%get3A_2772] {strides = array<i32>} : memref<656xi32, #tpu.memory_space<vmem>>, vector<16xi32>,
      %add3A_2774 = arith.addi %get3A_2773, %gather3A_2771 : vector<16xi32>
      %swap3A_2775 = arith.constant 1 : i32
      %swap3A_2776 = arith.index_cast %swap3A_2775 : i32 to index
      %swap3A_2777 = arith.constant 560 : index
      %swap3A_2778 = tpu.vector_load %arg15[%swap3A_2776, %swap3A_2777] {strides = array<i32>} : memref<2x656xi32, #tpu.memory_space<vmem>>, vector<16xi32>,
      tpu.vector_store %arg15[%swap3A_2776, %swap3A_2777], %add3A_2774 {strides = array<i32>} : memref<2x656xi32, #tpu.memory_space<vmem>>, vector<16xi32>,
      %get3A_2779 = arith.constant 576 : index
      %get3A_2780 = tpu.vector_load %arg12[%get3A_2779] {strides = array<i32>} : memref<656xi32, #tpu.memory_space<vmem>>, vector<16xi32>,
      %add3A_2781 = arith.addi %broadcast_in_dim3A_2382, %get3A_2780 : vector<16xi32>
      %gather3A_2782 = tpu.vector_load_idx %arg10[%add3A_2781] : memref<3328xi32, #tpu.memory_space<vmem>>[vector<16xi32>], vector<16xi32>,
      %get3A_2783 = arith.constant 576 : index
      %get3A_2784 = tpu.vector_load %arg11[%get3A_2783] {strides = array<i32>} : memref<656xi32, #tpu.memory_space<vmem>>, vector<16xi32>,
      %add3A_2785 = arith.addi %get3A_2784, %gather3A_2782 : vector<16xi32>
      %swap3A_2786 = arith.constant 1 : i32
      %swap3A_2787 = arith.index_cast %swap3A_2786 : i32 to index
      %swap3A_2788 = arith.constant 576 : index
      %swap3A_2789 = tpu.vector_load %arg15[%swap3A_2787, %swap3A_2788] {strides = array<i32>} : memref<2x656xi32, #tpu.memory_space<vmem>>, vector<16xi32>,
      tpu.vector_store %arg15[%swap3A_2787, %swap3A_2788], %add3A_2785 {strides = array<i32>} : memref<2x656xi32, #tpu.memory_space<vmem>>, vector<16xi32>,
      %get3A_2790 = arith.constant 592 : index
      %get3A_2791 = tpu.vector_load %arg12[%get3A_2790] {strides = array<i32>} : memref<656xi32, #tpu.memory_space<vmem>>, vector<16xi32>,
      %add3A_2792 = arith.addi %broadcast_in_dim3A_2382, %get3A_2791 : vector<16xi32>
      %gather3A_2793 = tpu.vector_load_idx %arg10[%add3A_2792] : memref<3328xi32, #tpu.memory_space<vmem>>[vector<16xi32>], vector<16xi32>,
      %get3A_2794 = arith.constant 592 : index
      %get3A_2795 = tpu.vector_load %arg11[%get3A_2794] {strides = array<i32>} : memref<656xi32, #tpu.memory_space<vmem>>, vector<16xi32>,
      %add3A_2796 = arith.addi %get3A_2795, %gather3A_2793 : vector<16xi32>
      %swap3A_2797 = arith.constant 1 : i32
      %swap3A_2798 = arith.index_cast %swap3A_2797 : i32 to index
      %swap3A_2799 = arith.constant 592 : index
      %swap3A_2800 = tpu.vector_load %arg15[%swap3A_2798, %swap3A_2799] {strides = array<i32>} : memref<2x656xi32, #tpu.memory_space<vmem>>, vector<16xi32>,
      tpu.vector_store %arg15[%swap3A_2798, %swap3A_2799], %add3A_2796 {strides = array<i32>} : memref<2x656xi32, #tpu.memory_space<vmem>>, vector<16xi32>,
      %get3A_2801 = arith.constant 608 : index
      %get3A_2802 = tpu.vector_load %arg12[%get3A_2801] {strides = array<i32>} : memref<656xi32, #tpu.memory_space<vmem>>, vector<16xi32>,
      %add3A_2803 = arith.addi %broadcast_in_dim3A_2382, %get3A_2802 : vector<16xi32>
      %gather3A_2804 = tpu.vector_load_idx %arg10[%add3A_2803] : memref<3328xi32, #tpu.memory_space<vmem>>[vector<16xi32>], vector<16xi32>,
      %get3A_2805 = arith.constant 608 : index
      %get3A_2806 = tpu.vector_load %arg11[%get3A_2805] {strides = array<i32>} : memref<656xi32, #tpu.memory_space<vmem>>, vector<16xi32>,
      %add3A_2807 = arith.addi %get3A_2806, %gather3A_2804 : vector<16xi32>
      %swap3A_2808 = arith.constant 1 : i32
      %swap3A_2809 = arith.index_cast %swap3A_2808 : i32 to index
      %swap3A_2810 = arith.constant 608 : index
      %swap3A_2811 = tpu.vector_load %arg15[%swap3A_2809, %swap3A_2810] {strides = array<i32>} : memref<2x656xi32, #tpu.memory_space<vmem>>, vector<16xi32>,
      tpu.vector_store %arg15[%swap3A_2809, %swap3A_2810], %add3A_2807 {strides = array<i32>} : memref<2x656xi32, #tpu.memory_space<vmem>>, vector<16xi32>,
      %get3A_2812 = arith.constant 624 : index
      %get3A_2813 = tpu.vector_load %arg12[%get3A_2812] {strides = array<i32>} : memref<656xi32, #tpu.memory_space<vmem>>, vector<16xi32>,
      %add3A_2814 = arith.addi %broadcast_in_dim3A_2382, %get3A_2813 : vector<16xi32>
      %gather3A_2815 = tpu.vector_load_idx %arg10[%add3A_2814] : memref<3328xi32, #tpu.memory_space<vmem>>[vector<16xi32>], vector<16xi32>,
      %get3A_2816 = arith.constant 624 : index
      %get3A_2817 = tpu.vector_load %arg11[%get3A_2816] {strides = array<i32>} : memref<656xi32, #tpu.memory_space<vmem>>, vector<16xi32>,
      %add3A_2818 = arith.addi %get3A_2817, %gather3A_2815 : vector<16xi32>
      %swap3A_2819 = arith.constant 1 : i32
      %swap3A_2820 = arith.index_cast %swap3A_2819 : i32 to index
      %swap3A_2821 = arith.constant 624 : index
      %swap3A_2822 = tpu.vector_load %arg15[%swap3A_2820, %swap3A_2821] {strides = array<i32>} : memref<2x656xi32, #tpu.memory_space<vmem>>, vector<16xi32>,
      tpu.vector_store %arg15[%swap3A_2820, %swap3A_2821], %add3A_2818 {strides = array<i32>} : memref<2x656xi32, #tpu.memory_space<vmem>>, vector<16xi32>,
      %get3A_2823 = arith.constant 640 : index
      %get3A_2824 = tpu.vector_load %arg12[%get3A_2823] {strides = array<i32>} : memref<656xi32, #tpu.memory_space<vmem>>, vector<16xi32>,
      %add3A_2825 = arith.addi %broadcast_in_dim3A_2382, %get3A_2824 : vector<16xi32>
      %gather3A_2826 = tpu.vector_load_idx %arg10[%add3A_2825] : memref<3328xi32, #tpu.memory_space<vmem>>[vector<16xi32>], vector<16xi32>,
      %get3A_2827 = arith.constant 640 : index
      %get3A_2828 = tpu.vector_load %arg11[%get3A_2827] {strides = array<i32>} : memref<656xi32, #tpu.memory_space<vmem>>, vector<16xi32>,
      %add3A_2829 = arith.addi %get3A_2828, %gather3A_2826 : vector<16xi32>
      %swap3A_2830 = arith.constant 1 : i32
      %swap3A_2831 = arith.index_cast %swap3A_2830 : i32 to index
      %swap3A_2832 = arith.constant 640 : index
      %swap3A_2833 = tpu.vector_load %arg15[%swap3A_2831, %swap3A_2832] {strides = array<i32>} : memref<2x656xi32, #tpu.memory_space<vmem>>, vector<16xi32>,
      tpu.vector_store %arg15[%swap3A_2831, %swap3A_2832], %add3A_2829 {strides = array<i32>} : memref<2x656xi32, #tpu.memory_space<vmem>>, vector<16xi32>,
      %get3A_2834 = arith.constant 0 : index
      %get3A_2835 = tpu.vector_load %arg13[%get3A_2834] {strides = array<i32>} : memref<32xi32, #tpu.memory_space<vmem>>, vector<16xi32>,
      %get3A_2836 = arith.constant 0 : index
      %get3A_2837 = tpu.vector_load %arg14[%get3A_2836] {strides = array<i32>} : memref<32xi32, #tpu.memory_space<vmem>>, vector<16xi32>,
      %add3A_2838 = arith.addi %broadcast_in_dim3A_2382, %get3A_2837 : vector<16xi32>
      %gather3A_2839 = tpu.vector_load_idx %arg10[%add3A_2838] : memref<3328xi32, #tpu.memory_space<vmem>>[vector<16xi32>], vector<16xi32>,
      %add3A_2840 = arith.addi %get3A_2835, %gather3A_2839 : vector<16xi32>
      %swap3A_2841 = arith.constant 1 : i32
      %swap3A_2842 = arith.index_cast %swap3A_2841 : i32 to index
      %swap3A_2843 = arith.constant 0 : index
      %swap3A_2844 = tpu.vector_load %arg16[%swap3A_2842, %swap3A_2843] {strides = array<i32>} : memref<2x32xi32, #tpu.memory_space<vmem>>, vector<16xi32>,
      tpu.vector_store %arg16[%swap3A_2842, %swap3A_2843], %add3A_2840 {strides = array<i32>} : memref<2x32xi32, #tpu.memory_space<vmem>>, vector<16xi32>,
      %get3A_2845 = arith.constant 16 : index
      %get3A_2846 = tpu.vector_load %arg13[%get3A_2845] {strides = array<i32>} : memref<32xi32, #tpu.memory_space<vmem>>, vector<16xi32>,
      %get3A_2847 = arith.constant 16 : index
      %get3A_2848 = tpu.vector_load %arg14[%get3A_2847] {strides = array<i32>} : memref<32xi32, #tpu.memory_space<vmem>>, vector<16xi32>,
      %add3A_2849 = arith.addi %broadcast_in_dim3A_2382, %get3A_2848 : vector<16xi32>
      %gather3A_2850 = tpu.vector_load_idx %arg10[%add3A_2849] : memref<3328xi32, #tpu.memory_space<vmem>>[vector<16xi32>], vector<16xi32>,
      %add3A_2851 = arith.addi %get3A_2846, %gather3A_2850 : vector<16xi32>
      %swap3A_2852 = arith.constant 1 : i32
      %swap3A_2853 = arith.index_cast %swap3A_2852 : i32 to index
      %swap3A_2854 = arith.constant 16 : index
      %swap3A_2855 = tpu.vector_load %arg16[%swap3A_2853, %swap3A_2854] {strides = array<i32>} : memref<2x32xi32, #tpu.memory_space<vmem>>, vector<16xi32>,
      tpu.vector_store %arg16[%swap3A_2853, %swap3A_2854], %add3A_2851 {strides = array<i32>} : memref<2x32xi32, #tpu.memory_space<vmem>>, vector<16xi32>,
      %dma_start3A_2856 = arith.constant 1 : i32
      %dma_start3A_2857 = arith.constant 1 : i32
      %dma_start3A_2858 = arith.constant 1 : i32
      %dma_start3A_2859 = arith.constant 0 : i32
      %dma_start3A_2860 = arith.constant 0 : i32
      %dma_start3A_2861 = tpu.memref_slice %arg17[%dma_start3A_2857, %dma_start3A_2859, %dma_start3A_2860] : memref<2x656x16xf32, #tpu.memory_space<vmem>> -> memref<1x128x16xf32, #tpu.memory_space<vmem>>
      %dma_start3A_2862 = tpu.memref_squeeze %dma_start3A_2861 : memref<1x128x16xf32, #tpu.memory_space<vmem>> -> memref<128x16xf32, #tpu.memory_space<vmem>>
      %dma_start3A_2863 = arith.constant 0 : i32
      %dma_start3A_2864 = tpu.memref_slice %arg15[%dma_start3A_2856, %dma_start3A_2863] : memref<2x656xi32, #tpu.memory_space<vmem>> -> memref<1x128xi32, #tpu.memory_space<vmem>>
      %dma_start3A_2865 = tpu.memref_squeeze %dma_start3A_2864 : memref<1x128xi32, #tpu.memory_space<vmem>> -> memref<128xi32, #tpu.memory_space<vmem>>
      %dma_start3A_2866 = arith.constant 0 : i32
      %dma_start3A_2867 = arith.constant 0 : i32
      %dma_start3A_2868 = tpu.memref_slice %arg7[%dma_start3A_2866, %dma_start3A_2867] : memref<2600572x16xf32, #tpu.memory_space<hbm>> -> memref<2600572x16xf32, #tpu.memory_space<hbm>>
      %dma_start3A_2869 = tpu.memref_slice %arg20[%dma_start3A_2858] : memref<2x!tpu.dma_semaphore, #tpu.memory_space<semaphore_mem>> -> memref<1x!tpu.dma_semaphore, #tpu.memory_space<semaphore_mem>>
      %dma_start3A_2870 = tpu.memref_squeeze %dma_start3A_2869 : memref<1x!tpu.dma_semaphore, #tpu.memory_space<semaphore_mem>> -> memref<!tpu.dma_semaphore, #tpu.memory_space<semaphore_mem>>
      tpu.enqueue_indirect_dma source(%dma_start3A_2868 : memref<2600572x16xf32, #tpu.memory_space<hbm>>) target(%dma_start3A_2862 : memref<128x16xf32, #tpu.memory_space<vmem>>) offsets(%dma_start3A_2865 : memref<128xi32, #tpu.memory_space<vmem>>) semaphore(%dma_start3A_2870 : memref<!tpu.dma_semaphore, #tpu.memory_space<semaphore_mem>>)
      %dma_start3A_2871 = arith.constant 1 : i32
      %dma_start3A_2872 = arith.constant 1 : i32
      %dma_start3A_2873 = arith.constant 1 : i32
      %dma_start3A_2874 = arith.constant 128 : i32
      %dma_start3A_2875 = arith.constant 0 : i32
      %dma_start3A_2876 = tpu.memref_slice %arg17[%dma_start3A_2872, %dma_start3A_2874, %dma_start3A_2875] : memref<2x656x16xf32, #tpu.memory_space<vmem>> -> memref<1x128x16xf32, #tpu.memory_space<vmem>>
      %dma_start3A_2877 = tpu.memref_squeeze %dma_start3A_2876 : memref<1x128x16xf32, #tpu.memory_space<vmem>> -> memref<128x16xf32, #tpu.memory_space<vmem>>
      %dma_start3A_2878 = arith.constant 128 : i32
      %dma_start3A_2879 = tpu.memref_slice %arg15[%dma_start3A_2871, %dma_start3A_2878] : memref<2x656xi32, #tpu.memory_space<vmem>> -> memref<1x128xi32, #tpu.memory_space<vmem>>
      %dma_start3A_2880 = tpu.memref_squeeze %dma_start3A_2879 : memref<1x128xi32, #tpu.memory_space<vmem>> -> memref<128xi32, #tpu.memory_space<vmem>>
      %dma_start3A_2881 = arith.constant 0 : i32
      %dma_start3A_2882 = arith.constant 0 : i32
      %dma_start3A_2883 = tpu.memref_slice %arg7[%dma_start3A_2881, %dma_start3A_2882] : memref<2600572x16xf32, #tpu.memory_space<hbm>> -> memref<2600572x16xf32, #tpu.memory_space<hbm>>
      %dma_start3A_2884 = tpu.memref_slice %arg20[%dma_start3A_2873] : memref<2x!tpu.dma_semaphore, #tpu.memory_space<semaphore_mem>> -> memref<1x!tpu.dma_semaphore, #tpu.memory_space<semaphore_mem>>
      %dma_start3A_2885 = tpu.memref_squeeze %dma_start3A_2884 : memref<1x!tpu.dma_semaphore, #tpu.memory_space<semaphore_mem>> -> memref<!tpu.dma_semaphore, #tpu.memory_space<semaphore_mem>>
      tpu.enqueue_indirect_dma source(%dma_start3A_2883 : memref<2600572x16xf32, #tpu.memory_space<hbm>>) target(%dma_start3A_2877 : memref<128x16xf32, #tpu.memory_space<vmem>>) offsets(%dma_start3A_2880 : memref<128xi32, #tpu.memory_space<vmem>>) semaphore(%dma_start3A_2885 : memref<!tpu.dma_semaphore, #tpu.memory_space<semaphore_mem>>)
      %dma_start3A_2886 = arith.constant 1 : i32
      %dma_start3A_2887 = arith.constant 1 : i32
      %dma_start3A_2888 = arith.constant 1 : i32
      %dma_start3A_2889 = arith.constant 256 : i32
      %dma_start3A_2890 = arith.constant 0 : i32
      %dma_start3A_2891 = tpu.memref_slice %arg17[%dma_start3A_2887, %dma_start3A_2889, %dma_start3A_2890] : memref<2x656x16xf32, #tpu.memory_space<vmem>> -> memref<1x128x16xf32, #tpu.memory_space<vmem>>
      %dma_start3A_2892 = tpu.memref_squeeze %dma_start3A_2891 : memref<1x128x16xf32, #tpu.memory_space<vmem>> -> memref<128x16xf32, #tpu.memory_space<vmem>>
      %dma_start3A_2893 = arith.constant 256 : i32
      %dma_start3A_2894 = tpu.memref_slice %arg15[%dma_start3A_2886, %dma_start3A_2893] : memref<2x656xi32, #tpu.memory_space<vmem>> -> memref<1x128xi32, #tpu.memory_space<vmem>>
      %dma_start3A_2895 = tpu.memref_squeeze %dma_start3A_2894 : memref<1x128xi32, #tpu.memory_space<vmem>> -> memref<128xi32, #tpu.memory_space<vmem>>
      %dma_start3A_2896 = arith.constant 0 : i32
      %dma_start3A_2897 = arith.constant 0 : i32
      %dma_start3A_2898 = tpu.memref_slice %arg7[%dma_start3A_2896, %dma_start3A_2897] : memref<2600572x16xf32, #tpu.memory_space<hbm>> -> memref<2600572x16xf32, #tpu.memory_space<hbm>>
      %dma_start3A_2899 = tpu.memref_slice %arg20[%dma_start3A_2888] : memref<2x!tpu.dma_semaphore, #tpu.memory_space<semaphore_mem>> -> memref<1x!tpu.dma_semaphore, #tpu.memory_space<semaphore_mem>>
      %dma_start3A_2900 = tpu.memref_squeeze %dma_start3A_2899 : memref<1x!tpu.dma_semaphore, #tpu.memory_space<semaphore_mem>> -> memref<!tpu.dma_semaphore, #tpu.memory_space<semaphore_mem>>
      tpu.enqueue_indirect_dma source(%dma_start3A_2898 : memref<2600572x16xf32, #tpu.memory_space<hbm>>) target(%dma_start3A_2892 : memref<128x16xf32, #tpu.memory_space<vmem>>) offsets(%dma_start3A_2895 : memref<128xi32, #tpu.memory_space<vmem>>) semaphore(%dma_start3A_2900 : memref<!tpu.dma_semaphore, #tpu.memory_space<semaphore_mem>>)
      %dma_start3A_2901 = arith.constant 1 : i32
      %dma_start3A_2902 = arith.constant 1 : i32
      %dma_start3A_2903 = arith.constant 1 : i32
      %dma_start3A_2904 = arith.constant 384 : i32
      %dma_start3A_2905 = arith.constant 0 : i32
      %dma_start3A_2906 = tpu.memref_slice %arg17[%dma_start3A_2902, %dma_start3A_2904, %dma_start3A_2905] : memref<2x656x16xf32, #tpu.memory_space<vmem>> -> memref<1x128x16xf32, #tpu.memory_space<vmem>>
      %dma_start3A_2907 = tpu.memref_squeeze %dma_start3A_2906 : memref<1x128x16xf32, #tpu.memory_space<vmem>> -> memref<128x16xf32, #tpu.memory_space<vmem>>
      %dma_start3A_2908 = arith.constant 384 : i32
      %dma_start3A_2909 = tpu.memref_slice %arg15[%dma_start3A_2901, %dma_start3A_2908] : memref<2x656xi32, #tpu.memory_space<vmem>> -> memref<1x128xi32, #tpu.memory_space<vmem>>
      %dma_start3A_2910 = tpu.memref_squeeze %dma_start3A_2909 : memref<1x128xi32, #tpu.memory_space<vmem>> -> memref<128xi32, #tpu.memory_space<vmem>>
      %dma_start3A_2911 = arith.constant 0 : i32
      %dma_start3A_2912 = arith.constant 0 : i32
      %dma_start3A_2913 = tpu.memref_slice %arg7[%dma_start3A_2911, %dma_start3A_2912] : memref<2600572x16xf32, #tpu.memory_space<hbm>> -> memref<2600572x16xf32, #tpu.memory_space<hbm>>
      %dma_start3A_2914 = tpu.memref_slice %arg20[%dma_start3A_2903] : memref<2x!tpu.dma_semaphore, #tpu.memory_space<semaphore_mem>> -> memref<1x!tpu.dma_semaphore, #tpu.memory_space<semaphore_mem>>
      %dma_start3A_2915 = tpu.memref_squeeze %dma_start3A_2914 : memref<1x!tpu.dma_semaphore, #tpu.memory_space<semaphore_mem>> -> memref<!tpu.dma_semaphore, #tpu.memory_space<semaphore_mem>>
      tpu.enqueue_indirect_dma source(%dma_start3A_2913 : memref<2600572x16xf32, #tpu.memory_space<hbm>>) target(%dma_start3A_2907 : memref<128x16xf32, #tpu.memory_space<vmem>>) offsets(%dma_start3A_2910 : memref<128xi32, #tpu.memory_space<vmem>>) semaphore(%dma_start3A_2915 : memref<!tpu.dma_semaphore, #tpu.memory_space<semaphore_mem>>)
      %dma_start3A_2916 = arith.constant 1 : i32
      %dma_start3A_2917 = arith.constant 1 : i32
      %dma_start3A_2918 = arith.constant 1 : i32
      %dma_start3A_2919 = arith.constant 512 : i32
      %dma_start3A_2920 = arith.constant 0 : i32
      %dma_start3A_2921 = tpu.memref_slice %arg17[%dma_start3A_2917, %dma_start3A_2919, %dma_start3A_2920] : memref<2x656x16xf32, #tpu.memory_space<vmem>> -> memref<1x128x16xf32, #tpu.memory_space<vmem>>
      %dma_start3A_2922 = tpu.memref_squeeze %dma_start3A_2921 : memref<1x128x16xf32, #tpu.memory_space<vmem>> -> memref<128x16xf32, #tpu.memory_space<vmem>>
      %dma_start3A_2923 = arith.constant 512 : i32
      %dma_start3A_2924 = tpu.memref_slice %arg15[%dma_start3A_2916, %dma_start3A_2923] : memref<2x656xi32, #tpu.memory_space<vmem>> -> memref<1x128xi32, #tpu.memory_space<vmem>>
      %dma_start3A_2925 = tpu.memref_squeeze %dma_start3A_2924 : memref<1x128xi32, #tpu.memory_space<vmem>> -> memref<128xi32, #tpu.memory_space<vmem>>
      %dma_start3A_2926 = arith.constant 0 : i32
      %dma_start3A_2927 = arith.constant 0 : i32
      %dma_start3A_2928 = tpu.memref_slice %arg7[%dma_start3A_2926, %dma_start3A_2927] : memref<2600572x16xf32, #tpu.memory_space<hbm>> -> memref<2600572x16xf32, #tpu.memory_space<hbm>>
      %dma_start3A_2929 = tpu.memref_slice %arg20[%dma_start3A_2918] : memref<2x!tpu.dma_semaphore, #tpu.memory_space<semaphore_mem>> -> memref<1x!tpu.dma_semaphore, #tpu.memory_space<semaphore_mem>>
      %dma_start3A_2930 = tpu.memref_squeeze %dma_start3A_2929 : memref<1x!tpu.dma_semaphore, #tpu.memory_space<semaphore_mem>> -> memref<!tpu.dma_semaphore, #tpu.memory_space<semaphore_mem>>
      tpu.enqueue_indirect_dma source(%dma_start3A_2928 : memref<2600572x16xf32, #tpu.memory_space<hbm>>) target(%dma_start3A_2922 : memref<128x16xf32, #tpu.memory_space<vmem>>) offsets(%dma_start3A_2925 : memref<128xi32, #tpu.memory_space<vmem>>) semaphore(%dma_start3A_2930 : memref<!tpu.dma_semaphore, #tpu.memory_space<semaphore_mem>>)
      %dma_start3A_2931 = arith.constant 1 : i32
      %dma_start3A_2932 = arith.constant 1 : i32
      %dma_start3A_2933 = arith.constant 1 : i32
      %dma_start3A_2934 = arith.constant 640 : i32
      %dma_start3A_2935 = arith.constant 0 : i32
      %dma_start3A_2936 = tpu.memref_slice %arg17[%dma_start3A_2932, %dma_start3A_2934, %dma_start3A_2935] : memref<2x656x16xf32, #tpu.memory_space<vmem>> -> memref<1x16x16xf32, #tpu.memory_space<vmem>>
      %dma_start3A_2937 = tpu.memref_squeeze %dma_start3A_2936 : memref<1x16x16xf32, #tpu.memory_space<vmem>> -> memref<16x16xf32, #tpu.memory_space<vmem>>
      %dma_start3A_2938 = arith.constant 640 : i32
      %dma_start3A_2939 = tpu.memref_slice %arg15[%dma_start3A_2931, %dma_start3A_2938] : memref<2x656xi32, #tpu.memory_space<vmem>> -> memref<1x16xi32, #tpu.memory_space<vmem>>
      %dma_start3A_2940 = tpu.memref_squeeze %dma_start3A_2939 : memref<1x16xi32, #tpu.memory_space<vmem>> -> memref<16xi32, #tpu.memory_space<vmem>>
      %dma_start3A_2941 = arith.constant 0 : i32
      %dma_start3A_2942 = arith.constant 0 : i32
      %dma_start3A_2943 = tpu.memref_slice %arg7[%dma_start3A_2941, %dma_start3A_2942] : memref<2600572x16xf32, #tpu.memory_space<hbm>> -> memref<2600572x16xf32, #tpu.memory_space<hbm>>
      %dma_start3A_2944 = tpu.memref_slice %arg20[%dma_start3A_2933] : memref<2x!tpu.dma_semaphore, #tpu.memory_space<semaphore_mem>> -> memref<1x!tpu.dma_semaphore, #tpu.memory_space<semaphore_mem>>
      %dma_start3A_2945 = tpu.memref_squeeze %dma_start3A_2944 : memref<1x!tpu.dma_semaphore, #tpu.memory_space<semaphore_mem>> -> memref<!tpu.dma_semaphore, #tpu.memory_space<semaphore_mem>>
      tpu.enqueue_indirect_dma source(%dma_start3A_2943 : memref<2600572x16xf32, #tpu.memory_space<hbm>>) target(%dma_start3A_2937 : memref<16x16xf32, #tpu.memory_space<vmem>>) offsets(%dma_start3A_2940 : memref<16xi32, #tpu.memory_space<vmem>>) semaphore(%dma_start3A_2945 : memref<!tpu.dma_semaphore, #tpu.memory_space<semaphore_mem>>)
      %dma_start3A_2946 = arith.constant 1 : i32
      %dma_start3A_2947 = arith.constant 1 : i32
      %dma_start3A_2948 = arith.constant 1 : i32
      %dma_start3A_2949 = arith.constant 0 : i32
      %dma_start3A_2950 = tpu.memref_slice %arg18[%dma_start3A_2947, %dma_start3A_2949] : memref<2x32xf32, #tpu.memory_space<vmem>> -> memref<1x32xf32, #tpu.memory_space<vmem>>
      %dma_start3A_2951 = tpu.memref_squeeze %dma_start3A_2950 : memref<1x32xf32, #tpu.memory_space<vmem>> -> memref<32xf32, #tpu.memory_space<vmem>>
      %dma_start3A_2952 = arith.constant 0 : i32
      %dma_start3A_2953 = tpu.memref_slice %arg16[%dma_start3A_2946, %dma_start3A_2952] : memref<2x32xi32, #tpu.memory_space<vmem>> -> memref<1x32xi32, #tpu.memory_space<vmem>>
      %dma_start3A_2954 = tpu.memref_squeeze %dma_start3A_2953 : memref<1x32xi32, #tpu.memory_space<vmem>> -> memref<32xi32, #tpu.memory_space<vmem>>
      %dma_start3A_2955 = arith.constant 0 : i32
      %dma_start3A_2956 = tpu.memref_slice %arg8[%dma_start3A_2955] : memref<100022xf32, #tpu.memory_space<hbm>> -> memref<100022xf32, #tpu.memory_space<hbm>>
      %dma_start3A_2957 = tpu.memref_slice %arg21[%dma_start3A_2948] : memref<2x!tpu.dma_semaphore, #tpu.memory_space<semaphore_mem>> -> memref<1x!tpu.dma_semaphore, #tpu.memory_space<semaphore_mem>>
      %dma_start3A_2958 = tpu.memref_squeeze %dma_start3A_2957 : memref<1x!tpu.dma_semaphore, #tpu.memory_space<semaphore_mem>> -> memref<!tpu.dma_semaphore, #tpu.memory_space<semaphore_mem>>
      tpu.enqueue_indirect_dma source(%dma_start3A_2956 : memref<100022xf32, #tpu.memory_space<hbm>>) target(%dma_start3A_2951 : memref<32xf32, #tpu.memory_space<vmem>>) offsets(%dma_start3A_2954 : memref<32xi32, #tpu.memory_space<vmem>>) semaphore(%dma_start3A_2958 : memref<!tpu.dma_semaphore, #tpu.memory_space<semaphore_mem>>)
      %scan3A_2959 = arith.constant 0 : i32
      scf.yield %scan3A_2959 : i32
    }
    %scan3A_1161 = arith.constant 63 : i32
    %dma_wait3A = arith.constant 0 : i32
    %dma_wait3A_1162 = arith.constant 0 : i32
    %dma_wait3A_1163 = arith.constant 0 : i32
    %dma_wait3A_1164 = arith.constant 0 : i32
    %dma_wait3A_1165 = arith.constant 0 : i32
    %dma_wait3A_1166 = tpu.memref_slice %arg17[%dma_wait3A_1162, %dma_wait3A_1164, %dma_wait3A_1165] : memref<2x656x16xf32, #tpu.memory_space<vmem>> -> memref<1x128x16xf32, #tpu.memory_space<vmem>>
    %dma_wait3A_1167 = tpu.memref_squeeze %dma_wait3A_1166 : memref<1x128x16xf32, #tpu.memory_space<vmem>> -> memref<128x16xf32, #tpu.memory_space<vmem>>
    %dma_wait3A_1168 = arith.constant 0 : i32
    %dma_wait3A_1169 = tpu.memref_slice %arg15[%dma_wait3A, %dma_wait3A_1168] : memref<2x656xi32, #tpu.memory_space<vmem>> -> memref<1x128xi32, #tpu.memory_space<vmem>>
    %dma_wait3A_1170 = tpu.memref_squeeze %dma_wait3A_1169 : memref<1x128xi32, #tpu.memory_space<vmem>> -> memref<128xi32, #tpu.memory_space<vmem>>
    %dma_wait3A_1171 = arith.constant 0 : i32
    %dma_wait3A_1172 = arith.constant 0 : i32
    %dma_wait3A_1173 = tpu.memref_slice %arg7[%dma_wait3A_1171, %dma_wait3A_1172] : memref<2600572x16xf32, #tpu.memory_space<hbm>> -> memref<2600572x16xf32, #tpu.memory_space<hbm>>
    %dma_wait3A_1174 = tpu.memref_slice %arg20[%dma_wait3A_1163] : memref<2x!tpu.dma_semaphore, #tpu.memory_space<semaphore_mem>> -> memref<1x!tpu.dma_semaphore, #tpu.memory_space<semaphore_mem>>
    %dma_wait3A_1175 = tpu.memref_squeeze %dma_wait3A_1174 : memref<1x!tpu.dma_semaphore, #tpu.memory_space<semaphore_mem>> -> memref<!tpu.dma_semaphore, #tpu.memory_space<semaphore_mem>>
    tpu.wait_indirect_dma semaphore(%dma_wait3A_1175 : memref<!tpu.dma_semaphore, #tpu.memory_space<semaphore_mem>>) src(%dma_wait3A_1173 : memref<2600572x16xf32, #tpu.memory_space<hbm>>) dst(%dma_wait3A_1167 : memref<128x16xf32, #tpu.memory_space<vmem>>)
    %dma_wait3A_1176 = arith.constant 0 : i32
    %dma_wait3A_1177 = arith.constant 0 : i32
    %dma_wait3A_1178 = arith.constant 0 : i32
    %dma_wait3A_1179 = arith.constant 128 : i32
    %dma_wait3A_1180 = arith.constant 0 : i32
    %dma_wait3A_1181 = tpu.memref_slice %arg17[%dma_wait3A_1177, %dma_wait3A_1179, %dma_wait3A_1180] : memref<2x656x16xf32, #tpu.memory_space<vmem>> -> memref<1x128x16xf32, #tpu.memory_space<vmem>>
    %dma_wait3A_1182 = tpu.memref_squeeze %dma_wait3A_1181 : memref<1x128x16xf32, #tpu.memory_space<vmem>> -> memref<128x16xf32, #tpu.memory_space<vmem>>
    %dma_wait3A_1183 = arith.constant 128 : i32
    %dma_wait3A_1184 = tpu.memref_slice %arg15[%dma_wait3A_1176, %dma_wait3A_1183] : memref<2x656xi32, #tpu.memory_space<vmem>> -> memref<1x128xi32, #tpu.memory_space<vmem>>
    %dma_wait3A_1185 = tpu.memref_squeeze %dma_wait3A_1184 : memref<1x128xi32, #tpu.memory_space<vmem>> -> memref<128xi32, #tpu.memory_space<vmem>>
    %dma_wait3A_1186 = arith.constant 0 : i32
    %dma_wait3A_1187 = arith.constant 0 : i32
    %dma_wait3A_1188 = tpu.memref_slice %arg7[%dma_wait3A_1186, %dma_wait3A_1187] : memref<2600572x16xf32, #tpu.memory_space<hbm>> -> memref<2600572x16xf32, #tpu.memory_space<hbm>>
    %dma_wait3A_1189 = tpu.memref_slice %arg20[%dma_wait3A_1178] : memref<2x!tpu.dma_semaphore, #tpu.memory_space<semaphore_mem>> -> memref<1x!tpu.dma_semaphore, #tpu.memory_space<semaphore_mem>>
    %dma_wait3A_1190 = tpu.memref_squeeze %dma_wait3A_1189 : memref<1x!tpu.dma_semaphore, #tpu.memory_space<semaphore_mem>> -> memref<!tpu.dma_semaphore, #tpu.memory_space<semaphore_mem>>
    tpu.wait_indirect_dma semaphore(%dma_wait3A_1190 : memref<!tpu.dma_semaphore, #tpu.memory_space<semaphore_mem>>) src(%dma_wait3A_1188 : memref<2600572x16xf32, #tpu.memory_space<hbm>>) dst(%dma_wait3A_1182 : memref<128x16xf32, #tpu.memory_space<vmem>>)
    %dma_wait3A_1191 = arith.constant 0 : i32
    %dma_wait3A_1192 = arith.constant 0 : i32
    %dma_wait3A_1193 = arith.constant 0 : i32
    %dma_wait3A_1194 = arith.constant 256 : i32
    %dma_wait3A_1195 = arith.constant 0 : i32
    %dma_wait3A_1196 = tpu.memref_slice %arg17[%dma_wait3A_1192, %dma_wait3A_1194, %dma_wait3A_1195] : memref<2x656x16xf32, #tpu.memory_space<vmem>> -> memref<1x128x16xf32, #tpu.memory_space<vmem>>
    %dma_wait3A_1197 = tpu.memref_squeeze %dma_wait3A_1196 : memref<1x128x16xf32, #tpu.memory_space<vmem>> -> memref<128x16xf32, #tpu.memory_space<vmem>>
    %dma_wait3A_1198 = arith.constant 256 : i32
    %dma_wait3A_1199 = tpu.memref_slice %arg15[%dma_wait3A_1191, %dma_wait3A_1198] : memref<2x656xi32, #tpu.memory_space<vmem>> -> memref<1x128xi32, #tpu.memory_space<vmem>>
    %dma_wait3A_1200 = tpu.memref_squeeze %dma_wait3A_1199 : memref<1x128xi32, #tpu.memory_space<vmem>> -> memref<128xi32, #tpu.memory_space<vmem>>
    %dma_wait3A_1201 = arith.constant 0 : i32
    %dma_wait3A_1202 = arith.constant 0 : i32
    %dma_wait3A_1203 = tpu.memref_slice %arg7[%dma_wait3A_1201, %dma_wait3A_1202] : memref<2600572x16xf32, #tpu.memory_space<hbm>> -> memref<2600572x16xf32, #tpu.memory_space<hbm>>
    %dma_wait3A_1204 = tpu.memref_slice %arg20[%dma_wait3A_1193] : memref<2x!tpu.dma_semaphore, #tpu.memory_space<semaphore_mem>> -> memref<1x!tpu.dma_semaphore, #tpu.memory_space<semaphore_mem>>
    %dma_wait3A_1205 = tpu.memref_squeeze %dma_wait3A_1204 : memref<1x!tpu.dma_semaphore, #tpu.memory_space<semaphore_mem>> -> memref<!tpu.dma_semaphore, #tpu.memory_space<semaphore_mem>>
    tpu.wait_indirect_dma semaphore(%dma_wait3A_1205 : memref<!tpu.dma_semaphore, #tpu.memory_space<semaphore_mem>>) src(%dma_wait3A_1203 : memref<2600572x16xf32, #tpu.memory_space<hbm>>) dst(%dma_wait3A_1197 : memref<128x16xf32, #tpu.memory_space<vmem>>)
    %dma_wait3A_1206 = arith.constant 0 : i32
    %dma_wait3A_1207 = arith.constant 0 : i32
    %dma_wait3A_1208 = arith.constant 0 : i32
    %dma_wait3A_1209 = arith.constant 384 : i32
    %dma_wait3A_1210 = arith.constant 0 : i32
    %dma_wait3A_1211 = tpu.memref_slice %arg17[%dma_wait3A_1207, %dma_wait3A_1209, %dma_wait3A_1210] : memref<2x656x16xf32, #tpu.memory_space<vmem>> -> memref<1x128x16xf32, #tpu.memory_space<vmem>>
    %dma_wait3A_1212 = tpu.memref_squeeze %dma_wait3A_1211 : memref<1x128x16xf32, #tpu.memory_space<vmem>> -> memref<128x16xf32, #tpu.memory_space<vmem>>
    %dma_wait3A_1213 = arith.constant 384 : i32
    %dma_wait3A_1214 = tpu.memref_slice %arg15[%dma_wait3A_1206, %dma_wait3A_1213] : memref<2x656xi32, #tpu.memory_space<vmem>> -> memref<1x128xi32, #tpu.memory_space<vmem>>
    %dma_wait3A_1215 = tpu.memref_squeeze %dma_wait3A_1214 : memref<1x128xi32, #tpu.memory_space<vmem>> -> memref<128xi32, #tpu.memory_space<vmem>>
    %dma_wait3A_1216 = arith.constant 0 : i32
    %dma_wait3A_1217 = arith.constant 0 : i32
    %dma_wait3A_1218 = tpu.memref_slice %arg7[%dma_wait3A_1216, %dma_wait3A_1217] : memref<2600572x16xf32, #tpu.memory_space<hbm>> -> memref<2600572x16xf32, #tpu.memory_space<hbm>>
    %dma_wait3A_1219 = tpu.memref_slice %arg20[%dma_wait3A_1208] : memref<2x!tpu.dma_semaphore, #tpu.memory_space<semaphore_mem>> -> memref<1x!tpu.dma_semaphore, #tpu.memory_space<semaphore_mem>>
    %dma_wait3A_1220 = tpu.memref_squeeze %dma_wait3A_1219 : memref<1x!tpu.dma_semaphore, #tpu.memory_space<semaphore_mem>> -> memref<!tpu.dma_semaphore, #tpu.memory_space<semaphore_mem>>
    tpu.wait_indirect_dma semaphore(%dma_wait3A_1220 : memref<!tpu.dma_semaphore, #tpu.memory_space<semaphore_mem>>) src(%dma_wait3A_1218 : memref<2600572x16xf32, #tpu.memory_space<hbm>>) dst(%dma_wait3A_1212 : memref<128x16xf32, #tpu.memory_space<vmem>>)
    %dma_wait3A_1221 = arith.constant 0 : i32
    %dma_wait3A_1222 = arith.constant 0 : i32
    %dma_wait3A_1223 = arith.constant 0 : i32
    %dma_wait3A_1224 = arith.constant 512 : i32
    %dma_wait3A_1225 = arith.constant 0 : i32
    %dma_wait3A_1226 = tpu.memref_slice %arg17[%dma_wait3A_1222, %dma_wait3A_1224, %dma_wait3A_1225] : memref<2x656x16xf32, #tpu.memory_space<vmem>> -> memref<1x128x16xf32, #tpu.memory_space<vmem>>
    %dma_wait3A_1227 = tpu.memref_squeeze %dma_wait3A_1226 : memref<1x128x16xf32, #tpu.memory_space<vmem>> -> memref<128x16xf32, #tpu.memory_space<vmem>>
    %dma_wait3A_1228 = arith.constant 512 : i32
    %dma_wait3A_1229 = tpu.memref_slice %arg15[%dma_wait3A_1221, %dma_wait3A_1228] : memref<2x656xi32, #tpu.memory_space<vmem>> -> memref<1x128xi32, #tpu.memory_space<vmem>>
    %dma_wait3A_1230 = tpu.memref_squeeze %dma_wait3A_1229 : memref<1x128xi32, #tpu.memory_space<vmem>> -> memref<128xi32, #tpu.memory_space<vmem>>
    %dma_wait3A_1231 = arith.constant 0 : i32
    %dma_wait3A_1232 = arith.constant 0 : i32
    %dma_wait3A_1233 = tpu.memref_slice %arg7[%dma_wait3A_1231, %dma_wait3A_1232] : memref<2600572x16xf32, #tpu.memory_space<hbm>> -> memref<2600572x16xf32, #tpu.memory_space<hbm>>
    %dma_wait3A_1234 = tpu.memref_slice %arg20[%dma_wait3A_1223] : memref<2x!tpu.dma_semaphore, #tpu.memory_space<semaphore_mem>> -> memref<1x!tpu.dma_semaphore, #tpu.memory_space<semaphore_mem>>
    %dma_wait3A_1235 = tpu.memref_squeeze %dma_wait3A_1234 : memref<1x!tpu.dma_semaphore, #tpu.memory_space<semaphore_mem>> -> memref<!tpu.dma_semaphore, #tpu.memory_space<semaphore_mem>>
    tpu.wait_indirect_dma semaphore(%dma_wait3A_1235 : memref<!tpu.dma_semaphore, #tpu.memory_space<semaphore_mem>>) src(%dma_wait3A_1233 : memref<2600572x16xf32, #tpu.memory_space<hbm>>) dst(%dma_wait3A_1227 : memref<128x16xf32, #tpu.memory_space<vmem>>)
    %dma_wait3A_1236 = arith.constant 0 : i32
    %dma_wait3A_1237 = arith.constant 0 : i32
    %dma_wait3A_1238 = arith.constant 0 : i32
    %dma_wait3A_1239 = arith.constant 640 : i32
    %dma_wait3A_1240 = arith.constant 0 : i32
    %dma_wait3A_1241 = tpu.memref_slice %arg17[%dma_wait3A_1237, %dma_wait3A_1239, %dma_wait3A_1240] : memref<2x656x16xf32, #tpu.memory_space<vmem>> -> memref<1x16x16xf32, #tpu.memory_space<vmem>>
    %dma_wait3A_1242 = tpu.memref_squeeze %dma_wait3A_1241 : memref<1x16x16xf32, #tpu.memory_space<vmem>> -> memref<16x16xf32, #tpu.memory_space<vmem>>
    %dma_wait3A_1243 = arith.constant 640 : i32
    %dma_wait3A_1244 = tpu.memref_slice %arg15[%dma_wait3A_1236, %dma_wait3A_1243] : memref<2x656xi32, #tpu.memory_space<vmem>> -> memref<1x16xi32, #tpu.memory_space<vmem>>
    %dma_wait3A_1245 = tpu.memref_squeeze %dma_wait3A_1244 : memref<1x16xi32, #tpu.memory_space<vmem>> -> memref<16xi32, #tpu.memory_space<vmem>>
    %dma_wait3A_1246 = arith.constant 0 : i32
    %dma_wait3A_1247 = arith.constant 0 : i32
    %dma_wait3A_1248 = tpu.memref_slice %arg7[%dma_wait3A_1246, %dma_wait3A_1247] : memref<2600572x16xf32, #tpu.memory_space<hbm>> -> memref<2600572x16xf32, #tpu.memory_space<hbm>>
    %dma_wait3A_1249 = tpu.memref_slice %arg20[%dma_wait3A_1238] : memref<2x!tpu.dma_semaphore, #tpu.memory_space<semaphore_mem>> -> memref<1x!tpu.dma_semaphore, #tpu.memory_space<semaphore_mem>>
    %dma_wait3A_1250 = tpu.memref_squeeze %dma_wait3A_1249 : memref<1x!tpu.dma_semaphore, #tpu.memory_space<semaphore_mem>> -> memref<!tpu.dma_semaphore, #tpu.memory_space<semaphore_mem>>
    tpu.wait_indirect_dma semaphore(%dma_wait3A_1250 : memref<!tpu.dma_semaphore, #tpu.memory_space<semaphore_mem>>) src(%dma_wait3A_1248 : memref<2600572x16xf32, #tpu.memory_space<hbm>>) dst(%dma_wait3A_1242 : memref<16x16xf32, #tpu.memory_space<vmem>>)
    %dma_wait3A_1251 = arith.constant 0 : i32
    %dma_wait3A_1252 = arith.constant 0 : i32
    %dma_wait3A_1253 = arith.constant 0 : i32
    %dma_wait3A_1254 = arith.constant 0 : i32
    %dma_wait3A_1255 = tpu.memref_slice %arg18[%dma_wait3A_1252, %dma_wait3A_1254] : memref<2x32xf32, #tpu.memory_space<vmem>> -> memref<1x32xf32, #tpu.memory_space<vmem>>
    %dma_wait3A_1256 = tpu.memref_squeeze %dma_wait3A_1255 : memref<1x32xf32, #tpu.memory_space<vmem>> -> memref<32xf32, #tpu.memory_space<vmem>>
    %dma_wait3A_1257 = arith.constant 0 : i32
    %dma_wait3A_1258 = tpu.memref_slice %arg16[%dma_wait3A_1251, %dma_wait3A_1257] : memref<2x32xi32, #tpu.memory_space<vmem>> -> memref<1x32xi32, #tpu.memory_space<vmem>>
    %dma_wait3A_1259 = tpu.memref_squeeze %dma_wait3A_1258 : memref<1x32xi32, #tpu.memory_space<vmem>> -> memref<32xi32, #tpu.memory_space<vmem>>
    %dma_wait3A_1260 = arith.constant 0 : i32
    %dma_wait3A_1261 = tpu.memref_slice %arg8[%dma_wait3A_1260] : memref<100022xf32, #tpu.memory_space<hbm>> -> memref<100022xf32, #tpu.memory_space<hbm>>
    %dma_wait3A_1262 = tpu.memref_slice %arg21[%dma_wait3A_1253] : memref<2x!tpu.dma_semaphore, #tpu.memory_space<semaphore_mem>> -> memref<1x!tpu.dma_semaphore, #tpu.memory_space<semaphore_mem>>
    %dma_wait3A_1263 = tpu.memref_squeeze %dma_wait3A_1262 : memref<1x!tpu.dma_semaphore, #tpu.memory_space<semaphore_mem>> -> memref<!tpu.dma_semaphore, #tpu.memory_space<semaphore_mem>>
    tpu.wait_indirect_dma semaphore(%dma_wait3A_1263 : memref<!tpu.dma_semaphore, #tpu.memory_space<semaphore_mem>>) src(%dma_wait3A_1261 : memref<100022xf32, #tpu.memory_space<hbm>>) dst(%dma_wait3A_1256 : memref<32xf32, #tpu.memory_space<vmem>>)
    %broadcast_in_dim3A_1264 = arith.constant 0.000000e+00 : f32
    %broadcast_in_dim3A_1265 = vector.broadcast %broadcast_in_dim3A_1264 : f32 to vector<16xf32>
    %scan3A_1266 = arith.constant 0 : i32
    %scan3A_1267 = arith.constant 324 : i32
    %scan3A_1268 = arith.addi %scan3A_1266, %scan3A_1267 : i32
    %scan3A_1269 = arith.constant 4 : i32
    %scan3A_1270 = scf.for %scan3A_1470 = %scan3A_1266 to %scan3A_1268 step %scan3A_1269 iter_args(%scan3A_1471 = %broadcast_in_dim3A_1265) -> (vector<16xf32>)  : i32 {
      %get3A_1472 = arith.constant 0 : i32
      %get3A_1473 = arith.index_cast %get3A_1472 : i32 to index
      %get3A_1474 = arith.index_cast %scan3A_1470 : i32 to index
      %get3A_1475 = arith.constant 0 : index
      %get3A_1476 = tpu.vector_load %arg17[%get3A_1473, %get3A_1474, %get3A_1475] {strides = array<i32>} : memref<2x656x16xf32, #tpu.memory_space<vmem>>, vector<16xf32>,
      %add3A_1477 = arith.constant 325 : i32
      %add3A_1478 = arith.addi %add3A_1477, %scan3A_1470 : i32
      %get3A_1479 = arith.constant 0 : i32
      %get3A_1480 = arith.index_cast %get3A_1479 : i32 to index
      %get3A_1481 = arith.index_cast %add3A_1478 : i32 to index
      %get3A_1482 = arith.constant 0 : index
      %get3A_1483 = tpu.vector_load %arg17[%get3A_1480, %get3A_1481, %get3A_1482] {strides = array<i32>} : memref<2x656x16xf32, #tpu.memory_space<vmem>>, vector<16xf32>,
      %mul3A_1484 = arith.mulf %get3A_1476, %get3A_1483 : vector<16xf32>
      %add3A_1485 = arith.addf %scan3A_1471, %mul3A_1484 : vector<16xf32>
      %scan3A_1486 = arith.constant 1 : i32
      %scan3A_1487 = arith.addi %scan3A_1470, %scan3A_1486 : i32
      %get3A_1488 = arith.constant 0 : i32
      %get3A_1489 = arith.index_cast %get3A_1488 : i32 to index
      %get3A_1490 = arith.index_cast %scan3A_1487 : i32 to index
      %get3A_1491 = arith.constant 0 : index
      %get3A_1492 = tpu.vector_load %arg17[%get3A_1489, %get3A_1490, %get3A_1491] {strides = array<i32>} : memref<2x656x16xf32, #tpu.memory_space<vmem>>, vector<16xf32>,
      %add3A_1493 = arith.constant 325 : i32
      %add3A_1494 = arith.addi %add3A_1493, %scan3A_1487 : i32
      %get3A_1495 = arith.constant 0 : i32
      %get3A_1496 = arith.index_cast %get3A_1495 : i32 to index
      %get3A_1497 = arith.index_cast %add3A_1494 : i32 to index
      %get3A_1498 = arith.constant 0 : index
      %get3A_1499 = tpu.vector_load %arg17[%get3A_1496, %get3A_1497, %get3A_1498] {strides = array<i32>} : memref<2x656x16xf32, #tpu.memory_space<vmem>>, vector<16xf32>,
      %mul3A_1500 = arith.mulf %get3A_1492, %get3A_1499 : vector<16xf32>
      %add3A_1501 = arith.addf %add3A_1485, %mul3A_1500 : vector<16xf32>
      %scan3A_1502 = arith.constant 2 : i32
      %scan3A_1503 = arith.addi %scan3A_1470, %scan3A_1502 : i32
      %get3A_1504 = arith.constant 0 : i32
      %get3A_1505 = arith.index_cast %get3A_1504 : i32 to index
      %get3A_1506 = arith.index_cast %scan3A_1503 : i32 to index
      %get3A_1507 = arith.constant 0 : index
      %get3A_1508 = tpu.vector_load %arg17[%get3A_1505, %get3A_1506, %get3A_1507] {strides = array<i32>} : memref<2x656x16xf32, #tpu.memory_space<vmem>>, vector<16xf32>,
      %add3A_1509 = arith.constant 325 : i32
      %add3A_1510 = arith.addi %add3A_1509, %scan3A_1503 : i32
      %get3A_1511 = arith.constant 0 : i32
      %get3A_1512 = arith.index_cast %get3A_1511 : i32 to index
      %get3A_1513 = arith.index_cast %add3A_1510 : i32 to index
      %get3A_1514 = arith.constant 0 : index
      %get3A_1515 = tpu.vector_load %arg17[%get3A_1512, %get3A_1513, %get3A_1514] {strides = array<i32>} : memref<2x656x16xf32, #tpu.memory_space<vmem>>, vector<16xf32>,
      %mul3A_1516 = arith.mulf %get3A_1508, %get3A_1515 : vector<16xf32>
      %add3A_1517 = arith.addf %add3A_1501, %mul3A_1516 : vector<16xf32>
      %scan3A_1518 = arith.constant 3 : i32
      %scan3A_1519 = arith.addi %scan3A_1470, %scan3A_1518 : i32
      %get3A_1520 = arith.constant 0 : i32
      %get3A_1521 = arith.index_cast %get3A_1520 : i32 to index
      %get3A_1522 = arith.index_cast %scan3A_1519 : i32 to index
      %get3A_1523 = arith.constant 0 : index
      %get3A_1524 = tpu.vector_load %arg17[%get3A_1521, %get3A_1522, %get3A_1523] {strides = array<i32>} : memref<2x656x16xf32, #tpu.memory_space<vmem>>, vector<16xf32>,
      %add3A_1525 = arith.constant 325 : i32
      %add3A_1526 = arith.addi %add3A_1525, %scan3A_1519 : i32
      %get3A_1527 = arith.constant 0 : i32
      %get3A_1528 = arith.index_cast %get3A_1527 : i32 to index
      %get3A_1529 = arith.index_cast %add3A_1526 : i32 to index
      %get3A_1530 = arith.constant 0 : index
      %get3A_1531 = tpu.vector_load %arg17[%get3A_1528, %get3A_1529, %get3A_1530] {strides = array<i32>} : memref<2x656x16xf32, #tpu.memory_space<vmem>>, vector<16xf32>,
      %mul3A_1532 = arith.mulf %get3A_1524, %get3A_1531 : vector<16xf32>
      %add3A_1533 = arith.addf %add3A_1517, %mul3A_1532 : vector<16xf32>
      scf.yield %add3A_1533 : vector<16xf32>
    }
    %scan3A_1271 = arith.constant 324 : i32
    %scan3A_1272 = arith.addi %scan3A_1266, %scan3A_1271 : i32
    %get3A_1273 = arith.constant 0 : i32
    %get3A_1274 = arith.index_cast %get3A_1273 : i32 to index
    %get3A_1275 = arith.index_cast %scan3A_1272 : i32 to index
    %get3A_1276 = arith.constant 0 : index
    %get3A_1277 = tpu.vector_load %arg17[%get3A_1274, %get3A_1275, %get3A_1276] {strides = array<i32>} : memref<2x656x16xf32, #tpu.memory_space<vmem>>, vector<16xf32>,
    %add3A_1278 = arith.constant 325 : i32
    %add3A_1279 = arith.addi %add3A_1278, %scan3A_1272 : i32
    %get3A_1280 = arith.constant 0 : i32
    %get3A_1281 = arith.index_cast %get3A_1280 : i32 to index
    %get3A_1282 = arith.index_cast %add3A_1279 : i32 to index
    %get3A_1283 = arith.constant 0 : index
    %get3A_1284 = tpu.vector_load %arg17[%get3A_1281, %get3A_1282, %get3A_1283] {strides = array<i32>} : memref<2x656x16xf32, #tpu.memory_space<vmem>>, vector<16xf32>,
    %mul3A_1285 = arith.mulf %get3A_1277, %get3A_1284 : vector<16xf32>
    %add3A_1286 = arith.addf %scan3A_1270, %mul3A_1285 : vector<16xf32>
    %scan3A_1287 = arith.constant 325 : i32
    %get3A_1288 = arith.constant 0 : i32
    %get3A_1289 = arith.index_cast %get3A_1288 : i32 to index
    %get3A_1290 = arith.constant 0 : index
    %get3A_1291 = tpu.vector_load %arg18[%get3A_1289, %get3A_1290] {strides = array<i32>} : memref<2x32xf32, #tpu.memory_space<vmem>>, vector<16xf32>,
    %lt3A = arith.constant 10 : i32
    %lt3A_1292 = vector.broadcast %lt3A : i32 to vector<16xi32>
    %lt3A_1293 = arith.cmpi slt, %iota3A, %lt3A_1292 : vector<16xi32>
    %get3A_1294 = arith.constant 0 : i32
    %get3A_1295 = arith.index_cast %get3A_1294 : i32 to index
    %get3A_1296 = arith.constant 16 : index
    %get3A_1297 = tpu.vector_load %arg18[%get3A_1295, %get3A_1296] {strides = array<i32>} : memref<2x32xf32, #tpu.memory_space<vmem>>, vector<16xf32>,
    %jit3A = arith.constant 0.000000e+00 : f32
    %broadcast_in_dim3A_1298 = vector.broadcast %jit3A : f32 to vector<16xf32>
    %select_n3A = arith.select %lt3A_1293, %get3A_1297, %broadcast_in_dim3A_1298 : vector<16xi1>, vector<16xf32>
    %add3A_1299 = arith.addf %get3A_1291, %select_n3A : vector<16xf32>
    %reduce_sum3A = arith.constant true
    %reduce_sum3A_1300 = vector.broadcast %reduce_sum3A : i1 to vector<16xi1>
    %reduce_sum3A_1301 = tpu.scan <sum>, %add3A_1286 masked %reduce_sum3A_1300 : vector<16xf32>, vector<16xi1> -> vector<16xf32>
    %reduce_sum3A_1302 = vector.extract %reduce_sum3A_1301[15] : f32 from vector<16xf32>
    %reduce_sum3A_1303 = arith.constant true
    %reduce_sum3A_1304 = vector.broadcast %reduce_sum3A_1303 : i1 to vector<16xi1>
    %reduce_sum3A_1305 = tpu.scan <sum>, %add3A_1299 masked %reduce_sum3A_1304 : vector<16xf32>, vector<16xi1> -> vector<16xf32>
    %reduce_sum3A_1306 = vector.extract %reduce_sum3A_1305[15] : f32 from vector<16xf32>
    %add3A_1307 = arith.addf %reduce_sum3A_1302, %reduce_sum3A_1306 : f32
    %broadcast_in_dim3A_1308 = arith.constant 126 : i32
    %broadcast_in_dim3A_1309 = vector.broadcast %broadcast_in_dim3A_1308 : i32 to vector<16xi32>
    %broadcast_in_dim3A_1310 = vector.broadcast %add3A_1307 : f32 to vector<16xf32>
    %eq3A = arith.constant 0 : i32
    %eq3A_1311 = vector.broadcast %eq3A : i32 to vector<16xi32>
    %eq3A_1312 = arith.cmpi eq, %iota3A, %eq3A_1311 : vector<16xi32>
    tpu.vector_store_idx %arg19[%broadcast_in_dim3A_1309], %broadcast_in_dim3A_1310 masked %eq3A_1312 : memref<128xf32, #tpu.memory_space<vmem>>[vector<16xi32>], vector<16xf32>, vector<16xi1>
    %dma_wait3A_1313 = arith.constant 1 : i32
    %dma_wait3A_1314 = arith.constant 1 : i32
    %dma_wait3A_1315 = arith.constant 1 : i32
    %dma_wait3A_1316 = arith.constant 0 : i32
    %dma_wait3A_1317 = arith.constant 0 : i32
    %dma_wait3A_1318 = tpu.memref_slice %arg17[%dma_wait3A_1314, %dma_wait3A_1316, %dma_wait3A_1317] : memref<2x656x16xf32, #tpu.memory_space<vmem>> -> memref<1x128x16xf32, #tpu.memory_space<vmem>>
    %dma_wait3A_1319 = tpu.memref_squeeze %dma_wait3A_1318 : memref<1x128x16xf32, #tpu.memory_space<vmem>> -> memref<128x16xf32, #tpu.memory_space<vmem>>
    %dma_wait3A_1320 = arith.constant 0 : i32
    %dma_wait3A_1321 = tpu.memref_slice %arg15[%dma_wait3A_1313, %dma_wait3A_1320] : memref<2x656xi32, #tpu.memory_space<vmem>> -> memref<1x128xi32, #tpu.memory_space<vmem>>
    %dma_wait3A_1322 = tpu.memref_squeeze %dma_wait3A_1321 : memref<1x128xi32, #tpu.memory_space<vmem>> -> memref<128xi32, #tpu.memory_space<vmem>>
    %dma_wait3A_1323 = arith.constant 0 : i32
    %dma_wait3A_1324 = arith.constant 0 : i32
    %dma_wait3A_1325 = tpu.memref_slice %arg7[%dma_wait3A_1323, %dma_wait3A_1324] : memref<2600572x16xf32, #tpu.memory_space<hbm>> -> memref<2600572x16xf32, #tpu.memory_space<hbm>>
    %dma_wait3A_1326 = tpu.memref_slice %arg20[%dma_wait3A_1315] : memref<2x!tpu.dma_semaphore, #tpu.memory_space<semaphore_mem>> -> memref<1x!tpu.dma_semaphore, #tpu.memory_space<semaphore_mem>>
    %dma_wait3A_1327 = tpu.memref_squeeze %dma_wait3A_1326 : memref<1x!tpu.dma_semaphore, #tpu.memory_space<semaphore_mem>> -> memref<!tpu.dma_semaphore, #tpu.memory_space<semaphore_mem>>
    tpu.wait_indirect_dma semaphore(%dma_wait3A_1327 : memref<!tpu.dma_semaphore, #tpu.memory_space<semaphore_mem>>) src(%dma_wait3A_1325 : memref<2600572x16xf32, #tpu.memory_space<hbm>>) dst(%dma_wait3A_1319 : memref<128x16xf32, #tpu.memory_space<vmem>>)
    %dma_wait3A_1328 = arith.constant 1 : i32
    %dma_wait3A_1329 = arith.constant 1 : i32
    %dma_wait3A_1330 = arith.constant 1 : i32
    %dma_wait3A_1331 = arith.constant 128 : i32
    %dma_wait3A_1332 = arith.constant 0 : i32
    %dma_wait3A_1333 = tpu.memref_slice %arg17[%dma_wait3A_1329, %dma_wait3A_1331, %dma_wait3A_1332] : memref<2x656x16xf32, #tpu.memory_space<vmem>> -> memref<1x128x16xf32, #tpu.memory_space<vmem>>
    %dma_wait3A_1334 = tpu.memref_squeeze %dma_wait3A_1333 : memref<1x128x16xf32, #tpu.memory_space<vmem>> -> memref<128x16xf32, #tpu.memory_space<vmem>>
    %dma_wait3A_1335 = arith.constant 128 : i32
    %dma_wait3A_1336 = tpu.memref_slice %arg15[%dma_wait3A_1328, %dma_wait3A_1335] : memref<2x656xi32, #tpu.memory_space<vmem>> -> memref<1x128xi32, #tpu.memory_space<vmem>>
    %dma_wait3A_1337 = tpu.memref_squeeze %dma_wait3A_1336 : memref<1x128xi32, #tpu.memory_space<vmem>> -> memref<128xi32, #tpu.memory_space<vmem>>
    %dma_wait3A_1338 = arith.constant 0 : i32
    %dma_wait3A_1339 = arith.constant 0 : i32
    %dma_wait3A_1340 = tpu.memref_slice %arg7[%dma_wait3A_1338, %dma_wait3A_1339] : memref<2600572x16xf32, #tpu.memory_space<hbm>> -> memref<2600572x16xf32, #tpu.memory_space<hbm>>
    %dma_wait3A_1341 = tpu.memref_slice %arg20[%dma_wait3A_1330] : memref<2x!tpu.dma_semaphore, #tpu.memory_space<semaphore_mem>> -> memref<1x!tpu.dma_semaphore, #tpu.memory_space<semaphore_mem>>
    %dma_wait3A_1342 = tpu.memref_squeeze %dma_wait3A_1341 : memref<1x!tpu.dma_semaphore, #tpu.memory_space<semaphore_mem>> -> memref<!tpu.dma_semaphore, #tpu.memory_space<semaphore_mem>>
    tpu.wait_indirect_dma semaphore(%dma_wait3A_1342 : memref<!tpu.dma_semaphore, #tpu.memory_space<semaphore_mem>>) src(%dma_wait3A_1340 : memref<2600572x16xf32, #tpu.memory_space<hbm>>) dst(%dma_wait3A_1334 : memref<128x16xf32, #tpu.memory_space<vmem>>)
    %dma_wait3A_1343 = arith.constant 1 : i32
    %dma_wait3A_1344 = arith.constant 1 : i32
    %dma_wait3A_1345 = arith.constant 1 : i32
    %dma_wait3A_1346 = arith.constant 256 : i32
    %dma_wait3A_1347 = arith.constant 0 : i32
    %dma_wait3A_1348 = tpu.memref_slice %arg17[%dma_wait3A_1344, %dma_wait3A_1346, %dma_wait3A_1347] : memref<2x656x16xf32, #tpu.memory_space<vmem>> -> memref<1x128x16xf32, #tpu.memory_space<vmem>>
    %dma_wait3A_1349 = tpu.memref_squeeze %dma_wait3A_1348 : memref<1x128x16xf32, #tpu.memory_space<vmem>> -> memref<128x16xf32, #tpu.memory_space<vmem>>
    %dma_wait3A_1350 = arith.constant 256 : i32
    %dma_wait3A_1351 = tpu.memref_slice %arg15[%dma_wait3A_1343, %dma_wait3A_1350] : memref<2x656xi32, #tpu.memory_space<vmem>> -> memref<1x128xi32, #tpu.memory_space<vmem>>
    %dma_wait3A_1352 = tpu.memref_squeeze %dma_wait3A_1351 : memref<1x128xi32, #tpu.memory_space<vmem>> -> memref<128xi32, #tpu.memory_space<vmem>>
    %dma_wait3A_1353 = arith.constant 0 : i32
    %dma_wait3A_1354 = arith.constant 0 : i32
    %dma_wait3A_1355 = tpu.memref_slice %arg7[%dma_wait3A_1353, %dma_wait3A_1354] : memref<2600572x16xf32, #tpu.memory_space<hbm>> -> memref<2600572x16xf32, #tpu.memory_space<hbm>>
    %dma_wait3A_1356 = tpu.memref_slice %arg20[%dma_wait3A_1345] : memref<2x!tpu.dma_semaphore, #tpu.memory_space<semaphore_mem>> -> memref<1x!tpu.dma_semaphore, #tpu.memory_space<semaphore_mem>>
    %dma_wait3A_1357 = tpu.memref_squeeze %dma_wait3A_1356 : memref<1x!tpu.dma_semaphore, #tpu.memory_space<semaphore_mem>> -> memref<!tpu.dma_semaphore, #tpu.memory_space<semaphore_mem>>
    tpu.wait_indirect_dma semaphore(%dma_wait3A_1357 : memref<!tpu.dma_semaphore, #tpu.memory_space<semaphore_mem>>) src(%dma_wait3A_1355 : memref<2600572x16xf32, #tpu.memory_space<hbm>>) dst(%dma_wait3A_1349 : memref<128x16xf32, #tpu.memory_space<vmem>>)
    %dma_wait3A_1358 = arith.constant 1 : i32
    %dma_wait3A_1359 = arith.constant 1 : i32
    %dma_wait3A_1360 = arith.constant 1 : i32
    %dma_wait3A_1361 = arith.constant 384 : i32
    %dma_wait3A_1362 = arith.constant 0 : i32
    %dma_wait3A_1363 = tpu.memref_slice %arg17[%dma_wait3A_1359, %dma_wait3A_1361, %dma_wait3A_1362] : memref<2x656x16xf32, #tpu.memory_space<vmem>> -> memref<1x128x16xf32, #tpu.memory_space<vmem>>
    %dma_wait3A_1364 = tpu.memref_squeeze %dma_wait3A_1363 : memref<1x128x16xf32, #tpu.memory_space<vmem>> -> memref<128x16xf32, #tpu.memory_space<vmem>>
    %dma_wait3A_1365 = arith.constant 384 : i32
    %dma_wait3A_1366 = tpu.memref_slice %arg15[%dma_wait3A_1358, %dma_wait3A_1365] : memref<2x656xi32, #tpu.memory_space<vmem>> -> memref<1x128xi32, #tpu.memory_space<vmem>>
    %dma_wait3A_1367 = tpu.memref_squeeze %dma_wait3A_1366 : memref<1x128xi32, #tpu.memory_space<vmem>> -> memref<128xi32, #tpu.memory_space<vmem>>
    %dma_wait3A_1368 = arith.constant 0 : i32
    %dma_wait3A_1369 = arith.constant 0 : i32
    %dma_wait3A_1370 = tpu.memref_slice %arg7[%dma_wait3A_1368, %dma_wait3A_1369] : memref<2600572x16xf32, #tpu.memory_space<hbm>> -> memref<2600572x16xf32, #tpu.memory_space<hbm>>
    %dma_wait3A_1371 = tpu.memref_slice %arg20[%dma_wait3A_1360] : memref<2x!tpu.dma_semaphore, #tpu.memory_space<semaphore_mem>> -> memref<1x!tpu.dma_semaphore, #tpu.memory_space<semaphore_mem>>
    %dma_wait3A_1372 = tpu.memref_squeeze %dma_wait3A_1371 : memref<1x!tpu.dma_semaphore, #tpu.memory_space<semaphore_mem>> -> memref<!tpu.dma_semaphore, #tpu.memory_space<semaphore_mem>>
    tpu.wait_indirect_dma semaphore(%dma_wait3A_1372 : memref<!tpu.dma_semaphore, #tpu.memory_space<semaphore_mem>>) src(%dma_wait3A_1370 : memref<2600572x16xf32, #tpu.memory_space<hbm>>) dst(%dma_wait3A_1364 : memref<128x16xf32, #tpu.memory_space<vmem>>)
    %dma_wait3A_1373 = arith.constant 1 : i32
    %dma_wait3A_1374 = arith.constant 1 : i32
    %dma_wait3A_1375 = arith.constant 1 : i32
    %dma_wait3A_1376 = arith.constant 512 : i32
    %dma_wait3A_1377 = arith.constant 0 : i32
    %dma_wait3A_1378 = tpu.memref_slice %arg17[%dma_wait3A_1374, %dma_wait3A_1376, %dma_wait3A_1377] : memref<2x656x16xf32, #tpu.memory_space<vmem>> -> memref<1x128x16xf32, #tpu.memory_space<vmem>>
    %dma_wait3A_1379 = tpu.memref_squeeze %dma_wait3A_1378 : memref<1x128x16xf32, #tpu.memory_space<vmem>> -> memref<128x16xf32, #tpu.memory_space<vmem>>
    %dma_wait3A_1380 = arith.constant 512 : i32
    %dma_wait3A_1381 = tpu.memref_slice %arg15[%dma_wait3A_1373, %dma_wait3A_1380] : memref<2x656xi32, #tpu.memory_space<vmem>> -> memref<1x128xi32, #tpu.memory_space<vmem>>
    %dma_wait3A_1382 = tpu.memref_squeeze %dma_wait3A_1381 : memref<1x128xi32, #tpu.memory_space<vmem>> -> memref<128xi32, #tpu.memory_space<vmem>>
    %dma_wait3A_1383 = arith.constant 0 : i32
    %dma_wait3A_1384 = arith.constant 0 : i32
    %dma_wait3A_1385 = tpu.memref_slice %arg7[%dma_wait3A_1383, %dma_wait3A_1384] : memref<2600572x16xf32, #tpu.memory_space<hbm>> -> memref<2600572x16xf32, #tpu.memory_space<hbm>>
    %dma_wait3A_1386 = tpu.memref_slice %arg20[%dma_wait3A_1375] : memref<2x!tpu.dma_semaphore, #tpu.memory_space<semaphore_mem>> -> memref<1x!tpu.dma_semaphore, #tpu.memory_space<semaphore_mem>>
    %dma_wait3A_1387 = tpu.memref_squeeze %dma_wait3A_1386 : memref<1x!tpu.dma_semaphore, #tpu.memory_space<semaphore_mem>> -> memref<!tpu.dma_semaphore, #tpu.memory_space<semaphore_mem>>
    tpu.wait_indirect_dma semaphore(%dma_wait3A_1387 : memref<!tpu.dma_semaphore, #tpu.memory_space<semaphore_mem>>) src(%dma_wait3A_1385 : memref<2600572x16xf32, #tpu.memory_space<hbm>>) dst(%dma_wait3A_1379 : memref<128x16xf32, #tpu.memory_space<vmem>>)
    %dma_wait3A_1388 = arith.constant 1 : i32
    %dma_wait3A_1389 = arith.constant 1 : i32
    %dma_wait3A_1390 = arith.constant 1 : i32
    %dma_wait3A_1391 = arith.constant 640 : i32
    %dma_wait3A_1392 = arith.constant 0 : i32
    %dma_wait3A_1393 = tpu.memref_slice %arg17[%dma_wait3A_1389, %dma_wait3A_1391, %dma_wait3A_1392] : memref<2x656x16xf32, #tpu.memory_space<vmem>> -> memref<1x16x16xf32, #tpu.memory_space<vmem>>
    %dma_wait3A_1394 = tpu.memref_squeeze %dma_wait3A_1393 : memref<1x16x16xf32, #tpu.memory_space<vmem>> -> memref<16x16xf32, #tpu.memory_space<vmem>>
    %dma_wait3A_1395 = arith.constant 640 : i32
    %dma_wait3A_1396 = tpu.memref_slice %arg15[%dma_wait3A_1388, %dma_wait3A_1395] : memref<2x656xi32, #tpu.memory_space<vmem>> -> memref<1x16xi32, #tpu.memory_space<vmem>>
    %dma_wait3A_1397 = tpu.memref_squeeze %dma_wait3A_1396 : memref<1x16xi32, #tpu.memory_space<vmem>> -> memref<16xi32, #tpu.memory_space<vmem>>
    %dma_wait3A_1398 = arith.constant 0 : i32
    %dma_wait3A_1399 = arith.constant 0 : i32
    %dma_wait3A_1400 = tpu.memref_slice %arg7[%dma_wait3A_1398, %dma_wait3A_1399] : memref<2600572x16xf32, #tpu.memory_space<hbm>> -> memref<2600572x16xf32, #tpu.memory_space<hbm>>
    %dma_wait3A_1401 = tpu.memref_slice %arg20[%dma_wait3A_1390] : memref<2x!tpu.dma_semaphore, #tpu.memory_space<semaphore_mem>> -> memref<1x!tpu.dma_semaphore, #tpu.memory_space<semaphore_mem>>
    %dma_wait3A_1402 = tpu.memref_squeeze %dma_wait3A_1401 : memref<1x!tpu.dma_semaphore, #tpu.memory_space<semaphore_mem>> -> memref<!tpu.dma_semaphore, #tpu.memory_space<semaphore_mem>>
    tpu.wait_indirect_dma semaphore(%dma_wait3A_1402 : memref<!tpu.dma_semaphore, #tpu.memory_space<semaphore_mem>>) src(%dma_wait3A_1400 : memref<2600572x16xf32, #tpu.memory_space<hbm>>) dst(%dma_wait3A_1394 : memref<16x16xf32, #tpu.memory_space<vmem>>)
    %dma_wait3A_1403 = arith.constant 1 : i32
    %dma_wait3A_1404 = arith.constant 1 : i32
    %dma_wait3A_1405 = arith.constant 1 : i32
    %dma_wait3A_1406 = arith.constant 0 : i32
    %dma_wait3A_1407 = tpu.memref_slice %arg18[%dma_wait3A_1404, %dma_wait3A_1406] : memref<2x32xf32, #tpu.memory_space<vmem>> -> memref<1x32xf32, #tpu.memory_space<vmem>>
    %dma_wait3A_1408 = tpu.memref_squeeze %dma_wait3A_1407 : memref<1x32xf32, #tpu.memory_space<vmem>> -> memref<32xf32, #tpu.memory_space<vmem>>
    %dma_wait3A_1409 = arith.constant 0 : i32
    %dma_wait3A_1410 = tpu.memref_slice %arg16[%dma_wait3A_1403, %dma_wait3A_1409] : memref<2x32xi32, #tpu.memory_space<vmem>> -> memref<1x32xi32, #tpu.memory_space<vmem>>
    %dma_wait3A_1411 = tpu.memref_squeeze %dma_wait3A_1410 : memref<1x32xi32, #tpu.memory_space<vmem>> -> memref<32xi32, #tpu.memory_space<vmem>>
    %dma_wait3A_1412 = arith.constant 0 : i32
    %dma_wait3A_1413 = tpu.memref_slice %arg8[%dma_wait3A_1412] : memref<100022xf32, #tpu.memory_space<hbm>> -> memref<100022xf32, #tpu.memory_space<hbm>>
    %dma_wait3A_1414 = tpu.memref_slice %arg21[%dma_wait3A_1405] : memref<2x!tpu.dma_semaphore, #tpu.memory_space<semaphore_mem>> -> memref<1x!tpu.dma_semaphore, #tpu.memory_space<semaphore_mem>>
    %dma_wait3A_1415 = tpu.memref_squeeze %dma_wait3A_1414 : memref<1x!tpu.dma_semaphore, #tpu.memory_space<semaphore_mem>> -> memref<!tpu.dma_semaphore, #tpu.memory_space<semaphore_mem>>
    tpu.wait_indirect_dma semaphore(%dma_wait3A_1415 : memref<!tpu.dma_semaphore, #tpu.memory_space<semaphore_mem>>) src(%dma_wait3A_1413 : memref<100022xf32, #tpu.memory_space<hbm>>) dst(%dma_wait3A_1408 : memref<32xf32, #tpu.memory_space<vmem>>)
    %broadcast_in_dim3A_1416 = arith.constant 0.000000e+00 : f32
    %broadcast_in_dim3A_1417 = vector.broadcast %broadcast_in_dim3A_1416 : f32 to vector<16xf32>
    %scan3A_1418 = arith.constant 0 : i32
    %scan3A_1419 = arith.constant 324 : i32
    %scan3A_1420 = arith.addi %scan3A_1418, %scan3A_1419 : i32
    %scan3A_1421 = arith.constant 4 : i32
    %scan3A_1422 = scf.for %scan3A_1470 = %scan3A_1418 to %scan3A_1420 step %scan3A_1421 iter_args(%scan3A_1471 = %broadcast_in_dim3A_1417) -> (vector<16xf32>)  : i32 {
      %get3A_1472 = arith.constant 1 : i32
      %get3A_1473 = arith.index_cast %get3A_1472 : i32 to index
      %get3A_1474 = arith.index_cast %scan3A_1470 : i32 to index
      %get3A_1475 = arith.constant 0 : index
      %get3A_1476 = tpu.vector_load %arg17[%get3A_1473, %get3A_1474, %get3A_1475] {strides = array<i32>} : memref<2x656x16xf32, #tpu.memory_space<vmem>>, vector<16xf32>,
      %add3A_1477 = arith.constant 325 : i32
      %add3A_1478 = arith.addi %add3A_1477, %scan3A_1470 : i32
      %get3A_1479 = arith.constant 1 : i32
      %get3A_1480 = arith.index_cast %get3A_1479 : i32 to index
      %get3A_1481 = arith.index_cast %add3A_1478 : i32 to index
      %get3A_1482 = arith.constant 0 : index
      %get3A_1483 = tpu.vector_load %arg17[%get3A_1480, %get3A_1481, %get3A_1482] {strides = array<i32>} : memref<2x656x16xf32, #tpu.memory_space<vmem>>, vector<16xf32>,
      %mul3A_1484 = arith.mulf %get3A_1476, %get3A_1483 : vector<16xf32>
      %add3A_1485 = arith.addf %scan3A_1471, %mul3A_1484 : vector<16xf32>
      %scan3A_1486 = arith.constant 1 : i32
      %scan3A_1487 = arith.addi %scan3A_1470, %scan3A_1486 : i32
      %get3A_1488 = arith.constant 1 : i32
      %get3A_1489 = arith.index_cast %get3A_1488 : i32 to index
      %get3A_1490 = arith.index_cast %scan3A_1487 : i32 to index
      %get3A_1491 = arith.constant 0 : index
      %get3A_1492 = tpu.vector_load %arg17[%get3A_1489, %get3A_1490, %get3A_1491] {strides = array<i32>} : memref<2x656x16xf32, #tpu.memory_space<vmem>>, vector<16xf32>,
      %add3A_1493 = arith.constant 325 : i32
      %add3A_1494 = arith.addi %add3A_1493, %scan3A_1487 : i32
      %get3A_1495 = arith.constant 1 : i32
      %get3A_1496 = arith.index_cast %get3A_1495 : i32 to index
      %get3A_1497 = arith.index_cast %add3A_1494 : i32 to index
      %get3A_1498 = arith.constant 0 : index
      %get3A_1499 = tpu.vector_load %arg17[%get3A_1496, %get3A_1497, %get3A_1498] {strides = array<i32>} : memref<2x656x16xf32, #tpu.memory_space<vmem>>, vector<16xf32>,
      %mul3A_1500 = arith.mulf %get3A_1492, %get3A_1499 : vector<16xf32>
      %add3A_1501 = arith.addf %add3A_1485, %mul3A_1500 : vector<16xf32>
      %scan3A_1502 = arith.constant 2 : i32
      %scan3A_1503 = arith.addi %scan3A_1470, %scan3A_1502 : i32
      %get3A_1504 = arith.constant 1 : i32
      %get3A_1505 = arith.index_cast %get3A_1504 : i32 to index
      %get3A_1506 = arith.index_cast %scan3A_1503 : i32 to index
      %get3A_1507 = arith.constant 0 : index
      %get3A_1508 = tpu.vector_load %arg17[%get3A_1505, %get3A_1506, %get3A_1507] {strides = array<i32>} : memref<2x656x16xf32, #tpu.memory_space<vmem>>, vector<16xf32>,
      %add3A_1509 = arith.constant 325 : i32
      %add3A_1510 = arith.addi %add3A_1509, %scan3A_1503 : i32
      %get3A_1511 = arith.constant 1 : i32
      %get3A_1512 = arith.index_cast %get3A_1511 : i32 to index
      %get3A_1513 = arith.index_cast %add3A_1510 : i32 to index
      %get3A_1514 = arith.constant 0 : index
      %get3A_1515 = tpu.vector_load %arg17[%get3A_1512, %get3A_1513, %get3A_1514] {strides = array<i32>} : memref<2x656x16xf32, #tpu.memory_space<vmem>>, vector<16xf32>,
      %mul3A_1516 = arith.mulf %get3A_1508, %get3A_1515 : vector<16xf32>
      %add3A_1517 = arith.addf %add3A_1501, %mul3A_1516 : vector<16xf32>
      %scan3A_1518 = arith.constant 3 : i32
      %scan3A_1519 = arith.addi %scan3A_1470, %scan3A_1518 : i32
      %get3A_1520 = arith.constant 1 : i32
      %get3A_1521 = arith.index_cast %get3A_1520 : i32 to index
      %get3A_1522 = arith.index_cast %scan3A_1519 : i32 to index
      %get3A_1523 = arith.constant 0 : index
      %get3A_1524 = tpu.vector_load %arg17[%get3A_1521, %get3A_1522, %get3A_1523] {strides = array<i32>} : memref<2x656x16xf32, #tpu.memory_space<vmem>>, vector<16xf32>,
      %add3A_1525 = arith.constant 325 : i32
      %add3A_1526 = arith.addi %add3A_1525, %scan3A_1519 : i32
      %get3A_1527 = arith.constant 1 : i32
      %get3A_1528 = arith.index_cast %get3A_1527 : i32 to index
      %get3A_1529 = arith.index_cast %add3A_1526 : i32 to index
      %get3A_1530 = arith.constant 0 : index
      %get3A_1531 = tpu.vector_load %arg17[%get3A_1528, %get3A_1529, %get3A_1530] {strides = array<i32>} : memref<2x656x16xf32, #tpu.memory_space<vmem>>, vector<16xf32>,
      %mul3A_1532 = arith.mulf %get3A_1524, %get3A_1531 : vector<16xf32>
      %add3A_1533 = arith.addf %add3A_1517, %mul3A_1532 : vector<16xf32>
      scf.yield %add3A_1533 : vector<16xf32>
    }
    %scan3A_1423 = arith.constant 324 : i32
    %scan3A_1424 = arith.addi %scan3A_1418, %scan3A_1423 : i32
    %get3A_1425 = arith.constant 1 : i32
    %get3A_1426 = arith.index_cast %get3A_1425 : i32 to index
    %get3A_1427 = arith.index_cast %scan3A_1424 : i32 to index
    %get3A_1428 = arith.constant 0 : index
    %get3A_1429 = tpu.vector_load %arg17[%get3A_1426, %get3A_1427, %get3A_1428] {strides = array<i32>} : memref<2x656x16xf32, #tpu.memory_space<vmem>>, vector<16xf32>,
    %add3A_1430 = arith.constant 325 : i32
    %add3A_1431 = arith.addi %add3A_1430, %scan3A_1424 : i32
    %get3A_1432 = arith.constant 1 : i32
    %get3A_1433 = arith.index_cast %get3A_1432 : i32 to index
    %get3A_1434 = arith.index_cast %add3A_1431 : i32 to index
    %get3A_1435 = arith.constant 0 : index
    %get3A_1436 = tpu.vector_load %arg17[%get3A_1433, %get3A_1434, %get3A_1435] {strides = array<i32>} : memref<2x656x16xf32, #tpu.memory_space<vmem>>, vector<16xf32>,
    %mul3A_1437 = arith.mulf %get3A_1429, %get3A_1436 : vector<16xf32>
    %add3A_1438 = arith.addf %scan3A_1422, %mul3A_1437 : vector<16xf32>
    %scan3A_1439 = arith.constant 325 : i32
    %get3A_1440 = arith.constant 1 : i32
    %get3A_1441 = arith.index_cast %get3A_1440 : i32 to index
    %get3A_1442 = arith.constant 0 : index
    %get3A_1443 = tpu.vector_load %arg18[%get3A_1441, %get3A_1442] {strides = array<i32>} : memref<2x32xf32, #tpu.memory_space<vmem>>, vector<16xf32>,
    %lt3A_1444 = arith.constant 10 : i32
    %lt3A_1445 = vector.broadcast %lt3A_1444 : i32 to vector<16xi32>
    %lt3A_1446 = arith.cmpi slt, %iota3A, %lt3A_1445 : vector<16xi32>
    %get3A_1447 = arith.constant 1 : i32
    %get3A_1448 = arith.index_cast %get3A_1447 : i32 to index
    %get3A_1449 = arith.constant 16 : index
    %get3A_1450 = tpu.vector_load %arg18[%get3A_1448, %get3A_1449] {strides = array<i32>} : memref<2x32xf32, #tpu.memory_space<vmem>>, vector<16xf32>,
    %jit3A_1451 = arith.constant 0.000000e+00 : f32
    %broadcast_in_dim3A_1452 = vector.broadcast %jit3A_1451 : f32 to vector<16xf32>
    %select_n3A_1453 = arith.select %lt3A_1446, %get3A_1450, %broadcast_in_dim3A_1452 : vector<16xi1>, vector<16xf32>
    %add3A_1454 = arith.addf %get3A_1443, %select_n3A_1453 : vector<16xf32>
    %reduce_sum3A_1455 = arith.constant true
    %reduce_sum3A_1456 = vector.broadcast %reduce_sum3A_1455 : i1 to vector<16xi1>
    %reduce_sum3A_1457 = tpu.scan <sum>, %add3A_1438 masked %reduce_sum3A_1456 : vector<16xf32>, vector<16xi1> -> vector<16xf32>
    %reduce_sum3A_1458 = vector.extract %reduce_sum3A_1457[15] : f32 from vector<16xf32>
    %reduce_sum3A_1459 = arith.constant true
    %reduce_sum3A_1460 = vector.broadcast %reduce_sum3A_1459 : i1 to vector<16xi1>
    %reduce_sum3A_1461 = tpu.scan <sum>, %add3A_1454 masked %reduce_sum3A_1460 : vector<16xf32>, vector<16xi1> -> vector<16xf32>
    %reduce_sum3A_1462 = vector.extract %reduce_sum3A_1461[15] : f32 from vector<16xf32>
    %add3A_1463 = arith.addf %reduce_sum3A_1458, %reduce_sum3A_1462 : f32
    %broadcast_in_dim3A_1464 = arith.constant 127 : i32
    %broadcast_in_dim3A_1465 = vector.broadcast %broadcast_in_dim3A_1464 : i32 to vector<16xi32>
    %broadcast_in_dim3A_1466 = vector.broadcast %add3A_1463 : f32 to vector<16xf32>
    %eq3A_1467 = arith.constant 0 : i32
    %eq3A_1468 = vector.broadcast %eq3A_1467 : i32 to vector<16xi32>
    %eq3A_1469 = arith.cmpi eq, %iota3A, %eq3A_1468 : vector<16xi32>
    tpu.vector_store_idx %arg19[%broadcast_in_dim3A_1465], %broadcast_in_dim3A_1466 masked %eq3A_1469 : memref<128xf32, #tpu.memory_space<vmem>>[vector<16xi32>], vector<16xf32>, vector<16xi1>
    "tpu.region"() ({
      %run_scoped3A = tpu.sem_alloc : memref<!tpu.dma_semaphore, #tpu.memory_space<semaphore_mem>>
      %dma_start3A_1470 = tpu.memref_slice %arg9[%mul3A_2] : memref<4096xf32, #tpu.memory_space<hbm>> -> memref<128xf32, #tpu.memory_space<hbm>>
      %dma_start3A_1471 = tpu.memref_slice %arg9[%mul3A_2] : memref<4096xf32, #tpu.memory_space<hbm>> -> memref<128xf32, #tpu.memory_space<hbm>>
      tpu.enqueue_dma source(%arg19 : memref<128xf32, #tpu.memory_space<vmem>>) target(%dma_start3A_1471 : memref<128xf32, #tpu.memory_space<hbm>>) target_semaphore(%run_scoped3A : memref<!tpu.dma_semaphore, #tpu.memory_space<semaphore_mem>>)
      %dma_wait3A_1472 = tpu.memref_slice %arg9[%mul3A_2] : memref<4096xf32, #tpu.memory_space<hbm>> -> memref<128xf32, #tpu.memory_space<hbm>>
      %dma_wait3A_1473 = tpu.memref_slice %arg9[%mul3A_2] : memref<4096xf32, #tpu.memory_space<hbm>> -> memref<128xf32, #tpu.memory_space<hbm>>
      tpu.wait_dma2 semaphore(%run_scoped3A : memref<!tpu.dma_semaphore, #tpu.memory_space<semaphore_mem>>) src(%arg19 : memref<128xf32, #tpu.memory_space<vmem>>) dst(%dma_wait3A_1473 : memref<128xf32, #tpu.memory_space<hbm>>)
      tpu.yield
    }) : () -> ()
    return
  }
}

</mosaic_0001>

<sc_bundles>
// kernel: _ffm_call.3.cloned.1.call-start
scs
__scs_entry_jumppad:
0x0: {  	(pc) =	sbr.rel $0x88, $3  }
0x1: {  	(tag) =	ssettag $0x0;
	lr =	simm.s32 $0x1  }
0x2: {  	[smem:$0x3F9E] =	sst lr;
	_ =	strace $0xD0000000  }
0x3: {  	_ = 	snop  }
0x4: {  	_ = 	snop  }
0x5: {  	_ = 	snop  }
0x6: {  	_ = 	snop  }
0x7: {  	_ = 	snop  }
__scs_overlays_trampoline_lowered:
0x8: {  	[smem:$0x3FAD] =	sst s0  }
0x9: {  	[smem:$0x3FAE] =	sst s1  }
0xa: {  	[smem:$0x3FAF] =	sst s2  }
0xb: {  	[smem:$0x3FB0] =	sst s3  }
0xc: {  	[smem:$0x3FB1] =	sst s4  }
0xd: {  	[smem:$0x3FB2] =	sst s5  }
0xe: {  	[smem:$0x3FB3] =	sst s6  }
0xf: {  	[smem:$0x3FB4] =	sst s7  }
0x10: {  	[smem:$0x3FB5] =	sst s8  }
0x11: {  	[smem:$0x3FB6] =	sst s9;
	s0 =	simm.s32 @!p0 $0x0  }
0x12: {  	s1 =	sld [smem:$0x3F9C];
	s0 =	simm.s32 @p0 $0x1  }
0x13: {  	[smem:$0x3FB7] =	sst s0;
	s0 =	simm.s32 @!p1 $0x0  }
0x14: {  	s2 =	sld [smem:$0x3F9B];
	s0 =	simm.s32 @p1 $0x1  }
0x15: {  	[smem:$0x3FB8] =	sst s0;
	s0 =	simm.s32 @!p2 $0x0  }
0x16: {  	s3 =	sld [smem:$0x3FDB];
	s0 =	simm.s32 @p2 $0x1  }
0x17: {  	s4 =	simm.s32 $0x1BF5;
	[smem:$0x3FBA] =	sst s0  }
0x18: {  	s0 =	sld [smem:$0x3F9D];
	_ =	swait.ge [sflag:s4], $0x0  }
0x19: {  	s7 =	sld [smem:$0x3F9E]  }
0x1a: {  	s8 =	sadd.s32 $0xFFFFE003, lr  }
0x1b: {  	s9 =	sadd.s32 $0xFFFFFEF7, lr;
	s5 =	simm.s32 $0xFFFFFFFF;
	p2 =	slt.u32 s8, $0xFFFFF086  }
0x1c: {  	p1 =	slt.u32 s9, $0xF7A;
	s5 =	simm.s32 @!p2 $0x0  }
0x1d: {  	s5 =	simm.s32 @p1 $0x1;
	p0 =	seq.s32 s7, s2  }
0x1e: {  	s7 =	smul.u32 @!p0 $0xF7A, s2;
	p2 =	seq.s32 @!p0 s5, $0x0  }
0x1f: {  	s9 =	smul.u32 $0xF7A, s1;
	s8 =	simm.s32 @!p0 $0x1BF5;
	p2 =	por !p2, p0  }
0x20: {  	[sflag:s8] =	ssyncset.s32 @!p0 $0xFFFFF086;
	s6 =	sadd.s32 @!p0 s3, s7;
	s7 =	simm.s32 @!p0 $0x108  }
0x21: {  	s3 =	sadd.s32 s3, s9;
	s6 =	sadd.s32 @!p0 $0x88, s6;
	s7 =	simm.s32 @p2 $0x1082  }
0x22: {  	[simem:s7], [sflag:s8] =	dma.local @!p0 [hbm:s6], $0xF7A  }
0x23: {  	s9 =	sor.u32 $0xD0000000, s2;
	s6 =	simm.s32 $0x108;
	_ =	swait.ge @!p0 [sflag:s8], $0x0  }
0x24: {  	s3 =	sadd.s32 $0x88, s3;
	s6 =	simm.s32 @!p1 $0x1082;
	[sflag:s4] =	ssyncset.s32 $0xFFFFF086  }
0x25: {  	[simem:s6], [sflag:s4] =	dma.local [hbm:s3], $0xF7A  }
0x26: {  	[smem:$0x3F9E] =	sst s1;
	(tag) =	ssettag s2;
	_ =	strace s9  }
0x27: {  	s1 =	sld [smem:$0x3FAE]  }
0x28: {  	s2 =	sld [smem:$0x3FAF]  }
0x29: {  	s4 =	sld [smem:$0x3FB1]  }
0x2a: {  	p0 =	seq.s32 s5, $0x0;
	s5 =	sld [smem:$0x3FB2]  }
0x2b: {  	s6 =	sld [smem:$0x3FB3]  }
0x2c: {  	s7 =	sld [smem:$0x3FB4]  }
0x2d: {  	s3 =	simm.s32 $0x108;
	s8 =	sld [smem:$0x3FB5]  }
0x2e: {  	s3 =	simm.s32 @!p0 $0x1082;
	s9 =	sld [smem:$0x3FB6]  }
0x2f: {  	lr =	sadd.s32 s0, s3;
	s0 =	sld [smem:$0x3FAD]  }
0x30: {  	s3 =	sld [smem:$0x3FB0]  }
0x31: {  	[smem:$0x3FB9] =	sst s10  }
0x32: {  	s10 =	sld [smem:$0x3FB7];
	_ =	sdelay $0x3  }
0x33: {  	p0 =	seq.s32 s10, $0x1;
	s10 =	sld [smem:$0x3FB9];
	_ =	sdelay $0x3  }
0x34: {  	[smem:$0x3FB9] =	sst s10  }
0x35: {  	s10 =	sld [smem:$0x3FB8];
	_ =	sdelay $0x3  }
0x36: {  	p1 =	seq.s32 s10, $0x1;
	s10 =	sld [smem:$0x3FB9];
	_ =	sdelay $0x3  }
0x37: {  	[smem:$0x3FB9] =	sst s10  }
0x38: {  	s10 =	sld [smem:$0x3FBA]  }
0x39: {  	_ = 	snop;
	(pc) =	sbr.ind lr, $3  }
0x3a: {  	_ = 	snop  }
0x3b: {  	_ = 	snop  }
0x3c: {  	p2 =	seq.s32 s10, $0x1;
	s10 =	sld [smem:$0x3FB9]  }
0x3d: {  	_ =	shalt  }
0x3e: {  	_ =	shalt  }
0x3f: {  	_ =	shalt  }
0x40: {  	_ =	shalt  }
0x41: {  	_ =	shalt  }
0x42: {  	_ =	shalt  }
0x43: {  	_ =	shalt  }
0x44: {  	_ =	shalt  }
0x45: {  	_ =	shalt  }
0x46: {  	_ =	shalt  }
0x47: {  	_ =	shalt  }
0x48: {  	_ =	shalt  }
0x49: {  	_ =	shalt  }
0x4a: {  	_ =	shalt  }
0x4b: {  	_ =	shalt  }
0x4c: {  	_ =	shalt  }
0x4d: {  	_ =	shalt  }
0x4e: {  	_ =	shalt  }
0x4f: {  	_ =	shalt  }
0x50: {  	_ =	shalt  }
0x51: {  	_ =	shalt  }
0x52: {  	_ =	shalt  }
0x53: {  	_ =	shalt  }
0x54: {  	_ =	shalt  }
0x55: {  	_ =	shalt  }
0x56: {  	_ =	shalt  }
0x57: {  	_ =	shalt  }
0x58: {  	_ =	shalt  }
0x59: {  	_ =	shalt  }
0x5a: {  	_ =	shalt  }
0x5b: {  	_ =	shalt  }
0x5c: {  	_ =	shalt  }
0x5d: {  	_ =	shalt  }
0x5e: {  	_ =	shalt  }
0x5f: {  	_ =	shalt  }
0x60: {  	_ =	shalt  }
0x61: {  	_ =	shalt  }
0x62: {  	_ =	shalt  }
0x63: {  	_ =	shalt  }
0x64: {  	_ =	shalt  }
0x65: {  	_ =	shalt  }
0x66: {  	_ =	shalt  }
0x67: {  	_ =	shalt  }
0x68: {  	_ =	shalt  }
0x69: {  	_ =	shalt  }
0x6a: {  	_ =	shalt  }
0x6b: {  	_ =	shalt  }
0x6c: {  	_ =	shalt  }
0x6d: {  	_ =	shalt  }
0x6e: {  	_ =	shalt  }
0x6f: {  	_ =	shalt  }
0x70: {  	_ =	shalt  }
0x71: {  	_ =	shalt  }
0x72: {  	_ =	shalt  }
0x73: {  	_ =	shalt  }
0x74: {  	_ =	shalt  }
0x75: {  	_ =	shalt  }
0x76: {  	_ =	shalt  }
0x77: {  	_ =	shalt  }
0x78: {  	_ =	shalt  }
0x79: {  	_ =	shalt  }
0x7a: {  	_ =	shalt  }
0x7b: {  	_ =	shalt  }
0x7c: {  	_ =	shalt  }
0x7d: {  	_ =	shalt  }
0x7e: {  	_ =	shalt  }
0x7f: {  	_ =	shalt  }
0x80: {  	_ =	shalt  }
0x81: {  	_ =	shalt  }
0x82: {  	_ =	shalt  }
0x83: {  	_ =	shalt  }
0x84: {  	_ =	shalt  }
0x85: {  	_ =	shalt  }
0x86: {  	_ =	shalt  }
0x87: {  	_ =	shalt  }
.Lfunc_end0:
.L_simem_size_0:
called_computation_lowered:
.L_overlay_start_0:
0x88: {  	s2 =	sld [smem:$0x3FD9]  }
0x89: {  	s3 =	sld [smem:$0x3FFE];
	_ =	sdelay $0x1  }
0x8a: {  	s1 =	srdreg.scid  }
0x8b: {  	s0 =	sand.u32 $0x1, s1  }
0x8c: {  	s17 =	sshll.u32 s0, $0xA;
	s2 =	sadd.s32 s3, s2  }
0x8d: {  	s2 =	sadd.s32 s2, s17  }
0x8e: {  	[smem:$0x3FC5] =	sst s2  }
0x8f: {  	_ = 	snop  }
0x90: {  	s2 =	sld [smem:$0x3FC9]  }
0x91: {  	s18 =	sld [smem:$0x3FC7]  }
0x92: {  	s4 =	sld [smem:$0x3FD0];
	(tm) =	ssettm $0x1  }
0x93: {  	s5 =	sld [smem:$0x3FFB];
	_ =	sdelay $0x3  }
0x94: {  	_ =	strace s5  }
0x95: {  	s5 =	sld [smem:$0x3FFC];
	_ =	sdelay $0x3  }
0x96: {  	_ =	strace s5  }
0x97: {  	s5 =	sld [smem:$0x3FFD];
	_ =	sdelay $0x3  }
0x98: {  	_ =	strace s5  }
0x99: {  	_ =	strace $0x8FFFFFFF  }
0x9a: {  	s19 =	sld [smem:$0x3FDB];
	_ =	sdelay $0x1  }
0x9b: {  	s6 =	simm.s32 $_scs_section_size  }
0x9c: {  	s7 =	simm.s32 $_size__tile_overlayer_lowered;
	s8 =	simm.s32 $_tile_overlayer_lowered  }
0x9d: {  	s22 =	simm.s32 $0x1BFF;
	s21 =	sshll.u32 s8, $0x1;
	s5 =	sadd.s32 s6, s19  }
0x9e: {  	s9 =	simm.s32 $0x0;
	s20 =	sshll.u32 s7, $0x1;
	s7 =	sadd.s32 s21, s5  }
0x9f: {  	[timem:s9], [sflag:s22] =	dma.local [hbm:s7], s20  }
0xa0: {  	_ =	swait.ge [sflag:s22], s20  }
0xa1: {  	s6 =	ssub.s32 $0x0, s20;
	[sflag:s22] =	ssyncset.done $0x0  }
0xa2: {  	[sflag:s22] =	ssyncadd.s32 s6;
	_ =	sdelay $0x1  }
0xa3: {  	s23 =	simm.s32 $0x1B8B  }
0xa4: {  	_ =	swait.ge [sflag:s23], $0x1  }
0xa5: {  	[sflag:s23] =	ssyncset.done $0x0  }
0xa6: {  	s25 =	simm.s32 $0x1B8E;
	s24 =	sld [smem:$0x3FFE];
	[sflag:s23] =	ssyncadd.s32 $0xFFFFFFFF  }
0xa7: {  	s26 =	simm.s32 $execute0_lowered;
	[smem:$0x3FD2] =	sst s25  }
0xa8: {  	s7 =	sshll.u32 s26, $0x1;
	_ =	strace $0x80000046;
	[dreg:$0x1] =	wrdreg $0xFFFFFFFF  }
0xa9: {  	s28 =	simm.s32 $_size_execute0_lowered;
	s5 =	sadd.s32 s5, s7;
	[dreg:$0x0] =	wrdreg $0x0  }
0xaa: {  	s7 =	sshll.u32 s28, $0x1;
	[dreg:$0x2] =	wrdreg s5  }
0xab: {  	[dreg:$0x3] =	wrdreg s7  }
0xac: {  	[dreg:$0x4] =	wrdreg $0xC0  }
0xad: {  	_ =	task [dreg:s9], $0x5FFFF  }
0xae: {  	[dreg:$0x1] =	wrdreg $0xFFFFFFFF  }
0xaf: {  	[dreg:$0x0] =	wrdreg $0x60  }
0xb0: {  	[dreg:$0x2] =	wrdreg s2  }
0xb1: {  	[dreg:$0x3] =	wrdreg s24  }
0xb2: {  	[dreg:$0x4] =	wrdreg s18  }
0xb3: {  	[dreg:$0x5] =	wrdreg s4  }
0xb4: {  	[dreg:$0x6] =	wrdreg $0x9  }
0xb5: {  	_ =	task.clear_ibuf [dreg:s9], $0x7FFFF;
	_ =	strace $0x90000046  }
0xb6: {  	s29 =	simm.s32 $0x9;
	_ =	strace $0x80000048  }
0xb7: {  	_ =	swait.ge [sflag:s29], $0x1  }
0xb8: {  	[sflag:s29] =	ssyncadd.s32 $0xFFFFFFFF  }
0xb9: {  	_ =	strace $0x90000048  }
0xba: {  	_ =	sfence  }
0xbb: {  	s30 =	sld [smem:$0x0];
	_ =	sdelay $0x2  }
0xbc: {  	s31 =	sshll.u32 s1, $0xD;
	s1 =	sshrl.u32 s1, $0x2  }
0xbd: {  	s3 =	sand.u32 $0x4000, s31;
	s1 =	sadd.s32 s1, s30  }
0xbe: {  	s0 =	sor.u32 s3, s0;
	s1 =	sshll.u32 s1, $0x11  }
0xbf: {  	s0 =	sor.u32 s1, s0  }
0xc0: {  	s0 =	sadd.s32 $0x8F2B, s0  }
0xc1: {  	[sflag:s0] =	ssyncadd.remote.s32 $0x1  }
0xc2: {  	_ =	sfence.sel $0xFFFF  }
0xc3: {  	[dreg:$0x0] =	wrdreg $0xFFFFFFFF;
	(pc) =	sbr.abs _section_cstart, $3  }
0xc4: {  	[dreg:$0x1] =	wrdreg $0xFFFFFFFF  }
0xc5: {  	_ =	task.clear_ibuf [dreg:s9], $0x2FFFF;
	_ =	strace $0x9FFFFFFF  }
0xc6: {  	(tm) =	ssettm $0x7FFFFFFF  }
0xc7: {  	_ =	shalt  }
tec
execute0_lowered:
.L_overlay_start_1:
0x0: {  	(tag) =	ssettag $0x1  }
0x1: {  	s0 =	rddreg [dreg:$0x0]  }
0x2: {  	s3 =	rddreg [dreg:$0x1]  }
0x3: {  	s1 =	rddreg [dreg:$0x2]  }
0x4: {  	s4 =	rddreg [dreg:$0x3];
	s2 =	simm.s32 $0x0;
	s21 =	srdreg.scid  }
0x5: {  	s6 =	stileid.u32;
	s17 =	simm.s32 $0x80;
	s29 =	simm.s32 $0x10  }
0x6: {  	s13 =	simm.s32 $0x69C0;
	s14 =	simm.s32 $0x14F0;
	s15 =	simm.s32 $0x40C0  }
0x7: {  	s16 =	simm.s32 $0x1570;
	s10 =	simm.s32 $0x16F0;
	s11 =	simm.s32 $0x60C0  }
0x8: {  	s12 =	simm.s32 $0x1770;
	s18 =	simm.s32 $0x68C0;
	s19 =	simm.s32 $0x17A0  }
0x9: {  	s20 =	simm.s32 $0x69E0;
	[smem:$0x7FF] =	sst s2;
	s5 =	sadd.s32 $0x1200, s3  }
0xa: {  	s7 =	sadd.s32 $0x1000, s3;
	_ =	strace $0x80000047;
	[dreg:$0x5] =	wrdreg s5  }
0xb: {  	s28 =	simm.s32 $0x0;
	s22 =	sadd.s32 $0xE00, s3;
	[dreg:$0x6] =	wrdreg s7  }
0xc: {  	s6 =	sshll.u32 s6, $0x1;
	s24 =	sadd.s32 $0xC00, s3;
	[dreg:$0x7] =	wrdreg s22  }
0xd: {  	s8 =	sadd.s32 $0x27AF400, s3;
	s5 =	sand.u32 $0x1, s21;
	[dreg:$0x8] =	wrdreg s24  }
0xe: {  	s7 =	simm.s32 $0x1670;
	s21 =	simm.s32 $0x1;
	s22 =	simm.s32 $0x3  }
0xf: {  	s24 =	simm.s32 $0x2;
	s23 =	ssub.s32 $0x2, s5;
	s5 =	sor.u32 s5, s6  }
0x10: {  	s25 =	sshrl.u32 s23, $0x1;
	s9 =	smul.u32 $0x1A0, s5;
	s5 =	sshll.u32 s5, $0x4  }
0x11: {  	s6 =	simm.s32 $0x50C0;
	s26 =	ssub.s32 s23, s25;
	s30 =	sadd.s32 s4, s5  }
0x12: {  	s4 =	simm.s32 $0x48C0;
	s5 =	simm.s32 $0x15F0;
	s23 =	simm.s32 $0x6A00  }
0x13: {  	s25 =	simm.s32 $0x4;
	s0 =	sadd.s32 s0, s9;
	[dreg:$0xa] =	wrdreg s30  }
0x14: {  	s31 =	smax.u32 s26, $0x1;
	s26 =	simm.s32 $0x5;
	[dreg:$0x9] =	wrdreg s0  }
0x15: {  	vm0 =	vmmov $0x3ff;
	v0 =	vimm.s32 $0x7E;
	v1 =	vimm.s32 $0x7F;
	s9 =	simm.s32 $0x58C0;
	[dreg:$0xb] =	wrdreg s31;
	s0 =	simm.s32 $0x20  }
.LBB2_1:
0x16: {  	[dreg:$0xc] =	wrdreg s28  }
0x17: {  	s3 =	rddreg [dreg:$0x9]  }
0x18: {  	[tilespmem:s2], [sflag:$0x5] =	stream.linear.gather [hbm4b:s3+s2], $0xD00, $0x38;
	[tilespmem:$0x6A80] =	vst v63  }
0x19: {  	_ =	swait.ge [sflag:s26], $0xD00  }
0x1a: {  	[sflag:s26] =	ssyncset.done $0x0  }
0x1b: {  	s31 =	simm.s32 $0xD00;
	s30 =	rddreg [dreg:$0x5];
	[sflag:s26] =	ssyncadd.s32 $0xFFFFF300  }
0x1c: {  	[tilespmem:s31], [sflag:$0x5] =	stream.linear.gather [hbm4b:s30+s2], $0x290, $0x38;
	[tilespmem:$0x6A80] =	vst v63  }
0x1d: {  	_ =	swait.ge [sflag:s26], $0x290  }
0x1e: {  	[sflag:s26] =	ssyncset.done $0x0  }
0x1f: {  	s31 =	simm.s32 $0xF90;
	s30 =	rddreg [dreg:$0x6];
	[sflag:s26] =	ssyncadd.s32 $0xFFFFFD70  }
0x20: {  	[tilespmem:s31], [sflag:$0x5] =	stream.linear.gather [hbm4b:s30+s2], $0x290, $0x38;
	[tilespmem:$0x6A80] =	vst v63  }
0x21: {  	_ =	swait.ge [sflag:s26], $0x290  }
0x22: {  	[sflag:s26] =	ssyncset.done $0x0  }
0x23: {  	s31 =	simm.s32 $0x1220;
	s30 =	rddreg [dreg:$0x7];
	[sflag:s26] =	ssyncadd.s32 $0xFFFFFD70  }
0x24: {  	[tilespmem:s31], [sflag:$0x5] =	stream.linear.gather [hbm4b:s30+s2], $0x20, $0x38;
	[tilespmem:$0x6A80] =	vst v63  }
0x25: {  	_ =	swait.ge [sflag:s26], $0x20  }
0x26: {  	[sflag:s26] =	ssyncset.done $0x0  }
0x27: {  	s31 =	simm.s32 $0x1240;
	s30 =	rddreg [dreg:$0x8];
	[sflag:s26] =	ssyncadd.s32 $0xFFFFFFE0  }
0x28: {  	[tilespmem:s31], [sflag:$0x5] =	stream.linear.gather [hbm4b:s30+s2], $0x20, $0x38;
	[tilespmem:$0x6A80] =	vst v63  }
0x29: {  	_ =	swait.ge [sflag:s26], $0x20  }
0x2a: {  	[sflag:s26] =	ssyncset.done $0x0  }
0x2b: {  	[sflag:s26] =	ssyncadd.s32 $0xFFFFFFE0  }
0x2c: {  	v2 =	vld [tilespmem:$0xF90];
	_ =	sdelay $0x5  }
0x2d: {  	v3 =	vld [tilespmem:$0xFA0]  }
0x2e: {  	v4 =	vld [tilespmem:$0xD00]  }
0x2f: {  	v2 =	vld.idx.msk [tilespmem:v2+s2+$0x0], $0xffff;
	_ =	sdelay $0x4  }
0x30: {  	v2 =	vadd.s32 v2, v4  }
0x31: {  	[tilespmem:$0x1260] =	vst v2  }
0x32: {  	v2 =	vld.idx.msk [tilespmem:v3+s2+$0x0], $0xffff  }
0x33: {  	v3 =	vld [tilespmem:$0xFB0]  }
0x34: {  	v37 =	vld [tilespmem:$0xD10];
	_ =	sdelay $0x4  }
0x35: {  	v2 =	vadd.s32 v2, v37  }
0x36: {  	[tilespmem:$0x1270] =	vst v2  }
0x37: {  	v2 =	vld.idx.msk [tilespmem:v3+s2+$0x0], $0xffff  }
0x38: {  	v3 =	vld [tilespmem:$0xFC0]  }
0x39: {  	v38 =	vld [tilespmem:$0xD20];
	_ =	sdelay $0x4  }
0x3a: {  	v2 =	vadd.s32 v2, v38  }
0x3b: {  	[tilespmem:$0x1280] =	vst v2  }
0x3c: {  	v2 =	vld.idx.msk [tilespmem:v3+s2+$0x0], $0xffff  }
0x3d: {  	v3 =	vld [tilespmem:$0xFD0]  }
0x3e: {  	v39 =	vld [tilespmem:$0xD30];
	_ =	sdelay $0x4  }
0x3f: {  	v2 =	vadd.s32 v2, v39  }
0x40: {  	[tilespmem:$0x1290] =	vst v2  }
0x41: {  	v2 =	vld.idx.msk [tilespmem:v3+s2+$0x0], $0xffff  }
0x42: {  	v3 =	vld [tilespmem:$0xFE0]  }
0x43: {  	v40 =	vld [tilespmem:$0xD40];
	_ =	sdelay $0x4  }
0x44: {  	v2 =	vadd.s32 v2, v40  }
0x45: {  	[tilespmem:$0x12A0] =	vst v2  }
0x46: {  	v2 =	vld.idx.msk [tilespmem:v3+s2+$0x0], $0xffff  }
0x47: {  	v3 =	vld [tilespmem:$0xFF0]  }
0x48: {  	v41 =	vld [tilespmem:$0xD50];
	_ =	sdelay $0x4  }
0x49: {  	v2 =	vadd.s32 v2, v41  }
0x4a: {  	[tilespmem:$0x12B0] =	vst v2  }
0x4b: {  	v2 =	vld.idx.msk [tilespmem:v3+s2+$0x0], $0xffff  }
0x4c: {  	v3 =	vld [tilespmem:$0x1000]  }
0x4d: {  	v42 =	vld [tilespmem:$0xD60];
	_ =	sdelay $0x4  }
0x4e: {  	v2 =	vadd.s32 v2, v42  }
0x4f: {  	[tilespmem:$0x12C0] =	vst v2  }
0x50: {  	v2 =	vld.idx.msk [tilespmem:v3+s2+$0x0], $0xffff  }
0x51: {  	v3 =	vld [tilespmem:$0x1010]  }
0x52: {  	v43 =	vld [tilespmem:$0xD70];
	_ =	sdelay $0x4  }
0x53: {  	v2 =	vadd.s32 v2, v43  }
0x54: {  	[tilespmem:$0x12D0] =	vst v2  }
0x55: {  	v2 =	vld.idx.msk [tilespmem:v3+s2+$0x0], $0xffff  }
0x56: {  	v3 =	vld [tilespmem:$0x1020]  }
0x57: {  	v44 =	vld [tilespmem:$0xD80];
	_ =	sdelay $0x4  }
0x58: {  	v2 =	vadd.s32 v2, v44  }
0x59: {  	[tilespmem:$0x12E0] =	vst v2  }
0x5a: {  	v2 =	vld.idx.msk [tilespmem:v3+s2+$0x0], $0xffff  }
0x5b: {  	v3 =	vld [tilespmem:$0x1030]  }
0x5c: {  	v45 =	vld [tilespmem:$0xD90];
	_ =	sdelay $0x4  }
0x5d: {  	v2 =	vadd.s32 v2, v45  }
0x5e: {  	[tilespmem:$0x12F0] =	vst v2  }
0x5f: {  	v2 =	vld.idx.msk [tilespmem:v3+s2+$0x0], $0xffff  }
0x60: {  	v3 =	vld [tilespmem:$0x1040]  }
0x61: {  	v46 =	vld [tilespmem:$0xDA0];
	_ =	sdelay $0x4  }
0x62: {  	v2 =	vadd.s32 v2, v46  }
0x63: {  	[tilespmem:$0x1300] =	vst v2  }
0x64: {  	v2 =	vld.idx.msk [tilespmem:v3+s2+$0x0], $0xffff  }
0x65: {  	v3 =	vld [tilespmem:$0x1050]  }
0x66: {  	v47 =	vld [tilespmem:$0xDB0];
	_ =	sdelay $0x4  }
0x67: {  	v2 =	vadd.s32 v2, v47  }
0x68: {  	[tilespmem:$0x1310] =	vst v2  }
0x69: {  	v2 =	vld.idx.msk [tilespmem:v3+s2+$0x0], $0xffff  }
0x6a: {  	v3 =	vld [tilespmem:$0x1060]  }
0x6b: {  	v48 =	vld [tilespmem:$0xDC0];
	_ =	sdelay $0x4  }
0x6c: {  	v2 =	vadd.s32 v2, v48  }
0x6d: {  	[tilespmem:$0x1320] =	vst v2  }
0x6e: {  	v2 =	vld.idx.msk [tilespmem:v3+s2+$0x0], $0xffff  }
0x6f: {  	v3 =	vld [tilespmem:$0x1070]  }
0x70: {  	v49 =	vld [tilespmem:$0xDD0];
	_ =	sdelay $0x4  }
0x71: {  	v2 =	vadd.s32 v2, v49  }
0x72: {  	[tilespmem:$0x1330] =	vst v2  }
0x73: {  	v2 =	vld.idx.msk [tilespmem:v3+s2+$0x0], $0xffff  }
0x74: {  	v3 =	vld [tilespmem:$0x1080]  }
0x75: {  	v50 =	vld [tilespmem:$0xDE0];
	_ =	sdelay $0x4  }
0x76: {  	v2 =	vadd.s32 v2, v50  }
0x77: {  	[tilespmem:$0x1340] =	vst v2  }
0x78: {  	v2 =	vld.idx.msk [tilespmem:v3+s2+$0x0], $0xffff  }
0x79: {  	v3 =	vld [tilespmem:$0x1090]  }
0x7a: {  	v51 =	vld [tilespmem:$0xDF0];
	_ =	sdelay $0x4  }
0x7b: {  	v2 =	vadd.s32 v2, v51  }
0x7c: {  	[tilespmem:$0x1350] =	vst v2  }
0x7d: {  	v2 =	vld.idx.msk [tilespmem:v3+s2+$0x0], $0xffff  }
0x7e: {  	v3 =	vld [tilespmem:$0x10A0]  }
0x7f: {  	v52 =	vld [tilespmem:$0xE00];
	_ =	sdelay $0x4  }
0x80: {  	v2 =	vadd.s32 v2, v52  }
0x81: {  	[tilespmem:$0x1360] =	vst v2  }
0x82: {  	v2 =	vld.idx.msk [tilespmem:v3+s2+$0x0], $0xffff  }
0x83: {  	v3 =	vld [tilespmem:$0x10B0]  }
0x84: {  	v53 =	vld [tilespmem:$0xE10];
	_ =	sdelay $0x4  }
0x85: {  	v2 =	vadd.s32 v2, v53  }
0x86: {  	[tilespmem:$0x1370] =	vst v2  }
0x87: {  	v2 =	vld.idx.msk [tilespmem:v3+s2+$0x0], $0xffff  }
0x88: {  	v3 =	vld [tilespmem:$0x10C0]  }
0x89: {  	v54 =	vld [tilespmem:$0xE20];
	_ =	sdelay $0x4  }
0x8a: {  	v2 =	vadd.s32 v2, v54  }
0x8b: {  	[tilespmem:$0x1380] =	vst v2  }
0x8c: {  	v2 =	vld.idx.msk [tilespmem:v3+s2+$0x0], $0xffff  }
0x8d: {  	v3 =	vld [tilespmem:$0x10D0]  }
0x8e: {  	v55 =	vld [tilespmem:$0xE30];
	_ =	sdelay $0x4  }
0x8f: {  	v2 =	vadd.s32 v2, v55  }
0x90: {  	[tilespmem:$0x1390] =	vst v2  }
0x91: {  	v2 =	vld.idx.msk [tilespmem:v3+s2+$0x0], $0xffff  }
0x92: {  	v3 =	vld [tilespmem:$0x10E0]  }
0x93: {  	v56 =	vld [tilespmem:$0xE40];
	_ =	sdelay $0x4  }
0x94: {  	v2 =	vadd.s32 v2, v56  }
0x95: {  	[tilespmem:$0x13A0] =	vst v2  }
0x96: {  	v2 =	vld.idx.msk [tilespmem:v3+s2+$0x0], $0xffff  }
0x97: {  	v3 =	vld [tilespmem:$0x10F0]  }
0x98: {  	v57 =	vld [tilespmem:$0xE50];
	_ =	sdelay $0x4  }
0x99: {  	v2 =	vadd.s32 v2, v57  }
0x9a: {  	[tilespmem:$0x13B0] =	vst v2  }
0x9b: {  	v2 =	vld.idx.msk [tilespmem:v3+s2+$0x0], $0xffff  }
0x9c: {  	v3 =	vld [tilespmem:$0x1100]  }
0x9d: {  	v58 =	vld [tilespmem:$0xE60];
	_ =	sdelay $0x4  }
0x9e: {  	v2 =	vadd.s32 v2, v58  }
0x9f: {  	[tilespmem:$0x13C0] =	vst v2  }
0xa0: {  	v2 =	vld.idx.msk [tilespmem:v3+s2+$0x0], $0xffff  }
0xa1: {  	v3 =	vld [tilespmem:$0x1110]  }
0xa2: {  	v59 =	vld [tilespmem:$0xE70];
	_ =	sdelay $0x4  }
0xa3: {  	v2 =	vadd.s32 v2, v59  }
0xa4: {  	[tilespmem:$0x13D0] =	vst v2  }
0xa5: {  	v2 =	vld.idx.msk [tilespmem:v3+s2+$0x0], $0xffff  }
0xa6: {  	v3 =	vld [tilespmem:$0x1120]  }
0xa7: {  	v60 =	vld [tilespmem:$0xE80];
	_ =	sdelay $0x4  }
0xa8: {  	v2 =	vadd.s32 v2, v60  }
0xa9: {  	[tilespmem:$0x13E0] =	vst v2  }
0xaa: {  	v2 =	vld.idx.msk [tilespmem:v3+s2+$0x0], $0xffff  }
0xab: {  	v3 =	vld [tilespmem:$0x1130]  }
0xac: {  	v61 =	vld [tilespmem:$0xE90];
	_ =	sdelay $0x4  }
0xad: {  	v2 =	vadd.s32 v2, v61  }
0xae: {  	[tilespmem:$0x13F0] =	vst v2  }
0xaf: {  	v2 =	vld.idx.msk [tilespmem:v3+s2+$0x0], $0xffff  }
0xb0: {  	v3 =	vld [tilespmem:$0x1140]  }
0xb1: {  	v62 =	vld [tilespmem:$0xEA0];
	_ =	sdelay $0x4  }
0xb2: {  	v2 =	vadd.s32 v2, v62  }
0xb3: {  	[tilespmem:$0x1400] =	vst v2  }
0xb4: {  	v2 =	vld.idx.msk [tilespmem:v3+s2+$0x0], $0xffff  }
0xb5: {  	v3 =	vld [tilespmem:$0x1150]  }
0xb6: {  	v63 =	vld [tilespmem:$0xEB0];
	_ =	sdelay $0x4  }
0xb7: {  	v2 =	vadd.s32 v2, v63  }
0xb8: {  	[tilespmem:$0x1410] =	vst v2  }
0xb9: {  	v2 =	vld.idx.msk [tilespmem:v3+s2+$0x0], $0xffff  }
0xba: {  	v3 =	vld [tilespmem:$0x1160]  }
0xbb: {  	v8 =	vld [tilespmem:$0xEC0];
	_ =	sdelay $0x4  }
0xbc: {  	v2 =	vadd.s32 v2, v8  }
0xbd: {  	[tilespmem:$0x1420] =	vst v2  }
0xbe: {  	v2 =	vld.idx.msk [tilespmem:v3+s2+$0x0], $0xffff  }
0xbf: {  	v3 =	vld [tilespmem:$0x1170]  }
0xc0: {  	v9 =	vld [tilespmem:$0xED0];
	_ =	sdelay $0x4  }
0xc1: {  	v2 =	vadd.s32 v2, v9  }
0xc2: {  	[tilespmem:$0x1430] =	vst v2  }
0xc3: {  	v2 =	vld.idx.msk [tilespmem:v3+s2+$0x0], $0xffff  }
0xc4: {  	v3 =	vld [tilespmem:$0x1180]  }
0xc5: {  	v10 =	vld [tilespmem:$0xEE0];
	_ =	sdelay $0x4  }
0xc6: {  	v2 =	vadd.s32 v2, v10  }
0xc7: {  	[tilespmem:$0x1440] =	vst v2  }
0xc8: {  	v2 =	vld.idx.msk [tilespmem:v3+s2+$0x0], $0xffff  }
0xc9: {  	v3 =	vld [tilespmem:$0x1190]  }
0xca: {  	v11 =	vld [tilespmem:$0xEF0];
	_ =	sdelay $0x4  }
0xcb: {  	v2 =	vadd.s32 v2, v11  }
0xcc: {  	[tilespmem:$0x1450] =	vst v2  }
0xcd: {  	v2 =	vld.idx.msk [tilespmem:v3+s2+$0x0], $0xffff  }
0xce: {  	v3 =	vld [tilespmem:$0x11A0]  }
0xcf: {  	v12 =	vld [tilespmem:$0xF00];
	_ =	sdelay $0x4  }
0xd0: {  	v2 =	vadd.s32 v2, v12  }
0xd1: {  	[tilespmem:$0x1460] =	vst v2  }
0xd2: {  	v2 =	vld.idx.msk [tilespmem:v3+s2+$0x0], $0xffff  }
0xd3: {  	v3 =	vld [tilespmem:$0x11B0]  }
0xd4: {  	v13 =	vld [tilespmem:$0xF10];
	_ =	sdelay $0x4  }
0xd5: {  	v2 =	vadd.s32 v2, v13  }
0xd6: {  	[tilespmem:$0x1470] =	vst v2  }
0xd7: {  	v2 =	vld.idx.msk [tilespmem:v3+s2+$0x0], $0xffff  }
0xd8: {  	v3 =	vld [tilespmem:$0x11C0]  }
0xd9: {  	v14 =	vld [tilespmem:$0xF20];
	_ =	sdelay $0x4  }
0xda: {  	v2 =	vadd.s32 v2, v14  }
0xdb: {  	[tilespmem:$0x1480] =	vst v2  }
0xdc: {  	v2 =	vld.idx.msk [tilespmem:v3+s2+$0x0], $0xffff  }
0xdd: {  	v3 =	vld [tilespmem:$0x11D0]  }
0xde: {  	v15 =	vld [tilespmem:$0xF30];
	_ =	sdelay $0x4  }
0xdf: {  	v2 =	vadd.s32 v2, v15  }
0xe0: {  	[tilespmem:$0x1490] =	vst v2  }
0xe1: {  	v2 =	vld.idx.msk [tilespmem:v3+s2+$0x0], $0xffff  }
0xe2: {  	v3 =	vld [tilespmem:$0x11E0]  }
0xe3: {  	v16 =	vld [tilespmem:$0xF40];
	_ =	sdelay $0x4  }
0xe4: {  	v2 =	vadd.s32 v2, v16  }
0xe5: {  	[tilespmem:$0x14A0] =	vst v2  }
0xe6: {  	v2 =	vld.idx.msk [tilespmem:v3+s2+$0x0], $0xffff  }
0xe7: {  	v3 =	vld [tilespmem:$0x11F0]  }
0xe8: {  	v17 =	vld [tilespmem:$0xF50];
	_ =	sdelay $0x4  }
0xe9: {  	v2 =	vadd.s32 v2, v17  }
0xea: {  	[tilespmem:$0x14B0] =	vst v2  }
0xeb: {  	v2 =	vld.idx.msk [tilespmem:v3+s2+$0x0], $0xffff  }
0xec: {  	v3 =	vld [tilespmem:$0x1200]  }
0xed: {  	v18 =	vld [tilespmem:$0xF60];
	_ =	sdelay $0x4  }
0xee: {  	v2 =	vadd.s32 v2, v18  }
0xef: {  	[tilespmem:$0x14C0] =	vst v2  }
0xf0: {  	v2 =	vld.idx.msk [tilespmem:v3+s2+$0x0], $0xffff  }
0xf1: {  	v3 =	vld [tilespmem:$0x1210]  }
0xf2: {  	v19 =	vld [tilespmem:$0xF70];
	_ =	sdelay $0x4  }
0xf3: {  	v2 =	vadd.s32 v2, v19  }
0xf4: {  	[tilespmem:$0x14D0] =	vst v2  }
0xf5: {  	v2 =	vld.idx.msk [tilespmem:v3+s2+$0x0], $0xffff  }
0xf6: {  	v3 =	vld [tilespmem:$0x1240]  }
0xf7: {  	v20 =	vld [tilespmem:$0xF80];
	_ =	sdelay $0x4  }
0xf8: {  	v21 =	vld [tilespmem:$0x1220];
	v2 =	vadd.s32 v2, v20  }
0xf9: {  	[tilespmem:$0x14E0] =	vst v2;
	v2 =	vld [tilespmem:$0x1250]  }
0xfa: {  	v3 =	vld.idx.msk [tilespmem:v3+s2+$0x0], $0xffff;
	_ =	sdelay $0x4  }
0xfb: {  	v3 =	vadd.s32 v21, v3  }
0xfc: {  	[tilespmem:$0x1780] =	vst v3;
	v3 =	vld [tilespmem:$0x1230]  }
0xfd: {  	v2 =	vld.idx.msk [tilespmem:v2+s2+$0x0], $0xffff;
	_ =	sdelay $0x4  }
0xfe: {  	v2 =	vadd.s32 v3, v2  }
0xff: {  	s30 =	simm.s32 $0x1260;
	s31 =	simm.s32 $0x17C0;
	[tilespmem:$0x1790] =	vst v2  }
0x100: {  	[tilespmem:s31], [sflag:$0x1] =	stream.indirect.gather [hbm4b:s8+s17], $0x10, s30, s17, $0xb8;
	[tilespmem:$0x6A80] =	vst v63  }
0x101: {  	s28 =	simm.s32 $0x1FC0;
	s26 =	simm.s32 $0x12E0  }
0x102: {  	[tilespmem:s28], [sflag:$0x1] =	stream.indirect.gather [hbm4b:s8+s17], $0x10, s26, s17, $0xb8;
	[tilespmem:$0x6A80] =	vst v63  }
0x103: {  	s30 =	simm.s32 $0x1360;
	s31 =	simm.s32 $0x27C0  }
0x104: {  	[tilespmem:s31], [sflag:$0x1] =	stream.indirect.gather [hbm4b:s8+s17], $0x10, s30, s17, $0xb8;
	[tilespmem:$0x6A80] =	vst v63  }
0x105: {  	s26 =	simm.s32 $0x13E0;
	s28 =	simm.s32 $0x2FC0  }
0x106: {  	[tilespmem:s28], [sflag:$0x1] =	stream.indirect.gather [hbm4b:s8+s17], $0x10, s26, s17, $0xb8;
	[tilespmem:$0x6A80] =	vst v63  }
0x107: {  	s30 =	simm.s32 $0x1460;
	s31 =	simm.s32 $0x37C0  }
0x108: {  	[tilespmem:s31], [sflag:$0x1] =	stream.indirect.gather [hbm4b:s8+s17], $0x10, s30, s17, $0xb8;
	[tilespmem:$0x6A80] =	vst v63  }
0x109: {  	s28 =	simm.s32 $0x14E0;
	s30 =	simm.s32 $0x3FC0  }
0x10a: {  	[tilespmem:s30], [sflag:$0x1] =	stream.indirect.gather [hbm4b:s8+s29], $0x10, s28, s29, $0xb8;
	[tilespmem:$0x6A80] =	vst v63  }
0x10b: {  	s31 =	simm.s32 $0x1780  }
0x10c: {  	[tilespmem:s13], [sflag:$0x3] =	stream.indirect.gather [hbm4b:s1+s0], $0x1, s31, s0, $0xb8;
	[tilespmem:$0x6A80] =	vst v63  }
0x10d: {  	v2 =	vld [tilespmem:$0xF90];
	_ =	sdelay $0x4  }
0x10e: {  	v2 =	vadd.s32 $0x1A, v2;
	_ =	sdelay $0x1  }
0x10f: {  	v3 =	vld [tilespmem:$0xFA0];
	_ =	sdelay $0x1  }
0x110: {  	v22 =	vld [tilespmem:$0xD00]  }
0x111: {  	v2 =	vld.idx.msk [tilespmem:v2+s2+$0x0], $0xffff;
	_ =	sdelay $0x1  }
0x112: {  	v3 =	vadd.s32 $0x1A, v3;
	_ =	sdelay $0x2  }
0x113: {  	v2 =	vadd.s32 v2, v22  }
0x114: {  	v23 =	vld [tilespmem:$0xFB0];
	[tilespmem:$0x14F0] =	vst v2  }
0x115: {  	v2 =	vld.idx.msk [tilespmem:v3+s2+$0x0], $0xffff  }
0x116: {  	v3 =	vld [tilespmem:$0xD10];
	_ =	sdelay $0x2  }
0x117: {  	v4 =	vadd.s32 $0x1A, v23;
	_ =	sdelay $0x1  }
0x118: {  	v2 =	vadd.s32 v2, v3;
	v3 =	vld [tilespmem:$0xFC0];
	_ =	sdelay $0x1  }
0x119: {  	v24 =	vld [tilespmem:$0xD20];
	[tilespmem:$0x1500] =	vst v2  }
0x11a: {  	v2 =	vld.idx.msk [tilespmem:v4+s2+$0x0], $0xffff;
	_ =	sdelay $0x1  }
0x11b: {  	v3 =	vadd.s32 $0x1A, v3;
	_ =	sdelay $0x2  }
0x11c: {  	v2 =	vadd.s32 v2, v24  }
0x11d: {  	v25 =	vld [tilespmem:$0xFD0];
	[tilespmem:$0x1510] =	vst v2  }
0x11e: {  	v2 =	vld.idx.msk [tilespmem:v3+s2+$0x0], $0xffff  }
0x11f: {  	v3 =	vld [tilespmem:$0xD30];
	_ =	sdelay $0x2  }
0x120: {  	v4 =	vadd.s32 $0x1A, v25;
	_ =	sdelay $0x1  }
0x121: {  	v2 =	vadd.s32 v2, v3;
	v3 =	vld [tilespmem:$0xFE0];
	_ =	sdelay $0x1  }
0x122: {  	v26 =	vld [tilespmem:$0xD40];
	[tilespmem:$0x1520] =	vst v2  }
0x123: {  	v2 =	vld.idx.msk [tilespmem:v4+s2+$0x0], $0xffff;
	_ =	sdelay $0x1  }
0x124: {  	v3 =	vadd.s32 $0x1A, v3;
	_ =	sdelay $0x2  }
0x125: {  	v2 =	vadd.s32 v2, v26  }
0x126: {  	v27 =	vld [tilespmem:$0xFF0];
	[tilespmem:$0x1530] =	vst v2  }
0x127: {  	v2 =	vld.idx.msk [tilespmem:v3+s2+$0x0], $0xffff  }
0x128: {  	v3 =	vld [tilespmem:$0xD50];
	_ =	sdelay $0x2  }
0x129: {  	v4 =	vadd.s32 $0x1A, v27;
	_ =	sdelay $0x1  }
0x12a: {  	v2 =	vadd.s32 v2, v3;
	v3 =	vld [tilespmem:$0x1000];
	_ =	sdelay $0x1  }
0x12b: {  	v28 =	vld [tilespmem:$0xD60];
	[tilespmem:$0x1540] =	vst v2  }
0x12c: {  	v2 =	vld.idx.msk [tilespmem:v4+s2+$0x0], $0xffff;
	_ =	sdelay $0x1  }
0x12d: {  	v3 =	vadd.s32 $0x1A, v3;
	_ =	sdelay $0x2  }
0x12e: {  	v2 =	vadd.s32 v2, v28  }
0x12f: {  	v29 =	vld [tilespmem:$0x1010];
	[tilespmem:$0x1550] =	vst v2  }
0x130: {  	v2 =	vld.idx.msk [tilespmem:v3+s2+$0x0], $0xffff  }
0x131: {  	v3 =	vld [tilespmem:$0xD70];
	_ =	sdelay $0x2  }
0x132: {  	v4 =	vadd.s32 $0x1A, v29;
	_ =	sdelay $0x1  }
0x133: {  	v2 =	vadd.s32 v2, v3;
	v3 =	vld [tilespmem:$0x1020];
	_ =	sdelay $0x1  }
0x134: {  	v30 =	vld [tilespmem:$0xD80];
	[tilespmem:$0x1560] =	vst v2  }
0x135: {  	v2 =	vld.idx.msk [tilespmem:v4+s2+$0x0], $0xffff;
	_ =	sdelay $0x1  }
0x136: {  	v3 =	vadd.s32 $0x1A, v3;
	_ =	sdelay $0x2  }
0x137: {  	v2 =	vadd.s32 v2, v30  }
0x138: {  	v31 =	vld [tilespmem:$0x1030];
	[tilespmem:$0x1570] =	vst v2  }
0x139: {  	v2 =	vld.idx.msk [tilespmem:v3+s2+$0x0], $0xffff  }
0x13a: {  	v3 =	vld [tilespmem:$0xD90];
	_ =	sdelay $0x2  }
0x13b: {  	v4 =	vadd.s32 $0x1A, v31;
	_ =	sdelay $0x1  }
0x13c: {  	v2 =	vadd.s32 v2, v3;
	v3 =	vld [tilespmem:$0x1040];
	_ =	sdelay $0x1  }
0x13d: {  	v32 =	vld [tilespmem:$0xDA0];
	[tilespmem:$0x1580] =	vst v2  }
0x13e: {  	v2 =	vld.idx.msk [tilespmem:v4+s2+$0x0], $0xffff;
	_ =	sdelay $0x1  }
0x13f: {  	v3 =	vadd.s32 $0x1A, v3;
	_ =	sdelay $0x2  }
0x140: {  	v2 =	vadd.s32 v2, v32  }
0x141: {  	v33 =	vld [tilespmem:$0x1050];
	[tilespmem:$0x1590] =	vst v2  }
0x142: {  	v2 =	vld.idx.msk [tilespmem:v3+s2+$0x0], $0xffff  }
0x143: {  	v3 =	vld [tilespmem:$0xDB0];
	_ =	sdelay $0x2  }
0x144: {  	v4 =	vadd.s32 $0x1A, v33;
	_ =	sdelay $0x1  }
0x145: {  	v2 =	vadd.s32 v2, v3;
	v3 =	vld [tilespmem:$0x1060];
	_ =	sdelay $0x1  }
0x146: {  	v34 =	vld [tilespmem:$0xDC0];
	[tilespmem:$0x15A0] =	vst v2  }
0x147: {  	v2 =	vld.idx.msk [tilespmem:v4+s2+$0x0], $0xffff;
	_ =	sdelay $0x1  }
0x148: {  	v3 =	vadd.s32 $0x1A, v3;
	_ =	sdelay $0x2  }
0x149: {  	v2 =	vadd.s32 v2, v34  }
0x14a: {  	v35 =	vld [tilespmem:$0x1070];
	[tilespmem:$0x15B0] =	vst v2  }
0x14b: {  	v2 =	vld.idx.msk [tilespmem:v3+s2+$0x0], $0xffff  }
0x14c: {  	v3 =	vld [tilespmem:$0xDD0];
	_ =	sdelay $0x2  }
0x14d: {  	v4 =	vadd.s32 $0x1A, v35;
	_ =	sdelay $0x1  }
0x14e: {  	v2 =	vadd.s32 v2, v3;
	v3 =	vld [tilespmem:$0x1080];
	_ =	sdelay $0x1  }
0x14f: {  	v36 =	vld [tilespmem:$0xDE0];
	[tilespmem:$0x15C0] =	vst v2  }
0x150: {  	v2 =	vld.idx.msk [tilespmem:v4+s2+$0x0], $0xffff;
	_ =	sdelay $0x1  }
0x151: {  	v3 =	vadd.s32 $0x1A, v3;
	_ =	sdelay $0x2  }
0x152: {  	v2 =	vadd.s32 v2, v36  }
0x153: {  	v37 =	vld [tilespmem:$0x1090];
	[tilespmem:$0x15D0] =	vst v2  }
0x154: {  	v2 =	vld.idx.msk [tilespmem:v3+s2+$0x0], $0xffff  }
0x155: {  	v3 =	vld [tilespmem:$0xDF0];
	_ =	sdelay $0x2  }
0x156: {  	v4 =	vadd.s32 $0x1A, v37;
	_ =	sdelay $0x1  }
0x157: {  	v2 =	vadd.s32 v2, v3;
	v3 =	vld [tilespmem:$0x10A0];
	_ =	sdelay $0x1  }
0x158: {  	v38 =	vld [tilespmem:$0xE00];
	[tilespmem:$0x15E0] =	vst v2  }
0x159: {  	v2 =	vld.idx.msk [tilespmem:v4+s2+$0x0], $0xffff;
	_ =	sdelay $0x1  }
0x15a: {  	v3 =	vadd.s32 $0x1A, v3;
	_ =	sdelay $0x2  }
0x15b: {  	v2 =	vadd.s32 v2, v38  }
0x15c: {  	v39 =	vld [tilespmem:$0x10B0];
	[tilespmem:$0x15F0] =	vst v2  }
0x15d: {  	v2 =	vld.idx.msk [tilespmem:v3+s2+$0x0], $0xffff  }
0x15e: {  	v3 =	vld [tilespmem:$0xE10];
	_ =	sdelay $0x2  }
0x15f: {  	v4 =	vadd.s32 $0x1A, v39;
	_ =	sdelay $0x1  }
0x160: {  	v2 =	vadd.s32 v2, v3;
	v3 =	vld [tilespmem:$0x10C0];
	_ =	sdelay $0x1  }
0x161: {  	v40 =	vld [tilespmem:$0xE20];
	[tilespmem:$0x1600] =	vst v2  }
0x162: {  	v2 =	vld.idx.msk [tilespmem:v4+s2+$0x0], $0xffff;
	_ =	sdelay $0x1  }
0x163: {  	v3 =	vadd.s32 $0x1A, v3;
	_ =	sdelay $0x2  }
0x164: {  	v2 =	vadd.s32 v2, v40  }
0x165: {  	v41 =	vld [tilespmem:$0x10D0];
	[tilespmem:$0x1610] =	vst v2  }
0x166: {  	v2 =	vld.idx.msk [tilespmem:v3+s2+$0x0], $0xffff  }
0x167: {  	v3 =	vld [tilespmem:$0xE30];
	_ =	sdelay $0x2  }
0x168: {  	v4 =	vadd.s32 $0x1A, v41;
	_ =	sdelay $0x1  }
0x169: {  	v2 =	vadd.s32 v2, v3;
	v3 =	vld [tilespmem:$0x10E0];
	_ =	sdelay $0x1  }
0x16a: {  	v42 =	vld [tilespmem:$0xE40];
	[tilespmem:$0x1620] =	vst v2  }
0x16b: {  	v2 =	vld.idx.msk [tilespmem:v4+s2+$0x0], $0xffff;
	_ =	sdelay $0x1  }
0x16c: {  	v3 =	vadd.s32 $0x1A, v3;
	_ =	sdelay $0x2  }
0x16d: {  	v2 =	vadd.s32 v2, v42  }
0x16e: {  	v43 =	vld [tilespmem:$0x10F0];
	[tilespmem:$0x1630] =	vst v2  }
0x16f: {  	v2 =	vld.idx.msk [tilespmem:v3+s2+$0x0], $0xffff  }
0x170: {  	v3 =	vld [tilespmem:$0xE50];
	_ =	sdelay $0x2  }
0x171: {  	v4 =	vadd.s32 $0x1A, v43;
	_ =	sdelay $0x1  }
0x172: {  	v2 =	vadd.s32 v2, v3;
	v3 =	vld [tilespmem:$0x1100];
	_ =	sdelay $0x1  }
0x173: {  	v44 =	vld [tilespmem:$0xE60];
	[tilespmem:$0x1640] =	vst v2  }
0x174: {  	v2 =	vld.idx.msk [tilespmem:v4+s2+$0x0], $0xffff;
	_ =	sdelay $0x1  }
0x175: {  	v3 =	vadd.s32 $0x1A, v3;
	_ =	sdelay $0x2  }
0x176: {  	v2 =	vadd.s32 v2, v44  }
0x177: {  	v45 =	vld [tilespmem:$0x1110];
	[tilespmem:$0x1650] =	vst v2  }
0x178: {  	v2 =	vld.idx.msk [tilespmem:v3+s2+$0x0], $0xffff  }
0x179: {  	v3 =	vld [tilespmem:$0xE70];
	_ =	sdelay $0x2  }
0x17a: {  	v4 =	vadd.s32 $0x1A, v45;
	_ =	sdelay $0x1  }
0x17b: {  	v2 =	vadd.s32 v2, v3;
	v3 =	vld [tilespmem:$0x1120];
	_ =	sdelay $0x1  }
0x17c: {  	v46 =	vld [tilespmem:$0xE80];
	[tilespmem:$0x1660] =	vst v2  }
0x17d: {  	v2 =	vld.idx.msk [tilespmem:v4+s2+$0x0], $0xffff;
	_ =	sdelay $0x1  }
0x17e: {  	v3 =	vadd.s32 $0x1A, v3;
	_ =	sdelay $0x2  }
0x17f: {  	v2 =	vadd.s32 v2, v46  }
0x180: {  	v47 =	vld [tilespmem:$0x1130];
	[tilespmem:$0x1670] =	vst v2  }
0x181: {  	v2 =	vld.idx.msk [tilespmem:v3+s2+$0x0], $0xffff  }
0x182: {  	v3 =	vld [tilespmem:$0xE90];
	_ =	sdelay $0x2  }
0x183: {  	v4 =	vadd.s32 $0x1A, v47;
	_ =	sdelay $0x1  }
0x184: {  	v2 =	vadd.s32 v2, v3;
	v3 =	vld [tilespmem:$0x1140];
	_ =	sdelay $0x1  }
0x185: {  	v48 =	vld [tilespmem:$0xEA0];
	[tilespmem:$0x1680] =	vst v2  }
0x186: {  	v2 =	vld.idx.msk [tilespmem:v4+s2+$0x0], $0xffff;
	_ =	sdelay $0x1  }
0x187: {  	v3 =	vadd.s32 $0x1A, v3;
	_ =	sdelay $0x2  }
0x188: {  	v2 =	vadd.s32 v2, v48  }
0x189: {  	v49 =	vld [tilespmem:$0x1150];
	[tilespmem:$0x1690] =	vst v2  }
0x18a: {  	v2 =	vld.idx.msk [tilespmem:v3+s2+$0x0], $0xffff  }
0x18b: {  	v3 =	vld [tilespmem:$0xEB0];
	_ =	sdelay $0x2  }
0x18c: {  	v4 =	vadd.s32 $0x1A, v49;
	_ =	sdelay $0x1  }
0x18d: {  	v2 =	vadd.s32 v2, v3;
	v3 =	vld [tilespmem:$0x1160];
	_ =	sdelay $0x1  }
0x18e: {  	v50 =	vld [tilespmem:$0xEC0];
	[tilespmem:$0x16A0] =	vst v2  }
0x18f: {  	v2 =	vld.idx.msk [tilespmem:v4+s2+$0x0], $0xffff;
	_ =	sdelay $0x1  }
0x190: {  	v3 =	vadd.s32 $0x1A, v3;
	_ =	sdelay $0x2  }
0x191: {  	v2 =	vadd.s32 v2, v50  }
0x192: {  	v51 =	vld [tilespmem:$0x1170];
	[tilespmem:$0x16B0] =	vst v2  }
0x193: {  	v2 =	vld.idx.msk [tilespmem:v3+s2+$0x0], $0xffff  }
0x194: {  	v3 =	vld [tilespmem:$0xED0];
	_ =	sdelay $0x2  }
0x195: {  	v4 =	vadd.s32 $0x1A, v51;
	_ =	sdelay $0x1  }
0x196: {  	v2 =	vadd.s32 v2, v3;
	v3 =	vld [tilespmem:$0x1180];
	_ =	sdelay $0x1  }
0x197: {  	v52 =	vld [tilespmem:$0xEE0];
	[tilespmem:$0x16C0] =	vst v2  }
0x198: {  	v2 =	vld.idx.msk [tilespmem:v4+s2+$0x0], $0xffff;
	_ =	sdelay $0x1  }
0x199: {  	v3 =	vadd.s32 $0x1A, v3;
	_ =	sdelay $0x2  }
0x19a: {  	v2 =	vadd.s32 v2, v52  }
0x19b: {  	v53 =	vld [tilespmem:$0x1190];
	[tilespmem:$0x16D0] =	vst v2  }
0x19c: {  	v2 =	vld.idx.msk [tilespmem:v3+s2+$0x0], $0xffff  }
0x19d: {  	v3 =	vld [tilespmem:$0xEF0];
	_ =	sdelay $0x2  }
0x19e: {  	v4 =	vadd.s32 $0x1A, v53;
	_ =	sdelay $0x1  }
0x19f: {  	v2 =	vadd.s32 v2, v3;
	v3 =	vld [tilespmem:$0x11A0];
	_ =	sdelay $0x1  }
0x1a0: {  	v54 =	vld [tilespmem:$0xF00];
	[tilespmem:$0x16E0] =	vst v2  }
0x1a1: {  	v2 =	vld.idx.msk [tilespmem:v4+s2+$0x0], $0xffff;
	_ =	sdelay $0x1  }
0x1a2: {  	v3 =	vadd.s32 $0x1A, v3;
	_ =	sdelay $0x2  }
0x1a3: {  	v2 =	vadd.s32 v2, v54  }
0x1a4: {  	v55 =	vld [tilespmem:$0x11B0];
	[tilespmem:$0x16F0] =	vst v2  }
0x1a5: {  	v2 =	vld.idx.msk [tilespmem:v3+s2+$0x0], $0xffff  }
0x1a6: {  	v3 =	vld [tilespmem:$0xF10];
	_ =	sdelay $0x2  }
0x1a7: {  	v4 =	vadd.s32 $0x1A, v55;
	_ =	sdelay $0x1  }
0x1a8: {  	v2 =	vadd.s32 v2, v3;
	v3 =	vld [tilespmem:$0x11C0];
	_ =	sdelay $0x1  }
0x1a9: {  	v56 =	vld [tilespmem:$0xF20];
	[tilespmem:$0x1700] =	vst v2  }
0x1aa: {  	v2 =	vld.idx.msk [tilespmem:v4+s2+$0x0], $0xffff;
	_ =	sdelay $0x1  }
0x1ab: {  	v3 =	vadd.s32 $0x1A, v3;
	_ =	sdelay $0x2  }
0x1ac: {  	v2 =	vadd.s32 v2, v56  }
0x1ad: {  	v57 =	vld [tilespmem:$0x11D0];
	[tilespmem:$0x1710] =	vst v2  }
0x1ae: {  	v2 =	vld.idx.msk [tilespmem:v3+s2+$0x0], $0xffff  }
0x1af: {  	v3 =	vld [tilespmem:$0xF30];
	_ =	sdelay $0x2  }
0x1b0: {  	v4 =	vadd.s32 $0x1A, v57;
	_ =	sdelay $0x1  }
0x1b1: {  	v2 =	vadd.s32 v2, v3;
	v3 =	vld [tilespmem:$0x11E0];
	_ =	sdelay $0x1  }
0x1b2: {  	v58 =	vld [tilespmem:$0xF40];
	[tilespmem:$0x1720] =	vst v2  }
0x1b3: {  	v2 =	vld.idx.msk [tilespmem:v4+s2+$0x0], $0xffff;
	_ =	sdelay $0x1  }
0x1b4: {  	v3 =	vadd.s32 $0x1A, v3;
	_ =	sdelay $0x2  }
0x1b5: {  	v2 =	vadd.s32 v2, v58  }
0x1b6: {  	v59 =	vld [tilespmem:$0x11F0];
	[tilespmem:$0x1730] =	vst v2  }
0x1b7: {  	v2 =	vld.idx.msk [tilespmem:v3+s2+$0x0], $0xffff  }
0x1b8: {  	v3 =	vld [tilespmem:$0xF50];
	_ =	sdelay $0x2  }
0x1b9: {  	v4 =	vadd.s32 $0x1A, v59;
	_ =	sdelay $0x1  }
0x1ba: {  	v2 =	vadd.s32 v2, v3;
	v3 =	vld [tilespmem:$0x1200];
	_ =	sdelay $0x1  }
0x1bb: {  	v60 =	vld [tilespmem:$0xF60];
	[tilespmem:$0x1740] =	vst v2  }
0x1bc: {  	v2 =	vld.idx.msk [tilespmem:v4+s2+$0x0], $0xffff;
	_ =	sdelay $0x1  }
0x1bd: {  	v3 =	vadd.s32 $0x1A, v3;
	_ =	sdelay $0x2  }
0x1be: {  	v2 =	vadd.s32 v2, v60  }
0x1bf: {  	v61 =	vld [tilespmem:$0x1210];
	[tilespmem:$0x1750] =	vst v2  }
0x1c0: {  	v2 =	vld.idx.msk [tilespmem:v3+s2+$0x0], $0xffff  }
0x1c1: {  	v3 =	vld [tilespmem:$0xF70];
	_ =	sdelay $0x2  }
0x1c2: {  	v4 =	vadd.s32 $0x1A, v61;
	_ =	sdelay $0x1  }
0x1c3: {  	v2 =	vadd.s32 v2, v3;
	v3 =	vld [tilespmem:$0x1240];
	_ =	sdelay $0x1  }
0x1c4: {  	v62 =	vld [tilespmem:$0xF80];
	[tilespmem:$0x1760] =	vst v2  }
0x1c5: {  	v2 =	vld.idx.msk [tilespmem:v4+s2+$0x0], $0xffff;
	_ =	sdelay $0x1  }
0x1c6: {  	v3 =	vadd.s32 $0x1A, v3;
	_ =	sdelay $0x1  }
0x1c7: {  	v5 =	vld [tilespmem:$0x1250]  }
0x1c8: {  	v2 =	vadd.s32 v2, v62  }
0x1c9: {  	[tilespmem:$0x1770] =	vst v2;
	v2 =	vld [tilespmem:$0x1220]  }
0x1ca: {  	v3 =	vld.idx.msk [tilespmem:v3+s2+$0x0], $0xffff;
	_ =	sdelay $0x1  }
0x1cb: {  	v63 =	vadd.s32 $0x1A, v5;
	_ =	sdelay $0x2  }
0x1cc: {  	v2 =	vadd.s32 v2, v3  }
0x1cd: {  	[tilespmem:$0x17A0] =	vst v2;
	v2 =	vld [tilespmem:$0x1230]  }
0x1ce: {  	v3 =	vld.idx.msk [tilespmem:v63+s2+$0x0], $0xffff;
	_ =	sdelay $0x4  }
0x1cf: {  	v2 =	vadd.s32 v2, v3  }
0x1d0: {  	[tilespmem:$0x17B0] =	vst v2  }
0x1d1: {  	[tilespmem:s15], [sflag:$0x2] =	stream.indirect.gather [hbm4b:s8+s17], $0x10, s14, s17, $0xb8;
	[tilespmem:$0x6A80] =	vst v63  }
0x1d2: {  	_ = 	snop  }
0x1d3: {  	[tilespmem:s4], [sflag:$0x2] =	stream.indirect.gather [hbm4b:s8+s17], $0x10, s16, s17, $0xb8;
	[tilespmem:$0x6A80] =	vst v63  }
0x1d4: {  	_ = 	snop  }
0x1d5: {  	[tilespmem:s6], [sflag:$0x2] =	stream.indirect.gather [hbm4b:s8+s17], $0x10, s5, s17, $0xb8;
	[tilespmem:$0x6A80] =	vst v63  }
0x1d6: {  	_ = 	snop  }
0x1d7: {  	[tilespmem:s9], [sflag:$0x2] =	stream.indirect.gather [hbm4b:s8+s17], $0x10, s7, s17, $0xb8;
	[tilespmem:$0x6A80] =	vst v63  }
0x1d8: {  	_ = 	snop  }
0x1d9: {  	[tilespmem:s11], [sflag:$0x2] =	stream.indirect.gather [hbm4b:s8+s17], $0x10, s10, s17, $0xb8;
	[tilespmem:$0x6A80] =	vst v63  }
0x1da: {  	_ = 	snop  }
0x1db: {  	[tilespmem:s18], [sflag:$0x2] =	stream.indirect.gather [hbm4b:s8+s29], $0x10, s12, s29, $0xb8;
	[tilespmem:$0x6A80] =	vst v63  }
0x1dc: {  	s26 =	simm.s32 $0x0  }
0x1dd: {  	[tilespmem:s20], [sflag:$0x4] =	stream.indirect.gather [hbm4b:s1+s0], $0x1, s19, s0, $0xb8;
	[tilespmem:$0x6A80] =	vst v63  }
.LBB2_2:
0x1de: {  	_ =	swait.ge [sflag:s21], $0x800  }
0x1df: {  	[sflag:s21] =	ssyncset.done $0x0  }
0x1e0: {  	[sflag:s21] =	ssyncadd.s32 $0xFFFFF800  }
0x1e1: {  	_ =	swait.ge [sflag:s21], $0x800  }
0x1e2: {  	[sflag:s21] =	ssyncset.done $0x0  }
0x1e3: {  	[sflag:s21] =	ssyncadd.s32 $0xFFFFF800  }
0x1e4: {  	_ =	swait.ge [sflag:s21], $0x800  }
0x1e5: {  	[sflag:s21] =	ssyncset.done $0x0  }
0x1e6: {  	[sflag:s21] =	ssyncadd.s32 $0xFFFFF800  }
0x1e7: {  	_ =	swait.ge [sflag:s21], $0x800  }
0x1e8: {  	[sflag:s21] =	ssyncset.done $0x0  }
0x1e9: {  	[sflag:s21] =	ssyncadd.s32 $0xFFFFF800  }
0x1ea: {  	_ =	swait.ge [sflag:s21], $0x800  }
0x1eb: {  	[sflag:s21] =	ssyncset.done $0x0  }
0x1ec: {  	[sflag:s21] =	ssyncadd.s32 $0xFFFFF800  }
0x1ed: {  	_ =	swait.ge [sflag:s21], $0x100  }
0x1ee: {  	[sflag:s21] =	ssyncset.done $0x0  }
0x1ef: {  	[sflag:s21] =	ssyncadd.s32 $0xFFFFFF00  }
0x1f0: {  	_ =	swait.ge [sflag:s22], $0x20  }
0x1f1: {  	[sflag:s22] =	ssyncset.done $0x0  }
0x1f2: {  	s3 =	simm.s32 $0x2C40;
	[sflag:s22] =	ssyncadd.s32 $0xFFFFFFE0  }
0x1f3: {  	v6 =	vld [tilespmem:s3+$0xFFFFEB80]  }
0x1f4: {  	v9 =	vld [tilespmem:s3+$0xFFFFFFD0]  }
0x1f5: {  	v4 =	vld [tilespmem:s3+$0xFFFFEB90]  }
0x1f6: {  	v7 =	vld [tilespmem:s3+$0xFFFFFFE0]  }
0x1f7: {  	v2 =	vld [tilespmem:s3+$0xFFFFEBA0]  }
0x1f8: {  	v5 =	vld [tilespmem:s3+$0xFFFFFFF0]  }
0x1f9: {  	v3 =	vld [tilespmem:s3+$0xFFFFEBB0];
	v9 =	vmul.f32 v9, v6  }
0x1fa: {  	v8 =	vimm.f32 $0.0e+00;
	s28 =	simm.s32 $0x0;
	s30 =	simm.s32 $0x2C80;
	v6 =	vld [tilespmem:s3+$0x0]  }
.LBB2_3:
0x1fb: {  	v10 =	vld [tilespmem:s30+$0xFFFFEB80];
	v8 =	vadd.f32 v9, v8;
	v7 =	vmul.f32 v7, v4  }
0x1fc: {  	s28 =	sadd.s32 $0x4, s28;
	v9 =	vld [tilespmem:s30+$0xFFFFFFD0]  }
0x1fd: {  	p0 =	slt.u32 s28, $0x140;
	v4 =	vld [tilespmem:s30+$0xFFFFEB90];
	v8 =	vadd.f32 v7, v8;
	v5 =	vmul.f32 v5, v2  }
.Ltmp0:
0x1fe: {  	v7 =	vld [tilespmem:s30+$0xFFFFFFE0];
	(pc) =	sbr.rel @p0 .LBB2_3-.Ltmp0, $4  }
0x1ff: {  	v2 =	vld [tilespmem:s30+$0xFFFFEBA0];
	v8 =	vadd.f32 v5, v8;
	v6 =	vmul.f32 v6, v3  }
0x200: {  	v5 =	vld [tilespmem:s30+$0xFFFFFFF0]  }
0x201: {  	v9 =	vmul.f32 v9, v10;
	v3 =	vld [tilespmem:s30+$0xFFFFEBB0];
	v8 =	vadd.f32 v6, v8  }
0x202: {  	v6 =	vld [tilespmem:s30+$0x0];
	s30 =	sadd.s32 $0x40, s30  }
0x203: {  	v8 =	vadd.f32 v9, v8;
	v4 =	vmul.f32 v7, v4;
	v7 =	vld [tilespmem:$0x2C00]  }
0x204: {  	v9 =	vld [tilespmem:$0x4050]  }
0x205: {  	v4 =	vadd.f32 v4, v8;
	v2 =	vmul.f32 v5, v2  }
0x206: {  	v5 =	vld [tilespmem:$0x69D0]  }
0x207: {  	v2 =	vadd.f32 v2, v4;
	v3 =	vmul.f32 v6, v3;
	v4 =	vld [tilespmem:$0x69C0];
	_ =	sdelay $0x1  }
0x208: {  	v2 =	vadd.f32 v3, v2;
	v3 =	vmul.f32 v9, v7;
	_ =	sdelay $0x1  }
0x209: {  	v2 =	vadd.f32 v3, v2;
	v3 =	vnsel vm0, $0x0, v5  }
0x20a: {  	v3 =	vadd.f32 v3, v4  }
0x20b: {  	(xrf2) =	vadd.scan.msk.f32 $0xffff, v2  }
0x20c: {  	(xrf2) =	vadd.scan.msk.f32 $0xffff, v3;
	_ =	sdelay $0x8  }
0x20d: {  	v2, _, _ =	vpop (xrf2)  }
0x20e: {  	(v2sf) =	vpush v2, $0xF;
	v2, _, _ =	vpop (xrf2)  }
0x20f: {  	(v2sf) =	vpush v2, $0xF;
	_ =	sdelay $0xa  }
0x210: {  	s28 =	sshll.u32 s26, $0x1  }
0x211: {  	v2 =	vmov s28  }
0x212: {  	v2 =	vbroadcast v2, $0x0  }
0x213: {  	s3 =	spop (v2sf)  }
0x214: {  	s30 =	spop (v2sf)  }
0x215: {  	s3 =	sadd.f32 s30, s3;
	_ =	sdelay $0x1  }
0x216: {  	v3 =	vmov s3  }
0x217: {  	[tilespmem:v2+s23+$0x0] =	vst.idx.msk $0x1, v3  }
0x218: {  	v2 =	vld [tilespmem:$0xF90];
	_ =	sdelay $0x1  }
0x219: {  	s30 =	smul.u32 $0x34, s26;
	_ =	sdelay $0x1  }
0x21a: {  	s31 =	sadd.s32 $0x34, s30  }
0x21b: {  	v2 =	vadd.s32 s31, v2;
	_ =	sdelay $0x1  }
0x21c: {  	v3 =	vld [tilespmem:$0xFA0];
	_ =	sdelay $0x1  }
0x21d: {  	v4 =	vld [tilespmem:$0xD00]  }
0x21e: {  	v2 =	vld.idx.msk [tilespmem:v2+s2+$0x0], $0xffff;
	_ =	sdelay $0x1  }
0x21f: {  	v3 =	vadd.s32 s31, v3;
	_ =	sdelay $0x2  }
0x220: {  	v2 =	vadd.s32 v2, v4;
	v4 =	vld [tilespmem:$0xFB0]  }
0x221: {  	[tilespmem:$0x1260] =	vst v2  }
0x222: {  	v2 =	vld.idx.msk [tilespmem:v3+s2+$0x0], $0xffff  }
0x223: {  	v3 =	vld [tilespmem:$0xD10];
	_ =	sdelay $0x1  }
0x224: {  	v4 =	vadd.s32 s31, v4;
	_ =	sdelay $0x2  }
0x225: {  	v2 =	vadd.s32 v2, v3;
	v3 =	vld [tilespmem:$0xFC0]  }
0x226: {  	[tilespmem:$0x1270] =	vst v2  }
0x227: {  	v2 =	vld.idx.msk [tilespmem:v4+s2+$0x0], $0xffff  }
0x228: {  	v4 =	vld [tilespmem:$0xD20];
	_ =	sdelay $0x1  }
0x229: {  	v3 =	vadd.s32 s31, v3;
	_ =	sdelay $0x2  }
0x22a: {  	v2 =	vadd.s32 v2, v4;
	v4 =	vld [tilespmem:$0xFD0]  }
0x22b: {  	[tilespmem:$0x1280] =	vst v2  }
0x22c: {  	v2 =	vld.idx.msk [tilespmem:v3+s2+$0x0], $0xffff  }
0x22d: {  	v3 =	vld [tilespmem:$0xD30];
	_ =	sdelay $0x1  }
0x22e: {  	v4 =	vadd.s32 s31, v4;
	_ =	sdelay $0x2  }
0x22f: {  	v2 =	vadd.s32 v2, v3;
	v3 =	vld [tilespmem:$0xFE0]  }
0x230: {  	[tilespmem:$0x1290] =	vst v2  }
0x231: {  	v2 =	vld.idx.msk [tilespmem:v4+s2+$0x0], $0xffff  }
0x232: {  	v4 =	vld [tilespmem:$0xD40];
	_ =	sdelay $0x1  }
0x233: {  	v3 =	vadd.s32 s31, v3;
	_ =	sdelay $0x2  }
0x234: {  	v2 =	vadd.s32 v2, v4;
	v4 =	vld [tilespmem:$0xFF0]  }
0x235: {  	[tilespmem:$0x12A0] =	vst v2  }
0x236: {  	v2 =	vld.idx.msk [tilespmem:v3+s2+$0x0], $0xffff  }
0x237: {  	v3 =	vld [tilespmem:$0xD50];
	_ =	sdelay $0x1  }
0x238: {  	v4 =	vadd.s32 s31, v4;
	_ =	sdelay $0x2  }
0x239: {  	v2 =	vadd.s32 v2, v3;
	v3 =	vld [tilespmem:$0x1000]  }
0x23a: {  	[tilespmem:$0x12B0] =	vst v2  }
0x23b: {  	v2 =	vld.idx.msk [tilespmem:v4+s2+$0x0], $0xffff  }
0x23c: {  	v4 =	vld [tilespmem:$0xD60];
	_ =	sdelay $0x1  }
0x23d: {  	v3 =	vadd.s32 s31, v3;
	_ =	sdelay $0x2  }
0x23e: {  	v2 =	vadd.s32 v2, v4;
	v4 =	vld [tilespmem:$0x1010]  }
0x23f: {  	[tilespmem:$0x12C0] =	vst v2  }
0x240: {  	v2 =	vld.idx.msk [tilespmem:v3+s2+$0x0], $0xffff  }
0x241: {  	v3 =	vld [tilespmem:$0xD70];
	_ =	sdelay $0x1  }
0x242: {  	v4 =	vadd.s32 s31, v4;
	_ =	sdelay $0x2  }
0x243: {  	v2 =	vadd.s32 v2, v3;
	v3 =	vld [tilespmem:$0x1020]  }
0x244: {  	[tilespmem:$0x12D0] =	vst v2  }
0x245: {  	v2 =	vld.idx.msk [tilespmem:v4+s2+$0x0], $0xffff  }
0x246: {  	v4 =	vld [tilespmem:$0xD80];
	_ =	sdelay $0x1  }
0x247: {  	v3 =	vadd.s32 s31, v3;
	_ =	sdelay $0x2  }
0x248: {  	v2 =	vadd.s32 v2, v4;
	v4 =	vld [tilespmem:$0x1030]  }
0x249: {  	[tilespmem:$0x12E0] =	vst v2  }
0x24a: {  	v2 =	vld.idx.msk [tilespmem:v3+s2+$0x0], $0xffff  }
0x24b: {  	v3 =	vld [tilespmem:$0xD90];
	_ =	sdelay $0x1  }
0x24c: {  	v4 =	vadd.s32 s31, v4;
	_ =	sdelay $0x2  }
0x24d: {  	v2 =	vadd.s32 v2, v3;
	v3 =	vld [tilespmem:$0x1040]  }
0x24e: {  	[tilespmem:$0x12F0] =	vst v2  }
0x24f: {  	v2 =	vld.idx.msk [tilespmem:v4+s2+$0x0], $0xffff  }
0x250: {  	v4 =	vld [tilespmem:$0xDA0];
	_ =	sdelay $0x1  }
0x251: {  	v3 =	vadd.s32 s31, v3;
	_ =	sdelay $0x2  }
0x252: {  	v2 =	vadd.s32 v2, v4;
	v4 =	vld [tilespmem:$0x1050]  }
0x253: {  	[tilespmem:$0x1300] =	vst v2  }
0x254: {  	v2 =	vld.idx.msk [tilespmem:v3+s2+$0x0], $0xffff  }
0x255: {  	v3 =	vld [tilespmem:$0xDB0];
	_ =	sdelay $0x1  }
0x256: {  	v4 =	vadd.s32 s31, v4;
	_ =	sdelay $0x2  }
0x257: {  	v2 =	vadd.s32 v2, v3;
	v3 =	vld [tilespmem:$0x1060]  }
0x258: {  	[tilespmem:$0x1310] =	vst v2  }
0x259: {  	v2 =	vld.idx.msk [tilespmem:v4+s2+$0x0], $0xffff  }
0x25a: {  	v4 =	vld [tilespmem:$0xDC0];
	_ =	sdelay $0x1  }
0x25b: {  	v3 =	vadd.s32 s31, v3;
	_ =	sdelay $0x2  }
0x25c: {  	v2 =	vadd.s32 v2, v4;
	v4 =	vld [tilespmem:$0x1070]  }
0x25d: {  	[tilespmem:$0x1320] =	vst v2  }
0x25e: {  	v2 =	vld.idx.msk [tilespmem:v3+s2+$0x0], $0xffff  }
0x25f: {  	v3 =	vld [tilespmem:$0xDD0];
	_ =	sdelay $0x1  }
0x260: {  	v4 =	vadd.s32 s31, v4;
	_ =	sdelay $0x2  }
0x261: {  	v2 =	vadd.s32 v2, v3;
	v3 =	vld [tilespmem:$0x1080]  }
0x262: {  	[tilespmem:$0x1330] =	vst v2  }
0x263: {  	v2 =	vld.idx.msk [tilespmem:v4+s2+$0x0], $0xffff  }
0x264: {  	v4 =	vld [tilespmem:$0xDE0];
	_ =	sdelay $0x1  }
0x265: {  	v3 =	vadd.s32 s31, v3;
	_ =	sdelay $0x2  }
0x266: {  	v2 =	vadd.s32 v2, v4;
	v4 =	vld [tilespmem:$0x1090]  }
0x267: {  	[tilespmem:$0x1340] =	vst v2  }
0x268: {  	v2 =	vld.idx.msk [tilespmem:v3+s2+$0x0], $0xffff  }
0x269: {  	v3 =	vld [tilespmem:$0xDF0];
	_ =	sdelay $0x1  }
0x26a: {  	v4 =	vadd.s32 s31, v4;
	_ =	sdelay $0x2  }
0x26b: {  	v2 =	vadd.s32 v2, v3;
	v3 =	vld [tilespmem:$0x10A0]  }
0x26c: {  	[tilespmem:$0x1350] =	vst v2  }
0x26d: {  	v2 =	vld.idx.msk [tilespmem:v4+s2+$0x0], $0xffff  }
0x26e: {  	v4 =	vld [tilespmem:$0xE00];
	_ =	sdelay $0x1  }
0x26f: {  	v3 =	vadd.s32 s31, v3;
	_ =	sdelay $0x2  }
0x270: {  	v2 =	vadd.s32 v2, v4;
	v4 =	vld [tilespmem:$0x10B0]  }
0x271: {  	[tilespmem:$0x1360] =	vst v2  }
0x272: {  	v2 =	vld.idx.msk [tilespmem:v3+s2+$0x0], $0xffff  }
0x273: {  	v3 =	vld [tilespmem:$0xE10];
	_ =	sdelay $0x1  }
0x274: {  	v4 =	vadd.s32 s31, v4;
	_ =	sdelay $0x2  }
0x275: {  	v2 =	vadd.s32 v2, v3;
	v3 =	vld [tilespmem:$0x10C0]  }
0x276: {  	[tilespmem:$0x1370] =	vst v2  }
0x277: {  	v2 =	vld.idx.msk [tilespmem:v4+s2+$0x0], $0xffff  }
0x278: {  	v4 =	vld [tilespmem:$0xE20];
	_ =	sdelay $0x1  }
0x279: {  	v3 =	vadd.s32 s31, v3;
	_ =	sdelay $0x2  }
0x27a: {  	v2 =	vadd.s32 v2, v4;
	v4 =	vld [tilespmem:$0x10D0]  }
0x27b: {  	[tilespmem:$0x1380] =	vst v2  }
0x27c: {  	v2 =	vld.idx.msk [tilespmem:v3+s2+$0x0], $0xffff  }
0x27d: {  	v3 =	vld [tilespmem:$0xE30];
	_ =	sdelay $0x1  }
0x27e: {  	v4 =	vadd.s32 s31, v4;
	_ =	sdelay $0x2  }
0x27f: {  	v2 =	vadd.s32 v2, v3;
	v3 =	vld [tilespmem:$0x10E0]  }
0x280: {  	[tilespmem:$0x1390] =	vst v2  }
0x281: {  	v2 =	vld.idx.msk [tilespmem:v4+s2+$0x0], $0xffff  }
0x282: {  	v4 =	vld [tilespmem:$0xE40];
	_ =	sdelay $0x1  }
0x283: {  	v3 =	vadd.s32 s31, v3;
	_ =	sdelay $0x2  }
0x284: {  	v2 =	vadd.s32 v2, v4;
	v4 =	vld [tilespmem:$0x10F0]  }
0x285: {  	[tilespmem:$0x13A0] =	vst v2  }
0x286: {  	v2 =	vld.idx.msk [tilespmem:v3+s2+$0x0], $0xffff  }
0x287: {  	v3 =	vld [tilespmem:$0xE50];
	_ =	sdelay $0x1  }
0x288: {  	v4 =	vadd.s32 s31, v4;
	_ =	sdelay $0x2  }
0x289: {  	v2 =	vadd.s32 v2, v3;
	v3 =	vld [tilespmem:$0x1100]  }
0x28a: {  	[tilespmem:$0x13B0] =	vst v2  }
0x28b: {  	v2 =	vld.idx.msk [tilespmem:v4+s2+$0x0], $0xffff  }
0x28c: {  	v4 =	vld [tilespmem:$0xE60];
	_ =	sdelay $0x1  }
0x28d: {  	v3 =	vadd.s32 s31, v3;
	_ =	sdelay $0x2  }
0x28e: {  	v2 =	vadd.s32 v2, v4;
	v4 =	vld [tilespmem:$0x1110]  }
0x28f: {  	[tilespmem:$0x13C0] =	vst v2  }
0x290: {  	v2 =	vld.idx.msk [tilespmem:v3+s2+$0x0], $0xffff  }
0x291: {  	v3 =	vld [tilespmem:$0xE70];
	_ =	sdelay $0x1  }
0x292: {  	v4 =	vadd.s32 s31, v4;
	_ =	sdelay $0x2  }
0x293: {  	v2 =	vadd.s32 v2, v3;
	v3 =	vld [tilespmem:$0x1120]  }
0x294: {  	[tilespmem:$0x13D0] =	vst v2  }
0x295: {  	v2 =	vld.idx.msk [tilespmem:v4+s2+$0x0], $0xffff  }
0x296: {  	v4 =	vld [tilespmem:$0xE80];
	_ =	sdelay $0x1  }
0x297: {  	v3 =	vadd.s32 s31, v3;
	_ =	sdelay $0x2  }
0x298: {  	v2 =	vadd.s32 v2, v4;
	v4 =	vld [tilespmem:$0x1130]  }
0x299: {  	[tilespmem:$0x13E0] =	vst v2  }
0x29a: {  	v2 =	vld.idx.msk [tilespmem:v3+s2+$0x0], $0xffff  }
0x29b: {  	v3 =	vld [tilespmem:$0xE90];
	_ =	sdelay $0x1  }
0x29c: {  	v4 =	vadd.s32 s31, v4;
	_ =	sdelay $0x2  }
0x29d: {  	v2 =	vadd.s32 v2, v3;
	v3 =	vld [tilespmem:$0x1140]  }
0x29e: {  	[tilespmem:$0x13F0] =	vst v2  }
0x29f: {  	v2 =	vld.idx.msk [tilespmem:v4+s2+$0x0], $0xffff  }
0x2a0: {  	v4 =	vld [tilespmem:$0xEA0];
	_ =	sdelay $0x1  }
0x2a1: {  	v3 =	vadd.s32 s31, v3;
	_ =	sdelay $0x2  }
0x2a2: {  	v2 =	vadd.s32 v2, v4;
	v4 =	vld [tilespmem:$0x1150]  }
0x2a3: {  	[tilespmem:$0x1400] =	vst v2  }
0x2a4: {  	v2 =	vld.idx.msk [tilespmem:v3+s2+$0x0], $0xffff  }
0x2a5: {  	v3 =	vld [tilespmem:$0xEB0];
	_ =	sdelay $0x1  }
0x2a6: {  	v4 =	vadd.s32 s31, v4;
	_ =	sdelay $0x2  }
0x2a7: {  	v2 =	vadd.s32 v2, v3;
	v3 =	vld [tilespmem:$0x1160]  }
0x2a8: {  	[tilespmem:$0x1410] =	vst v2  }
0x2a9: {  	v2 =	vld.idx.msk [tilespmem:v4+s2+$0x0], $0xffff  }
0x2aa: {  	v4 =	vld [tilespmem:$0xEC0];
	_ =	sdelay $0x1  }
0x2ab: {  	v3 =	vadd.s32 s31, v3;
	_ =	sdelay $0x2  }
0x2ac: {  	v2 =	vadd.s32 v2, v4;
	v4 =	vld [tilespmem:$0x1170]  }
0x2ad: {  	[tilespmem:$0x1420] =	vst v2  }
0x2ae: {  	v2 =	vld.idx.msk [tilespmem:v3+s2+$0x0], $0xffff  }
0x2af: {  	v3 =	vld [tilespmem:$0xED0];
	_ =	sdelay $0x1  }
0x2b0: {  	v4 =	vadd.s32 s31, v4;
	_ =	sdelay $0x2  }
0x2b1: {  	v2 =	vadd.s32 v2, v3;
	v3 =	vld [tilespmem:$0x1180]  }
0x2b2: {  	[tilespmem:$0x1430] =	vst v2  }
0x2b3: {  	v2 =	vld.idx.msk [tilespmem:v4+s2+$0x0], $0xffff  }
0x2b4: {  	v4 =	vld [tilespmem:$0xEE0];
	_ =	sdelay $0x1  }
0x2b5: {  	v3 =	vadd.s32 s31, v3;
	_ =	sdelay $0x2  }
0x2b6: {  	v2 =	vadd.s32 v2, v4;
	v4 =	vld [tilespmem:$0x1190]  }
0x2b7: {  	[tilespmem:$0x1440] =	vst v2  }
0x2b8: {  	v2 =	vld.idx.msk [tilespmem:v3+s2+$0x0], $0xffff  }
0x2b9: {  	v3 =	vld [tilespmem:$0xEF0];
	_ =	sdelay $0x1  }
0x2ba: {  	v4 =	vadd.s32 s31, v4;
	_ =	sdelay $0x2  }
0x2bb: {  	v2 =	vadd.s32 v2, v3;
	v3 =	vld [tilespmem:$0x11A0]  }
0x2bc: {  	[tilespmem:$0x1450] =	vst v2  }
0x2bd: {  	v2 =	vld.idx.msk [tilespmem:v4+s2+$0x0], $0xffff  }
0x2be: {  	v4 =	vld [tilespmem:$0xF00];
	_ =	sdelay $0x1  }
0x2bf: {  	v3 =	vadd.s32 s31, v3;
	_ =	sdelay $0x2  }
0x2c0: {  	v2 =	vadd.s32 v2, v4;
	v4 =	vld [tilespmem:$0x11B0]  }
0x2c1: {  	[tilespmem:$0x1460] =	vst v2  }
0x2c2: {  	v2 =	vld.idx.msk [tilespmem:v3+s2+$0x0], $0xffff  }
0x2c3: {  	v3 =	vld [tilespmem:$0xF10];
	_ =	sdelay $0x1  }
0x2c4: {  	v4 =	vadd.s32 s31, v4;
	_ =	sdelay $0x2  }
0x2c5: {  	v2 =	vadd.s32 v2, v3;
	v3 =	vld [tilespmem:$0x11C0]  }
0x2c6: {  	[tilespmem:$0x1470] =	vst v2  }
0x2c7: {  	v2 =	vld.idx.msk [tilespmem:v4+s2+$0x0], $0xffff  }
0x2c8: {  	v4 =	vld [tilespmem:$0xF20];
	_ =	sdelay $0x1  }
0x2c9: {  	v3 =	vadd.s32 s31, v3;
	_ =	sdelay $0x2  }
0x2ca: {  	v2 =	vadd.s32 v2, v4;
	v4 =	vld [tilespmem:$0x11D0]  }
0x2cb: {  	[tilespmem:$0x1480] =	vst v2  }
0x2cc: {  	v2 =	vld.idx.msk [tilespmem:v3+s2+$0x0], $0xffff  }
0x2cd: {  	v3 =	vld [tilespmem:$0xF30];
	_ =	sdelay $0x1  }
0x2ce: {  	v4 =	vadd.s32 s31, v4;
	_ =	sdelay $0x2  }
0x2cf: {  	v2 =	vadd.s32 v2, v3;
	v3 =	vld [tilespmem:$0x11E0]  }
0x2d0: {  	[tilespmem:$0x1490] =	vst v2  }
0x2d1: {  	v2 =	vld.idx.msk [tilespmem:v4+s2+$0x0], $0xffff  }
0x2d2: {  	v4 =	vld [tilespmem:$0xF40];
	_ =	sdelay $0x1  }
0x2d3: {  	v3 =	vadd.s32 s31, v3;
	_ =	sdelay $0x2  }
0x2d4: {  	v2 =	vadd.s32 v2, v4;
	v4 =	vld [tilespmem:$0x11F0]  }
0x2d5: {  	[tilespmem:$0x14A0] =	vst v2  }
0x2d6: {  	v2 =	vld.idx.msk [tilespmem:v3+s2+$0x0], $0xffff  }
0x2d7: {  	v3 =	vld [tilespmem:$0xF50];
	_ =	sdelay $0x1  }
0x2d8: {  	v4 =	vadd.s32 s31, v4;
	_ =	sdelay $0x2  }
0x2d9: {  	v2 =	vadd.s32 v2, v3;
	v3 =	vld [tilespmem:$0x1200]  }
0x2da: {  	[tilespmem:$0x14B0] =	vst v2  }
0x2db: {  	v2 =	vld.idx.msk [tilespmem:v4+s2+$0x0], $0xffff  }
0x2dc: {  	v4 =	vld [tilespmem:$0xF60];
	_ =	sdelay $0x1  }
0x2dd: {  	v3 =	vadd.s32 s31, v3;
	_ =	sdelay $0x2  }
0x2de: {  	v2 =	vadd.s32 v2, v4;
	v4 =	vld [tilespmem:$0x1210]  }
0x2df: {  	[tilespmem:$0x14C0] =	vst v2  }
0x2e0: {  	v2 =	vld.idx.msk [tilespmem:v3+s2+$0x0], $0xffff  }
0x2e1: {  	v3 =	vld [tilespmem:$0xF70];
	_ =	sdelay $0x1  }
0x2e2: {  	v4 =	vadd.s32 s31, v4;
	_ =	sdelay $0x2  }
0x2e3: {  	v2 =	vadd.s32 v2, v3;
	v3 =	vld [tilespmem:$0x1240]  }
0x2e4: {  	[tilespmem:$0x14D0] =	vst v2  }
0x2e5: {  	v2 =	vld.idx.msk [tilespmem:v4+s2+$0x0], $0xffff  }
0x2e6: {  	v4 =	vld [tilespmem:$0xF80];
	_ =	sdelay $0x1  }
0x2e7: {  	v3 =	vadd.s32 s31, v3;
	_ =	sdelay $0x1  }
0x2e8: {  	v5 =	vld [tilespmem:$0x1250]  }
0x2e9: {  	v2 =	vadd.s32 v2, v4  }
0x2ea: {  	[tilespmem:$0x14E0] =	vst v2;
	v2 =	vld [tilespmem:$0x1220]  }
0x2eb: {  	v3 =	vld.idx.msk [tilespmem:v3+s2+$0x0], $0xffff;
	_ =	sdelay $0x1  }
0x2ec: {  	v4 =	vadd.s32 s31, v5;
	_ =	sdelay $0x2  }
0x2ed: {  	v2 =	vadd.s32 v2, v3  }
0x2ee: {  	[tilespmem:$0x1780] =	vst v2;
	v2 =	vld [tilespmem:$0x1230]  }
0x2ef: {  	v3 =	vld.idx.msk [tilespmem:v4+s2+$0x0], $0xffff;
	_ =	sdelay $0x4  }
0x2f0: {  	v2 =	vadd.s32 v2, v3  }
0x2f1: {  	s3 =	simm.s32 $0x1260;
	s31 =	simm.s32 $0x17C0;
	[tilespmem:$0x1790] =	vst v2  }
0x2f2: {  	[tilespmem:s31], [sflag:$0x1] =	stream.indirect.gather [hbm4b:s8+s17], $0x10, s3, s17, $0xb8;
	[tilespmem:$0x6A80] =	vst v63  }
0x2f3: {  	s3 =	simm.s32 $0x12E0;
	s31 =	simm.s32 $0x1FC0  }
0x2f4: {  	[tilespmem:s31], [sflag:$0x1] =	stream.indirect.gather [hbm4b:s8+s17], $0x10, s3, s17, $0xb8;
	[tilespmem:$0x6A80] =	vst v63  }
0x2f5: {  	s3 =	simm.s32 $0x1360;
	s31 =	simm.s32 $0x27C0  }
0x2f6: {  	[tilespmem:s31], [sflag:$0x1] =	stream.indirect.gather [hbm4b:s8+s17], $0x10, s3, s17, $0xb8;
	[tilespmem:$0x6A80] =	vst v63  }
0x2f7: {  	s3 =	simm.s32 $0x13E0;
	s31 =	simm.s32 $0x2FC0  }
0x2f8: {  	[tilespmem:s31], [sflag:$0x1] =	stream.indirect.gather [hbm4b:s8+s17], $0x10, s3, s17, $0xb8;
	[tilespmem:$0x6A80] =	vst v63  }
0x2f9: {  	s3 =	simm.s32 $0x1460;
	s31 =	simm.s32 $0x37C0  }
0x2fa: {  	[tilespmem:s31], [sflag:$0x1] =	stream.indirect.gather [hbm4b:s8+s17], $0x10, s3, s17, $0xb8;
	[tilespmem:$0x6A80] =	vst v63  }
0x2fb: {  	s3 =	simm.s32 $0x14E0;
	s31 =	simm.s32 $0x3FC0  }
0x2fc: {  	[tilespmem:s31], [sflag:$0x1] =	stream.indirect.gather [hbm4b:s8+s29], $0x10, s3, s29, $0xb8;
	[tilespmem:$0x6A80] =	vst v63  }
0x2fd: {  	s3 =	simm.s32 $0x1780  }
0x2fe: {  	[tilespmem:s13], [sflag:$0x3] =	stream.indirect.gather [hbm4b:s1+s0], $0x1, s3, s0, $0xb8;
	[tilespmem:$0x6A80] =	vst v63  }
0x2ff: {  	_ =	swait.ge [sflag:s24], $0x800  }
0x300: {  	[sflag:s24] =	ssyncset.done $0x0  }
0x301: {  	[sflag:s24] =	ssyncadd.s32 $0xFFFFF800  }
0x302: {  	_ =	swait.ge [sflag:s24], $0x800  }
0x303: {  	[sflag:s24] =	ssyncset.done $0x0  }
0x304: {  	[sflag:s24] =	ssyncadd.s32 $0xFFFFF800  }
0x305: {  	_ =	swait.ge [sflag:s24], $0x800  }
0x306: {  	[sflag:s24] =	ssyncset.done $0x0  }
0x307: {  	[sflag:s24] =	ssyncadd.s32 $0xFFFFF800  }
0x308: {  	_ =	swait.ge [sflag:s24], $0x800  }
0x309: {  	[sflag:s24] =	ssyncset.done $0x0  }
0x30a: {  	[sflag:s24] =	ssyncadd.s32 $0xFFFFF800  }
0x30b: {  	_ =	swait.ge [sflag:s24], $0x800  }
0x30c: {  	[sflag:s24] =	ssyncset.done $0x0  }
0x30d: {  	[sflag:s24] =	ssyncadd.s32 $0xFFFFF800  }
0x30e: {  	_ =	swait.ge [sflag:s24], $0x100  }
0x30f: {  	[sflag:s24] =	ssyncset.done $0x0  }
0x310: {  	[sflag:s24] =	ssyncadd.s32 $0xFFFFFF00  }
0x311: {  	_ =	swait.ge [sflag:s25], $0x20  }
0x312: {  	[sflag:s25] =	ssyncset.done $0x0  }
0x313: {  	s3 =	simm.s32 $0x5540;
	[sflag:s25] =	ssyncadd.s32 $0xFFFFFFE0  }
0x314: {  	v6 =	vld [tilespmem:s3+$0xFFFFEB80]  }
0x315: {  	v9 =	vld [tilespmem:s3+$0xFFFFFFD0]  }
0x316: {  	v4 =	vld [tilespmem:s3+$0xFFFFEB90]  }
0x317: {  	v7 =	vld [tilespmem:s3+$0xFFFFFFE0]  }
0x318: {  	v2 =	vld [tilespmem:s3+$0xFFFFEBA0]  }
0x319: {  	v5 =	vld [tilespmem:s3+$0xFFFFFFF0]  }
0x31a: {  	v3 =	vld [tilespmem:s3+$0xFFFFEBB0];
	v9 =	vmul.f32 v9, v6  }
0x31b: {  	v8 =	vimm.f32 $0.0e+00;
	s31 =	simm.s32 $0x0;
	v6 =	vld [tilespmem:s3+$0x0];
	s3 =	simm.s32 $0x5580  }
.LBB2_5:
0x31c: {  	v10 =	vld [tilespmem:s3+$0xFFFFEB80];
	v8 =	vadd.f32 v9, v8;
	v7 =	vmul.f32 v7, v4  }
0x31d: {  	s31 =	sadd.s32 $0x4, s31;
	v9 =	vld [tilespmem:s3+$0xFFFFFFD0]  }
0x31e: {  	p0 =	slt.u32 s31, $0x140;
	v4 =	vld [tilespmem:s3+$0xFFFFEB90];
	v8 =	vadd.f32 v7, v8;
	v5 =	vmul.f32 v5, v2  }
.Ltmp1:
0x31f: {  	v7 =	vld [tilespmem:s3+$0xFFFFFFE0];
	(pc) =	sbr.rel @p0 .LBB2_5-.Ltmp1, $4  }
0x320: {  	v2 =	vld [tilespmem:s3+$0xFFFFEBA0];
	v8 =	vadd.f32 v5, v8;
	v6 =	vmul.f32 v6, v3  }
0x321: {  	v5 =	vld [tilespmem:s3+$0xFFFFFFF0]  }
0x322: {  	v9 =	vmul.f32 v9, v10;
	v3 =	vld [tilespmem:s3+$0xFFFFEBB0];
	v8 =	vadd.f32 v6, v8  }
0x323: {  	v6 =	vld [tilespmem:s3+$0x0];
	s3 =	sadd.s32 $0x40, s3  }
0x324: {  	v8 =	vadd.f32 v9, v8;
	v4 =	vmul.f32 v7, v4;
	v17 =	vld [tilespmem:$0x5500]  }
0x325: {  	v18 =	vld [tilespmem:$0x6950]  }
0x326: {  	v4 =	vadd.f32 v4, v8;
	v2 =	vmul.f32 v5, v2  }
0x327: {  	v19 =	vld [tilespmem:$0x69F0]  }
0x328: {  	v20 =	vld [tilespmem:$0x69E0];
	v2 =	vadd.f32 v2, v4;
	v3 =	vmul.f32 v6, v3;
	_ =	sdelay $0x1  }
0x329: {  	v2 =	vadd.f32 v3, v2;
	v3 =	vmul.f32 v18, v17;
	_ =	sdelay $0x1  }
0x32a: {  	v2 =	vadd.f32 v3, v2;
	v3 =	vnsel vm0, $0x0, v19  }
0x32b: {  	v3 =	vadd.f32 v3, v20  }
0x32c: {  	(xrf2) =	vadd.scan.msk.f32 $0xffff, v2  }
0x32d: {  	(xrf2) =	vadd.scan.msk.f32 $0xffff, v3;
	_ =	sdelay $0x8  }
0x32e: {  	v2, _, _ =	vpop (xrf2)  }
0x32f: {  	(v2sf) =	vpush v2, $0xF;
	v2, _, _ =	vpop (xrf2)  }
0x330: {  	(v2sf) =	vpush v2, $0xF;
	_ =	sdelay $0xc  }
0x331: {  	s3 =	sor.u32 $0x1, s28  }
0x332: {  	v2 =	vmov s3;
	s28 =	spop (v2sf)  }
0x333: {  	s31 =	spop (v2sf)  }
0x334: {  	s3 =	sadd.f32 s31, s28;
	_ =	sdelay $0x1  }
0x335: {  	v3 =	vmov s3  }
0x336: {  	[tilespmem:v2+s23+$0x0] =	vst.idx.msk $0x1, v3  }
0x337: {  	v2 =	vld [tilespmem:$0xF90];
	_ =	sdelay $0x3  }
0x338: {  	s31 =	sadd.s32 $0x4E, s30  }
0x339: {  	v2 =	vadd.s32 s31, v2;
	_ =	sdelay $0x1  }
0x33a: {  	v3 =	vld [tilespmem:$0xFA0];
	_ =	sdelay $0x1  }
0x33b: {  	v21 =	vld [tilespmem:$0xD00]  }
0x33c: {  	v2 =	vld.idx.msk [tilespmem:v2+s2+$0x0], $0xffff;
	_ =	sdelay $0x1  }
0x33d: {  	v3 =	vadd.s32 s31, v3;
	_ =	sdelay $0x2  }
0x33e: {  	v2 =	vadd.s32 v2, v21  }
0x33f: {  	v22 =	vld [tilespmem:$0xFB0];
	[tilespmem:$0x14F0] =	vst v2  }
0x340: {  	v2 =	vld.idx.msk [tilespmem:v3+s2+$0x0], $0xffff  }
0x341: {  	v3 =	vld [tilespmem:$0xD10];
	_ =	sdelay $0x2  }
0x342: {  	v4 =	vadd.s32 s31, v22;
	_ =	sdelay $0x1  }
0x343: {  	v2 =	vadd.s32 v2, v3;
	v3 =	vld [tilespmem:$0xFC0];
	_ =	sdelay $0x1  }
0x344: {  	v23 =	vld [tilespmem:$0xD20];
	[tilespmem:$0x1500] =	vst v2  }
0x345: {  	v2 =	vld.idx.msk [tilespmem:v4+s2+$0x0], $0xffff;
	_ =	sdelay $0x1  }
0x346: {  	v3 =	vadd.s32 s31, v3;
	_ =	sdelay $0x2  }
0x347: {  	v2 =	vadd.s32 v2, v23  }
0x348: {  	v24 =	vld [tilespmem:$0xFD0];
	[tilespmem:$0x1510] =	vst v2  }
0x349: {  	v2 =	vld.idx.msk [tilespmem:v3+s2+$0x0], $0xffff  }
0x34a: {  	v3 =	vld [tilespmem:$0xD30];
	_ =	sdelay $0x2  }
0x34b: {  	v4 =	vadd.s32 s31, v24;
	_ =	sdelay $0x1  }
0x34c: {  	v2 =	vadd.s32 v2, v3;
	v3 =	vld [tilespmem:$0xFE0];
	_ =	sdelay $0x1  }
0x34d: {  	v25 =	vld [tilespmem:$0xD40];
	[tilespmem:$0x1520] =	vst v2  }
0x34e: {  	v2 =	vld.idx.msk [tilespmem:v4+s2+$0x0], $0xffff;
	_ =	sdelay $0x1  }
0x34f: {  	v3 =	vadd.s32 s31, v3;
	_ =	sdelay $0x2  }
0x350: {  	v2 =	vadd.s32 v2, v25  }
0x351: {  	v26 =	vld [tilespmem:$0xFF0];
	[tilespmem:$0x1530] =	vst v2  }
0x352: {  	v2 =	vld.idx.msk [tilespmem:v3+s2+$0x0], $0xffff  }
0x353: {  	v3 =	vld [tilespmem:$0xD50];
	_ =	sdelay $0x2  }
0x354: {  	v4 =	vadd.s32 s31, v26;
	_ =	sdelay $0x1  }
0x355: {  	v2 =	vadd.s32 v2, v3;
	v3 =	vld [tilespmem:$0x1000];
	_ =	sdelay $0x1  }
0x356: {  	v27 =	vld [tilespmem:$0xD60];
	[tilespmem:$0x1540] =	vst v2  }
0x357: {  	v2 =	vld.idx.msk [tilespmem:v4+s2+$0x0], $0xffff;
	_ =	sdelay $0x1  }
0x358: {  	v3 =	vadd.s32 s31, v3;
	_ =	sdelay $0x2  }
0x359: {  	v2 =	vadd.s32 v2, v27  }
0x35a: {  	v28 =	vld [tilespmem:$0x1010];
	[tilespmem:$0x1550] =	vst v2  }
0x35b: {  	v2 =	vld.idx.msk [tilespmem:v3+s2+$0x0], $0xffff  }
0x35c: {  	v3 =	vld [tilespmem:$0xD70];
	_ =	sdelay $0x2  }
0x35d: {  	v4 =	vadd.s32 s31, v28;
	_ =	sdelay $0x1  }
0x35e: {  	v2 =	vadd.s32 v2, v3;
	v3 =	vld [tilespmem:$0x1020];
	_ =	sdelay $0x1  }
0x35f: {  	v29 =	vld [tilespmem:$0xD80];
	[tilespmem:$0x1560] =	vst v2  }
0x360: {  	v2 =	vld.idx.msk [tilespmem:v4+s2+$0x0], $0xffff;
	_ =	sdelay $0x1  }
0x361: {  	v3 =	vadd.s32 s31, v3;
	_ =	sdelay $0x2  }
0x362: {  	v2 =	vadd.s32 v2, v29  }
0x363: {  	v30 =	vld [tilespmem:$0x1030];
	[tilespmem:$0x1570] =	vst v2  }
0x364: {  	v2 =	vld.idx.msk [tilespmem:v3+s2+$0x0], $0xffff  }
0x365: {  	v3 =	vld [tilespmem:$0xD90];
	_ =	sdelay $0x2  }
0x366: {  	v4 =	vadd.s32 s31, v30;
	_ =	sdelay $0x1  }
0x367: {  	v2 =	vadd.s32 v2, v3;
	v3 =	vld [tilespmem:$0x1040];
	_ =	sdelay $0x1  }
0x368: {  	v31 =	vld [tilespmem:$0xDA0];
	[tilespmem:$0x1580] =	vst v2  }
0x369: {  	v2 =	vld.idx.msk [tilespmem:v4+s2+$0x0], $0xffff;
	_ =	sdelay $0x1  }
0x36a: {  	v3 =	vadd.s32 s31, v3;
	_ =	sdelay $0x2  }
0x36b: {  	v2 =	vadd.s32 v2, v31  }
0x36c: {  	v32 =	vld [tilespmem:$0x1050];
	[tilespmem:$0x1590] =	vst v2  }
0x36d: {  	v2 =	vld.idx.msk [tilespmem:v3+s2+$0x0], $0xffff  }
0x36e: {  	v3 =	vld [tilespmem:$0xDB0];
	_ =	sdelay $0x2  }
0x36f: {  	v4 =	vadd.s32 s31, v32;
	_ =	sdelay $0x1  }
0x370: {  	v2 =	vadd.s32 v2, v3;
	v3 =	vld [tilespmem:$0x1060];
	_ =	sdelay $0x1  }
0x371: {  	v33 =	vld [tilespmem:$0xDC0];
	[tilespmem:$0x15A0] =	vst v2  }
0x372: {  	v2 =	vld.idx.msk [tilespmem:v4+s2+$0x0], $0xffff;
	_ =	sdelay $0x1  }
0x373: {  	v3 =	vadd.s32 s31, v3;
	_ =	sdelay $0x2  }
0x374: {  	v2 =	vadd.s32 v2, v33  }
0x375: {  	v34 =	vld [tilespmem:$0x1070];
	[tilespmem:$0x15B0] =	vst v2  }
0x376: {  	v2 =	vld.idx.msk [tilespmem:v3+s2+$0x0], $0xffff  }
0x377: {  	v3 =	vld [tilespmem:$0xDD0];
	_ =	sdelay $0x2  }
0x378: {  	v4 =	vadd.s32 s31, v34;
	_ =	sdelay $0x1  }
0x379: {  	v2 =	vadd.s32 v2, v3;
	v3 =	vld [tilespmem:$0x1080];
	_ =	sdelay $0x1  }
0x37a: {  	v35 =	vld [tilespmem:$0xDE0];
	[tilespmem:$0x15C0] =	vst v2  }
0x37b: {  	v2 =	vld.idx.msk [tilespmem:v4+s2+$0x0], $0xffff;
	_ =	sdelay $0x1  }
0x37c: {  	v3 =	vadd.s32 s31, v3;
	_ =	sdelay $0x2  }
0x37d: {  	v2 =	vadd.s32 v2, v35  }
0x37e: {  	v36 =	vld [tilespmem:$0x1090];
	[tilespmem:$0x15D0] =	vst v2  }
0x37f: {  	v2 =	vld.idx.msk [tilespmem:v3+s2+$0x0], $0xffff  }
0x380: {  	v3 =	vld [tilespmem:$0xDF0];
	_ =	sdelay $0x2  }
0x381: {  	v4 =	vadd.s32 s31, v36;
	_ =	sdelay $0x1  }
0x382: {  	v2 =	vadd.s32 v2, v3;
	v3 =	vld [tilespmem:$0x10A0];
	_ =	sdelay $0x1  }
0x383: {  	v37 =	vld [tilespmem:$0xE00];
	[tilespmem:$0x15E0] =	vst v2  }
0x384: {  	v2 =	vld.idx.msk [tilespmem:v4+s2+$0x0], $0xffff;
	_ =	sdelay $0x1  }
0x385: {  	v3 =	vadd.s32 s31, v3;
	_ =	sdelay $0x2  }
0x386: {  	v2 =	vadd.s32 v2, v37  }
0x387: {  	v38 =	vld [tilespmem:$0x10B0];
	[tilespmem:$0x15F0] =	vst v2  }
0x388: {  	v2 =	vld.idx.msk [tilespmem:v3+s2+$0x0], $0xffff  }
0x389: {  	v3 =	vld [tilespmem:$0xE10];
	_ =	sdelay $0x2  }
0x38a: {  	v4 =	vadd.s32 s31, v38;
	_ =	sdelay $0x1  }
0x38b: {  	v2 =	vadd.s32 v2, v3;
	v3 =	vld [tilespmem:$0x10C0];
	_ =	sdelay $0x1  }
0x38c: {  	v39 =	vld [tilespmem:$0xE20];
	[tilespmem:$0x1600] =	vst v2  }
0x38d: {  	v2 =	vld.idx.msk [tilespmem:v4+s2+$0x0], $0xffff;
	_ =	sdelay $0x1  }
0x38e: {  	v3 =	vadd.s32 s31, v3;
	_ =	sdelay $0x2  }
0x38f: {  	v2 =	vadd.s32 v2, v39  }
0x390: {  	v40 =	vld [tilespmem:$0x10D0];
	[tilespmem:$0x1610] =	vst v2  }
0x391: {  	v2 =	vld.idx.msk [tilespmem:v3+s2+$0x0], $0xffff  }
0x392: {  	v3 =	vld [tilespmem:$0xE30];
	_ =	sdelay $0x2  }
0x393: {  	v4 =	vadd.s32 s31, v40;
	_ =	sdelay $0x1  }
0x394: {  	v2 =	vadd.s32 v2, v3;
	v3 =	vld [tilespmem:$0x10E0];
	_ =	sdelay $0x1  }
0x395: {  	v41 =	vld [tilespmem:$0xE40];
	[tilespmem:$0x1620] =	vst v2  }
0x396: {  	v2 =	vld.idx.msk [tilespmem:v4+s2+$0x0], $0xffff;
	_ =	sdelay $0x1  }
0x397: {  	v3 =	vadd.s32 s31, v3;
	_ =	sdelay $0x2  }
0x398: {  	v2 =	vadd.s32 v2, v41  }
0x399: {  	v42 =	vld [tilespmem:$0x10F0];
	[tilespmem:$0x1630] =	vst v2  }
0x39a: {  	v2 =	vld.idx.msk [tilespmem:v3+s2+$0x0], $0xffff  }
0x39b: {  	v3 =	vld [tilespmem:$0xE50];
	_ =	sdelay $0x2  }
0x39c: {  	v4 =	vadd.s32 s31, v42;
	_ =	sdelay $0x1  }
0x39d: {  	v2 =	vadd.s32 v2, v3;
	v3 =	vld [tilespmem:$0x1100];
	_ =	sdelay $0x1  }
0x39e: {  	v43 =	vld [tilespmem:$0xE60];
	[tilespmem:$0x1640] =	vst v2  }
0x39f: {  	v2 =	vld.idx.msk [tilespmem:v4+s2+$0x0], $0xffff;
	_ =	sdelay $0x1  }
0x3a0: {  	v3 =	vadd.s32 s31, v3;
	_ =	sdelay $0x2  }
0x3a1: {  	v2 =	vadd.s32 v2, v43  }
0x3a2: {  	v44 =	vld [tilespmem:$0x1110];
	[tilespmem:$0x1650] =	vst v2  }
0x3a3: {  	v2 =	vld.idx.msk [tilespmem:v3+s2+$0x0], $0xffff  }
0x3a4: {  	v3 =	vld [tilespmem:$0xE70];
	_ =	sdelay $0x2  }
0x3a5: {  	v4 =	vadd.s32 s31, v44;
	_ =	sdelay $0x1  }
0x3a6: {  	v2 =	vadd.s32 v2, v3;
	v3 =	vld [tilespmem:$0x1120];
	_ =	sdelay $0x1  }
0x3a7: {  	v45 =	vld [tilespmem:$0xE80];
	[tilespmem:$0x1660] =	vst v2  }
0x3a8: {  	v2 =	vld.idx.msk [tilespmem:v4+s2+$0x0], $0xffff;
	_ =	sdelay $0x1  }
0x3a9: {  	v3 =	vadd.s32 s31, v3;
	_ =	sdelay $0x2  }
0x3aa: {  	v2 =	vadd.s32 v2, v45  }
0x3ab: {  	v46 =	vld [tilespmem:$0x1130];
	[tilespmem:$0x1670] =	vst v2  }
0x3ac: {  	v2 =	vld.idx.msk [tilespmem:v3+s2+$0x0], $0xffff  }
0x3ad: {  	v3 =	vld [tilespmem:$0xE90];
	_ =	sdelay $0x2  }
0x3ae: {  	v4 =	vadd.s32 s31, v46;
	_ =	sdelay $0x1  }
0x3af: {  	v2 =	vadd.s32 v2, v3;
	v3 =	vld [tilespmem:$0x1140];
	_ =	sdelay $0x1  }
0x3b0: {  	v47 =	vld [tilespmem:$0xEA0];
	[tilespmem:$0x1680] =	vst v2  }
0x3b1: {  	v2 =	vld.idx.msk [tilespmem:v4+s2+$0x0], $0xffff;
	_ =	sdelay $0x1  }
0x3b2: {  	v3 =	vadd.s32 s31, v3;
	_ =	sdelay $0x2  }
0x3b3: {  	v2 =	vadd.s32 v2, v47  }
0x3b4: {  	v48 =	vld [tilespmem:$0x1150];
	[tilespmem:$0x1690] =	vst v2  }
0x3b5: {  	v2 =	vld.idx.msk [tilespmem:v3+s2+$0x0], $0xffff  }
0x3b6: {  	v3 =	vld [tilespmem:$0xEB0];
	_ =	sdelay $0x2  }
0x3b7: {  	v4 =	vadd.s32 s31, v48;
	_ =	sdelay $0x1  }
0x3b8: {  	v2 =	vadd.s32 v2, v3;
	v3 =	vld [tilespmem:$0x1160];
	_ =	sdelay $0x1  }
0x3b9: {  	v49 =	vld [tilespmem:$0xEC0];
	[tilespmem:$0x16A0] =	vst v2  }
0x3ba: {  	v2 =	vld.idx.msk [tilespmem:v4+s2+$0x0], $0xffff;
	_ =	sdelay $0x1  }
0x3bb: {  	v3 =	vadd.s32 s31, v3;
	_ =	sdelay $0x2  }
0x3bc: {  	v2 =	vadd.s32 v2, v49  }
0x3bd: {  	v50 =	vld [tilespmem:$0x1170];
	[tilespmem:$0x16B0] =	vst v2  }
0x3be: {  	v2 =	vld.idx.msk [tilespmem:v3+s2+$0x0], $0xffff  }
0x3bf: {  	v3 =	vld [tilespmem:$0xED0];
	_ =	sdelay $0x2  }
0x3c0: {  	v4 =	vadd.s32 s31, v50;
	_ =	sdelay $0x1  }
0x3c1: {  	v2 =	vadd.s32 v2, v3;
	v3 =	vld [tilespmem:$0x1180];
	_ =	sdelay $0x1  }
0x3c2: {  	v51 =	vld [tilespmem:$0xEE0];
	[tilespmem:$0x16C0] =	vst v2  }
0x3c3: {  	v2 =	vld.idx.msk [tilespmem:v4+s2+$0x0], $0xffff;
	_ =	sdelay $0x1  }
0x3c4: {  	v3 =	vadd.s32 s31, v3;
	_ =	sdelay $0x2  }
0x3c5: {  	v2 =	vadd.s32 v2, v51  }
0x3c6: {  	v52 =	vld [tilespmem:$0x1190];
	[tilespmem:$0x16D0] =	vst v2  }
0x3c7: {  	v2 =	vld.idx.msk [tilespmem:v3+s2+$0x0], $0xffff  }
0x3c8: {  	v3 =	vld [tilespmem:$0xEF0];
	_ =	sdelay $0x2  }
0x3c9: {  	v4 =	vadd.s32 s31, v52;
	_ =	sdelay $0x1  }
0x3ca: {  	v2 =	vadd.s32 v2, v3;
	v3 =	vld [tilespmem:$0x11A0];
	_ =	sdelay $0x1  }
0x3cb: {  	v53 =	vld [tilespmem:$0xF00];
	[tilespmem:$0x16E0] =	vst v2  }
0x3cc: {  	v2 =	vld.idx.msk [tilespmem:v4+s2+$0x0], $0xffff;
	_ =	sdelay $0x1  }
0x3cd: {  	v3 =	vadd.s32 s31, v3;
	_ =	sdelay $0x2  }
0x3ce: {  	v2 =	vadd.s32 v2, v53  }
0x3cf: {  	v54 =	vld [tilespmem:$0x11B0];
	[tilespmem:$0x16F0] =	vst v2  }
0x3d0: {  	v2 =	vld.idx.msk [tilespmem:v3+s2+$0x0], $0xffff  }
0x3d1: {  	v3 =	vld [tilespmem:$0xF10];
	_ =	sdelay $0x2  }
0x3d2: {  	v4 =	vadd.s32 s31, v54;
	_ =	sdelay $0x1  }
0x3d3: {  	v2 =	vadd.s32 v2, v3;
	v3 =	vld [tilespmem:$0x11C0];
	_ =	sdelay $0x1  }
0x3d4: {  	v55 =	vld [tilespmem:$0xF20];
	[tilespmem:$0x1700] =	vst v2  }
0x3d5: {  	v2 =	vld.idx.msk [tilespmem:v4+s2+$0x0], $0xffff;
	_ =	sdelay $0x1  }
0x3d6: {  	v3 =	vadd.s32 s31, v3;
	_ =	sdelay $0x2  }
0x3d7: {  	v2 =	vadd.s32 v2, v55  }
0x3d8: {  	v56 =	vld [tilespmem:$0x11D0];
	[tilespmem:$0x1710] =	vst v2  }
0x3d9: {  	v2 =	vld.idx.msk [tilespmem:v3+s2+$0x0], $0xffff  }
0x3da: {  	v3 =	vld [tilespmem:$0xF30];
	_ =	sdelay $0x2  }
0x3db: {  	v4 =	vadd.s32 s31, v56;
	_ =	sdelay $0x1  }
0x3dc: {  	v2 =	vadd.s32 v2, v3;
	v3 =	vld [tilespmem:$0x11E0];
	_ =	sdelay $0x1  }
0x3dd: {  	v57 =	vld [tilespmem:$0xF40];
	[tilespmem:$0x1720] =	vst v2  }
0x3de: {  	v2 =	vld.idx.msk [tilespmem:v4+s2+$0x0], $0xffff;
	_ =	sdelay $0x1  }
0x3df: {  	v3 =	vadd.s32 s31, v3;
	_ =	sdelay $0x2  }
0x3e0: {  	v2 =	vadd.s32 v2, v57  }
0x3e1: {  	v58 =	vld [tilespmem:$0x11F0];
	[tilespmem:$0x1730] =	vst v2  }
0x3e2: {  	v2 =	vld.idx.msk [tilespmem:v3+s2+$0x0], $0xffff  }
0x3e3: {  	v3 =	vld [tilespmem:$0xF50];
	_ =	sdelay $0x2  }
0x3e4: {  	v4 =	vadd.s32 s31, v58;
	_ =	sdelay $0x1  }
0x3e5: {  	v2 =	vadd.s32 v2, v3;
	v3 =	vld [tilespmem:$0x1200];
	_ =	sdelay $0x1  }
0x3e6: {  	v59 =	vld [tilespmem:$0xF60];
	[tilespmem:$0x1740] =	vst v2  }
0x3e7: {  	v2 =	vld.idx.msk [tilespmem:v4+s2+$0x0], $0xffff;
	_ =	sdelay $0x1  }
0x3e8: {  	v3 =	vadd.s32 s31, v3;
	_ =	sdelay $0x2  }
0x3e9: {  	v2 =	vadd.s32 v2, v59  }
0x3ea: {  	v60 =	vld [tilespmem:$0x1210];
	[tilespmem:$0x1750] =	vst v2  }
0x3eb: {  	v2 =	vld.idx.msk [tilespmem:v3+s2+$0x0], $0xffff  }
0x3ec: {  	v3 =	vld [tilespmem:$0xF70];
	_ =	sdelay $0x2  }
0x3ed: {  	v4 =	vadd.s32 s31, v60;
	_ =	sdelay $0x1  }
0x3ee: {  	v2 =	vadd.s32 v2, v3;
	v3 =	vld [tilespmem:$0x1240];
	_ =	sdelay $0x1  }
0x3ef: {  	v61 =	vld [tilespmem:$0xF80];
	[tilespmem:$0x1760] =	vst v2  }
0x3f0: {  	v2 =	vld.idx.msk [tilespmem:v4+s2+$0x0], $0xffff;
	_ =	sdelay $0x1  }
0x3f1: {  	v3 =	vadd.s32 s31, v3;
	_ =	sdelay $0x1  }
0x3f2: {  	v62 =	vld [tilespmem:$0x1250]  }
0x3f3: {  	v2 =	vadd.s32 v2, v61  }
0x3f4: {  	[tilespmem:$0x1770] =	vst v2;
	v2 =	vld [tilespmem:$0x1220]  }
0x3f5: {  	v3 =	vld.idx.msk [tilespmem:v3+s2+$0x0], $0xffff;
	_ =	sdelay $0x1  }
0x3f6: {  	v63 =	vadd.s32 s31, v62;
	_ =	sdelay $0x2  }
0x3f7: {  	v2 =	vadd.s32 v2, v3  }
0x3f8: {  	[tilespmem:$0x17A0] =	vst v2;
	v2 =	vld [tilespmem:$0x1230]  }
0x3f9: {  	v3 =	vld.idx.msk [tilespmem:v63+s2+$0x0], $0xffff;
	_ =	sdelay $0x4  }
0x3fa: {  	v2 =	vadd.s32 v2, v3  }
0x3fb: {  	[tilespmem:$0x17B0] =	vst v2  }
0x3fc: {  	[tilespmem:s15], [sflag:$0x2] =	stream.indirect.gather [hbm4b:s8+s17], $0x10, s14, s17, $0xb8;
	[tilespmem:$0x6A80] =	vst v63  }
0x3fd: {  	_ = 	snop  }
0x3fe: {  	[tilespmem:s4], [sflag:$0x2] =	stream.indirect.gather [hbm4b:s8+s17], $0x10, s16, s17, $0xb8;
	[tilespmem:$0x6A80] =	vst v63  }
0x3ff: {  	_ = 	snop  }
0x400: {  	[tilespmem:s6], [sflag:$0x2] =	stream.indirect.gather [hbm4b:s8+s17], $0x10, s5, s17, $0xb8;
	[tilespmem:$0x6A80] =	vst v63  }
0x401: {  	s26 =	sadd.s32 $0x1, s26  }
0x402: {  	[tilespmem:s9], [sflag:$0x2] =	stream.indirect.gather [hbm4b:s8+s17], $0x10, s7, s17, $0xb8;
	[tilespmem:$0x6A80] =	vst v63  }
0x403: {  	p0 =	sne.s32 s26, $0x3F  }
0x404: {  	[tilespmem:s11], [sflag:$0x2] =	stream.indirect.gather [hbm4b:s8+s17], $0x10, s10, s17, $0xb8;
	[tilespmem:$0x6A80] =	vst v63  }
.Ltmp2:
0x405: {  	_ = 	snop;
	(pc) =	sbr.rel @p0 .LBB2_2-.Ltmp2, $4  }
0x406: {  	_ = 	snop  }
0x407: {  	[tilespmem:s18], [sflag:$0x2] =	stream.indirect.gather [hbm4b:s8+s29], $0x10, s12, s29, $0xb8;
	[tilespmem:$0x6A80] =	vst v63  }
0x408: {  	_ = 	snop  }
0x409: {  	[tilespmem:s20], [sflag:$0x4] =	stream.indirect.gather [hbm4b:s1+s0], $0x1, s19, s0, $0xb8;
	[tilespmem:$0x6A80] =	vst v63  }
0x40a: {  	_ =	swait.ge [sflag:s21], $0x800  }
0x40b: {  	[sflag:s21] =	ssyncset.done $0x0  }
0x40c: {  	[sflag:s21] =	ssyncadd.s32 $0xFFFFF800  }
0x40d: {  	_ =	swait.ge [sflag:s21], $0x800  }
0x40e: {  	[sflag:s21] =	ssyncset.done $0x0  }
0x40f: {  	[sflag:s21] =	ssyncadd.s32 $0xFFFFF800  }
0x410: {  	_ =	swait.ge [sflag:s21], $0x800  }
0x411: {  	[sflag:s21] =	ssyncset.done $0x0  }
0x412: {  	[sflag:s21] =	ssyncadd.s32 $0xFFFFF800  }
0x413: {  	_ =	swait.ge [sflag:s21], $0x800  }
0x414: {  	[sflag:s21] =	ssyncset.done $0x0  }
0x415: {  	[sflag:s21] =	ssyncadd.s32 $0xFFFFF800  }
0x416: {  	_ =	swait.ge [sflag:s21], $0x800  }
0x417: {  	[sflag:s21] =	ssyncset.done $0x0  }
0x418: {  	[sflag:s21] =	ssyncadd.s32 $0xFFFFF800  }
0x419: {  	_ =	swait.ge [sflag:s21], $0x100  }
0x41a: {  	[sflag:s21] =	ssyncset.done $0x0  }
0x41b: {  	[sflag:s21] =	ssyncadd.s32 $0xFFFFFF00  }
0x41c: {  	_ =	swait.ge [sflag:s22], $0x20  }
0x41d: {  	[sflag:s22] =	ssyncset.done $0x0  }
0x41e: {  	s3 =	simm.s32 $0x2C40;
	[sflag:s22] =	ssyncadd.s32 $0xFFFFFFE0  }
0x41f: {  	v6 =	vld [tilespmem:s3+$0xFFFFEB80]  }
0x420: {  	v9 =	vld [tilespmem:s3+$0xFFFFFFD0]  }
0x421: {  	v4 =	vld [tilespmem:s3+$0xFFFFEB90]  }
0x422: {  	v7 =	vld [tilespmem:s3+$0xFFFFFFE0]  }
0x423: {  	v2 =	vld [tilespmem:s3+$0xFFFFEBA0]  }
0x424: {  	v5 =	vld [tilespmem:s3+$0xFFFFFFF0]  }
0x425: {  	v3 =	vld [tilespmem:s3+$0xFFFFEBB0];
	v9 =	vmul.f32 v9, v6  }
0x426: {  	v8 =	vimm.f32 $0.0e+00;
	s26 =	simm.s32 $0x0;
	v6 =	vld [tilespmem:s3+$0x0];
	s3 =	simm.s32 $0x2C80  }
.LBB2_8:
0x427: {  	v10 =	vld [tilespmem:s3+$0xFFFFEB80];
	v8 =	vadd.f32 v9, v8;
	v7 =	vmul.f32 v7, v4  }
0x428: {  	s26 =	sadd.s32 $0x4, s26;
	v9 =	vld [tilespmem:s3+$0xFFFFFFD0]  }
0x429: {  	p0 =	slt.u32 s26, $0x140;
	v4 =	vld [tilespmem:s3+$0xFFFFEB90];
	v8 =	vadd.f32 v7, v8;
	v5 =	vmul.f32 v5, v2  }
.Ltmp3:
0x42a: {  	v7 =	vld [tilespmem:s3+$0xFFFFFFE0];
	(pc) =	sbr.rel @p0 .LBB2_8-.Ltmp3, $4  }
0x42b: {  	v2 =	vld [tilespmem:s3+$0xFFFFEBA0];
	v8 =	vadd.f32 v5, v8;
	v6 =	vmul.f32 v6, v3  }
0x42c: {  	v5 =	vld [tilespmem:s3+$0xFFFFFFF0]  }
0x42d: {  	v9 =	vmul.f32 v9, v10;
	v3 =	vld [tilespmem:s3+$0xFFFFEBB0];
	v8 =	vadd.f32 v6, v8  }
0x42e: {  	v6 =	vld [tilespmem:s3+$0x0];
	s3 =	sadd.s32 $0x40, s3  }
0x42f: {  	v8 =	vadd.f32 v9, v8;
	v4 =	vmul.f32 v7, v4;
	v7 =	vld [tilespmem:$0x2C00]  }
0x430: {  	v9 =	vld [tilespmem:$0x4050]  }
0x431: {  	v4 =	vadd.f32 v4, v8;
	v2 =	vmul.f32 v5, v2  }
0x432: {  	v5 =	vld [tilespmem:$0x69D0]  }
0x433: {  	v2 =	vadd.f32 v2, v4;
	v3 =	vmul.f32 v6, v3;
	v4 =	vld [tilespmem:$0x69C0];
	_ =	sdelay $0x1  }
0x434: {  	v2 =	vadd.f32 v3, v2;
	v3 =	vmul.f32 v9, v7;
	_ =	sdelay $0x1  }
0x435: {  	v2 =	vadd.f32 v3, v2;
	v3 =	vnsel vm0, $0x0, v5  }
0x436: {  	v3 =	vadd.f32 v3, v4  }
0x437: {  	(xrf2) =	vadd.scan.msk.f32 $0xffff, v2  }
0x438: {  	(xrf2) =	vadd.scan.msk.f32 $0xffff, v3;
	_ =	sdelay $0x8  }
0x439: {  	v2, _, _ =	vpop (xrf2)  }
0x43a: {  	(v2sf) =	vpush v2, $0xF;
	v2, _, _ =	vpop (xrf2)  }
0x43b: {  	(v2sf) =	vpush v2, $0xF;
	_ =	sdelay $0xd  }
0x43c: {  	s3 =	spop (v2sf)  }
0x43d: {  	s26 =	spop (v2sf)  }
0x43e: {  	s3 =	sadd.f32 s26, s3;
	_ =	sdelay $0x1  }
0x43f: {  	v2 =	vmov s3  }
0x440: {  	[tilespmem:v0+s23+$0x0] =	vst.idx.msk $0x1, v2  }
0x441: {  	_ =	swait.ge [sflag:s24], $0x800  }
0x442: {  	[sflag:s24] =	ssyncset.done $0x0  }
0x443: {  	[sflag:s24] =	ssyncadd.s32 $0xFFFFF800  }
0x444: {  	_ =	swait.ge [sflag:s24], $0x800  }
0x445: {  	[sflag:s24] =	ssyncset.done $0x0  }
0x446: {  	[sflag:s24] =	ssyncadd.s32 $0xFFFFF800  }
0x447: {  	_ =	swait.ge [sflag:s24], $0x800  }
0x448: {  	[sflag:s24] =	ssyncset.done $0x0  }
0x449: {  	[sflag:s24] =	ssyncadd.s32 $0xFFFFF800  }
0x44a: {  	_ =	swait.ge [sflag:s24], $0x800  }
0x44b: {  	[sflag:s24] =	ssyncset.done $0x0  }
0x44c: {  	[sflag:s24] =	ssyncadd.s32 $0xFFFFF800  }
0x44d: {  	_ =	swait.ge [sflag:s24], $0x800  }
0x44e: {  	[sflag:s24] =	ssyncset.done $0x0  }
0x44f: {  	[sflag:s24] =	ssyncadd.s32 $0xFFFFF800  }
0x450: {  	_ =	swait.ge [sflag:s24], $0x100  }
0x451: {  	[sflag:s24] =	ssyncset.done $0x0  }
0x452: {  	[sflag:s24] =	ssyncadd.s32 $0xFFFFFF00  }
0x453: {  	_ =	swait.ge [sflag:s25], $0x20  }
0x454: {  	[sflag:s25] =	ssyncset.done $0x0  }
0x455: {  	s31 =	simm.s32 $0x5540;
	[sflag:s25] =	ssyncadd.s32 $0xFFFFFFE0  }
0x456: {  	v6 =	vld [tilespmem:s31+$0xFFFFEB80]  }
0x457: {  	v9 =	vld [tilespmem:s31+$0xFFFFFFD0]  }
0x458: {  	v4 =	vld [tilespmem:s31+$0xFFFFEB90]  }
0x459: {  	v7 =	vld [tilespmem:s31+$0xFFFFFFE0]  }
0x45a: {  	v2 =	vld [tilespmem:s31+$0xFFFFEBA0]  }
0x45b: {  	v5 =	vld [tilespmem:s31+$0xFFFFFFF0]  }
0x45c: {  	v3 =	vld [tilespmem:s31+$0xFFFFEBB0];
	v9 =	vmul.f32 v9, v6  }
0x45d: {  	v8 =	vimm.f32 $0.0e+00;
	s26 =	simm.s32 $0x0;
	s3 =	simm.s32 $0x5580;
	s28 =	rddreg [dreg:$0xc];
	v6 =	vld [tilespmem:s31+$0x0]  }
.LBB2_10:
0x45e: {  	v10 =	vld [tilespmem:s3+$0xFFFFEB80];
	v8 =	vadd.f32 v9, v8;
	v7 =	vmul.f32 v7, v4  }
0x45f: {  	s26 =	sadd.s32 $0x4, s26;
	v9 =	vld [tilespmem:s3+$0xFFFFFFD0]  }
0x460: {  	p0 =	slt.u32 s26, $0x140;
	v4 =	vld [tilespmem:s3+$0xFFFFEB90];
	v8 =	vadd.f32 v7, v8;
	v5 =	vmul.f32 v5, v2  }
.Ltmp4:
0x461: {  	v7 =	vld [tilespmem:s3+$0xFFFFFFE0];
	(pc) =	sbr.rel @p0 .LBB2_10-.Ltmp4, $4  }
0x462: {  	v2 =	vld [tilespmem:s3+$0xFFFFEBA0];
	v8 =	vadd.f32 v5, v8;
	v6 =	vmul.f32 v6, v3  }
0x463: {  	v5 =	vld [tilespmem:s3+$0xFFFFFFF0]  }
0x464: {  	v9 =	vmul.f32 v9, v10;
	v3 =	vld [tilespmem:s3+$0xFFFFEBB0];
	v8 =	vadd.f32 v6, v8  }
0x465: {  	v6 =	vld [tilespmem:s3+$0x0];
	s3 =	sadd.s32 $0x40, s3  }
0x466: {  	v8 =	vadd.f32 v9, v8;
	v4 =	vmul.f32 v7, v4;
	v60 =	vld [tilespmem:$0x5500]  }
0x467: {  	v61 =	vld [tilespmem:$0x6950]  }
0x468: {  	v4 =	vadd.f32 v4, v8;
	v2 =	vmul.f32 v5, v2  }
0x469: {  	v62 =	vld [tilespmem:$0x69F0]  }
0x46a: {  	v63 =	vld [tilespmem:$0x69E0];
	v2 =	vadd.f32 v2, v4;
	v3 =	vmul.f32 v6, v3;
	_ =	sdelay $0x1  }
0x46b: {  	v2 =	vadd.f32 v3, v2;
	v3 =	vmul.f32 v61, v60;
	_ =	sdelay $0x1  }
0x46c: {  	v2 =	vadd.f32 v3, v2;
	v3 =	vnsel vm0, $0x0, v62  }
0x46d: {  	v3 =	vadd.f32 v3, v63  }
0x46e: {  	(xrf2) =	vadd.scan.msk.f32 $0xffff, v2  }
0x46f: {  	(xrf2) =	vadd.scan.msk.f32 $0xffff, v3;
	_ =	sdelay $0x8  }
0x470: {  	v2, _, _ =	vpop (xrf2)  }
0x471: {  	(v2sf) =	vpush v2, $0xF;
	v2, _, _ =	vpop (xrf2)  }
0x472: {  	(v2sf) =	vpush v2, $0xF;
	_ =	sdelay $0xd  }
0x473: {  	s3 =	spop (v2sf)  }
0x474: {  	s26 =	spop (v2sf)  }
0x475: {  	s3 =	sadd.f32 s26, s3;
	_ =	sdelay $0x1  }
0x476: {  	v2 =	vmov s3  }
0x477: {  	s30 =	rddreg [dreg:$0xa];
	s26 =	simm.s32 $0x5;
	[tilespmem:v1+s23+$0x0] =	vst.idx.msk $0x1, v2  }
0x478: {  	[hbm4b:s30+s2] =	stream.linear.scatter [tilespmem:s23], [sflag:$0x5], $0x80, $0x38;
	[tilespmem:$0x6A80] =	vst v63  }
0x479: {  	_ =	swait.ge [sflag:s26], $0x80  }
0x47a: {  	s28 =	sadd.s32 $0x1, s28;
	s31 =	rddreg [dreg:$0xb]  }
0x47b: {  	p0 =	sne.s32 s28, s31  }
.Ltmp5:
0x47c: {  	_ = 	snop;
	(pc) =	sbr.rel @p0 .LBB2_1-.Ltmp5, $3  }
0x47d: {  	_ =	sdelay $0x1  }
0x47e: {  	[sflag:s26] =	ssyncset.done $0x0  }
0x47f: {  	[sflag:s26] =	ssyncadd.s32 $0xFFFFFF80  }
0x480: {  	_ =	sfence.sel $0x180000  }
0x481: {  	[bflag:$0x0] =	sbarrier.arrive $0xFFFF  }
0x482: {  	_ =	strace $0x90000047  }
0x483: {  	s0 =	stileid.u32;
	[bflag:$0x2] =	sbarrier.arrive $0xFFFF  }
0x484: {  	p0 =	sne.s32 s0, $0x0;
	s0 =	rddreg [dreg:$0x4]  }
0x485: {  	s0 =	sadd.s32 @!p0 $0x100000, s0  }
0x486: {  	[sflag:s0] =	ssyncadd.tile.s32 @!p0 $0x1;
	_ =	shalt  }
.Lfunc_end2:
_tile_overlayer_lowered:
.L_overlay_start_2:
0x487: {  	(tag) =	ssettag $0x2  }
0x488: {  	s0 =	rddreg [dreg:$0x0];
	s2 =	stileid.u32  }
0x489: {  	s1 =	rddreg [dreg:$0x1];
	p0 =	sne.s32 s2, $0x0  }
0x48a: {  	s3 =	rddreg [dreg:$0x2];
	[bflag:$0x3] =	sbarrier.arrive $0xFFFF;
	s2 =	simm.s32 @!p0 $0x1C05  }
0x48b: {  	[timem:s3], [sflag:s2] =	dma.local @!p0 [hbm:s0], s1  }
0x48c: {  	s0 =	simm.s32 @!p0 $0x5  }
0x48d: {  	_ =	swait.ge @!p0 [sflag:s0], s1  }
0x48e: {  	s1 =	ssub.s32 @!p0 $0x0, s1;
	[sflag:s0] =	ssyncset.done @!p0 $0x0  }
0x48f: {  	[sflag:s0] =	ssyncadd.s32 @!p0 s1  }
0x490: {  	[bflag:$0x3] =	sbarrier.arrive $0xFFFF  }
0x491: {  	_ =	shalt  }

</sc_bundles>
